<compile_context>
chip_gen: v7x
topology: tpu7x:2x2x1
jax: 0.10.2.dev20260603
libtpu: 0.0.44.dev20260713+nightly
codegen_flags: <defaults>
</compile_context>

<pallas_src>
import functools

import jax
import jax.numpy as jnp
from jax import lax
from jax.experimental import pallas as pl
from jax.experimental.pallas import tpu as pltpu
from jax.experimental.pallas import tpu_sc as plsc

N = 10000
E = 160000
D = 256
H = 128
NG = 128
NC = 2
NT = 16
NPAD = 10240
EPAD = 163840
BN = 1000
F32 = jnp.float32

@functools.cache
def _mesh():
    return plsc.VectorSubcoreMesh(core_axis_name="c", subcore_axis_name="s")


def _per_tile_slabs(sid, fn):

    @pl.when(sid < NT - 1)
    def _():
        fn(sid * 640, 640)

    @pl.when(sid == NT - 1)
    def _():
        fn(9600, 400)



@functools.partial(jax.named_call, name="sc_deg")
def _sc_deg(dstd, zeros128, ones128):

    @functools.partial(
        pl.kernel,
        out_type=jax.ShapeDtypeStruct((NC, N, 128), F32),
        mesh=_mesh(),
        scratch_types=[
            pltpu.VMEM((40, 128), jnp.int32),
            pltpu.VMEM((128, 128), F32),
            pltpu.VMEM_SHARED((NPAD, 128), F32),
        ],
    )
    def k(dst_ref, z_ref, one_ref, out_ref, idxb, ones_v, acc):
        cid = lax.axis_index("c")
        sid = lax.axis_index("s")
        pltpu.sync_copy(z_ref.at[pl.ds(sid * 640, 640)],
                        acc.at[pl.ds(sid * 640, 640)])
        pltpu.sync_copy(dst_ref.at[cid].at[sid], idxb)
        pltpu.sync_copy(one_ref, ones_v)
        plsc.subcore_barrier()

        @pl.loop(0, 40)
        def _(j):
            pltpu.sync_copy(ones_v, acc.at[idxb.at[j]], add=True)

        plsc.subcore_barrier()
        _per_tile_slabs(sid, lambda base, n: pltpu.sync_copy(
            acc.at[pl.ds(base, n)], out_ref.at[cid].at[pl.ds(base, n)]))

    return k(dstd, zeros128, ones128)


@functools.partial(jax.named_call, name="sc_agg")
def _sc_agg(u, srcr, dstr):

    @functools.partial(
        pl.kernel,
        out_type=jax.ShapeDtypeStruct((NC, N, H), F32),
        mesh=_mesh(),
        scratch_types=[
            pltpu.VMEM((40, 128), jnp.int32),
            pltpu.VMEM((40, 128), jnp.int32),
            pltpu.VMEM((128, H), F32),
            pltpu.VMEM((128, H), F32),
            pltpu.VMEM_SHARED((NPAD, H), F32),
            pltpu.SemaphoreType.DMA,
            pltpu.SemaphoreType.DMA,
        ],
    )
    def k(u_ref, src_ref, dst_ref, out_ref, sbuf, dbuf, rows_a, rows_b,
          acc, sem_a, sem_b):
        cid = lax.axis_index("c")
        sid = lax.axis_index("s")
        _per_tile_slabs(sid, lambda base, n: pltpu.sync_copy(
            u_ref.at[cid].at[pl.ds(base, n)], acc.at[pl.ds(base, n)]))
        plsc.subcore_barrier()

        def gather(j, rows, sem):
            return pltpu.async_copy(u_ref.at[cid].at[sbuf.at[j]], rows, sem)

        for p in range(2):
            pltpu.sync_copy(src_ref.at[sid].at[pl.ds(p * 40, 40)], sbuf)
            pltpu.sync_copy(dst_ref.at[sid].at[pl.ds(p * 40, 40)], dbuf)
            gather(0, rows_a, sem_a)

            @pl.loop(0, 40, step=2)
            def _(j):
                gather(j + 1, rows_b, sem_b)
                pltpu.make_async_copy(u_ref.at[cid].at[sbuf.at[j]],
                                      rows_a, sem_a).wait()
                pltpu.sync_copy(rows_a, acc.at[dbuf.at[j]], add=True)

                @pl.when(j + 2 < 40)
                def _():
                    gather(j + 2, rows_a, sem_a)

                pltpu.make_async_copy(u_ref.at[cid].at[sbuf.at[j + 1]],
                                      rows_b, sem_b).wait()
                pltpu.sync_copy(rows_b, acc.at[dbuf.at[j + 1]], add=True)

        plsc.subcore_barrier()
        _per_tile_slabs(sid, lambda base, n: pltpu.sync_copy(
            acc.at[pl.ds(base, n)], out_ref.at[cid].at[pl.ds(base, n)]))

    return k(u, srcr, dstr)



def _dinv_block(deg_ref):
    deg = deg_ref[0, :, 0:1] + deg_ref[1, :, 0:1] + 1.0
    return lax.rsqrt(deg)


def _t1_body(x_ref, w_ref, deg_ref, out_ref):
    dinv = _dinv_block(deg_ref)
    t = jnp.dot(x_ref[...], w_ref[...], preferred_element_type=F32)
    out_ref[0, :, :] = t[:, :H] * dinv
    out_ref[1, :, :] = t[:, H:] * dinv


def _tmid_body(a_ref, deg_ref, b_ref, w_ref, out_ref):
    dinv = _dinv_block(deg_ref)
    act0 = jax.nn.relu(a_ref[0, :, :] * dinv + b_ref[0:1, :H])
    act1 = jax.nn.relu(a_ref[1, :, :] * dinv + b_ref[0:1, H:])
    t = (jnp.dot(act0, w_ref[:H, :], preferred_element_type=F32)
         + jnp.dot(act1, w_ref[H:, :], preferred_element_type=F32))
    out_ref[0, :, :] = t[:, :H] * dinv
    out_ref[1, :, :] = t[:, H:] * dinv


def _t5_body(a_ref, deg_ref, b_ref, batch_ref, lw1_ref, lb1_ref, lw2_ref,
             lb2_ref, lw3_ref, lb3_ref, out_ref, sums, cnt):
    i = pl.program_id(0)

    @pl.when(i == 0)
    def _():
        sums[...] = jnp.zeros_like(sums)
        cnt[...] = jnp.zeros_like(cnt)

    dinv = _dinv_block(deg_ref)
    h0 = jax.nn.relu(a_ref[0, :, :] * dinv + b_ref[0:1, :H])
    h1 = jax.nn.relu(a_ref[1, :, :] * dinv + b_ref[0:1, H:])
    iota_g = lax.broadcasted_iota(jnp.int32, (BN, NG), 1)
    oht = (batch_ref[...] == iota_g).astype(F32)
    dn = (((0,), (0,)), ((), ()))
    sums[:, :H] += lax.dot_general(oht, h0, dn, preferred_element_type=F32)
    sums[:, H:] += lax.dot_general(oht, h1, dn, preferred_element_type=F32)
    cnt[:, 0:1] += lax.dot_general(oht, jnp.ones((BN, 1), F32), dn,
                                   preferred_element_type=F32)

    @pl.when(i == pl.num_programs(0) - 1)
    def _():
        pooled = sums[...] / jnp.clip(cnt[:, 0:1], 1.0, None)
        g = jax.nn.relu(jnp.dot(pooled, lw1_ref[...],
                                preferred_element_type=F32) + lb1_ref[...])
        g = jax.nn.relu(jnp.dot(g, lw2_ref[...],
                                preferred_element_type=F32) + lb2_ref[...])
        out_ref[...] = jnp.dot(g, lw3_ref[...],
                               preferred_element_type=F32) + lb3_ref[...]


def _t1(x, W1, deg16):
    return pl.pallas_call(
        _t1_body,
        grid=(N // BN,),
        in_specs=[
            pl.BlockSpec((BN, D), lambda i: (i, 0)),
            pl.BlockSpec((D, D), lambda i: (0, 0)),
            pl.BlockSpec((NC, BN, 128), lambda i: (0, i, 0)),
        ],
        out_specs=pl.BlockSpec((NC, BN, H), lambda i: (0, i, 0)),
        out_shape=jax.ShapeDtypeStruct((NC, N, H), F32),
    )(x, W1, deg16)


def _tmid(a, deg16, b_row, W):
    return pl.pallas_call(
        _tmid_body,
        grid=(N // BN,),
        in_specs=[
            pl.BlockSpec((NC, BN, H), lambda i: (0, i, 0)),
            pl.BlockSpec((NC, BN, 128), lambda i: (0, i, 0)),
            pl.BlockSpec((1, D), lambda i: (0, 0)),
            pl.BlockSpec((D, D), lambda i: (0, 0)),
        ],
        out_specs=pl.BlockSpec((NC, BN, H), lambda i: (0, i, 0)),
        out_shape=jax.ShapeDtypeStruct((NC, N, H), F32),
    )(a, deg16, b_row, W)


def _t5(a, deg16, b_row, batch2d, lw1, lb1, lw2, lb2, lw3, lb3):
    return pl.pallas_call(
        _t5_body,
        grid=(N // BN,),
        in_specs=[
            pl.BlockSpec((NC, BN, H), lambda i: (0, i, 0)),
            pl.BlockSpec((NC, BN, 128), lambda i: (0, i, 0)),
            pl.BlockSpec((1, D), lambda i: (0, 0)),
            pl.BlockSpec((BN, 1), lambda i: (i, 0)),
            pl.BlockSpec((D, 128), lambda i: (0, 0)),
            pl.BlockSpec((1, 128), lambda i: (0, 0)),
            pl.BlockSpec((128, 64), lambda i: (0, 0)),
            pl.BlockSpec((1, 64), lambda i: (0, 0)),
            pl.BlockSpec((64, 1), lambda i: (0, 0)),
            pl.BlockSpec((1, 1), lambda i: (0, 0)),
        ],
        out_specs=pl.BlockSpec((NG, 1), lambda i: (0, 0)),
        out_shape=jax.ShapeDtypeStruct((NG, 1), F32),
        scratch_shapes=[pltpu.VMEM((NG, D), F32), pltpu.VMEM((NG, 128), F32)],
    )(a, deg16, b_row, batch2d, lw1, lb1, lw2, lb2, lw3, lb3)



def kernel(x, edge_index, batch, W1, b1, W2, b2, W3, b3, W4, b4,
           lw1, lb1, lw2, lb2, lw3, lb3):
    src = edge_index[0]
    dst = edge_index[1]
    npad = EPAD - E
    srcp = jnp.concatenate([src, jnp.zeros((npad,), jnp.int32)])
    dstp = jnp.concatenate([dst, jnp.full((npad,), N, jnp.int32)])
    srcr = srcp.reshape(NT, 80, 128)
    dstr = dstp.reshape(NT, 80, 128)
    dstd = dstp.reshape(NC, NT, 40, 128)
    zeros128 = jnp.zeros((NPAD, 128), F32)
    ones128 = jnp.ones((128, 128), F32)
    batch2d = batch.reshape(N, 1)
    b1r = b1.reshape(1, D)
    b2r = b2.reshape(1, D)
    b3r = b3.reshape(1, D)
    b4r = b4.reshape(1, D)

    deg16 = _sc_deg(dstd, zeros128, ones128)
    u = _t1(x, W1, deg16)
    for b_row, W in ((b1r, W2), (b2r, W3), (b3r, W4)):
        a = _sc_agg(u, srcr, dstr)
        u = _tmid(a, deg16, b_row, W)
    a = _sc_agg(u, srcr, dstr)
    return _t5(a, deg16, b4r, batch2d,
               lw1, lb1.reshape(1, 128), lw2, lb2.reshape(1, 64),
               lw3, lb3.reshape(1, 1))

# --- scband reference (transcript-rebuilt; emitter-appended) ---
"""Pipeline reference for scband-aq-sol-model-15960098472900 (READ-ONLY COPY).

The authoritative reference and input builder live on the scoring server;
editing this copy changes nothing except your own understanding.
"""

import jax, jax.numpy as jnp
import numpy as np

N_NODES = 10000
N_EDGES = 160000
D_FEAT = 256
HC = 256
LIN1 = 128
LIN2 = 64
NUM_GRAPHS = 128


def setup_inputs(seed: int = 0) -> dict:
    key = jax.random.key(seed)
    ks = jax.random.split(key, 20)
    x = jax.random.normal(ks[0], (N_NODES, D_FEAT), dtype=jnp.float32)
    edge_index = jax.random.randint(ks[1], (2, N_EDGES), 0, N_NODES, dtype=jnp.int32)
    batch = jnp.sort(jax.random.randint(ks[2], (N_NODES,), 0, NUM_GRAPHS, dtype=jnp.int32))
    def lin_init(k, fan_in, fan_out):
        kw, kb = jax.random.split(k)
        scale = 1.0 / np.sqrt(fan_in)
        W = jax.random.uniform(kw, (fan_in, fan_out), jnp.float32, -scale, scale)
        b = jax.random.uniform(kb, (fan_out,), jnp.float32, -scale, scale)
        return W, b
    W1, b1 = lin_init(ks[3], D_FEAT, HC)
    W2, b2 = lin_init(ks[4], HC, HC)
    W3, b3 = lin_init(ks[5], HC, HC)
    W4, b4 = lin_init(ks[6], HC, HC)
    lw1, lb1 = lin_init(ks[7], HC, LIN1)
    lw2, lb2 = lin_init(ks[8], LIN1, LIN2)
    lw3, lb3 = lin_init(ks[9], LIN2, 1)
    return {"x": x, "edge_index": edge_index, "batch": batch,
            "W1": W1, "b1": b1, "W2": W2, "b2": b2,
            "W3": W3, "b3": b3, "W4": W4, "b4": b4,
            "lw1": lw1, "lb1": lb1, "lw2": lw2, "lb2": lb2,
            "lw3": lw3, "lb3": lb3}


def _gcn_conv(x, edge_index, W, b):
    # GCNConv: D^{-1/2} (A + I) D^{-1/2} X W + b
    n = x.shape[0]
    loop = jnp.arange(n, dtype=edge_index.dtype)
    src = jnp.concatenate([edge_index[0], loop])
    dst = jnp.concatenate([edge_index[1], loop])
    deg = jnp.zeros((n,), x.dtype).at[dst].add(1.0)
    dinv = jnp.where(deg > 0, deg ** -0.5, 0.0)
    norm = dinv[src] * dinv[dst]
    h = x @ W
    out = jnp.zeros((n, W.shape[1]), x.dtype).at[dst].add(h[src] * norm[:, None])
    return out + b


def reference(x, edge_index, batch, W1, b1, W2, b2, W3, b3, W4, b4, lw1, lb1, lw2, lb2, lw3, lb3):
    h = jax.nn.relu(_gcn_conv(x, edge_index, W1, b1))
    h = jax.nn.relu(_gcn_conv(h, edge_index, W2, b2))
    h = jax.nn.relu(_gcn_conv(h, edge_index, W3, b3))
    h = jax.nn.relu(_gcn_conv(h, edge_index, W4, b4))
    # global_mean_pool over batch ids
    sums = jax.ops.segment_sum(h, batch, num_segments=NUM_GRAPHS)
    cnt = jax.ops.segment_sum(jnp.ones((h.shape[0],), h.dtype), batch, num_segments=NUM_GRAPHS)
    pooled = sums / jnp.clip(cnt, 1.0)[:, None]
    g = jax.nn.relu(pooled @ lw1 + lb1)
    g = jax.nn.relu(g @ lw2 + lb2)
    return g @ lw3 + lb3

if __name__ == "__main__":
    import jax
    _d = setup_inputs()
    print(jax.jit(kernel)(*tuple(_d.values())))

</pallas_src>

<mosaic_0001>
#map = affine_map<(d0, d1) -> (0, 0, 0)>
module attributes {stable_mosaic.version = 14 : i64} {
  func.func @k(%arg0: i32, %arg1: i32, %arg2: memref<2x10000x128xf32, #tpu.memory_space<hbm>>, %arg3: memref<16x80x128xi32, #tpu.memory_space<hbm>>, %arg4: memref<16x80x128xi32, #tpu.memory_space<hbm>>, %arg5: memref<2x10000x128xf32, #tpu.memory_space<hbm>>, %arg6: memref<40x128xi32, #tpu.memory_space<vmem>>, %arg7: memref<40x128xi32, #tpu.memory_space<vmem>>, %arg8: memref<128x128xf32, #tpu.memory_space<vmem>>, %arg9: memref<128x128xf32, #tpu.memory_space<vmem>>, %arg10: memref<10240x128xf32, #tpu.memory_space<vmem_shared>>, %arg11: memref<!tpu.dma_semaphore, #tpu.memory_space<semaphore_mem>>, %arg12: memref<!tpu.dma_semaphore, #tpu.memory_space<semaphore_mem>>) attributes {dimension_semantics = [#tpu.dimension_semantics<core_parallel>, #tpu.dimension_semantics<subcore_parallel>], iteration_bounds = array<i64: 2, 16>, scalar_prefetch = 0 : i64, scratch_operands = 7 : i64, tpu.core_type = #tpu.core_type<sc_vector_subcore>, window_params = [{transform_indices = #map}, {transform_indices = #map}, {transform_indices = #map}, {transform_indices = #map}]} {
    %lt3A = arith.constant 15 : i32
    %lt3A_0 = arith.cmpi slt, %arg1, %lt3A : i32
    %convert_element_type3A = arith.extui %lt3A_0 : i1 to i32
    %cond3A = arith.constant 0 : i32
    %cond3A_1 = arith.cmpi ne, %convert_element_type3A, %cond3A : i32
    scf.if %cond3A_1 {
      %mul3A = arith.constant 640 : i32
      %mul3A_47 = arith.muli %arg1, %mul3A : i32
      "tpu.region"() ({
        %run_scoped3A = tpu.sem_alloc : memref<!tpu.dma_semaphore, #tpu.memory_space<semaphore_mem>>
        %dma_start3A_48 = arith.constant 0 : i32
        %dma_start3A_49 = tpu.memref_slice %arg10[%mul3A_47, %dma_start3A_48] : memref<10240x128xf32, #tpu.memory_space<vmem_shared>> -> memref<640x128xf32, #tpu.memory_space<vmem_shared>>
        %dma_start3A_50 = arith.constant 0 : i32
        %dma_start3A_51 = arith.constant 0 : i32
        %dma_start3A_52 = tpu.memref_slice %arg2[%arg0, %dma_start3A_50, %dma_start3A_51] : memref<2x10000x128xf32, #tpu.memory_space<hbm>> -> memref<1x10000x128xf32, #tpu.memory_space<hbm>>
        %dma_start3A_53 = tpu.memref_squeeze %dma_start3A_52 : memref<1x10000x128xf32, #tpu.memory_space<hbm>> -> memref<10000x128xf32, #tpu.memory_space<hbm>>
        %dma_start3A_54 = arith.constant 0 : i32
        %dma_start3A_55 = tpu.memref_slice %dma_start3A_53[%mul3A_47, %dma_start3A_54] : memref<10000x128xf32, #tpu.memory_space<hbm>> -> memref<640x128xf32, #tpu.memory_space<hbm>>
        tpu.enqueue_dma source(%dma_start3A_55 : memref<640x128xf32, #tpu.memory_space<hbm>>) target(%dma_start3A_49 : memref<640x128xf32, #tpu.memory_space<vmem_shared>>) target_semaphore(%run_scoped3A : memref<!tpu.dma_semaphore, #tpu.memory_space<semaphore_mem>>)
        %dma_wait3A = arith.constant 0 : i32
        %dma_wait3A_56 = tpu.memref_slice %arg10[%mul3A_47, %dma_wait3A] : memref<10240x128xf32, #tpu.memory_space<vmem_shared>> -> memref<640x128xf32, #tpu.memory_space<vmem_shared>>
        %dma_wait3A_57 = arith.constant 0 : i32
        %dma_wait3A_58 = arith.constant 0 : i32
        %dma_wait3A_59 = tpu.memref_slice %arg2[%arg0, %dma_wait3A_57, %dma_wait3A_58] : memref<2x10000x128xf32, #tpu.memory_space<hbm>> -> memref<1x10000x128xf32, #tpu.memory_space<hbm>>
        %dma_wait3A_60 = tpu.memref_squeeze %dma_wait3A_59 : memref<1x10000x128xf32, #tpu.memory_space<hbm>> -> memref<10000x128xf32, #tpu.memory_space<hbm>>
        %dma_wait3A_61 = arith.constant 0 : i32
        %dma_wait3A_62 = tpu.memref_slice %dma_wait3A_60[%mul3A_47, %dma_wait3A_61] : memref<10000x128xf32, #tpu.memory_space<hbm>> -> memref<640x128xf32, #tpu.memory_space<hbm>>
        tpu.wait_dma2 semaphore(%run_scoped3A : memref<!tpu.dma_semaphore, #tpu.memory_space<semaphore_mem>>) src(%dma_wait3A_62 : memref<640x128xf32, #tpu.memory_space<hbm>>) dst(%dma_wait3A_56 : memref<640x128xf32, #tpu.memory_space<vmem_shared>>)
        tpu.yield
      }) : () -> ()
    } else {
    }
    %eq3A = arith.constant 15 : i32
    %eq3A_2 = arith.cmpi eq, %arg1, %eq3A : i32
    %convert_element_type3A_3 = arith.extui %eq3A_2 : i1 to i32
    %cond3A_4 = arith.constant 0 : i32
    %cond3A_5 = arith.cmpi ne, %convert_element_type3A_3, %cond3A_4 : i32
    scf.if %cond3A_5 {
      "tpu.region"() ({
        %run_scoped3A = tpu.sem_alloc : memref<!tpu.dma_semaphore, #tpu.memory_space<semaphore_mem>>
        %dma_start3A_47 = arith.constant 9600 : i32
        %dma_start3A_48 = arith.constant 0 : i32
        %dma_start3A_49 = tpu.memref_slice %arg10[%dma_start3A_47, %dma_start3A_48] : memref<10240x128xf32, #tpu.memory_space<vmem_shared>> -> memref<400x128xf32, #tpu.memory_space<vmem_shared>>
        %dma_start3A_50 = arith.constant 0 : i32
        %dma_start3A_51 = arith.constant 0 : i32
        %dma_start3A_52 = tpu.memref_slice %arg2[%arg0, %dma_start3A_50, %dma_start3A_51] : memref<2x10000x128xf32, #tpu.memory_space<hbm>> -> memref<1x10000x128xf32, #tpu.memory_space<hbm>>
        %dma_start3A_53 = tpu.memref_squeeze %dma_start3A_52 : memref<1x10000x128xf32, #tpu.memory_space<hbm>> -> memref<10000x128xf32, #tpu.memory_space<hbm>>
        %dma_start3A_54 = arith.constant 9600 : i32
        %dma_start3A_55 = arith.constant 0 : i32
        %dma_start3A_56 = tpu.memref_slice %dma_start3A_53[%dma_start3A_54, %dma_start3A_55] : memref<10000x128xf32, #tpu.memory_space<hbm>> -> memref<400x128xf32, #tpu.memory_space<hbm>>
        tpu.enqueue_dma source(%dma_start3A_56 : memref<400x128xf32, #tpu.memory_space<hbm>>) target(%dma_start3A_49 : memref<400x128xf32, #tpu.memory_space<vmem_shared>>) target_semaphore(%run_scoped3A : memref<!tpu.dma_semaphore, #tpu.memory_space<semaphore_mem>>)
        %dma_wait3A = arith.constant 9600 : i32
        %dma_wait3A_57 = arith.constant 0 : i32
        %dma_wait3A_58 = tpu.memref_slice %arg10[%dma_wait3A, %dma_wait3A_57] : memref<10240x128xf32, #tpu.memory_space<vmem_shared>> -> memref<400x128xf32, #tpu.memory_space<vmem_shared>>
        %dma_wait3A_59 = arith.constant 0 : i32
        %dma_wait3A_60 = arith.constant 0 : i32
        %dma_wait3A_61 = tpu.memref_slice %arg2[%arg0, %dma_wait3A_59, %dma_wait3A_60] : memref<2x10000x128xf32, #tpu.memory_space<hbm>> -> memref<1x10000x128xf32, #tpu.memory_space<hbm>>
        %dma_wait3A_62 = tpu.memref_squeeze %dma_wait3A_61 : memref<1x10000x128xf32, #tpu.memory_space<hbm>> -> memref<10000x128xf32, #tpu.memory_space<hbm>>
        %dma_wait3A_63 = arith.constant 9600 : i32
        %dma_wait3A_64 = arith.constant 0 : i32
        %dma_wait3A_65 = tpu.memref_slice %dma_wait3A_62[%dma_wait3A_63, %dma_wait3A_64] : memref<10000x128xf32, #tpu.memory_space<hbm>> -> memref<400x128xf32, #tpu.memory_space<hbm>>
        tpu.wait_dma2 semaphore(%run_scoped3A : memref<!tpu.dma_semaphore, #tpu.memory_space<semaphore_mem>>) src(%dma_wait3A_65 : memref<400x128xf32, #tpu.memory_space<hbm>>) dst(%dma_wait3A_58 : memref<400x128xf32, #tpu.memory_space<vmem_shared>>)
        tpu.yield
      }) : () -> ()
    } else {
    }
    %barrier3A = arith.constant 0 : index
    tpu.barrier barrier_id(%barrier3A)
    "tpu.region"() ({
      %run_scoped3A = tpu.sem_alloc : memref<!tpu.dma_semaphore, #tpu.memory_space<semaphore_mem>>
      %dma_start3A_47 = arith.constant 0 : i32
      %dma_start3A_48 = arith.constant 0 : i32
      %dma_start3A_49 = tpu.memref_slice %arg3[%arg1, %dma_start3A_47, %dma_start3A_48] : memref<16x80x128xi32, #tpu.memory_space<hbm>> -> memref<1x80x128xi32, #tpu.memory_space<hbm>>
      %dma_start3A_50 = tpu.memref_squeeze %dma_start3A_49 : memref<1x80x128xi32, #tpu.memory_space<hbm>> -> memref<80x128xi32, #tpu.memory_space<hbm>>
      %dma_start3A_51 = arith.constant 0 : i32
      %dma_start3A_52 = arith.constant 0 : i32
      %dma_start3A_53 = tpu.memref_slice %dma_start3A_50[%dma_start3A_51, %dma_start3A_52] : memref<80x128xi32, #tpu.memory_space<hbm>> -> memref<40x128xi32, #tpu.memory_space<hbm>>
      %dma_start3A_54 = arith.constant 0 : i32
      %dma_start3A_55 = arith.constant 0 : i32
      %dma_start3A_56 = tpu.memref_slice %arg3[%arg1, %dma_start3A_54, %dma_start3A_55] : memref<16x80x128xi32, #tpu.memory_space<hbm>> -> memref<1x80x128xi32, #tpu.memory_space<hbm>>
      %dma_start3A_57 = tpu.memref_squeeze %dma_start3A_56 : memref<1x80x128xi32, #tpu.memory_space<hbm>> -> memref<80x128xi32, #tpu.memory_space<hbm>>
      %dma_start3A_58 = arith.constant 0 : i32
      %dma_start3A_59 = arith.constant 0 : i32
      %dma_start3A_60 = tpu.memref_slice %dma_start3A_57[%dma_start3A_58, %dma_start3A_59] : memref<80x128xi32, #tpu.memory_space<hbm>> -> memref<40x128xi32, #tpu.memory_space<hbm>>
      tpu.enqueue_dma source(%dma_start3A_60 : memref<40x128xi32, #tpu.memory_space<hbm>>) target(%arg6 : memref<40x128xi32, #tpu.memory_space<vmem>>) target_semaphore(%run_scoped3A : memref<!tpu.dma_semaphore, #tpu.memory_space<semaphore_mem>>)
      %dma_wait3A = arith.constant 0 : i32
      %dma_wait3A_61 = arith.constant 0 : i32
      %dma_wait3A_62 = tpu.memref_slice %arg3[%arg1, %dma_wait3A, %dma_wait3A_61] : memref<16x80x128xi32, #tpu.memory_space<hbm>> -> memref<1x80x128xi32, #tpu.memory_space<hbm>>
      %dma_wait3A_63 = tpu.memref_squeeze %dma_wait3A_62 : memref<1x80x128xi32, #tpu.memory_space<hbm>> -> memref<80x128xi32, #tpu.memory_space<hbm>>
      %dma_wait3A_64 = arith.constant 0 : i32
      %dma_wait3A_65 = arith.constant 0 : i32
      %dma_wait3A_66 = tpu.memref_slice %dma_wait3A_63[%dma_wait3A_64, %dma_wait3A_65] : memref<80x128xi32, #tpu.memory_space<hbm>> -> memref<40x128xi32, #tpu.memory_space<hbm>>
      %dma_wait3A_67 = arith.constant 0 : i32
      %dma_wait3A_68 = arith.constant 0 : i32
      %dma_wait3A_69 = tpu.memref_slice %arg3[%arg1, %dma_wait3A_67, %dma_wait3A_68] : memref<16x80x128xi32, #tpu.memory_space<hbm>> -> memref<1x80x128xi32, #tpu.memory_space<hbm>>
      %dma_wait3A_70 = tpu.memref_squeeze %dma_wait3A_69 : memref<1x80x128xi32, #tpu.memory_space<hbm>> -> memref<80x128xi32, #tpu.memory_space<hbm>>
      %dma_wait3A_71 = arith.constant 0 : i32
      %dma_wait3A_72 = arith.constant 0 : i32
      %dma_wait3A_73 = tpu.memref_slice %dma_wait3A_70[%dma_wait3A_71, %dma_wait3A_72] : memref<80x128xi32, #tpu.memory_space<hbm>> -> memref<40x128xi32, #tpu.memory_space<hbm>>
      tpu.wait_dma2 semaphore(%run_scoped3A : memref<!tpu.dma_semaphore, #tpu.memory_space<semaphore_mem>>) src(%dma_wait3A_73 : memref<40x128xi32, #tpu.memory_space<hbm>>) dst(%arg6 : memref<40x128xi32, #tpu.memory_space<vmem>>)
      tpu.yield
    }) : () -> ()
    "tpu.region"() ({
      %run_scoped3A = tpu.sem_alloc : memref<!tpu.dma_semaphore, #tpu.memory_space<semaphore_mem>>
      %dma_start3A_47 = arith.constant 0 : i32
      %dma_start3A_48 = arith.constant 0 : i32
      %dma_start3A_49 = tpu.memref_slice %arg4[%arg1, %dma_start3A_47, %dma_start3A_48] : memref<16x80x128xi32, #tpu.memory_space<hbm>> -> memref<1x80x128xi32, #tpu.memory_space<hbm>>
      %dma_start3A_50 = tpu.memref_squeeze %dma_start3A_49 : memref<1x80x128xi32, #tpu.memory_space<hbm>> -> memref<80x128xi32, #tpu.memory_space<hbm>>
      %dma_start3A_51 = arith.constant 0 : i32
      %dma_start3A_52 = arith.constant 0 : i32
      %dma_start3A_53 = tpu.memref_slice %dma_start3A_50[%dma_start3A_51, %dma_start3A_52] : memref<80x128xi32, #tpu.memory_space<hbm>> -> memref<40x128xi32, #tpu.memory_space<hbm>>
      %dma_start3A_54 = arith.constant 0 : i32
      %dma_start3A_55 = arith.constant 0 : i32
      %dma_start3A_56 = tpu.memref_slice %arg4[%arg1, %dma_start3A_54, %dma_start3A_55] : memref<16x80x128xi32, #tpu.memory_space<hbm>> -> memref<1x80x128xi32, #tpu.memory_space<hbm>>
      %dma_start3A_57 = tpu.memref_squeeze %dma_start3A_56 : memref<1x80x128xi32, #tpu.memory_space<hbm>> -> memref<80x128xi32, #tpu.memory_space<hbm>>
      %dma_start3A_58 = arith.constant 0 : i32
      %dma_start3A_59 = arith.constant 0 : i32
      %dma_start3A_60 = tpu.memref_slice %dma_start3A_57[%dma_start3A_58, %dma_start3A_59] : memref<80x128xi32, #tpu.memory_space<hbm>> -> memref<40x128xi32, #tpu.memory_space<hbm>>
      tpu.enqueue_dma source(%dma_start3A_60 : memref<40x128xi32, #tpu.memory_space<hbm>>) target(%arg7 : memref<40x128xi32, #tpu.memory_space<vmem>>) target_semaphore(%run_scoped3A : memref<!tpu.dma_semaphore, #tpu.memory_space<semaphore_mem>>)
      %dma_wait3A = arith.constant 0 : i32
      %dma_wait3A_61 = arith.constant 0 : i32
      %dma_wait3A_62 = tpu.memref_slice %arg4[%arg1, %dma_wait3A, %dma_wait3A_61] : memref<16x80x128xi32, #tpu.memory_space<hbm>> -> memref<1x80x128xi32, #tpu.memory_space<hbm>>
      %dma_wait3A_63 = tpu.memref_squeeze %dma_wait3A_62 : memref<1x80x128xi32, #tpu.memory_space<hbm>> -> memref<80x128xi32, #tpu.memory_space<hbm>>
      %dma_wait3A_64 = arith.constant 0 : i32
      %dma_wait3A_65 = arith.constant 0 : i32
      %dma_wait3A_66 = tpu.memref_slice %dma_wait3A_63[%dma_wait3A_64, %dma_wait3A_65] : memref<80x128xi32, #tpu.memory_space<hbm>> -> memref<40x128xi32, #tpu.memory_space<hbm>>
      %dma_wait3A_67 = arith.constant 0 : i32
      %dma_wait3A_68 = arith.constant 0 : i32
      %dma_wait3A_69 = tpu.memref_slice %arg4[%arg1, %dma_wait3A_67, %dma_wait3A_68] : memref<16x80x128xi32, #tpu.memory_space<hbm>> -> memref<1x80x128xi32, #tpu.memory_space<hbm>>
      %dma_wait3A_70 = tpu.memref_squeeze %dma_wait3A_69 : memref<1x80x128xi32, #tpu.memory_space<hbm>> -> memref<80x128xi32, #tpu.memory_space<hbm>>
      %dma_wait3A_71 = arith.constant 0 : i32
      %dma_wait3A_72 = arith.constant 0 : i32
      %dma_wait3A_73 = tpu.memref_slice %dma_wait3A_70[%dma_wait3A_71, %dma_wait3A_72] : memref<80x128xi32, #tpu.memory_space<hbm>> -> memref<40x128xi32, #tpu.memory_space<hbm>>
      tpu.wait_dma2 semaphore(%run_scoped3A : memref<!tpu.dma_semaphore, #tpu.memory_space<semaphore_mem>>) src(%dma_wait3A_73 : memref<40x128xi32, #tpu.memory_space<hbm>>) dst(%arg7 : memref<40x128xi32, #tpu.memory_space<vmem>>)
      tpu.yield
    }) : () -> ()
    %dma_start3A = arith.constant 0 : i32
    %dma_start3A_6 = arith.constant 0 : i32
    %dma_start3A_7 = tpu.memref_slice %arg6[%dma_start3A, %dma_start3A_6] : memref<40x128xi32, #tpu.memory_space<vmem>> -> memref<1x128xi32, #tpu.memory_space<vmem>>
    %dma_start3A_8 = tpu.memref_squeeze %dma_start3A_7 : memref<1x128xi32, #tpu.memory_space<vmem>> -> memref<128xi32, #tpu.memory_space<vmem>>
    %dma_start3A_9 = arith.constant 0 : i32
    %dma_start3A_10 = arith.constant 0 : i32
    %dma_start3A_11 = tpu.memref_slice %arg2[%arg0, %dma_start3A_9, %dma_start3A_10] : memref<2x10000x128xf32, #tpu.memory_space<hbm>> -> memref<1x10000x128xf32, #tpu.memory_space<hbm>>
    %dma_start3A_12 = tpu.memref_squeeze %dma_start3A_11 : memref<1x10000x128xf32, #tpu.memory_space<hbm>> -> memref<10000x128xf32, #tpu.memory_space<hbm>>
    %dma_start3A_13 = arith.constant 0 : i32
    %dma_start3A_14 = arith.constant 0 : i32
    %dma_start3A_15 = tpu.memref_slice %dma_start3A_12[%dma_start3A_13, %dma_start3A_14] : memref<10000x128xf32, #tpu.memory_space<hbm>> -> memref<10000x128xf32, #tpu.memory_space<hbm>>
    tpu.enqueue_indirect_dma source(%dma_start3A_15 : memref<10000x128xf32, #tpu.memory_space<hbm>>) target(%arg8 : memref<128x128xf32, #tpu.memory_space<vmem>>) offsets(%dma_start3A_8 : memref<128xi32, #tpu.memory_space<vmem>>) semaphore(%arg11 : memref<!tpu.dma_semaphore, #tpu.memory_space<semaphore_mem>>)
    %scan3A = arith.constant 0 : i32
    %scan3A_16 = arith.constant 20 : i32
    %scan3A_17 = arith.addi %scan3A, %scan3A_16 : i32
    %scan3A_18 = arith.constant 1 : i32
    scf.for %scan3A_47 = %scan3A to %scan3A_17 step %scan3A_18  : i32 {
      %mul3A = arith.constant 2 : i32
      %mul3A_48 = arith.muli %scan3A_47, %mul3A : i32
      %add3A = arith.constant 0 : i32
      %add3A_49 = arith.addi %add3A, %mul3A_48 : i32
      %add3A_50 = arith.constant 1 : i32
      %add3A_51 = arith.addi %add3A_49, %add3A_50 : i32
      %dma_start3A_52 = arith.constant 0 : i32
      %dma_start3A_53 = tpu.memref_slice %arg6[%add3A_51, %dma_start3A_52] : memref<40x128xi32, #tpu.memory_space<vmem>> -> memref<1x128xi32, #tpu.memory_space<vmem>>
      %dma_start3A_54 = tpu.memref_squeeze %dma_start3A_53 : memref<1x128xi32, #tpu.memory_space<vmem>> -> memref<128xi32, #tpu.memory_space<vmem>>
      %dma_start3A_55 = arith.constant 0 : i32
      %dma_start3A_56 = arith.constant 0 : i32
      %dma_start3A_57 = tpu.memref_slice %arg2[%arg0, %dma_start3A_55, %dma_start3A_56] : memref<2x10000x128xf32, #tpu.memory_space<hbm>> -> memref<1x10000x128xf32, #tpu.memory_space<hbm>>
      %dma_start3A_58 = tpu.memref_squeeze %dma_start3A_57 : memref<1x10000x128xf32, #tpu.memory_space<hbm>> -> memref<10000x128xf32, #tpu.memory_space<hbm>>
      %dma_start3A_59 = arith.constant 0 : i32
      %dma_start3A_60 = arith.constant 0 : i32
      %dma_start3A_61 = tpu.memref_slice %dma_start3A_58[%dma_start3A_59, %dma_start3A_60] : memref<10000x128xf32, #tpu.memory_space<hbm>> -> memref<10000x128xf32, #tpu.memory_space<hbm>>
      tpu.enqueue_indirect_dma source(%dma_start3A_61 : memref<10000x128xf32, #tpu.memory_space<hbm>>) target(%arg9 : memref<128x128xf32, #tpu.memory_space<vmem>>) offsets(%dma_start3A_54 : memref<128xi32, #tpu.memory_space<vmem>>) semaphore(%arg12 : memref<!tpu.dma_semaphore, #tpu.memory_space<semaphore_mem>>)
      %dma_wait3A = arith.constant 0 : i32
      %dma_wait3A_62 = tpu.memref_slice %arg6[%add3A_49, %dma_wait3A] : memref<40x128xi32, #tpu.memory_space<vmem>> -> memref<1x128xi32, #tpu.memory_space<vmem>>
      %dma_wait3A_63 = tpu.memref_squeeze %dma_wait3A_62 : memref<1x128xi32, #tpu.memory_space<vmem>> -> memref<128xi32, #tpu.memory_space<vmem>>
      %dma_wait3A_64 = arith.constant 0 : i32
      %dma_wait3A_65 = arith.constant 0 : i32
      %dma_wait3A_66 = tpu.memref_slice %arg2[%arg0, %dma_wait3A_64, %dma_wait3A_65] : memref<2x10000x128xf32, #tpu.memory_space<hbm>> -> memref<1x10000x128xf32, #tpu.memory_space<hbm>>
      %dma_wait3A_67 = tpu.memref_squeeze %dma_wait3A_66 : memref<1x10000x128xf32, #tpu.memory_space<hbm>> -> memref<10000x128xf32, #tpu.memory_space<hbm>>
      %dma_wait3A_68 = arith.constant 0 : i32
      %dma_wait3A_69 = arith.constant 0 : i32
      %dma_wait3A_70 = tpu.memref_slice %dma_wait3A_67[%dma_wait3A_68, %dma_wait3A_69] : memref<10000x128xf32, #tpu.memory_space<hbm>> -> memref<10000x128xf32, #tpu.memory_space<hbm>>
      tpu.wait_indirect_dma semaphore(%arg11 : memref<!tpu.dma_semaphore, #tpu.memory_space<semaphore_mem>>) src(%dma_wait3A_70 : memref<10000x128xf32, #tpu.memory_space<hbm>>) dst(%arg8 : memref<128x128xf32, #tpu.memory_space<vmem>>)
      "tpu.region"() ({
        %run_scoped3A = tpu.sem_alloc : memref<!tpu.dma_semaphore, #tpu.memory_space<semaphore_mem>>
        %dma_start3A_92 = arith.constant 0 : i32
        %dma_start3A_93 = tpu.memref_slice %arg7[%add3A_49, %dma_start3A_92] : memref<40x128xi32, #tpu.memory_space<vmem>> -> memref<1x128xi32, #tpu.memory_space<vmem>>
        %dma_start3A_94 = tpu.memref_squeeze %dma_start3A_93 : memref<1x128xi32, #tpu.memory_space<vmem>> -> memref<128xi32, #tpu.memory_space<vmem>>
        %dma_start3A_95 = arith.constant 0 : i32
        %dma_start3A_96 = arith.constant 0 : i32
        %dma_start3A_97 = tpu.memref_slice %arg10[%dma_start3A_95, %dma_start3A_96] : memref<10240x128xf32, #tpu.memory_space<vmem_shared>> -> memref<10240x128xf32, #tpu.memory_space<vmem_shared>>
        tpu.enqueue_indirect_dma source(%arg8 : memref<128x128xf32, #tpu.memory_space<vmem>>) target(%dma_start3A_97 : memref<10240x128xf32, #tpu.memory_space<vmem_shared>>) offsets(%dma_start3A_94 : memref<128xi32, #tpu.memory_space<vmem>>) semaphore(%run_scoped3A : memref<!tpu.dma_semaphore, #tpu.memory_space<semaphore_mem>>) {add = true}
        %dma_wait3A_98 = arith.constant 0 : i32
        %dma_wait3A_99 = tpu.memref_slice %arg7[%add3A_49, %dma_wait3A_98] : memref<40x128xi32, #tpu.memory_space<vmem>> -> memref<1x128xi32, #tpu.memory_space<vmem>>
        %dma_wait3A_100 = tpu.memref_squeeze %dma_wait3A_99 : memref<1x128xi32, #tpu.memory_space<vmem>> -> memref<128xi32, #tpu.memory_space<vmem>>
        %dma_wait3A_101 = arith.constant 0 : i32
        %dma_wait3A_102 = arith.constant 0 : i32
        %dma_wait3A_103 = tpu.memref_slice %arg10[%dma_wait3A_101, %dma_wait3A_102] : memref<10240x128xf32, #tpu.memory_space<vmem_shared>> -> memref<10240x128xf32, #tpu.memory_space<vmem_shared>>
        tpu.wait_indirect_dma semaphore(%run_scoped3A : memref<!tpu.dma_semaphore, #tpu.memory_space<semaphore_mem>>) src(%arg8 : memref<128x128xf32, #tpu.memory_space<vmem>>) dst(%dma_wait3A_103 : memref<10240x128xf32, #tpu.memory_space<vmem_shared>>)
        tpu.yield
      }) : () -> ()
      %add3A_71 = arith.constant 2 : i32
      %add3A_72 = arith.addi %add3A_49, %add3A_71 : i32
      %lt3A_73 = arith.constant 40 : i32
      %lt3A_74 = arith.cmpi slt, %add3A_72, %lt3A_73 : i32
      %convert_element_type3A_75 = arith.extui %lt3A_74 : i1 to i32
      %cond3A_76 = arith.constant 0 : i32
      %cond3A_77 = arith.cmpi ne, %convert_element_type3A_75, %cond3A_76 : i32
      scf.if %cond3A_77 {
        %add3A_92 = arith.constant 2 : i32
        %add3A_93 = arith.addi %add3A_49, %add3A_92 : i32
        %dma_start3A_94 = arith.constant 0 : i32
        %dma_start3A_95 = tpu.memref_slice %arg6[%add3A_93, %dma_start3A_94] : memref<40x128xi32, #tpu.memory_space<vmem>> -> memref<1x128xi32, #tpu.memory_space<vmem>>
        %dma_start3A_96 = tpu.memref_squeeze %dma_start3A_95 : memref<1x128xi32, #tpu.memory_space<vmem>> -> memref<128xi32, #tpu.memory_space<vmem>>
        %dma_start3A_97 = arith.constant 0 : i32
        %dma_start3A_98 = arith.constant 0 : i32
        %dma_start3A_99 = tpu.memref_slice %arg2[%arg0, %dma_start3A_97, %dma_start3A_98] : memref<2x10000x128xf32, #tpu.memory_space<hbm>> -> memref<1x10000x128xf32, #tpu.memory_space<hbm>>
        %dma_start3A_100 = tpu.memref_squeeze %dma_start3A_99 : memref<1x10000x128xf32, #tpu.memory_space<hbm>> -> memref<10000x128xf32, #tpu.memory_space<hbm>>
        %dma_start3A_101 = arith.constant 0 : i32
        %dma_start3A_102 = arith.constant 0 : i32
        %dma_start3A_103 = tpu.memref_slice %dma_start3A_100[%dma_start3A_101, %dma_start3A_102] : memref<10000x128xf32, #tpu.memory_space<hbm>> -> memref<10000x128xf32, #tpu.memory_space<hbm>>
        tpu.enqueue_indirect_dma source(%dma_start3A_103 : memref<10000x128xf32, #tpu.memory_space<hbm>>) target(%arg8 : memref<128x128xf32, #tpu.memory_space<vmem>>) offsets(%dma_start3A_96 : memref<128xi32, #tpu.memory_space<vmem>>) semaphore(%arg11 : memref<!tpu.dma_semaphore, #tpu.memory_space<semaphore_mem>>)
      } else {
      }
      %add3A_78 = arith.constant 1 : i32
      %add3A_79 = arith.addi %add3A_49, %add3A_78 : i32
      %dma_wait3A_80 = arith.constant 0 : i32
      %dma_wait3A_81 = tpu.memref_slice %arg6[%add3A_79, %dma_wait3A_80] : memref<40x128xi32, #tpu.memory_space<vmem>> -> memref<1x128xi32, #tpu.memory_space<vmem>>
      %dma_wait3A_82 = tpu.memref_squeeze %dma_wait3A_81 : memref<1x128xi32, #tpu.memory_space<vmem>> -> memref<128xi32, #tpu.memory_space<vmem>>
      %dma_wait3A_83 = arith.constant 0 : i32
      %dma_wait3A_84 = arith.constant 0 : i32
      %dma_wait3A_85 = tpu.memref_slice %arg2[%arg0, %dma_wait3A_83, %dma_wait3A_84] : memref<2x10000x128xf32, #tpu.memory_space<hbm>> -> memref<1x10000x128xf32, #tpu.memory_space<hbm>>
      %dma_wait3A_86 = tpu.memref_squeeze %dma_wait3A_85 : memref<1x10000x128xf32, #tpu.memory_space<hbm>> -> memref<10000x128xf32, #tpu.memory_space<hbm>>
      %dma_wait3A_87 = arith.constant 0 : i32
      %dma_wait3A_88 = arith.constant 0 : i32
      %dma_wait3A_89 = tpu.memref_slice %dma_wait3A_86[%dma_wait3A_87, %dma_wait3A_88] : memref<10000x128xf32, #tpu.memory_space<hbm>> -> memref<10000x128xf32, #tpu.memory_space<hbm>>
      tpu.wait_indirect_dma semaphore(%arg12 : memref<!tpu.dma_semaphore, #tpu.memory_space<semaphore_mem>>) src(%dma_wait3A_89 : memref<10000x128xf32, #tpu.memory_space<hbm>>) dst(%arg9 : memref<128x128xf32, #tpu.memory_space<vmem>>)
      %add3A_90 = arith.constant 1 : i32
      %add3A_91 = arith.addi %add3A_49, %add3A_90 : i32
      "tpu.region"() ({
        %run_scoped3A = tpu.sem_alloc : memref<!tpu.dma_semaphore, #tpu.memory_space<semaphore_mem>>
        %dma_start3A_92 = arith.constant 0 : i32
        %dma_start3A_93 = tpu.memref_slice %arg7[%add3A_91, %dma_start3A_92] : memref<40x128xi32, #tpu.memory_space<vmem>> -> memref<1x128xi32, #tpu.memory_space<vmem>>
        %dma_start3A_94 = tpu.memref_squeeze %dma_start3A_93 : memref<1x128xi32, #tpu.memory_space<vmem>> -> memref<128xi32, #tpu.memory_space<vmem>>
        %dma_start3A_95 = arith.constant 0 : i32
        %dma_start3A_96 = arith.constant 0 : i32
        %dma_start3A_97 = tpu.memref_slice %arg10[%dma_start3A_95, %dma_start3A_96] : memref<10240x128xf32, #tpu.memory_space<vmem_shared>> -> memref<10240x128xf32, #tpu.memory_space<vmem_shared>>
        tpu.enqueue_indirect_dma source(%arg9 : memref<128x128xf32, #tpu.memory_space<vmem>>) target(%dma_start3A_97 : memref<10240x128xf32, #tpu.memory_space<vmem_shared>>) offsets(%dma_start3A_94 : memref<128xi32, #tpu.memory_space<vmem>>) semaphore(%run_scoped3A : memref<!tpu.dma_semaphore, #tpu.memory_space<semaphore_mem>>) {add = true}
        %dma_wait3A_98 = arith.constant 0 : i32
        %dma_wait3A_99 = tpu.memref_slice %arg7[%add3A_91, %dma_wait3A_98] : memref<40x128xi32, #tpu.memory_space<vmem>> -> memref<1x128xi32, #tpu.memory_space<vmem>>
        %dma_wait3A_100 = tpu.memref_squeeze %dma_wait3A_99 : memref<1x128xi32, #tpu.memory_space<vmem>> -> memref<128xi32, #tpu.memory_space<vmem>>
        %dma_wait3A_101 = arith.constant 0 : i32
        %dma_wait3A_102 = arith.constant 0 : i32
        %dma_wait3A_103 = tpu.memref_slice %arg10[%dma_wait3A_101, %dma_wait3A_102] : memref<10240x128xf32, #tpu.memory_space<vmem_shared>> -> memref<10240x128xf32, #tpu.memory_space<vmem_shared>>
        tpu.wait_indirect_dma semaphore(%run_scoped3A : memref<!tpu.dma_semaphore, #tpu.memory_space<semaphore_mem>>) src(%arg9 : memref<128x128xf32, #tpu.memory_space<vmem>>) dst(%dma_wait3A_103 : memref<10240x128xf32, #tpu.memory_space<vmem_shared>>)
        tpu.yield
      }) : () -> ()
    }
    %scan3A_19 = arith.constant 20 : i32
    "tpu.region"() ({
      %run_scoped3A = tpu.sem_alloc : memref<!tpu.dma_semaphore, #tpu.memory_space<semaphore_mem>>
      %dma_start3A_47 = arith.constant 0 : i32
      %dma_start3A_48 = arith.constant 0 : i32
      %dma_start3A_49 = tpu.memref_slice %arg3[%arg1, %dma_start3A_47, %dma_start3A_48] : memref<16x80x128xi32, #tpu.memory_space<hbm>> -> memref<1x80x128xi32, #tpu.memory_space<hbm>>
      %dma_start3A_50 = tpu.memref_squeeze %dma_start3A_49 : memref<1x80x128xi32, #tpu.memory_space<hbm>> -> memref<80x128xi32, #tpu.memory_space<hbm>>
      %dma_start3A_51 = arith.constant 40 : i32
      %dma_start3A_52 = arith.constant 0 : i32
      %dma_start3A_53 = tpu.memref_slice %dma_start3A_50[%dma_start3A_51, %dma_start3A_52] : memref<80x128xi32, #tpu.memory_space<hbm>> -> memref<40x128xi32, #tpu.memory_space<hbm>>
      %dma_start3A_54 = arith.constant 0 : i32
      %dma_start3A_55 = arith.constant 0 : i32
      %dma_start3A_56 = tpu.memref_slice %arg3[%arg1, %dma_start3A_54, %dma_start3A_55] : memref<16x80x128xi32, #tpu.memory_space<hbm>> -> memref<1x80x128xi32, #tpu.memory_space<hbm>>
      %dma_start3A_57 = tpu.memref_squeeze %dma_start3A_56 : memref<1x80x128xi32, #tpu.memory_space<hbm>> -> memref<80x128xi32, #tpu.memory_space<hbm>>
      %dma_start3A_58 = arith.constant 40 : i32
      %dma_start3A_59 = arith.constant 0 : i32
      %dma_start3A_60 = tpu.memref_slice %dma_start3A_57[%dma_start3A_58, %dma_start3A_59] : memref<80x128xi32, #tpu.memory_space<hbm>> -> memref<40x128xi32, #tpu.memory_space<hbm>>
      tpu.enqueue_dma source(%dma_start3A_60 : memref<40x128xi32, #tpu.memory_space<hbm>>) target(%arg6 : memref<40x128xi32, #tpu.memory_space<vmem>>) target_semaphore(%run_scoped3A : memref<!tpu.dma_semaphore, #tpu.memory_space<semaphore_mem>>)
      %dma_wait3A = arith.constant 0 : i32
      %dma_wait3A_61 = arith.constant 0 : i32
      %dma_wait3A_62 = tpu.memref_slice %arg3[%arg1, %dma_wait3A, %dma_wait3A_61] : memref<16x80x128xi32, #tpu.memory_space<hbm>> -> memref<1x80x128xi32, #tpu.memory_space<hbm>>
      %dma_wait3A_63 = tpu.memref_squeeze %dma_wait3A_62 : memref<1x80x128xi32, #tpu.memory_space<hbm>> -> memref<80x128xi32, #tpu.memory_space<hbm>>
      %dma_wait3A_64 = arith.constant 40 : i32
      %dma_wait3A_65 = arith.constant 0 : i32
      %dma_wait3A_66 = tpu.memref_slice %dma_wait3A_63[%dma_wait3A_64, %dma_wait3A_65] : memref<80x128xi32, #tpu.memory_space<hbm>> -> memref<40x128xi32, #tpu.memory_space<hbm>>
      %dma_wait3A_67 = arith.constant 0 : i32
      %dma_wait3A_68 = arith.constant 0 : i32
      %dma_wait3A_69 = tpu.memref_slice %arg3[%arg1, %dma_wait3A_67, %dma_wait3A_68] : memref<16x80x128xi32, #tpu.memory_space<hbm>> -> memref<1x80x128xi32, #tpu.memory_space<hbm>>
      %dma_wait3A_70 = tpu.memref_squeeze %dma_wait3A_69 : memref<1x80x128xi32, #tpu.memory_space<hbm>> -> memref<80x128xi32, #tpu.memory_space<hbm>>
      %dma_wait3A_71 = arith.constant 40 : i32
      %dma_wait3A_72 = arith.constant 0 : i32
      %dma_wait3A_73 = tpu.memref_slice %dma_wait3A_70[%dma_wait3A_71, %dma_wait3A_72] : memref<80x128xi32, #tpu.memory_space<hbm>> -> memref<40x128xi32, #tpu.memory_space<hbm>>
      tpu.wait_dma2 semaphore(%run_scoped3A : memref<!tpu.dma_semaphore, #tpu.memory_space<semaphore_mem>>) src(%dma_wait3A_73 : memref<40x128xi32, #tpu.memory_space<hbm>>) dst(%arg6 : memref<40x128xi32, #tpu.memory_space<vmem>>)
      tpu.yield
    }) : () -> ()
    "tpu.region"() ({
      %run_scoped3A = tpu.sem_alloc : memref<!tpu.dma_semaphore, #tpu.memory_space<semaphore_mem>>
      %dma_start3A_47 = arith.constant 0 : i32
      %dma_start3A_48 = arith.constant 0 : i32
      %dma_start3A_49 = tpu.memref_slice %arg4[%arg1, %dma_start3A_47, %dma_start3A_48] : memref<16x80x128xi32, #tpu.memory_space<hbm>> -> memref<1x80x128xi32, #tpu.memory_space<hbm>>
      %dma_start3A_50 = tpu.memref_squeeze %dma_start3A_49 : memref<1x80x128xi32, #tpu.memory_space<hbm>> -> memref<80x128xi32, #tpu.memory_space<hbm>>
      %dma_start3A_51 = arith.constant 40 : i32
      %dma_start3A_52 = arith.constant 0 : i32
      %dma_start3A_53 = tpu.memref_slice %dma_start3A_50[%dma_start3A_51, %dma_start3A_52] : memref<80x128xi32, #tpu.memory_space<hbm>> -> memref<40x128xi32, #tpu.memory_space<hbm>>
      %dma_start3A_54 = arith.constant 0 : i32
      %dma_start3A_55 = arith.constant 0 : i32
      %dma_start3A_56 = tpu.memref_slice %arg4[%arg1, %dma_start3A_54, %dma_start3A_55] : memref<16x80x128xi32, #tpu.memory_space<hbm>> -> memref<1x80x128xi32, #tpu.memory_space<hbm>>
      %dma_start3A_57 = tpu.memref_squeeze %dma_start3A_56 : memref<1x80x128xi32, #tpu.memory_space<hbm>> -> memref<80x128xi32, #tpu.memory_space<hbm>>
      %dma_start3A_58 = arith.constant 40 : i32
      %dma_start3A_59 = arith.constant 0 : i32
      %dma_start3A_60 = tpu.memref_slice %dma_start3A_57[%dma_start3A_58, %dma_start3A_59] : memref<80x128xi32, #tpu.memory_space<hbm>> -> memref<40x128xi32, #tpu.memory_space<hbm>>
      tpu.enqueue_dma source(%dma_start3A_60 : memref<40x128xi32, #tpu.memory_space<hbm>>) target(%arg7 : memref<40x128xi32, #tpu.memory_space<vmem>>) target_semaphore(%run_scoped3A : memref<!tpu.dma_semaphore, #tpu.memory_space<semaphore_mem>>)
      %dma_wait3A = arith.constant 0 : i32
      %dma_wait3A_61 = arith.constant 0 : i32
      %dma_wait3A_62 = tpu.memref_slice %arg4[%arg1, %dma_wait3A, %dma_wait3A_61] : memref<16x80x128xi32, #tpu.memory_space<hbm>> -> memref<1x80x128xi32, #tpu.memory_space<hbm>>
      %dma_wait3A_63 = tpu.memref_squeeze %dma_wait3A_62 : memref<1x80x128xi32, #tpu.memory_space<hbm>> -> memref<80x128xi32, #tpu.memory_space<hbm>>
      %dma_wait3A_64 = arith.constant 40 : i32
      %dma_wait3A_65 = arith.constant 0 : i32
      %dma_wait3A_66 = tpu.memref_slice %dma_wait3A_63[%dma_wait3A_64, %dma_wait3A_65] : memref<80x128xi32, #tpu.memory_space<hbm>> -> memref<40x128xi32, #tpu.memory_space<hbm>>
      %dma_wait3A_67 = arith.constant 0 : i32
      %dma_wait3A_68 = arith.constant 0 : i32
      %dma_wait3A_69 = tpu.memref_slice %arg4[%arg1, %dma_wait3A_67, %dma_wait3A_68] : memref<16x80x128xi32, #tpu.memory_space<hbm>> -> memref<1x80x128xi32, #tpu.memory_space<hbm>>
      %dma_wait3A_70 = tpu.memref_squeeze %dma_wait3A_69 : memref<1x80x128xi32, #tpu.memory_space<hbm>> -> memref<80x128xi32, #tpu.memory_space<hbm>>
      %dma_wait3A_71 = arith.constant 40 : i32
      %dma_wait3A_72 = arith.constant 0 : i32
      %dma_wait3A_73 = tpu.memref_slice %dma_wait3A_70[%dma_wait3A_71, %dma_wait3A_72] : memref<80x128xi32, #tpu.memory_space<hbm>> -> memref<40x128xi32, #tpu.memory_space<hbm>>
      tpu.wait_dma2 semaphore(%run_scoped3A : memref<!tpu.dma_semaphore, #tpu.memory_space<semaphore_mem>>) src(%dma_wait3A_73 : memref<40x128xi32, #tpu.memory_space<hbm>>) dst(%arg7 : memref<40x128xi32, #tpu.memory_space<vmem>>)
      tpu.yield
    }) : () -> ()
    %dma_start3A_20 = arith.constant 0 : i32
    %dma_start3A_21 = arith.constant 0 : i32
    %dma_start3A_22 = tpu.memref_slice %arg6[%dma_start3A_20, %dma_start3A_21] : memref<40x128xi32, #tpu.memory_space<vmem>> -> memref<1x128xi32, #tpu.memory_space<vmem>>
    %dma_start3A_23 = tpu.memref_squeeze %dma_start3A_22 : memref<1x128xi32, #tpu.memory_space<vmem>> -> memref<128xi32, #tpu.memory_space<vmem>>
    %dma_start3A_24 = arith.constant 0 : i32
    %dma_start3A_25 = arith.constant 0 : i32
    %dma_start3A_26 = tpu.memref_slice %arg2[%arg0, %dma_start3A_24, %dma_start3A_25] : memref<2x10000x128xf32, #tpu.memory_space<hbm>> -> memref<1x10000x128xf32, #tpu.memory_space<hbm>>
    %dma_start3A_27 = tpu.memref_squeeze %dma_start3A_26 : memref<1x10000x128xf32, #tpu.memory_space<hbm>> -> memref<10000x128xf32, #tpu.memory_space<hbm>>
    %dma_start3A_28 = arith.constant 0 : i32
    %dma_start3A_29 = arith.constant 0 : i32
    %dma_start3A_30 = tpu.memref_slice %dma_start3A_27[%dma_start3A_28, %dma_start3A_29] : memref<10000x128xf32, #tpu.memory_space<hbm>> -> memref<10000x128xf32, #tpu.memory_space<hbm>>
    tpu.enqueue_indirect_dma source(%dma_start3A_30 : memref<10000x128xf32, #tpu.memory_space<hbm>>) target(%arg8 : memref<128x128xf32, #tpu.memory_space<vmem>>) offsets(%dma_start3A_23 : memref<128xi32, #tpu.memory_space<vmem>>) semaphore(%arg11 : memref<!tpu.dma_semaphore, #tpu.memory_space<semaphore_mem>>)
    %scan3A_31 = arith.constant 0 : i32
    %scan3A_32 = arith.constant 20 : i32
    %scan3A_33 = arith.addi %scan3A_31, %scan3A_32 : i32
    %scan3A_34 = arith.constant 1 : i32
    scf.for %scan3A_47 = %scan3A_31 to %scan3A_33 step %scan3A_34  : i32 {
      %mul3A = arith.constant 2 : i32
      %mul3A_48 = arith.muli %scan3A_47, %mul3A : i32
      %add3A = arith.constant 0 : i32
      %add3A_49 = arith.addi %add3A, %mul3A_48 : i32
      %add3A_50 = arith.constant 1 : i32
      %add3A_51 = arith.addi %add3A_49, %add3A_50 : i32
      %dma_start3A_52 = arith.constant 0 : i32
      %dma_start3A_53 = tpu.memref_slice %arg6[%add3A_51, %dma_start3A_52] : memref<40x128xi32, #tpu.memory_space<vmem>> -> memref<1x128xi32, #tpu.memory_space<vmem>>
      %dma_start3A_54 = tpu.memref_squeeze %dma_start3A_53 : memref<1x128xi32, #tpu.memory_space<vmem>> -> memref<128xi32, #tpu.memory_space<vmem>>
      %dma_start3A_55 = arith.constant 0 : i32
      %dma_start3A_56 = arith.constant 0 : i32
      %dma_start3A_57 = tpu.memref_slice %arg2[%arg0, %dma_start3A_55, %dma_start3A_56] : memref<2x10000x128xf32, #tpu.memory_space<hbm>> -> memref<1x10000x128xf32, #tpu.memory_space<hbm>>
      %dma_start3A_58 = tpu.memref_squeeze %dma_start3A_57 : memref<1x10000x128xf32, #tpu.memory_space<hbm>> -> memref<10000x128xf32, #tpu.memory_space<hbm>>
      %dma_start3A_59 = arith.constant 0 : i32
      %dma_start3A_60 = arith.constant 0 : i32
      %dma_start3A_61 = tpu.memref_slice %dma_start3A_58[%dma_start3A_59, %dma_start3A_60] : memref<10000x128xf32, #tpu.memory_space<hbm>> -> memref<10000x128xf32, #tpu.memory_space<hbm>>
      tpu.enqueue_indirect_dma source(%dma_start3A_61 : memref<10000x128xf32, #tpu.memory_space<hbm>>) target(%arg9 : memref<128x128xf32, #tpu.memory_space<vmem>>) offsets(%dma_start3A_54 : memref<128xi32, #tpu.memory_space<vmem>>) semaphore(%arg12 : memref<!tpu.dma_semaphore, #tpu.memory_space<semaphore_mem>>)
      %dma_wait3A = arith.constant 0 : i32
      %dma_wait3A_62 = tpu.memref_slice %arg6[%add3A_49, %dma_wait3A] : memref<40x128xi32, #tpu.memory_space<vmem>> -> memref<1x128xi32, #tpu.memory_space<vmem>>
      %dma_wait3A_63 = tpu.memref_squeeze %dma_wait3A_62 : memref<1x128xi32, #tpu.memory_space<vmem>> -> memref<128xi32, #tpu.memory_space<vmem>>
      %dma_wait3A_64 = arith.constant 0 : i32
      %dma_wait3A_65 = arith.constant 0 : i32
      %dma_wait3A_66 = tpu.memref_slice %arg2[%arg0, %dma_wait3A_64, %dma_wait3A_65] : memref<2x10000x128xf32, #tpu.memory_space<hbm>> -> memref<1x10000x128xf32, #tpu.memory_space<hbm>>
      %dma_wait3A_67 = tpu.memref_squeeze %dma_wait3A_66 : memref<1x10000x128xf32, #tpu.memory_space<hbm>> -> memref<10000x128xf32, #tpu.memory_space<hbm>>
      %dma_wait3A_68 = arith.constant 0 : i32
      %dma_wait3A_69 = arith.constant 0 : i32
      %dma_wait3A_70 = tpu.memref_slice %dma_wait3A_67[%dma_wait3A_68, %dma_wait3A_69] : memref<10000x128xf32, #tpu.memory_space<hbm>> -> memref<10000x128xf32, #tpu.memory_space<hbm>>
      tpu.wait_indirect_dma semaphore(%arg11 : memref<!tpu.dma_semaphore, #tpu.memory_space<semaphore_mem>>) src(%dma_wait3A_70 : memref<10000x128xf32, #tpu.memory_space<hbm>>) dst(%arg8 : memref<128x128xf32, #tpu.memory_space<vmem>>)
      "tpu.region"() ({
        %run_scoped3A = tpu.sem_alloc : memref<!tpu.dma_semaphore, #tpu.memory_space<semaphore_mem>>
        %dma_start3A_92 = arith.constant 0 : i32
        %dma_start3A_93 = tpu.memref_slice %arg7[%add3A_49, %dma_start3A_92] : memref<40x128xi32, #tpu.memory_space<vmem>> -> memref<1x128xi32, #tpu.memory_space<vmem>>
        %dma_start3A_94 = tpu.memref_squeeze %dma_start3A_93 : memref<1x128xi32, #tpu.memory_space<vmem>> -> memref<128xi32, #tpu.memory_space<vmem>>
        %dma_start3A_95 = arith.constant 0 : i32
        %dma_start3A_96 = arith.constant 0 : i32
        %dma_start3A_97 = tpu.memref_slice %arg10[%dma_start3A_95, %dma_start3A_96] : memref<10240x128xf32, #tpu.memory_space<vmem_shared>> -> memref<10240x128xf32, #tpu.memory_space<vmem_shared>>
        tpu.enqueue_indirect_dma source(%arg8 : memref<128x128xf32, #tpu.memory_space<vmem>>) target(%dma_start3A_97 : memref<10240x128xf32, #tpu.memory_space<vmem_shared>>) offsets(%dma_start3A_94 : memref<128xi32, #tpu.memory_space<vmem>>) semaphore(%run_scoped3A : memref<!tpu.dma_semaphore, #tpu.memory_space<semaphore_mem>>) {add = true}
        %dma_wait3A_98 = arith.constant 0 : i32
        %dma_wait3A_99 = tpu.memref_slice %arg7[%add3A_49, %dma_wait3A_98] : memref<40x128xi32, #tpu.memory_space<vmem>> -> memref<1x128xi32, #tpu.memory_space<vmem>>
        %dma_wait3A_100 = tpu.memref_squeeze %dma_wait3A_99 : memref<1x128xi32, #tpu.memory_space<vmem>> -> memref<128xi32, #tpu.memory_space<vmem>>
        %dma_wait3A_101 = arith.constant 0 : i32
        %dma_wait3A_102 = arith.constant 0 : i32
        %dma_wait3A_103 = tpu.memref_slice %arg10[%dma_wait3A_101, %dma_wait3A_102] : memref<10240x128xf32, #tpu.memory_space<vmem_shared>> -> memref<10240x128xf32, #tpu.memory_space<vmem_shared>>
        tpu.wait_indirect_dma semaphore(%run_scoped3A : memref<!tpu.dma_semaphore, #tpu.memory_space<semaphore_mem>>) src(%arg8 : memref<128x128xf32, #tpu.memory_space<vmem>>) dst(%dma_wait3A_103 : memref<10240x128xf32, #tpu.memory_space<vmem_shared>>)
        tpu.yield
      }) : () -> ()
      %add3A_71 = arith.constant 2 : i32
      %add3A_72 = arith.addi %add3A_49, %add3A_71 : i32
      %lt3A_73 = arith.constant 40 : i32
      %lt3A_74 = arith.cmpi slt, %add3A_72, %lt3A_73 : i32
      %convert_element_type3A_75 = arith.extui %lt3A_74 : i1 to i32
      %cond3A_76 = arith.constant 0 : i32
      %cond3A_77 = arith.cmpi ne, %convert_element_type3A_75, %cond3A_76 : i32
      scf.if %cond3A_77 {
        %add3A_92 = arith.constant 2 : i32
        %add3A_93 = arith.addi %add3A_49, %add3A_92 : i32
        %dma_start3A_94 = arith.constant 0 : i32
        %dma_start3A_95 = tpu.memref_slice %arg6[%add3A_93, %dma_start3A_94] : memref<40x128xi32, #tpu.memory_space<vmem>> -> memref<1x128xi32, #tpu.memory_space<vmem>>
        %dma_start3A_96 = tpu.memref_squeeze %dma_start3A_95 : memref<1x128xi32, #tpu.memory_space<vmem>> -> memref<128xi32, #tpu.memory_space<vmem>>
        %dma_start3A_97 = arith.constant 0 : i32
        %dma_start3A_98 = arith.constant 0 : i32
        %dma_start3A_99 = tpu.memref_slice %arg2[%arg0, %dma_start3A_97, %dma_start3A_98] : memref<2x10000x128xf32, #tpu.memory_space<hbm>> -> memref<1x10000x128xf32, #tpu.memory_space<hbm>>
        %dma_start3A_100 = tpu.memref_squeeze %dma_start3A_99 : memref<1x10000x128xf32, #tpu.memory_space<hbm>> -> memref<10000x128xf32, #tpu.memory_space<hbm>>
        %dma_start3A_101 = arith.constant 0 : i32
        %dma_start3A_102 = arith.constant 0 : i32
        %dma_start3A_103 = tpu.memref_slice %dma_start3A_100[%dma_start3A_101, %dma_start3A_102] : memref<10000x128xf32, #tpu.memory_space<hbm>> -> memref<10000x128xf32, #tpu.memory_space<hbm>>
        tpu.enqueue_indirect_dma source(%dma_start3A_103 : memref<10000x128xf32, #tpu.memory_space<hbm>>) target(%arg8 : memref<128x128xf32, #tpu.memory_space<vmem>>) offsets(%dma_start3A_96 : memref<128xi32, #tpu.memory_space<vmem>>) semaphore(%arg11 : memref<!tpu.dma_semaphore, #tpu.memory_space<semaphore_mem>>)
      } else {
      }
      %add3A_78 = arith.constant 1 : i32
      %add3A_79 = arith.addi %add3A_49, %add3A_78 : i32
      %dma_wait3A_80 = arith.constant 0 : i32
      %dma_wait3A_81 = tpu.memref_slice %arg6[%add3A_79, %dma_wait3A_80] : memref<40x128xi32, #tpu.memory_space<vmem>> -> memref<1x128xi32, #tpu.memory_space<vmem>>
      %dma_wait3A_82 = tpu.memref_squeeze %dma_wait3A_81 : memref<1x128xi32, #tpu.memory_space<vmem>> -> memref<128xi32, #tpu.memory_space<vmem>>
      %dma_wait3A_83 = arith.constant 0 : i32
      %dma_wait3A_84 = arith.constant 0 : i32
      %dma_wait3A_85 = tpu.memref_slice %arg2[%arg0, %dma_wait3A_83, %dma_wait3A_84] : memref<2x10000x128xf32, #tpu.memory_space<hbm>> -> memref<1x10000x128xf32, #tpu.memory_space<hbm>>
      %dma_wait3A_86 = tpu.memref_squeeze %dma_wait3A_85 : memref<1x10000x128xf32, #tpu.memory_space<hbm>> -> memref<10000x128xf32, #tpu.memory_space<hbm>>
      %dma_wait3A_87 = arith.constant 0 : i32
      %dma_wait3A_88 = arith.constant 0 : i32
      %dma_wait3A_89 = tpu.memref_slice %dma_wait3A_86[%dma_wait3A_87, %dma_wait3A_88] : memref<10000x128xf32, #tpu.memory_space<hbm>> -> memref<10000x128xf32, #tpu.memory_space<hbm>>
      tpu.wait_indirect_dma semaphore(%arg12 : memref<!tpu.dma_semaphore, #tpu.memory_space<semaphore_mem>>) src(%dma_wait3A_89 : memref<10000x128xf32, #tpu.memory_space<hbm>>) dst(%arg9 : memref<128x128xf32, #tpu.memory_space<vmem>>)
      %add3A_90 = arith.constant 1 : i32
      %add3A_91 = arith.addi %add3A_49, %add3A_90 : i32
      "tpu.region"() ({
        %run_scoped3A = tpu.sem_alloc : memref<!tpu.dma_semaphore, #tpu.memory_space<semaphore_mem>>
        %dma_start3A_92 = arith.constant 0 : i32
        %dma_start3A_93 = tpu.memref_slice %arg7[%add3A_91, %dma_start3A_92] : memref<40x128xi32, #tpu.memory_space<vmem>> -> memref<1x128xi32, #tpu.memory_space<vmem>>
        %dma_start3A_94 = tpu.memref_squeeze %dma_start3A_93 : memref<1x128xi32, #tpu.memory_space<vmem>> -> memref<128xi32, #tpu.memory_space<vmem>>
        %dma_start3A_95 = arith.constant 0 : i32
        %dma_start3A_96 = arith.constant 0 : i32
        %dma_start3A_97 = tpu.memref_slice %arg10[%dma_start3A_95, %dma_start3A_96] : memref<10240x128xf32, #tpu.memory_space<vmem_shared>> -> memref<10240x128xf32, #tpu.memory_space<vmem_shared>>
        tpu.enqueue_indirect_dma source(%arg9 : memref<128x128xf32, #tpu.memory_space<vmem>>) target(%dma_start3A_97 : memref<10240x128xf32, #tpu.memory_space<vmem_shared>>) offsets(%dma_start3A_94 : memref<128xi32, #tpu.memory_space<vmem>>) semaphore(%run_scoped3A : memref<!tpu.dma_semaphore, #tpu.memory_space<semaphore_mem>>) {add = true}
        %dma_wait3A_98 = arith.constant 0 : i32
        %dma_wait3A_99 = tpu.memref_slice %arg7[%add3A_91, %dma_wait3A_98] : memref<40x128xi32, #tpu.memory_space<vmem>> -> memref<1x128xi32, #tpu.memory_space<vmem>>
        %dma_wait3A_100 = tpu.memref_squeeze %dma_wait3A_99 : memref<1x128xi32, #tpu.memory_space<vmem>> -> memref<128xi32, #tpu.memory_space<vmem>>
        %dma_wait3A_101 = arith.constant 0 : i32
        %dma_wait3A_102 = arith.constant 0 : i32
        %dma_wait3A_103 = tpu.memref_slice %arg10[%dma_wait3A_101, %dma_wait3A_102] : memref<10240x128xf32, #tpu.memory_space<vmem_shared>> -> memref<10240x128xf32, #tpu.memory_space<vmem_shared>>
        tpu.wait_indirect_dma semaphore(%run_scoped3A : memref<!tpu.dma_semaphore, #tpu.memory_space<semaphore_mem>>) src(%arg9 : memref<128x128xf32, #tpu.memory_space<vmem>>) dst(%dma_wait3A_103 : memref<10240x128xf32, #tpu.memory_space<vmem_shared>>)
        tpu.yield
      }) : () -> ()
    }
    %scan3A_35 = arith.constant 20 : i32
    %barrier3A_36 = arith.constant 0 : index
    tpu.barrier barrier_id(%barrier3A_36)
    %lt3A_37 = arith.constant 15 : i32
    %lt3A_38 = arith.cmpi slt, %arg1, %lt3A_37 : i32
    %convert_element_type3A_39 = arith.extui %lt3A_38 : i1 to i32
    %cond3A_40 = arith.constant 0 : i32
    %cond3A_41 = arith.cmpi ne, %convert_element_type3A_39, %cond3A_40 : i32
    scf.if %cond3A_41 {
      %mul3A = arith.constant 640 : i32
      %mul3A_47 = arith.muli %arg1, %mul3A : i32
      "tpu.region"() ({
        %run_scoped3A = tpu.sem_alloc : memref<!tpu.dma_semaphore, #tpu.memory_space<semaphore_mem>>
        %dma_start3A_48 = arith.constant 0 : i32
        %dma_start3A_49 = arith.constant 0 : i32
        %dma_start3A_50 = tpu.memref_slice %arg5[%arg0, %dma_start3A_48, %dma_start3A_49] : memref<2x10000x128xf32, #tpu.memory_space<hbm>> -> memref<1x10000x128xf32, #tpu.memory_space<hbm>>
        %dma_start3A_51 = tpu.memref_squeeze %dma_start3A_50 : memref<1x10000x128xf32, #tpu.memory_space<hbm>> -> memref<10000x128xf32, #tpu.memory_space<hbm>>
        %dma_start3A_52 = arith.constant 0 : i32
        %dma_start3A_53 = tpu.memref_slice %dma_start3A_51[%mul3A_47, %dma_start3A_52] : memref<10000x128xf32, #tpu.memory_space<hbm>> -> memref<640x128xf32, #tpu.memory_space<hbm>>
        %dma_start3A_54 = arith.constant 0 : i32
        %dma_start3A_55 = tpu.memref_slice %arg10[%mul3A_47, %dma_start3A_54] : memref<10240x128xf32, #tpu.memory_space<vmem_shared>> -> memref<640x128xf32, #tpu.memory_space<vmem_shared>>
        tpu.enqueue_dma source(%dma_start3A_55 : memref<640x128xf32, #tpu.memory_space<vmem_shared>>) target(%dma_start3A_53 : memref<640x128xf32, #tpu.memory_space<hbm>>) target_semaphore(%run_scoped3A : memref<!tpu.dma_semaphore, #tpu.memory_space<semaphore_mem>>)
        %dma_wait3A = arith.constant 0 : i32
        %dma_wait3A_56 = arith.constant 0 : i32
        %dma_wait3A_57 = tpu.memref_slice %arg5[%arg0, %dma_wait3A, %dma_wait3A_56] : memref<2x10000x128xf32, #tpu.memory_space<hbm>> -> memref<1x10000x128xf32, #tpu.memory_space<hbm>>
        %dma_wait3A_58 = tpu.memref_squeeze %dma_wait3A_57 : memref<1x10000x128xf32, #tpu.memory_space<hbm>> -> memref<10000x128xf32, #tpu.memory_space<hbm>>
        %dma_wait3A_59 = arith.constant 0 : i32
        %dma_wait3A_60 = tpu.memref_slice %dma_wait3A_58[%mul3A_47, %dma_wait3A_59] : memref<10000x128xf32, #tpu.memory_space<hbm>> -> memref<640x128xf32, #tpu.memory_space<hbm>>
        %dma_wait3A_61 = arith.constant 0 : i32
        %dma_wait3A_62 = tpu.memref_slice %arg10[%mul3A_47, %dma_wait3A_61] : memref<10240x128xf32, #tpu.memory_space<vmem_shared>> -> memref<640x128xf32, #tpu.memory_space<vmem_shared>>
        tpu.wait_dma2 semaphore(%run_scoped3A : memref<!tpu.dma_semaphore, #tpu.memory_space<semaphore_mem>>) src(%dma_wait3A_62 : memref<640x128xf32, #tpu.memory_space<vmem_shared>>) dst(%dma_wait3A_60 : memref<640x128xf32, #tpu.memory_space<hbm>>)
        tpu.yield
      }) : () -> ()
    } else {
    }
    %eq3A_42 = arith.constant 15 : i32
    %eq3A_43 = arith.cmpi eq, %arg1, %eq3A_42 : i32
    %convert_element_type3A_44 = arith.extui %eq3A_43 : i1 to i32
    %cond3A_45 = arith.constant 0 : i32
    %cond3A_46 = arith.cmpi ne, %convert_element_type3A_44, %cond3A_45 : i32
    scf.if %cond3A_46 {
      "tpu.region"() ({
        %run_scoped3A = tpu.sem_alloc : memref<!tpu.dma_semaphore, #tpu.memory_space<semaphore_mem>>
        %dma_start3A_47 = arith.constant 0 : i32
        %dma_start3A_48 = arith.constant 0 : i32
        %dma_start3A_49 = tpu.memref_slice %arg5[%arg0, %dma_start3A_47, %dma_start3A_48] : memref<2x10000x128xf32, #tpu.memory_space<hbm>> -> memref<1x10000x128xf32, #tpu.memory_space<hbm>>
        %dma_start3A_50 = tpu.memref_squeeze %dma_start3A_49 : memref<1x10000x128xf32, #tpu.memory_space<hbm>> -> memref<10000x128xf32, #tpu.memory_space<hbm>>
        %dma_start3A_51 = arith.constant 9600 : i32
        %dma_start3A_52 = arith.constant 0 : i32
        %dma_start3A_53 = tpu.memref_slice %dma_start3A_50[%dma_start3A_51, %dma_start3A_52] : memref<10000x128xf32, #tpu.memory_space<hbm>> -> memref<400x128xf32, #tpu.memory_space<hbm>>
        %dma_start3A_54 = arith.constant 9600 : i32
        %dma_start3A_55 = arith.constant 0 : i32
        %dma_start3A_56 = tpu.memref_slice %arg10[%dma_start3A_54, %dma_start3A_55] : memref<10240x128xf32, #tpu.memory_space<vmem_shared>> -> memref<400x128xf32, #tpu.memory_space<vmem_shared>>
        tpu.enqueue_dma source(%dma_start3A_56 : memref<400x128xf32, #tpu.memory_space<vmem_shared>>) target(%dma_start3A_53 : memref<400x128xf32, #tpu.memory_space<hbm>>) target_semaphore(%run_scoped3A : memref<!tpu.dma_semaphore, #tpu.memory_space<semaphore_mem>>)
        %dma_wait3A = arith.constant 0 : i32
        %dma_wait3A_57 = arith.constant 0 : i32
        %dma_wait3A_58 = tpu.memref_slice %arg5[%arg0, %dma_wait3A, %dma_wait3A_57] : memref<2x10000x128xf32, #tpu.memory_space<hbm>> -> memref<1x10000x128xf32, #tpu.memory_space<hbm>>
        %dma_wait3A_59 = tpu.memref_squeeze %dma_wait3A_58 : memref<1x10000x128xf32, #tpu.memory_space<hbm>> -> memref<10000x128xf32, #tpu.memory_space<hbm>>
        %dma_wait3A_60 = arith.constant 9600 : i32
        %dma_wait3A_61 = arith.constant 0 : i32
        %dma_wait3A_62 = tpu.memref_slice %dma_wait3A_59[%dma_wait3A_60, %dma_wait3A_61] : memref<10000x128xf32, #tpu.memory_space<hbm>> -> memref<400x128xf32, #tpu.memory_space<hbm>>
        %dma_wait3A_63 = arith.constant 9600 : i32
        %dma_wait3A_64 = arith.constant 0 : i32
        %dma_wait3A_65 = tpu.memref_slice %arg10[%dma_wait3A_63, %dma_wait3A_64] : memref<10240x128xf32, #tpu.memory_space<vmem_shared>> -> memref<400x128xf32, #tpu.memory_space<vmem_shared>>
        tpu.wait_dma2 semaphore(%run_scoped3A : memref<!tpu.dma_semaphore, #tpu.memory_space<semaphore_mem>>) src(%dma_wait3A_65 : memref<400x128xf32, #tpu.memory_space<vmem_shared>>) dst(%dma_wait3A_62 : memref<400x128xf32, #tpu.memory_space<hbm>>)
        tpu.yield
      }) : () -> ()
    } else {
    }
    return
  }
}

#map = affine_map<(d0, d1) -> (0, 0, 0, 0)>
#map1 = affine_map<(d0, d1) -> (0, 0)>
#map2 = affine_map<(d0, d1) -> (0, 0, 0)>
module attributes {stable_mosaic.version = 14 : i64} {
  func.func @k(%arg0: i32, %arg1: i32, %arg2: memref<2x16x40x128xi32, #tpu.memory_space<hbm>>, %arg3: memref<10240x128xf32, #tpu.memory_space<hbm>>, %arg4: memref<128x128xf32, #tpu.memory_space<hbm>>, %arg5: memref<2x10000x128xf32, #tpu.memory_space<hbm>>, %arg6: memref<40x128xi32, #tpu.memory_space<vmem>>, %arg7: memref<128x128xf32, #tpu.memory_space<vmem>>, %arg8: memref<10240x128xf32, #tpu.memory_space<vmem_shared>>) attributes {dimension_semantics = [#tpu.dimension_semantics<core_parallel>, #tpu.dimension_semantics<subcore_parallel>], iteration_bounds = array<i64: 2, 16>, scalar_prefetch = 0 : i64, scratch_operands = 3 : i64, tpu.core_type = #tpu.core_type<sc_vector_subcore>, window_params = [{transform_indices = #map}, {transform_indices = #map1}, {transform_indices = #map1}, {transform_indices = #map2}]} {
    %mul3A = arith.constant 640 : i32
    %mul3A_0 = arith.muli %arg1, %mul3A : i32
    %mul3A_1 = arith.constant 640 : i32
    %mul3A_2 = arith.muli %arg1, %mul3A_1 : i32
    "tpu.region"() ({
      %run_scoped3A = tpu.sem_alloc : memref<!tpu.dma_semaphore, #tpu.memory_space<semaphore_mem>>
      %dma_start3A = arith.constant 0 : i32
      %dma_start3A_14 = tpu.memref_slice %arg8[%mul3A_2, %dma_start3A] : memref<10240x128xf32, #tpu.memory_space<vmem_shared>> -> memref<640x128xf32, #tpu.memory_space<vmem_shared>>
      %dma_start3A_15 = arith.constant 0 : i32
      %dma_start3A_16 = tpu.memref_slice %arg3[%mul3A_0, %dma_start3A_15] : memref<10240x128xf32, #tpu.memory_space<hbm>> -> memref<640x128xf32, #tpu.memory_space<hbm>>
      tpu.enqueue_dma source(%dma_start3A_16 : memref<640x128xf32, #tpu.memory_space<hbm>>) target(%dma_start3A_14 : memref<640x128xf32, #tpu.memory_space<vmem_shared>>) target_semaphore(%run_scoped3A : memref<!tpu.dma_semaphore, #tpu.memory_space<semaphore_mem>>)
      %dma_wait3A = arith.constant 0 : i32
      %dma_wait3A_17 = tpu.memref_slice %arg8[%mul3A_2, %dma_wait3A] : memref<10240x128xf32, #tpu.memory_space<vmem_shared>> -> memref<640x128xf32, #tpu.memory_space<vmem_shared>>
      %dma_wait3A_18 = arith.constant 0 : i32
      %dma_wait3A_19 = tpu.memref_slice %arg3[%mul3A_0, %dma_wait3A_18] : memref<10240x128xf32, #tpu.memory_space<hbm>> -> memref<640x128xf32, #tpu.memory_space<hbm>>
      tpu.wait_dma2 semaphore(%run_scoped3A : memref<!tpu.dma_semaphore, #tpu.memory_space<semaphore_mem>>) src(%dma_wait3A_19 : memref<640x128xf32, #tpu.memory_space<hbm>>) dst(%dma_wait3A_17 : memref<640x128xf32, #tpu.memory_space<vmem_shared>>)
      tpu.yield
    }) : () -> ()
    "tpu.region"() ({
      %run_scoped3A = tpu.sem_alloc : memref<!tpu.dma_semaphore, #tpu.memory_space<semaphore_mem>>
      %dma_start3A = arith.constant 0 : i32
      %dma_start3A_14 = arith.constant 0 : i32
      %dma_start3A_15 = arith.constant 0 : i32
      %dma_start3A_16 = tpu.memref_slice %arg2[%arg0, %dma_start3A, %dma_start3A_14, %dma_start3A_15] : memref<2x16x40x128xi32, #tpu.memory_space<hbm>> -> memref<1x16x40x128xi32, #tpu.memory_space<hbm>>
      %dma_start3A_17 = tpu.memref_squeeze %dma_start3A_16 : memref<1x16x40x128xi32, #tpu.memory_space<hbm>> -> memref<16x40x128xi32, #tpu.memory_space<hbm>>
      %dma_start3A_18 = arith.constant 0 : i32
      %dma_start3A_19 = arith.constant 0 : i32
      %dma_start3A_20 = tpu.memref_slice %dma_start3A_17[%arg1, %dma_start3A_18, %dma_start3A_19] : memref<16x40x128xi32, #tpu.memory_space<hbm>> -> memref<1x40x128xi32, #tpu.memory_space<hbm>>
      %dma_start3A_21 = tpu.memref_squeeze %dma_start3A_20 : memref<1x40x128xi32, #tpu.memory_space<hbm>> -> memref<40x128xi32, #tpu.memory_space<hbm>>
      %dma_start3A_22 = arith.constant 0 : i32
      %dma_start3A_23 = arith.constant 0 : i32
      %dma_start3A_24 = arith.constant 0 : i32
      %dma_start3A_25 = tpu.memref_slice %arg2[%arg0, %dma_start3A_22, %dma_start3A_23, %dma_start3A_24] : memref<2x16x40x128xi32, #tpu.memory_space<hbm>> -> memref<1x16x40x128xi32, #tpu.memory_space<hbm>>
      %dma_start3A_26 = tpu.memref_squeeze %dma_start3A_25 : memref<1x16x40x128xi32, #tpu.memory_space<hbm>> -> memref<16x40x128xi32, #tpu.memory_space<hbm>>
      %dma_start3A_27 = arith.constant 0 : i32
      %dma_start3A_28 = arith.constant 0 : i32
      %dma_start3A_29 = tpu.memref_slice %dma_start3A_26[%arg1, %dma_start3A_27, %dma_start3A_28] : memref<16x40x128xi32, #tpu.memory_space<hbm>> -> memref<1x40x128xi32, #tpu.memory_space<hbm>>
      %dma_start3A_30 = tpu.memref_squeeze %dma_start3A_29 : memref<1x40x128xi32, #tpu.memory_space<hbm>> -> memref<40x128xi32, #tpu.memory_space<hbm>>
      tpu.enqueue_dma source(%dma_start3A_30 : memref<40x128xi32, #tpu.memory_space<hbm>>) target(%arg6 : memref<40x128xi32, #tpu.memory_space<vmem>>) target_semaphore(%run_scoped3A : memref<!tpu.dma_semaphore, #tpu.memory_space<semaphore_mem>>)
      %dma_wait3A = arith.constant 0 : i32
      %dma_wait3A_31 = arith.constant 0 : i32
      %dma_wait3A_32 = arith.constant 0 : i32
      %dma_wait3A_33 = tpu.memref_slice %arg2[%arg0, %dma_wait3A, %dma_wait3A_31, %dma_wait3A_32] : memref<2x16x40x128xi32, #tpu.memory_space<hbm>> -> memref<1x16x40x128xi32, #tpu.memory_space<hbm>>
      %dma_wait3A_34 = tpu.memref_squeeze %dma_wait3A_33 : memref<1x16x40x128xi32, #tpu.memory_space<hbm>> -> memref<16x40x128xi32, #tpu.memory_space<hbm>>
      %dma_wait3A_35 = arith.constant 0 : i32
      %dma_wait3A_36 = arith.constant 0 : i32
      %dma_wait3A_37 = tpu.memref_slice %dma_wait3A_34[%arg1, %dma_wait3A_35, %dma_wait3A_36] : memref<16x40x128xi32, #tpu.memory_space<hbm>> -> memref<1x40x128xi32, #tpu.memory_space<hbm>>
      %dma_wait3A_38 = tpu.memref_squeeze %dma_wait3A_37 : memref<1x40x128xi32, #tpu.memory_space<hbm>> -> memref<40x128xi32, #tpu.memory_space<hbm>>
      %dma_wait3A_39 = arith.constant 0 : i32
      %dma_wait3A_40 = arith.constant 0 : i32
      %dma_wait3A_41 = arith.constant 0 : i32
      %dma_wait3A_42 = tpu.memref_slice %arg2[%arg0, %dma_wait3A_39, %dma_wait3A_40, %dma_wait3A_41] : memref<2x16x40x128xi32, #tpu.memory_space<hbm>> -> memref<1x16x40x128xi32, #tpu.memory_space<hbm>>
      %dma_wait3A_43 = tpu.memref_squeeze %dma_wait3A_42 : memref<1x16x40x128xi32, #tpu.memory_space<hbm>> -> memref<16x40x128xi32, #tpu.memory_space<hbm>>
      %dma_wait3A_44 = arith.constant 0 : i32
      %dma_wait3A_45 = arith.constant 0 : i32
      %dma_wait3A_46 = tpu.memref_slice %dma_wait3A_43[%arg1, %dma_wait3A_44, %dma_wait3A_45] : memref<16x40x128xi32, #tpu.memory_space<hbm>> -> memref<1x40x128xi32, #tpu.memory_space<hbm>>
      %dma_wait3A_47 = tpu.memref_squeeze %dma_wait3A_46 : memref<1x40x128xi32, #tpu.memory_space<hbm>> -> memref<40x128xi32, #tpu.memory_space<hbm>>
      tpu.wait_dma2 semaphore(%run_scoped3A : memref<!tpu.dma_semaphore, #tpu.memory_space<semaphore_mem>>) src(%dma_wait3A_47 : memref<40x128xi32, #tpu.memory_space<hbm>>) dst(%arg6 : memref<40x128xi32, #tpu.memory_space<vmem>>)
      tpu.yield
    }) : () -> ()
    "tpu.region"() ({
      %run_scoped3A = tpu.sem_alloc : memref<!tpu.dma_semaphore, #tpu.memory_space<semaphore_mem>>
      tpu.enqueue_dma source(%arg4 : memref<128x128xf32, #tpu.memory_space<hbm>>) target(%arg7 : memref<128x128xf32, #tpu.memory_space<vmem>>) target_semaphore(%run_scoped3A : memref<!tpu.dma_semaphore, #tpu.memory_space<semaphore_mem>>)
      tpu.wait_dma2 semaphore(%run_scoped3A : memref<!tpu.dma_semaphore, #tpu.memory_space<semaphore_mem>>) src(%arg4 : memref<128x128xf32, #tpu.memory_space<hbm>>) dst(%arg7 : memref<128x128xf32, #tpu.memory_space<vmem>>)
      tpu.yield
    }) : () -> ()
    %barrier3A = arith.constant 0 : index
    tpu.barrier barrier_id(%barrier3A)
    %scan3A = arith.constant 0 : i32
    %scan3A_3 = arith.constant 40 : i32
    %scan3A_4 = arith.addi %scan3A, %scan3A_3 : i32
    %scan3A_5 = arith.constant 1 : i32
    scf.for %scan3A_14 = %scan3A to %scan3A_4 step %scan3A_5  : i32 {
      %mul3A_15 = arith.constant 1 : i32
      %mul3A_16 = arith.muli %scan3A_14, %mul3A_15 : i32
      %add3A = arith.constant 0 : i32
      %add3A_17 = arith.addi %add3A, %mul3A_16 : i32
      "tpu.region"() ({
        %run_scoped3A = tpu.sem_alloc : memref<!tpu.dma_semaphore, #tpu.memory_space<semaphore_mem>>
        %dma_start3A = arith.constant 0 : i32
        %dma_start3A_18 = tpu.memref_slice %arg6[%add3A_17, %dma_start3A] : memref<40x128xi32, #tpu.memory_space<vmem>> -> memref<1x128xi32, #tpu.memory_space<vmem>>
        %dma_start3A_19 = tpu.memref_squeeze %dma_start3A_18 : memref<1x128xi32, #tpu.memory_space<vmem>> -> memref<128xi32, #tpu.memory_space<vmem>>
        %dma_start3A_20 = arith.constant 0 : i32
        %dma_start3A_21 = arith.constant 0 : i32
        %dma_start3A_22 = tpu.memref_slice %arg8[%dma_start3A_20, %dma_start3A_21] : memref<10240x128xf32, #tpu.memory_space<vmem_shared>> -> memref<10240x128xf32, #tpu.memory_space<vmem_shared>>
        tpu.enqueue_indirect_dma source(%arg7 : memref<128x128xf32, #tpu.memory_space<vmem>>) target(%dma_start3A_22 : memref<10240x128xf32, #tpu.memory_space<vmem_shared>>) offsets(%dma_start3A_19 : memref<128xi32, #tpu.memory_space<vmem>>) semaphore(%run_scoped3A : memref<!tpu.dma_semaphore, #tpu.memory_space<semaphore_mem>>) {add = true}
        %dma_wait3A = arith.constant 0 : i32
        %dma_wait3A_23 = tpu.memref_slice %arg6[%add3A_17, %dma_wait3A] : memref<40x128xi32, #tpu.memory_space<vmem>> -> memref<1x128xi32, #tpu.memory_space<vmem>>
        %dma_wait3A_24 = tpu.memref_squeeze %dma_wait3A_23 : memref<1x128xi32, #tpu.memory_space<vmem>> -> memref<128xi32, #tpu.memory_space<vmem>>
        %dma_wait3A_25 = arith.constant 0 : i32
        %dma_wait3A_26 = arith.constant 0 : i32
        %dma_wait3A_27 = tpu.memref_slice %arg8[%dma_wait3A_25, %dma_wait3A_26] : memref<10240x128xf32, #tpu.memory_space<vmem_shared>> -> memref<10240x128xf32, #tpu.memory_space<vmem_shared>>
        tpu.wait_indirect_dma semaphore(%run_scoped3A : memref<!tpu.dma_semaphore, #tpu.memory_space<semaphore_mem>>) src(%arg7 : memref<128x128xf32, #tpu.memory_space<vmem>>) dst(%dma_wait3A_27 : memref<10240x128xf32, #tpu.memory_space<vmem_shared>>)
        tpu.yield
      }) : () -> ()
    }
    %scan3A_6 = arith.constant 40 : i32
    %barrier3A_7 = arith.constant 0 : index
    tpu.barrier barrier_id(%barrier3A_7)
    %lt3A = arith.constant 15 : i32
    %lt3A_8 = arith.cmpi slt, %arg1, %lt3A : i32
    %convert_element_type3A = arith.extui %lt3A_8 : i1 to i32
    %cond3A = arith.constant 0 : i32
    %cond3A_9 = arith.cmpi ne, %convert_element_type3A, %cond3A : i32
    scf.if %cond3A_9 {
      %mul3A_14 = arith.constant 640 : i32
      %mul3A_15 = arith.muli %arg1, %mul3A_14 : i32
      "tpu.region"() ({
        %run_scoped3A = tpu.sem_alloc : memref<!tpu.dma_semaphore, #tpu.memory_space<semaphore_mem>>
        %dma_start3A = arith.constant 0 : i32
        %dma_start3A_16 = arith.constant 0 : i32
        %dma_start3A_17 = tpu.memref_slice %arg5[%arg0, %dma_start3A, %dma_start3A_16] : memref<2x10000x128xf32, #tpu.memory_space<hbm>> -> memref<1x10000x128xf32, #tpu.memory_space<hbm>>
        %dma_start3A_18 = tpu.memref_squeeze %dma_start3A_17 : memref<1x10000x128xf32, #tpu.memory_space<hbm>> -> memref<10000x128xf32, #tpu.memory_space<hbm>>
        %dma_start3A_19 = arith.constant 0 : i32
        %dma_start3A_20 = tpu.memref_slice %dma_start3A_18[%mul3A_15, %dma_start3A_19] : memref<10000x128xf32, #tpu.memory_space<hbm>> -> memref<640x128xf32, #tpu.memory_space<hbm>>
        %dma_start3A_21 = arith.constant 0 : i32
        %dma_start3A_22 = tpu.memref_slice %arg8[%mul3A_15, %dma_start3A_21] : memref<10240x128xf32, #tpu.memory_space<vmem_shared>> -> memref<640x128xf32, #tpu.memory_space<vmem_shared>>
        tpu.enqueue_dma source(%dma_start3A_22 : memref<640x128xf32, #tpu.memory_space<vmem_shared>>) target(%dma_start3A_20 : memref<640x128xf32, #tpu.memory_space<hbm>>) target_semaphore(%run_scoped3A : memref<!tpu.dma_semaphore, #tpu.memory_space<semaphore_mem>>)
        %dma_wait3A = arith.constant 0 : i32
        %dma_wait3A_23 = arith.constant 0 : i32
        %dma_wait3A_24 = tpu.memref_slice %arg5[%arg0, %dma_wait3A, %dma_wait3A_23] : memref<2x10000x128xf32, #tpu.memory_space<hbm>> -> memref<1x10000x128xf32, #tpu.memory_space<hbm>>
        %dma_wait3A_25 = tpu.memref_squeeze %dma_wait3A_24 : memref<1x10000x128xf32, #tpu.memory_space<hbm>> -> memref<10000x128xf32, #tpu.memory_space<hbm>>
        %dma_wait3A_26 = arith.constant 0 : i32
        %dma_wait3A_27 = tpu.memref_slice %dma_wait3A_25[%mul3A_15, %dma_wait3A_26] : memref<10000x128xf32, #tpu.memory_space<hbm>> -> memref<640x128xf32, #tpu.memory_space<hbm>>
        %dma_wait3A_28 = arith.constant 0 : i32
        %dma_wait3A_29 = tpu.memref_slice %arg8[%mul3A_15, %dma_wait3A_28] : memref<10240x128xf32, #tpu.memory_space<vmem_shared>> -> memref<640x128xf32, #tpu.memory_space<vmem_shared>>
        tpu.wait_dma2 semaphore(%run_scoped3A : memref<!tpu.dma_semaphore, #tpu.memory_space<semaphore_mem>>) src(%dma_wait3A_29 : memref<640x128xf32, #tpu.memory_space<vmem_shared>>) dst(%dma_wait3A_27 : memref<640x128xf32, #tpu.memory_space<hbm>>)
        tpu.yield
      }) : () -> ()
    } else {
    }
    %eq3A = arith.constant 15 : i32
    %eq3A_10 = arith.cmpi eq, %arg1, %eq3A : i32
    %convert_element_type3A_11 = arith.extui %eq3A_10 : i1 to i32
    %cond3A_12 = arith.constant 0 : i32
    %cond3A_13 = arith.cmpi ne, %convert_element_type3A_11, %cond3A_12 : i32
    scf.if %cond3A_13 {
      "tpu.region"() ({
        %run_scoped3A = tpu.sem_alloc : memref<!tpu.dma_semaphore, #tpu.memory_space<semaphore_mem>>
        %dma_start3A = arith.constant 0 : i32
        %dma_start3A_14 = arith.constant 0 : i32
        %dma_start3A_15 = tpu.memref_slice %arg5[%arg0, %dma_start3A, %dma_start3A_14] : memref<2x10000x128xf32, #tpu.memory_space<hbm>> -> memref<1x10000x128xf32, #tpu.memory_space<hbm>>
        %dma_start3A_16 = tpu.memref_squeeze %dma_start3A_15 : memref<1x10000x128xf32, #tpu.memory_space<hbm>> -> memref<10000x128xf32, #tpu.memory_space<hbm>>
        %dma_start3A_17 = arith.constant 9600 : i32
        %dma_start3A_18 = arith.constant 0 : i32
        %dma_start3A_19 = tpu.memref_slice %dma_start3A_16[%dma_start3A_17, %dma_start3A_18] : memref<10000x128xf32, #tpu.memory_space<hbm>> -> memref<400x128xf32, #tpu.memory_space<hbm>>
        %dma_start3A_20 = arith.constant 9600 : i32
        %dma_start3A_21 = arith.constant 0 : i32
        %dma_start3A_22 = tpu.memref_slice %arg8[%dma_start3A_20, %dma_start3A_21] : memref<10240x128xf32, #tpu.memory_space<vmem_shared>> -> memref<400x128xf32, #tpu.memory_space<vmem_shared>>
        tpu.enqueue_dma source(%dma_start3A_22 : memref<400x128xf32, #tpu.memory_space<vmem_shared>>) target(%dma_start3A_19 : memref<400x128xf32, #tpu.memory_space<hbm>>) target_semaphore(%run_scoped3A : memref<!tpu.dma_semaphore, #tpu.memory_space<semaphore_mem>>)
        %dma_wait3A = arith.constant 0 : i32
        %dma_wait3A_23 = arith.constant 0 : i32
        %dma_wait3A_24 = tpu.memref_slice %arg5[%arg0, %dma_wait3A, %dma_wait3A_23] : memref<2x10000x128xf32, #tpu.memory_space<hbm>> -> memref<1x10000x128xf32, #tpu.memory_space<hbm>>
        %dma_wait3A_25 = tpu.memref_squeeze %dma_wait3A_24 : memref<1x10000x128xf32, #tpu.memory_space<hbm>> -> memref<10000x128xf32, #tpu.memory_space<hbm>>
        %dma_wait3A_26 = arith.constant 9600 : i32
        %dma_wait3A_27 = arith.constant 0 : i32
        %dma_wait3A_28 = tpu.memref_slice %dma_wait3A_25[%dma_wait3A_26, %dma_wait3A_27] : memref<10000x128xf32, #tpu.memory_space<hbm>> -> memref<400x128xf32, #tpu.memory_space<hbm>>
        %dma_wait3A_29 = arith.constant 9600 : i32
        %dma_wait3A_30 = arith.constant 0 : i32
        %dma_wait3A_31 = tpu.memref_slice %arg8[%dma_wait3A_29, %dma_wait3A_30] : memref<10240x128xf32, #tpu.memory_space<vmem_shared>> -> memref<400x128xf32, #tpu.memory_space<vmem_shared>>
        tpu.wait_dma2 semaphore(%run_scoped3A : memref<!tpu.dma_semaphore, #tpu.memory_space<semaphore_mem>>) src(%dma_wait3A_31 : memref<400x128xf32, #tpu.memory_space<vmem_shared>>) dst(%dma_wait3A_28 : memref<400x128xf32, #tpu.memory_space<hbm>>)
        tpu.yield
      }) : () -> ()
    } else {
    }
    return
  }
}

#map = affine_map<(d0, d1) -> (0, 0, 0)>
module attributes {stable_mosaic.version = 14 : i64} {
  func.func @k(%arg0: i32, %arg1: i32, %arg2: memref<2x10000x128xf32, #tpu.memory_space<hbm>>, %arg3: memref<16x80x128xi32, #tpu.memory_space<hbm>>, %arg4: memref<16x80x128xi32, #tpu.memory_space<hbm>>, %arg5: memref<2x10000x128xf32, #tpu.memory_space<hbm>>, %arg6: memref<40x128xi32, #tpu.memory_space<vmem>>, %arg7: memref<40x128xi32, #tpu.memory_space<vmem>>, %arg8: memref<128x128xf32, #tpu.memory_space<vmem>>, %arg9: memref<128x128xf32, #tpu.memory_space<vmem>>, %arg10: memref<10240x128xf32, #tpu.memory_space<vmem_shared>>, %arg11: memref<!tpu.dma_semaphore, #tpu.memory_space<semaphore_mem>>, %arg12: memref<!tpu.dma_semaphore, #tpu.memory_space<semaphore_mem>>) attributes {dimension_semantics = [#tpu.dimension_semantics<core_parallel>, #tpu.dimension_semantics<subcore_parallel>], iteration_bounds = array<i64: 2, 16>, scalar_prefetch = 0 : i64, scratch_operands = 7 : i64, tpu.core_type = #tpu.core_type<sc_vector_subcore>, window_params = [{transform_indices = #map}, {transform_indices = #map}, {transform_indices = #map}, {transform_indices = #map}]} {
    %lt3A = arith.constant 15 : i32
    %lt3A_0 = arith.cmpi slt, %arg1, %lt3A : i32
    %convert_element_type3A = arith.extui %lt3A_0 : i1 to i32
    %cond3A = arith.constant 0 : i32
    %cond3A_1 = arith.cmpi ne, %convert_element_type3A, %cond3A : i32
    scf.if %cond3A_1 {
      %mul3A = arith.constant 640 : i32
      %mul3A_47 = arith.muli %arg1, %mul3A : i32
      "tpu.region"() ({
        %run_scoped3A = tpu.sem_alloc : memref<!tpu.dma_semaphore, #tpu.memory_space<semaphore_mem>>
        %dma_start3A_48 = arith.constant 0 : i32
        %dma_start3A_49 = tpu.memref_slice %arg10[%mul3A_47, %dma_start3A_48] : memref<10240x128xf32, #tpu.memory_space<vmem_shared>> -> memref<640x128xf32, #tpu.memory_space<vmem_shared>>
        %dma_start3A_50 = arith.constant 0 : i32
        %dma_start3A_51 = arith.constant 0 : i32
        %dma_start3A_52 = tpu.memref_slice %arg2[%arg0, %dma_start3A_50, %dma_start3A_51] : memref<2x10000x128xf32, #tpu.memory_space<hbm>> -> memref<1x10000x128xf32, #tpu.memory_space<hbm>>
        %dma_start3A_53 = tpu.memref_squeeze %dma_start3A_52 : memref<1x10000x128xf32, #tpu.memory_space<hbm>> -> memref<10000x128xf32, #tpu.memory_space<hbm>>
        %dma_start3A_54 = arith.constant 0 : i32
        %dma_start3A_55 = tpu.memref_slice %dma_start3A_53[%mul3A_47, %dma_start3A_54] : memref<10000x128xf32, #tpu.memory_space<hbm>> -> memref<640x128xf32, #tpu.memory_space<hbm>>
        tpu.enqueue_dma source(%dma_start3A_55 : memref<640x128xf32, #tpu.memory_space<hbm>>) target(%dma_start3A_49 : memref<640x128xf32, #tpu.memory_space<vmem_shared>>) target_semaphore(%run_scoped3A : memref<!tpu.dma_semaphore, #tpu.memory_space<semaphore_mem>>)
        %dma_wait3A = arith.constant 0 : i32
        %dma_wait3A_56 = tpu.memref_slice %arg10[%mul3A_47, %dma_wait3A] : memref<10240x128xf32, #tpu.memory_space<vmem_shared>> -> memref<640x128xf32, #tpu.memory_space<vmem_shared>>
        %dma_wait3A_57 = arith.constant 0 : i32
        %dma_wait3A_58 = arith.constant 0 : i32
        %dma_wait3A_59 = tpu.memref_slice %arg2[%arg0, %dma_wait3A_57, %dma_wait3A_58] : memref<2x10000x128xf32, #tpu.memory_space<hbm>> -> memref<1x10000x128xf32, #tpu.memory_space<hbm>>
        %dma_wait3A_60 = tpu.memref_squeeze %dma_wait3A_59 : memref<1x10000x128xf32, #tpu.memory_space<hbm>> -> memref<10000x128xf32, #tpu.memory_space<hbm>>
        %dma_wait3A_61 = arith.constant 0 : i32
        %dma_wait3A_62 = tpu.memref_slice %dma_wait3A_60[%mul3A_47, %dma_wait3A_61] : memref<10000x128xf32, #tpu.memory_space<hbm>> -> memref<640x128xf32, #tpu.memory_space<hbm>>
        tpu.wait_dma2 semaphore(%run_scoped3A : memref<!tpu.dma_semaphore, #tpu.memory_space<semaphore_mem>>) src(%dma_wait3A_62 : memref<640x128xf32, #tpu.memory_space<hbm>>) dst(%dma_wait3A_56 : memref<640x128xf32, #tpu.memory_space<vmem_shared>>)
        tpu.yield
      }) : () -> ()
    } else {
    }
    %eq3A = arith.constant 15 : i32
    %eq3A_2 = arith.cmpi eq, %arg1, %eq3A : i32
    %convert_element_type3A_3 = arith.extui %eq3A_2 : i1 to i32
    %cond3A_4 = arith.constant 0 : i32
    %cond3A_5 = arith.cmpi ne, %convert_element_type3A_3, %cond3A_4 : i32
    scf.if %cond3A_5 {
      "tpu.region"() ({
        %run_scoped3A = tpu.sem_alloc : memref<!tpu.dma_semaphore, #tpu.memory_space<semaphore_mem>>
        %dma_start3A_47 = arith.constant 9600 : i32
        %dma_start3A_48 = arith.constant 0 : i32
        %dma_start3A_49 = tpu.memref_slice %arg10[%dma_start3A_47, %dma_start3A_48] : memref<10240x128xf32, #tpu.memory_space<vmem_shared>> -> memref<400x128xf32, #tpu.memory_space<vmem_shared>>
        %dma_start3A_50 = arith.constant 0 : i32
        %dma_start3A_51 = arith.constant 0 : i32
        %dma_start3A_52 = tpu.memref_slice %arg2[%arg0, %dma_start3A_50, %dma_start3A_51] : memref<2x10000x128xf32, #tpu.memory_space<hbm>> -> memref<1x10000x128xf32, #tpu.memory_space<hbm>>
        %dma_start3A_53 = tpu.memref_squeeze %dma_start3A_52 : memref<1x10000x128xf32, #tpu.memory_space<hbm>> -> memref<10000x128xf32, #tpu.memory_space<hbm>>
        %dma_start3A_54 = arith.constant 9600 : i32
        %dma_start3A_55 = arith.constant 0 : i32
        %dma_start3A_56 = tpu.memref_slice %dma_start3A_53[%dma_start3A_54, %dma_start3A_55] : memref<10000x128xf32, #tpu.memory_space<hbm>> -> memref<400x128xf32, #tpu.memory_space<hbm>>
        tpu.enqueue_dma source(%dma_start3A_56 : memref<400x128xf32, #tpu.memory_space<hbm>>) target(%dma_start3A_49 : memref<400x128xf32, #tpu.memory_space<vmem_shared>>) target_semaphore(%run_scoped3A : memref<!tpu.dma_semaphore, #tpu.memory_space<semaphore_mem>>)
        %dma_wait3A = arith.constant 9600 : i32
        %dma_wait3A_57 = arith.constant 0 : i32
        %dma_wait3A_58 = tpu.memref_slice %arg10[%dma_wait3A, %dma_wait3A_57] : memref<10240x128xf32, #tpu.memory_space<vmem_shared>> -> memref<400x128xf32, #tpu.memory_space<vmem_shared>>
        %dma_wait3A_59 = arith.constant 0 : i32
        %dma_wait3A_60 = arith.constant 0 : i32
        %dma_wait3A_61 = tpu.memref_slice %arg2[%arg0, %dma_wait3A_59, %dma_wait3A_60] : memref<2x10000x128xf32, #tpu.memory_space<hbm>> -> memref<1x10000x128xf32, #tpu.memory_space<hbm>>
        %dma_wait3A_62 = tpu.memref_squeeze %dma_wait3A_61 : memref<1x10000x128xf32, #tpu.memory_space<hbm>> -> memref<10000x128xf32, #tpu.memory_space<hbm>>
        %dma_wait3A_63 = arith.constant 9600 : i32
        %dma_wait3A_64 = arith.constant 0 : i32
        %dma_wait3A_65 = tpu.memref_slice %dma_wait3A_62[%dma_wait3A_63, %dma_wait3A_64] : memref<10000x128xf32, #tpu.memory_space<hbm>> -> memref<400x128xf32, #tpu.memory_space<hbm>>
        tpu.wait_dma2 semaphore(%run_scoped3A : memref<!tpu.dma_semaphore, #tpu.memory_space<semaphore_mem>>) src(%dma_wait3A_65 : memref<400x128xf32, #tpu.memory_space<hbm>>) dst(%dma_wait3A_58 : memref<400x128xf32, #tpu.memory_space<vmem_shared>>)
        tpu.yield
      }) : () -> ()
    } else {
    }
    %barrier3A = arith.constant 0 : index
    tpu.barrier barrier_id(%barrier3A)
    "tpu.region"() ({
      %run_scoped3A = tpu.sem_alloc : memref<!tpu.dma_semaphore, #tpu.memory_space<semaphore_mem>>
      %dma_start3A_47 = arith.constant 0 : i32
      %dma_start3A_48 = arith.constant 0 : i32
      %dma_start3A_49 = tpu.memref_slice %arg3[%arg1, %dma_start3A_47, %dma_start3A_48] : memref<16x80x128xi32, #tpu.memory_space<hbm>> -> memref<1x80x128xi32, #tpu.memory_space<hbm>>
      %dma_start3A_50 = tpu.memref_squeeze %dma_start3A_49 : memref<1x80x128xi32, #tpu.memory_space<hbm>> -> memref<80x128xi32, #tpu.memory_space<hbm>>
      %dma_start3A_51 = arith.constant 0 : i32
      %dma_start3A_52 = arith.constant 0 : i32
      %dma_start3A_53 = tpu.memref_slice %dma_start3A_50[%dma_start3A_51, %dma_start3A_52] : memref<80x128xi32, #tpu.memory_space<hbm>> -> memref<40x128xi32, #tpu.memory_space<hbm>>
      %dma_start3A_54 = arith.constant 0 : i32
      %dma_start3A_55 = arith.constant 0 : i32
      %dma_start3A_56 = tpu.memref_slice %arg3[%arg1, %dma_start3A_54, %dma_start3A_55] : memref<16x80x128xi32, #tpu.memory_space<hbm>> -> memref<1x80x128xi32, #tpu.memory_space<hbm>>
      %dma_start3A_57 = tpu.memref_squeeze %dma_start3A_56 : memref<1x80x128xi32, #tpu.memory_space<hbm>> -> memref<80x128xi32, #tpu.memory_space<hbm>>
      %dma_start3A_58 = arith.constant 0 : i32
      %dma_start3A_59 = arith.constant 0 : i32
      %dma_start3A_60 = tpu.memref_slice %dma_start3A_57[%dma_start3A_58, %dma_start3A_59] : memref<80x128xi32, #tpu.memory_space<hbm>> -> memref<40x128xi32, #tpu.memory_space<hbm>>
      tpu.enqueue_dma source(%dma_start3A_60 : memref<40x128xi32, #tpu.memory_space<hbm>>) target(%arg6 : memref<40x128xi32, #tpu.memory_space<vmem>>) target_semaphore(%run_scoped3A : memref<!tpu.dma_semaphore, #tpu.memory_space<semaphore_mem>>)
      %dma_wait3A = arith.constant 0 : i32
      %dma_wait3A_61 = arith.constant 0 : i32
      %dma_wait3A_62 = tpu.memref_slice %arg3[%arg1, %dma_wait3A, %dma_wait3A_61] : memref<16x80x128xi32, #tpu.memory_space<hbm>> -> memref<1x80x128xi32, #tpu.memory_space<hbm>>
      %dma_wait3A_63 = tpu.memref_squeeze %dma_wait3A_62 : memref<1x80x128xi32, #tpu.memory_space<hbm>> -> memref<80x128xi32, #tpu.memory_space<hbm>>
      %dma_wait3A_64 = arith.constant 0 : i32
      %dma_wait3A_65 = arith.constant 0 : i32
      %dma_wait3A_66 = tpu.memref_slice %dma_wait3A_63[%dma_wait3A_64, %dma_wait3A_65] : memref<80x128xi32, #tpu.memory_space<hbm>> -> memref<40x128xi32, #tpu.memory_space<hbm>>
      %dma_wait3A_67 = arith.constant 0 : i32
      %dma_wait3A_68 = arith.constant 0 : i32
      %dma_wait3A_69 = tpu.memref_slice %arg3[%arg1, %dma_wait3A_67, %dma_wait3A_68] : memref<16x80x128xi32, #tpu.memory_space<hbm>> -> memref<1x80x128xi32, #tpu.memory_space<hbm>>
      %dma_wait3A_70 = tpu.memref_squeeze %dma_wait3A_69 : memref<1x80x128xi32, #tpu.memory_space<hbm>> -> memref<80x128xi32, #tpu.memory_space<hbm>>
      %dma_wait3A_71 = arith.constant 0 : i32
      %dma_wait3A_72 = arith.constant 0 : i32
      %dma_wait3A_73 = tpu.memref_slice %dma_wait3A_70[%dma_wait3A_71, %dma_wait3A_72] : memref<80x128xi32, #tpu.memory_space<hbm>> -> memref<40x128xi32, #tpu.memory_space<hbm>>
      tpu.wait_dma2 semaphore(%run_scoped3A : memref<!tpu.dma_semaphore, #tpu.memory_space<semaphore_mem>>) src(%dma_wait3A_73 : memref<40x128xi32, #tpu.memory_space<hbm>>) dst(%arg6 : memref<40x128xi32, #tpu.memory_space<vmem>>)
      tpu.yield
    }) : () -> ()
    "tpu.region"() ({
      %run_scoped3A = tpu.sem_alloc : memref<!tpu.dma_semaphore, #tpu.memory_space<semaphore_mem>>
      %dma_start3A_47 = arith.constant 0 : i32
      %dma_start3A_48 = arith.constant 0 : i32
      %dma_start3A_49 = tpu.memref_slice %arg4[%arg1, %dma_start3A_47, %dma_start3A_48] : memref<16x80x128xi32, #tpu.memory_space<hbm>> -> memref<1x80x128xi32, #tpu.memory_space<hbm>>
      %dma_start3A_50 = tpu.memref_squeeze %dma_start3A_49 : memref<1x80x128xi32, #tpu.memory_space<hbm>> -> memref<80x128xi32, #tpu.memory_space<hbm>>
      %dma_start3A_51 = arith.constant 0 : i32
      %dma_start3A_52 = arith.constant 0 : i32
      %dma_start3A_53 = tpu.memref_slice %dma_start3A_50[%dma_start3A_51, %dma_start3A_52] : memref<80x128xi32, #tpu.memory_space<hbm>> -> memref<40x128xi32, #tpu.memory_space<hbm>>
      %dma_start3A_54 = arith.constant 0 : i32
      %dma_start3A_55 = arith.constant 0 : i32
      %dma_start3A_56 = tpu.memref_slice %arg4[%arg1, %dma_start3A_54, %dma_start3A_55] : memref<16x80x128xi32, #tpu.memory_space<hbm>> -> memref<1x80x128xi32, #tpu.memory_space<hbm>>
      %dma_start3A_57 = tpu.memref_squeeze %dma_start3A_56 : memref<1x80x128xi32, #tpu.memory_space<hbm>> -> memref<80x128xi32, #tpu.memory_space<hbm>>
      %dma_start3A_58 = arith.constant 0 : i32
      %dma_start3A_59 = arith.constant 0 : i32
      %dma_start3A_60 = tpu.memref_slice %dma_start3A_57[%dma_start3A_58, %dma_start3A_59] : memref<80x128xi32, #tpu.memory_space<hbm>> -> memref<40x128xi32, #tpu.memory_space<hbm>>
      tpu.enqueue_dma source(%dma_start3A_60 : memref<40x128xi32, #tpu.memory_space<hbm>>) target(%arg7 : memref<40x128xi32, #tpu.memory_space<vmem>>) target_semaphore(%run_scoped3A : memref<!tpu.dma_semaphore, #tpu.memory_space<semaphore_mem>>)
      %dma_wait3A = arith.constant 0 : i32
      %dma_wait3A_61 = arith.constant 0 : i32
      %dma_wait3A_62 = tpu.memref_slice %arg4[%arg1, %dma_wait3A, %dma_wait3A_61] : memref<16x80x128xi32, #tpu.memory_space<hbm>> -> memref<1x80x128xi32, #tpu.memory_space<hbm>>
      %dma_wait3A_63 = tpu.memref_squeeze %dma_wait3A_62 : memref<1x80x128xi32, #tpu.memory_space<hbm>> -> memref<80x128xi32, #tpu.memory_space<hbm>>
      %dma_wait3A_64 = arith.constant 0 : i32
      %dma_wait3A_65 = arith.constant 0 : i32
      %dma_wait3A_66 = tpu.memref_slice %dma_wait3A_63[%dma_wait3A_64, %dma_wait3A_65] : memref<80x128xi32, #tpu.memory_space<hbm>> -> memref<40x128xi32, #tpu.memory_space<hbm>>
      %dma_wait3A_67 = arith.constant 0 : i32
      %dma_wait3A_68 = arith.constant 0 : i32
      %dma_wait3A_69 = tpu.memref_slice %arg4[%arg1, %dma_wait3A_67, %dma_wait3A_68] : memref<16x80x128xi32, #tpu.memory_space<hbm>> -> memref<1x80x128xi32, #tpu.memory_space<hbm>>
      %dma_wait3A_70 = tpu.memref_squeeze %dma_wait3A_69 : memref<1x80x128xi32, #tpu.memory_space<hbm>> -> memref<80x128xi32, #tpu.memory_space<hbm>>
      %dma_wait3A_71 = arith.constant 0 : i32
      %dma_wait3A_72 = arith.constant 0 : i32
      %dma_wait3A_73 = tpu.memref_slice %dma_wait3A_70[%dma_wait3A_71, %dma_wait3A_72] : memref<80x128xi32, #tpu.memory_space<hbm>> -> memref<40x128xi32, #tpu.memory_space<hbm>>
      tpu.wait_dma2 semaphore(%run_scoped3A : memref<!tpu.dma_semaphore, #tpu.memory_space<semaphore_mem>>) src(%dma_wait3A_73 : memref<40x128xi32, #tpu.memory_space<hbm>>) dst(%arg7 : memref<40x128xi32, #tpu.memory_space<vmem>>)
      tpu.yield
    }) : () -> ()
    %dma_start3A = arith.constant 0 : i32
    %dma_start3A_6 = arith.constant 0 : i32
    %dma_start3A_7 = tpu.memref_slice %arg6[%dma_start3A, %dma_start3A_6] : memref<40x128xi32, #tpu.memory_space<vmem>> -> memref<1x128xi32, #tpu.memory_space<vmem>>
    %dma_start3A_8 = tpu.memref_squeeze %dma_start3A_7 : memref<1x128xi32, #tpu.memory_space<vmem>> -> memref<128xi32, #tpu.memory_space<vmem>>
    %dma_start3A_9 = arith.constant 0 : i32
    %dma_start3A_10 = arith.constant 0 : i32
    %dma_start3A_11 = tpu.memref_slice %arg2[%arg0, %dma_start3A_9, %dma_start3A_10] : memref<2x10000x128xf32, #tpu.memory_space<hbm>> -> memref<1x10000x128xf32, #tpu.memory_space<hbm>>
    %dma_start3A_12 = tpu.memref_squeeze %dma_start3A_11 : memref<1x10000x128xf32, #tpu.memory_space<hbm>> -> memref<10000x128xf32, #tpu.memory_space<hbm>>
    %dma_start3A_13 = arith.constant 0 : i32
    %dma_start3A_14 = arith.constant 0 : i32
    %dma_start3A_15 = tpu.memref_slice %dma_start3A_12[%dma_start3A_13, %dma_start3A_14] : memref<10000x128xf32, #tpu.memory_space<hbm>> -> memref<10000x128xf32, #tpu.memory_space<hbm>>
    tpu.enqueue_indirect_dma source(%dma_start3A_15 : memref<10000x128xf32, #tpu.memory_space<hbm>>) target(%arg8 : memref<128x128xf32, #tpu.memory_space<vmem>>) offsets(%dma_start3A_8 : memref<128xi32, #tpu.memory_space<vmem>>) semaphore(%arg11 : memref<!tpu.dma_semaphore, #tpu.memory_space<semaphore_mem>>)
    %scan3A = arith.constant 0 : i32
    %scan3A_16 = arith.constant 20 : i32
    %scan3A_17 = arith.addi %scan3A, %scan3A_16 : i32
    %scan3A_18 = arith.constant 1 : i32
    scf.for %scan3A_47 = %scan3A to %scan3A_17 step %scan3A_18  : i32 {
      %mul3A = arith.constant 2 : i32
      %mul3A_48 = arith.muli %scan3A_47, %mul3A : i32
      %add3A = arith.constant 0 : i32
      %add3A_49 = arith.addi %add3A, %mul3A_48 : i32
      %add3A_50 = arith.constant 1 : i32
      %add3A_51 = arith.addi %add3A_49, %add3A_50 : i32
      %dma_start3A_52 = arith.constant 0 : i32
      %dma_start3A_53 = tpu.memref_slice %arg6[%add3A_51, %dma_start3A_52] : memref<40x128xi32, #tpu.memory_space<vmem>> -> memref<1x128xi32, #tpu.memory_space<vmem>>
      %dma_start3A_54 = tpu.memref_squeeze %dma_start3A_53 : memref<1x128xi32, #tpu.memory_space<vmem>> -> memref<128xi32, #tpu.memory_space<vmem>>
      %dma_start3A_55 = arith.constant 0 : i32
      %dma_start3A_56 = arith.constant 0 : i32
      %dma_start3A_57 = tpu.memref_slice %arg2[%arg0, %dma_start3A_55, %dma_start3A_56] : memref<2x10000x128xf32, #tpu.memory_space<hbm>> -> memref<1x10000x128xf32, #tpu.memory_space<hbm>>
      %dma_start3A_58 = tpu.memref_squeeze %dma_start3A_57 : memref<1x10000x128xf32, #tpu.memory_space<hbm>> -> memref<10000x128xf32, #tpu.memory_space<hbm>>
      %dma_start3A_59 = arith.constant 0 : i32
      %dma_start3A_60 = arith.constant 0 : i32
      %dma_start3A_61 = tpu.memref_slice %dma_start3A_58[%dma_start3A_59, %dma_start3A_60] : memref<10000x128xf32, #tpu.memory_space<hbm>> -> memref<10000x128xf32, #tpu.memory_space<hbm>>
      tpu.enqueue_indirect_dma source(%dma_start3A_61 : memref<10000x128xf32, #tpu.memory_space<hbm>>) target(%arg9 : memref<128x128xf32, #tpu.memory_space<vmem>>) offsets(%dma_start3A_54 : memref<128xi32, #tpu.memory_space<vmem>>) semaphore(%arg12 : memref<!tpu.dma_semaphore, #tpu.memory_space<semaphore_mem>>)
      %dma_wait3A = arith.constant 0 : i32
      %dma_wait3A_62 = tpu.memref_slice %arg6[%add3A_49, %dma_wait3A] : memref<40x128xi32, #tpu.memory_space<vmem>> -> memref<1x128xi32, #tpu.memory_space<vmem>>
      %dma_wait3A_63 = tpu.memref_squeeze %dma_wait3A_62 : memref<1x128xi32, #tpu.memory_space<vmem>> -> memref<128xi32, #tpu.memory_space<vmem>>
      %dma_wait3A_64 = arith.constant 0 : i32
      %dma_wait3A_65 = arith.constant 0 : i32
      %dma_wait3A_66 = tpu.memref_slice %arg2[%arg0, %dma_wait3A_64, %dma_wait3A_65] : memref<2x10000x128xf32, #tpu.memory_space<hbm>> -> memref<1x10000x128xf32, #tpu.memory_space<hbm>>
      %dma_wait3A_67 = tpu.memref_squeeze %dma_wait3A_66 : memref<1x10000x128xf32, #tpu.memory_space<hbm>> -> memref<10000x128xf32, #tpu.memory_space<hbm>>
      %dma_wait3A_68 = arith.constant 0 : i32
      %dma_wait3A_69 = arith.constant 0 : i32
      %dma_wait3A_70 = tpu.memref_slice %dma_wait3A_67[%dma_wait3A_68, %dma_wait3A_69] : memref<10000x128xf32, #tpu.memory_space<hbm>> -> memref<10000x128xf32, #tpu.memory_space<hbm>>
      tpu.wait_indirect_dma semaphore(%arg11 : memref<!tpu.dma_semaphore, #tpu.memory_space<semaphore_mem>>) src(%dma_wait3A_70 : memref<10000x128xf32, #tpu.memory_space<hbm>>) dst(%arg8 : memref<128x128xf32, #tpu.memory_space<vmem>>)
      "tpu.region"() ({
        %run_scoped3A = tpu.sem_alloc : memref<!tpu.dma_semaphore, #tpu.memory_space<semaphore_mem>>
        %dma_start3A_92 = arith.constant 0 : i32
        %dma_start3A_93 = tpu.memref_slice %arg7[%add3A_49, %dma_start3A_92] : memref<40x128xi32, #tpu.memory_space<vmem>> -> memref<1x128xi32, #tpu.memory_space<vmem>>
        %dma_start3A_94 = tpu.memref_squeeze %dma_start3A_93 : memref<1x128xi32, #tpu.memory_space<vmem>> -> memref<128xi32, #tpu.memory_space<vmem>>
        %dma_start3A_95 = arith.constant 0 : i32
        %dma_start3A_96 = arith.constant 0 : i32
        %dma_start3A_97 = tpu.memref_slice %arg10[%dma_start3A_95, %dma_start3A_96] : memref<10240x128xf32, #tpu.memory_space<vmem_shared>> -> memref<10240x128xf32, #tpu.memory_space<vmem_shared>>
        tpu.enqueue_indirect_dma source(%arg8 : memref<128x128xf32, #tpu.memory_space<vmem>>) target(%dma_start3A_97 : memref<10240x128xf32, #tpu.memory_space<vmem_shared>>) offsets(%dma_start3A_94 : memref<128xi32, #tpu.memory_space<vmem>>) semaphore(%run_scoped3A : memref<!tpu.dma_semaphore, #tpu.memory_space<semaphore_mem>>) {add = true}
        %dma_wait3A_98 = arith.constant 0 : i32
        %dma_wait3A_99 = tpu.memref_slice %arg7[%add3A_49, %dma_wait3A_98] : memref<40x128xi32, #tpu.memory_space<vmem>> -> memref<1x128xi32, #tpu.memory_space<vmem>>
        %dma_wait3A_100 = tpu.memref_squeeze %dma_wait3A_99 : memref<1x128xi32, #tpu.memory_space<vmem>> -> memref<128xi32, #tpu.memory_space<vmem>>
        %dma_wait3A_101 = arith.constant 0 : i32
        %dma_wait3A_102 = arith.constant 0 : i32
        %dma_wait3A_103 = tpu.memref_slice %arg10[%dma_wait3A_101, %dma_wait3A_102] : memref<10240x128xf32, #tpu.memory_space<vmem_shared>> -> memref<10240x128xf32, #tpu.memory_space<vmem_shared>>
        tpu.wait_indirect_dma semaphore(%run_scoped3A : memref<!tpu.dma_semaphore, #tpu.memory_space<semaphore_mem>>) src(%arg8 : memref<128x128xf32, #tpu.memory_space<vmem>>) dst(%dma_wait3A_103 : memref<10240x128xf32, #tpu.memory_space<vmem_shared>>)
        tpu.yield
      }) : () -> ()
      %add3A_71 = arith.constant 2 : i32
      %add3A_72 = arith.addi %add3A_49, %add3A_71 : i32
      %lt3A_73 = arith.constant 40 : i32
      %lt3A_74 = arith.cmpi slt, %add3A_72, %lt3A_73 : i32
      %convert_element_type3A_75 = arith.extui %lt3A_74 : i1 to i32
      %cond3A_76 = arith.constant 0 : i32
      %cond3A_77 = arith.cmpi ne, %convert_element_type3A_75, %cond3A_76 : i32
      scf.if %cond3A_77 {
        %add3A_92 = arith.constant 2 : i32
        %add3A_93 = arith.addi %add3A_49, %add3A_92 : i32
        %dma_start3A_94 = arith.constant 0 : i32
        %dma_start3A_95 = tpu.memref_slice %arg6[%add3A_93, %dma_start3A_94] : memref<40x128xi32, #tpu.memory_space<vmem>> -> memref<1x128xi32, #tpu.memory_space<vmem>>
        %dma_start3A_96 = tpu.memref_squeeze %dma_start3A_95 : memref<1x128xi32, #tpu.memory_space<vmem>> -> memref<128xi32, #tpu.memory_space<vmem>>
        %dma_start3A_97 = arith.constant 0 : i32
        %dma_start3A_98 = arith.constant 0 : i32
        %dma_start3A_99 = tpu.memref_slice %arg2[%arg0, %dma_start3A_97, %dma_start3A_98] : memref<2x10000x128xf32, #tpu.memory_space<hbm>> -> memref<1x10000x128xf32, #tpu.memory_space<hbm>>
        %dma_start3A_100 = tpu.memref_squeeze %dma_start3A_99 : memref<1x10000x128xf32, #tpu.memory_space<hbm>> -> memref<10000x128xf32, #tpu.memory_space<hbm>>
        %dma_start3A_101 = arith.constant 0 : i32
        %dma_start3A_102 = arith.constant 0 : i32
        %dma_start3A_103 = tpu.memref_slice %dma_start3A_100[%dma_start3A_101, %dma_start3A_102] : memref<10000x128xf32, #tpu.memory_space<hbm>> -> memref<10000x128xf32, #tpu.memory_space<hbm>>
        tpu.enqueue_indirect_dma source(%dma_start3A_103 : memref<10000x128xf32, #tpu.memory_space<hbm>>) target(%arg8 : memref<128x128xf32, #tpu.memory_space<vmem>>) offsets(%dma_start3A_96 : memref<128xi32, #tpu.memory_space<vmem>>) semaphore(%arg11 : memref<!tpu.dma_semaphore, #tpu.memory_space<semaphore_mem>>)
      } else {
      }
      %add3A_78 = arith.constant 1 : i32
      %add3A_79 = arith.addi %add3A_49, %add3A_78 : i32
      %dma_wait3A_80 = arith.constant 0 : i32
      %dma_wait3A_81 = tpu.memref_slice %arg6[%add3A_79, %dma_wait3A_80] : memref<40x128xi32, #tpu.memory_space<vmem>> -> memref<1x128xi32, #tpu.memory_space<vmem>>
      %dma_wait3A_82 = tpu.memref_squeeze %dma_wait3A_81 : memref<1x128xi32, #tpu.memory_space<vmem>> -> memref<128xi32, #tpu.memory_space<vmem>>
      %dma_wait3A_83 = arith.constant 0 : i32
      %dma_wait3A_84 = arith.constant 0 : i32
      %dma_wait3A_85 = tpu.memref_slice %arg2[%arg0, %dma_wait3A_83, %dma_wait3A_84] : memref<2x10000x128xf32, #tpu.memory_space<hbm>> -> memref<1x10000x128xf32, #tpu.memory_space<hbm>>
      %dma_wait3A_86 = tpu.memref_squeeze %dma_wait3A_85 : memref<1x10000x128xf32, #tpu.memory_space<hbm>> -> memref<10000x128xf32, #tpu.memory_space<hbm>>
      %dma_wait3A_87 = arith.constant 0 : i32
      %dma_wait3A_88 = arith.constant 0 : i32
      %dma_wait3A_89 = tpu.memref_slice %dma_wait3A_86[%dma_wait3A_87, %dma_wait3A_88] : memref<10000x128xf32, #tpu.memory_space<hbm>> -> memref<10000x128xf32, #tpu.memory_space<hbm>>
      tpu.wait_indirect_dma semaphore(%arg12 : memref<!tpu.dma_semaphore, #tpu.memory_space<semaphore_mem>>) src(%dma_wait3A_89 : memref<10000x128xf32, #tpu.memory_space<hbm>>) dst(%arg9 : memref<128x128xf32, #tpu.memory_space<vmem>>)
      %add3A_90 = arith.constant 1 : i32
      %add3A_91 = arith.addi %add3A_49, %add3A_90 : i32
      "tpu.region"() ({
        %run_scoped3A = tpu.sem_alloc : memref<!tpu.dma_semaphore, #tpu.memory_space<semaphore_mem>>
        %dma_start3A_92 = arith.constant 0 : i32
        %dma_start3A_93 = tpu.memref_slice %arg7[%add3A_91, %dma_start3A_92] : memref<40x128xi32, #tpu.memory_space<vmem>> -> memref<1x128xi32, #tpu.memory_space<vmem>>
        %dma_start3A_94 = tpu.memref_squeeze %dma_start3A_93 : memref<1x128xi32, #tpu.memory_space<vmem>> -> memref<128xi32, #tpu.memory_space<vmem>>
        %dma_start3A_95 = arith.constant 0 : i32
        %dma_start3A_96 = arith.constant 0 : i32
        %dma_start3A_97 = tpu.memref_slice %arg10[%dma_start3A_95, %dma_start3A_96] : memref<10240x128xf32, #tpu.memory_space<vmem_shared>> -> memref<10240x128xf32, #tpu.memory_space<vmem_shared>>
        tpu.enqueue_indirect_dma source(%arg9 : memref<128x128xf32, #tpu.memory_space<vmem>>) target(%dma_start3A_97 : memref<10240x128xf32, #tpu.memory_space<vmem_shared>>) offsets(%dma_start3A_94 : memref<128xi32, #tpu.memory_space<vmem>>) semaphore(%run_scoped3A : memref<!tpu.dma_semaphore, #tpu.memory_space<semaphore_mem>>) {add = true}
        %dma_wait3A_98 = arith.constant 0 : i32
        %dma_wait3A_99 = tpu.memref_slice %arg7[%add3A_91, %dma_wait3A_98] : memref<40x128xi32, #tpu.memory_space<vmem>> -> memref<1x128xi32, #tpu.memory_space<vmem>>
        %dma_wait3A_100 = tpu.memref_squeeze %dma_wait3A_99 : memref<1x128xi32, #tpu.memory_space<vmem>> -> memref<128xi32, #tpu.memory_space<vmem>>
        %dma_wait3A_101 = arith.constant 0 : i32
        %dma_wait3A_102 = arith.constant 0 : i32
        %dma_wait3A_103 = tpu.memref_slice %arg10[%dma_wait3A_101, %dma_wait3A_102] : memref<10240x128xf32, #tpu.memory_space<vmem_shared>> -> memref<10240x128xf32, #tpu.memory_space<vmem_shared>>
        tpu.wait_indirect_dma semaphore(%run_scoped3A : memref<!tpu.dma_semaphore, #tpu.memory_space<semaphore_mem>>) src(%arg9 : memref<128x128xf32, #tpu.memory_space<vmem>>) dst(%dma_wait3A_103 : memref<10240x128xf32, #tpu.memory_space<vmem_shared>>)
        tpu.yield
      }) : () -> ()
    }
    %scan3A_19 = arith.constant 20 : i32
    "tpu.region"() ({
      %run_scoped3A = tpu.sem_alloc : memref<!tpu.dma_semaphore, #tpu.memory_space<semaphore_mem>>
      %dma_start3A_47 = arith.constant 0 : i32
      %dma_start3A_48 = arith.constant 0 : i32
      %dma_start3A_49 = tpu.memref_slice %arg3[%arg1, %dma_start3A_47, %dma_start3A_48] : memref<16x80x128xi32, #tpu.memory_space<hbm>> -> memref<1x80x128xi32, #tpu.memory_space<hbm>>
      %dma_start3A_50 = tpu.memref_squeeze %dma_start3A_49 : memref<1x80x128xi32, #tpu.memory_space<hbm>> -> memref<80x128xi32, #tpu.memory_space<hbm>>
      %dma_start3A_51 = arith.constant 40 : i32
      %dma_start3A_52 = arith.constant 0 : i32
      %dma_start3A_53 = tpu.memref_slice %dma_start3A_50[%dma_start3A_51, %dma_start3A_52] : memref<80x128xi32, #tpu.memory_space<hbm>> -> memref<40x128xi32, #tpu.memory_space<hbm>>
      %dma_start3A_54 = arith.constant 0 : i32
      %dma_start3A_55 = arith.constant 0 : i32
      %dma_start3A_56 = tpu.memref_slice %arg3[%arg1, %dma_start3A_54, %dma_start3A_55] : memref<16x80x128xi32, #tpu.memory_space<hbm>> -> memref<1x80x128xi32, #tpu.memory_space<hbm>>
      %dma_start3A_57 = tpu.memref_squeeze %dma_start3A_56 : memref<1x80x128xi32, #tpu.memory_space<hbm>> -> memref<80x128xi32, #tpu.memory_space<hbm>>
      %dma_start3A_58 = arith.constant 40 : i32
      %dma_start3A_59 = arith.constant 0 : i32
      %dma_start3A_60 = tpu.memref_slice %dma_start3A_57[%dma_start3A_58, %dma_start3A_59] : memref<80x128xi32, #tpu.memory_space<hbm>> -> memref<40x128xi32, #tpu.memory_space<hbm>>
      tpu.enqueue_dma source(%dma_start3A_60 : memref<40x128xi32, #tpu.memory_space<hbm>>) target(%arg6 : memref<40x128xi32, #tpu.memory_space<vmem>>) target_semaphore(%run_scoped3A : memref<!tpu.dma_semaphore, #tpu.memory_space<semaphore_mem>>)
      %dma_wait3A = arith.constant 0 : i32
      %dma_wait3A_61 = arith.constant 0 : i32
      %dma_wait3A_62 = tpu.memref_slice %arg3[%arg1, %dma_wait3A, %dma_wait3A_61] : memref<16x80x128xi32, #tpu.memory_space<hbm>> -> memref<1x80x128xi32, #tpu.memory_space<hbm>>
      %dma_wait3A_63 = tpu.memref_squeeze %dma_wait3A_62 : memref<1x80x128xi32, #tpu.memory_space<hbm>> -> memref<80x128xi32, #tpu.memory_space<hbm>>
      %dma_wait3A_64 = arith.constant 40 : i32
      %dma_wait3A_65 = arith.constant 0 : i32
      %dma_wait3A_66 = tpu.memref_slice %dma_wait3A_63[%dma_wait3A_64, %dma_wait3A_65] : memref<80x128xi32, #tpu.memory_space<hbm>> -> memref<40x128xi32, #tpu.memory_space<hbm>>
      %dma_wait3A_67 = arith.constant 0 : i32
      %dma_wait3A_68 = arith.constant 0 : i32
      %dma_wait3A_69 = tpu.memref_slice %arg3[%arg1, %dma_wait3A_67, %dma_wait3A_68] : memref<16x80x128xi32, #tpu.memory_space<hbm>> -> memref<1x80x128xi32, #tpu.memory_space<hbm>>
      %dma_wait3A_70 = tpu.memref_squeeze %dma_wait3A_69 : memref<1x80x128xi32, #tpu.memory_space<hbm>> -> memref<80x128xi32, #tpu.memory_space<hbm>>
      %dma_wait3A_71 = arith.constant 40 : i32
      %dma_wait3A_72 = arith.constant 0 : i32
      %dma_wait3A_73 = tpu.memref_slice %dma_wait3A_70[%dma_wait3A_71, %dma_wait3A_72] : memref<80x128xi32, #tpu.memory_space<hbm>> -> memref<40x128xi32, #tpu.memory_space<hbm>>
      tpu.wait_dma2 semaphore(%run_scoped3A : memref<!tpu.dma_semaphore, #tpu.memory_space<semaphore_mem>>) src(%dma_wait3A_73 : memref<40x128xi32, #tpu.memory_space<hbm>>) dst(%arg6 : memref<40x128xi32, #tpu.memory_space<vmem>>)
      tpu.yield
    }) : () -> ()
    "tpu.region"() ({
      %run_scoped3A = tpu.sem_alloc : memref<!tpu.dma_semaphore, #tpu.memory_space<semaphore_mem>>
      %dma_start3A_47 = arith.constant 0 : i32
      %dma_start3A_48 = arith.constant 0 : i32
      %dma_start3A_49 = tpu.memref_slice %arg4[%arg1, %dma_start3A_47, %dma_start3A_48] : memref<16x80x128xi32, #tpu.memory_space<hbm>> -> memref<1x80x128xi32, #tpu.memory_space<hbm>>
      %dma_start3A_50 = tpu.memref_squeeze %dma_start3A_49 : memref<1x80x128xi32, #tpu.memory_space<hbm>> -> memref<80x128xi32, #tpu.memory_space<hbm>>
      %dma_start3A_51 = arith.constant 40 : i32
      %dma_start3A_52 = arith.constant 0 : i32
      %dma_start3A_53 = tpu.memref_slice %dma_start3A_50[%dma_start3A_51, %dma_start3A_52] : memref<80x128xi32, #tpu.memory_space<hbm>> -> memref<40x128xi32, #tpu.memory_space<hbm>>
      %dma_start3A_54 = arith.constant 0 : i32
      %dma_start3A_55 = arith.constant 0 : i32
      %dma_start3A_56 = tpu.memref_slice %arg4[%arg1, %dma_start3A_54, %dma_start3A_55] : memref<16x80x128xi32, #tpu.memory_space<hbm>> -> memref<1x80x128xi32, #tpu.memory_space<hbm>>
      %dma_start3A_57 = tpu.memref_squeeze %dma_start3A_56 : memref<1x80x128xi32, #tpu.memory_space<hbm>> -> memref<80x128xi32, #tpu.memory_space<hbm>>
      %dma_start3A_58 = arith.constant 40 : i32
      %dma_start3A_59 = arith.constant 0 : i32
      %dma_start3A_60 = tpu.memref_slice %dma_start3A_57[%dma_start3A_58, %dma_start3A_59] : memref<80x128xi32, #tpu.memory_space<hbm>> -> memref<40x128xi32, #tpu.memory_space<hbm>>
      tpu.enqueue_dma source(%dma_start3A_60 : memref<40x128xi32, #tpu.memory_space<hbm>>) target(%arg7 : memref<40x128xi32, #tpu.memory_space<vmem>>) target_semaphore(%run_scoped3A : memref<!tpu.dma_semaphore, #tpu.memory_space<semaphore_mem>>)
      %dma_wait3A = arith.constant 0 : i32
      %dma_wait3A_61 = arith.constant 0 : i32
      %dma_wait3A_62 = tpu.memref_slice %arg4[%arg1, %dma_wait3A, %dma_wait3A_61] : memref<16x80x128xi32, #tpu.memory_space<hbm>> -> memref<1x80x128xi32, #tpu.memory_space<hbm>>
      %dma_wait3A_63 = tpu.memref_squeeze %dma_wait3A_62 : memref<1x80x128xi32, #tpu.memory_space<hbm>> -> memref<80x128xi32, #tpu.memory_space<hbm>>
      %dma_wait3A_64 = arith.constant 40 : i32
      %dma_wait3A_65 = arith.constant 0 : i32
      %dma_wait3A_66 = tpu.memref_slice %dma_wait3A_63[%dma_wait3A_64, %dma_wait3A_65] : memref<80x128xi32, #tpu.memory_space<hbm>> -> memref<40x128xi32, #tpu.memory_space<hbm>>
      %dma_wait3A_67 = arith.constant 0 : i32
      %dma_wait3A_68 = arith.constant 0 : i32
      %dma_wait3A_69 = tpu.memref_slice %arg4[%arg1, %dma_wait3A_67, %dma_wait3A_68] : memref<16x80x128xi32, #tpu.memory_space<hbm>> -> memref<1x80x128xi32, #tpu.memory_space<hbm>>
      %dma_wait3A_70 = tpu.memref_squeeze %dma_wait3A_69 : memref<1x80x128xi32, #tpu.memory_space<hbm>> -> memref<80x128xi32, #tpu.memory_space<hbm>>
      %dma_wait3A_71 = arith.constant 40 : i32
      %dma_wait3A_72 = arith.constant 0 : i32
      %dma_wait3A_73 = tpu.memref_slice %dma_wait3A_70[%dma_wait3A_71, %dma_wait3A_72] : memref<80x128xi32, #tpu.memory_space<hbm>> -> memref<40x128xi32, #tpu.memory_space<hbm>>
      tpu.wait_dma2 semaphore(%run_scoped3A : memref<!tpu.dma_semaphore, #tpu.memory_space<semaphore_mem>>) src(%dma_wait3A_73 : memref<40x128xi32, #tpu.memory_space<hbm>>) dst(%arg7 : memref<40x128xi32, #tpu.memory_space<vmem>>)
      tpu.yield
    }) : () -> ()
    %dma_start3A_20 = arith.constant 0 : i32
    %dma_start3A_21 = arith.constant 0 : i32
    %dma_start3A_22 = tpu.memref_slice %arg6[%dma_start3A_20, %dma_start3A_21] : memref<40x128xi32, #tpu.memory_space<vmem>> -> memref<1x128xi32, #tpu.memory_space<vmem>>
    %dma_start3A_23 = tpu.memref_squeeze %dma_start3A_22 : memref<1x128xi32, #tpu.memory_space<vmem>> -> memref<128xi32, #tpu.memory_space<vmem>>
    %dma_start3A_24 = arith.constant 0 : i32
    %dma_start3A_25 = arith.constant 0 : i32
    %dma_start3A_26 = tpu.memref_slice %arg2[%arg0, %dma_start3A_24, %dma_start3A_25] : memref<2x10000x128xf32, #tpu.memory_space<hbm>> -> memref<1x10000x128xf32, #tpu.memory_space<hbm>>
    %dma_start3A_27 = tpu.memref_squeeze %dma_start3A_26 : memref<1x10000x128xf32, #tpu.memory_space<hbm>> -> memref<10000x128xf32, #tpu.memory_space<hbm>>
    %dma_start3A_28 = arith.constant 0 : i32
    %dma_start3A_29 = arith.constant 0 : i32
    %dma_start3A_30 = tpu.memref_slice %dma_start3A_27[%dma_start3A_28, %dma_start3A_29] : memref<10000x128xf32, #tpu.memory_space<hbm>> -> memref<10000x128xf32, #tpu.memory_space<hbm>>
    tpu.enqueue_indirect_dma source(%dma_start3A_30 : memref<10000x128xf32, #tpu.memory_space<hbm>>) target(%arg8 : memref<128x128xf32, #tpu.memory_space<vmem>>) offsets(%dma_start3A_23 : memref<128xi32, #tpu.memory_space<vmem>>) semaphore(%arg11 : memref<!tpu.dma_semaphore, #tpu.memory_space<semaphore_mem>>)
    %scan3A_31 = arith.constant 0 : i32
    %scan3A_32 = arith.constant 20 : i32
    %scan3A_33 = arith.addi %scan3A_31, %scan3A_32 : i32
    %scan3A_34 = arith.constant 1 : i32
    scf.for %scan3A_47 = %scan3A_31 to %scan3A_33 step %scan3A_34  : i32 {
      %mul3A = arith.constant 2 : i32
      %mul3A_48 = arith.muli %scan3A_47, %mul3A : i32
      %add3A = arith.constant 0 : i32
      %add3A_49 = arith.addi %add3A, %mul3A_48 : i32
      %add3A_50 = arith.constant 1 : i32
      %add3A_51 = arith.addi %add3A_49, %add3A_50 : i32
      %dma_start3A_52 = arith.constant 0 : i32
      %dma_start3A_53 = tpu.memref_slice %arg6[%add3A_51, %dma_start3A_52] : memref<40x128xi32, #tpu.memory_space<vmem>> -> memref<1x128xi32, #tpu.memory_space<vmem>>
      %dma_start3A_54 = tpu.memref_squeeze %dma_start3A_53 : memref<1x128xi32, #tpu.memory_space<vmem>> -> memref<128xi32, #tpu.memory_space<vmem>>
      %dma_start3A_55 = arith.constant 0 : i32
      %dma_start3A_56 = arith.constant 0 : i32
      %dma_start3A_57 = tpu.memref_slice %arg2[%arg0, %dma_start3A_55, %dma_start3A_56] : memref<2x10000x128xf32, #tpu.memory_space<hbm>> -> memref<1x10000x128xf32, #tpu.memory_space<hbm>>
      %dma_start3A_58 = tpu.memref_squeeze %dma_start3A_57 : memref<1x10000x128xf32, #tpu.memory_space<hbm>> -> memref<10000x128xf32, #tpu.memory_space<hbm>>
      %dma_start3A_59 = arith.constant 0 : i32
      %dma_start3A_60 = arith.constant 0 : i32
      %dma_start3A_61 = tpu.memref_slice %dma_start3A_58[%dma_start3A_59, %dma_start3A_60] : memref<10000x128xf32, #tpu.memory_space<hbm>> -> memref<10000x128xf32, #tpu.memory_space<hbm>>
      tpu.enqueue_indirect_dma source(%dma_start3A_61 : memref<10000x128xf32, #tpu.memory_space<hbm>>) target(%arg9 : memref<128x128xf32, #tpu.memory_space<vmem>>) offsets(%dma_start3A_54 : memref<128xi32, #tpu.memory_space<vmem>>) semaphore(%arg12 : memref<!tpu.dma_semaphore, #tpu.memory_space<semaphore_mem>>)
      %dma_wait3A = arith.constant 0 : i32
      %dma_wait3A_62 = tpu.memref_slice %arg6[%add3A_49, %dma_wait3A] : memref<40x128xi32, #tpu.memory_space<vmem>> -> memref<1x128xi32, #tpu.memory_space<vmem>>
      %dma_wait3A_63 = tpu.memref_squeeze %dma_wait3A_62 : memref<1x128xi32, #tpu.memory_space<vmem>> -> memref<128xi32, #tpu.memory_space<vmem>>
      %dma_wait3A_64 = arith.constant 0 : i32
      %dma_wait3A_65 = arith.constant 0 : i32
      %dma_wait3A_66 = tpu.memref_slice %arg2[%arg0, %dma_wait3A_64, %dma_wait3A_65] : memref<2x10000x128xf32, #tpu.memory_space<hbm>> -> memref<1x10000x128xf32, #tpu.memory_space<hbm>>
      %dma_wait3A_67 = tpu.memref_squeeze %dma_wait3A_66 : memref<1x10000x128xf32, #tpu.memory_space<hbm>> -> memref<10000x128xf32, #tpu.memory_space<hbm>>
      %dma_wait3A_68 = arith.constant 0 : i32
      %dma_wait3A_69 = arith.constant 0 : i32
      %dma_wait3A_70 = tpu.memref_slice %dma_wait3A_67[%dma_wait3A_68, %dma_wait3A_69] : memref<10000x128xf32, #tpu.memory_space<hbm>> -> memref<10000x128xf32, #tpu.memory_space<hbm>>
      tpu.wait_indirect_dma semaphore(%arg11 : memref<!tpu.dma_semaphore, #tpu.memory_space<semaphore_mem>>) src(%dma_wait3A_70 : memref<10000x128xf32, #tpu.memory_space<hbm>>) dst(%arg8 : memref<128x128xf32, #tpu.memory_space<vmem>>)
      "tpu.region"() ({
        %run_scoped3A = tpu.sem_alloc : memref<!tpu.dma_semaphore, #tpu.memory_space<semaphore_mem>>
        %dma_start3A_92 = arith.constant 0 : i32
        %dma_start3A_93 = tpu.memref_slice %arg7[%add3A_49, %dma_start3A_92] : memref<40x128xi32, #tpu.memory_space<vmem>> -> memref<1x128xi32, #tpu.memory_space<vmem>>
        %dma_start3A_94 = tpu.memref_squeeze %dma_start3A_93 : memref<1x128xi32, #tpu.memory_space<vmem>> -> memref<128xi32, #tpu.memory_space<vmem>>
        %dma_start3A_95 = arith.constant 0 : i32
        %dma_start3A_96 = arith.constant 0 : i32
        %dma_start3A_97 = tpu.memref_slice %arg10[%dma_start3A_95, %dma_start3A_96] : memref<10240x128xf32, #tpu.memory_space<vmem_shared>> -> memref<10240x128xf32, #tpu.memory_space<vmem_shared>>
        tpu.enqueue_indirect_dma source(%arg8 : memref<128x128xf32, #tpu.memory_space<vmem>>) target(%dma_start3A_97 : memref<10240x128xf32, #tpu.memory_space<vmem_shared>>) offsets(%dma_start3A_94 : memref<128xi32, #tpu.memory_space<vmem>>) semaphore(%run_scoped3A : memref<!tpu.dma_semaphore, #tpu.memory_space<semaphore_mem>>) {add = true}
        %dma_wait3A_98 = arith.constant 0 : i32
        %dma_wait3A_99 = tpu.memref_slice %arg7[%add3A_49, %dma_wait3A_98] : memref<40x128xi32, #tpu.memory_space<vmem>> -> memref<1x128xi32, #tpu.memory_space<vmem>>
        %dma_wait3A_100 = tpu.memref_squeeze %dma_wait3A_99 : memref<1x128xi32, #tpu.memory_space<vmem>> -> memref<128xi32, #tpu.memory_space<vmem>>
        %dma_wait3A_101 = arith.constant 0 : i32
        %dma_wait3A_102 = arith.constant 0 : i32
        %dma_wait3A_103 = tpu.memref_slice %arg10[%dma_wait3A_101, %dma_wait3A_102] : memref<10240x128xf32, #tpu.memory_space<vmem_shared>> -> memref<10240x128xf32, #tpu.memory_space<vmem_shared>>
        tpu.wait_indirect_dma semaphore(%run_scoped3A : memref<!tpu.dma_semaphore, #tpu.memory_space<semaphore_mem>>) src(%arg8 : memref<128x128xf32, #tpu.memory_space<vmem>>) dst(%dma_wait3A_103 : memref<10240x128xf32, #tpu.memory_space<vmem_shared>>)
        tpu.yield
      }) : () -> ()
      %add3A_71 = arith.constant 2 : i32
      %add3A_72 = arith.addi %add3A_49, %add3A_71 : i32
      %lt3A_73 = arith.constant 40 : i32
      %lt3A_74 = arith.cmpi slt, %add3A_72, %lt3A_73 : i32
      %convert_element_type3A_75 = arith.extui %lt3A_74 : i1 to i32
      %cond3A_76 = arith.constant 0 : i32
      %cond3A_77 = arith.cmpi ne, %convert_element_type3A_75, %cond3A_76 : i32
      scf.if %cond3A_77 {
        %add3A_92 = arith.constant 2 : i32
        %add3A_93 = arith.addi %add3A_49, %add3A_92 : i32
        %dma_start3A_94 = arith.constant 0 : i32
        %dma_start3A_95 = tpu.memref_slice %arg6[%add3A_93, %dma_start3A_94] : memref<40x128xi32, #tpu.memory_space<vmem>> -> memref<1x128xi32, #tpu.memory_space<vmem>>
        %dma_start3A_96 = tpu.memref_squeeze %dma_start3A_95 : memref<1x128xi32, #tpu.memory_space<vmem>> -> memref<128xi32, #tpu.memory_space<vmem>>
        %dma_start3A_97 = arith.constant 0 : i32
        %dma_start3A_98 = arith.constant 0 : i32
        %dma_start3A_99 = tpu.memref_slice %arg2[%arg0, %dma_start3A_97, %dma_start3A_98] : memref<2x10000x128xf32, #tpu.memory_space<hbm>> -> memref<1x10000x128xf32, #tpu.memory_space<hbm>>
        %dma_start3A_100 = tpu.memref_squeeze %dma_start3A_99 : memref<1x10000x128xf32, #tpu.memory_space<hbm>> -> memref<10000x128xf32, #tpu.memory_space<hbm>>
        %dma_start3A_101 = arith.constant 0 : i32
        %dma_start3A_102 = arith.constant 0 : i32
        %dma_start3A_103 = tpu.memref_slice %dma_start3A_100[%dma_start3A_101, %dma_start3A_102] : memref<10000x128xf32, #tpu.memory_space<hbm>> -> memref<10000x128xf32, #tpu.memory_space<hbm>>
        tpu.enqueue_indirect_dma source(%dma_start3A_103 : memref<10000x128xf32, #tpu.memory_space<hbm>>) target(%arg8 : memref<128x128xf32, #tpu.memory_space<vmem>>) offsets(%dma_start3A_96 : memref<128xi32, #tpu.memory_space<vmem>>) semaphore(%arg11 : memref<!tpu.dma_semaphore, #tpu.memory_space<semaphore_mem>>)
      } else {
      }
      %add3A_78 = arith.constant 1 : i32
      %add3A_79 = arith.addi %add3A_49, %add3A_78 : i32
      %dma_wait3A_80 = arith.constant 0 : i32
      %dma_wait3A_81 = tpu.memref_slice %arg6[%add3A_79, %dma_wait3A_80] : memref<40x128xi32, #tpu.memory_space<vmem>> -> memref<1x128xi32, #tpu.memory_space<vmem>>
      %dma_wait3A_82 = tpu.memref_squeeze %dma_wait3A_81 : memref<1x128xi32, #tpu.memory_space<vmem>> -> memref<128xi32, #tpu.memory_space<vmem>>
      %dma_wait3A_83 = arith.constant 0 : i32
      %dma_wait3A_84 = arith.constant 0 : i32
      %dma_wait3A_85 = tpu.memref_slice %arg2[%arg0, %dma_wait3A_83, %dma_wait3A_84] : memref<2x10000x128xf32, #tpu.memory_space<hbm>> -> memref<1x10000x128xf32, #tpu.memory_space<hbm>>
      %dma_wait3A_86 = tpu.memref_squeeze %dma_wait3A_85 : memref<1x10000x128xf32, #tpu.memory_space<hbm>> -> memref<10000x128xf32, #tpu.memory_space<hbm>>
      %dma_wait3A_87 = arith.constant 0 : i32
      %dma_wait3A_88 = arith.constant 0 : i32
      %dma_wait3A_89 = tpu.memref_slice %dma_wait3A_86[%dma_wait3A_87, %dma_wait3A_88] : memref<10000x128xf32, #tpu.memory_space<hbm>> -> memref<10000x128xf32, #tpu.memory_space<hbm>>
      tpu.wait_indirect_dma semaphore(%arg12 : memref<!tpu.dma_semaphore, #tpu.memory_space<semaphore_mem>>) src(%dma_wait3A_89 : memref<10000x128xf32, #tpu.memory_space<hbm>>) dst(%arg9 : memref<128x128xf32, #tpu.memory_space<vmem>>)
      %add3A_90 = arith.constant 1 : i32
      %add3A_91 = arith.addi %add3A_49, %add3A_90 : i32
      "tpu.region"() ({
        %run_scoped3A = tpu.sem_alloc : memref<!tpu.dma_semaphore, #tpu.memory_space<semaphore_mem>>
        %dma_start3A_92 = arith.constant 0 : i32
        %dma_start3A_93 = tpu.memref_slice %arg7[%add3A_91, %dma_start3A_92] : memref<40x128xi32, #tpu.memory_space<vmem>> -> memref<1x128xi32, #tpu.memory_space<vmem>>
        %dma_start3A_94 = tpu.memref_squeeze %dma_start3A_93 : memref<1x128xi32, #tpu.memory_space<vmem>> -> memref<128xi32, #tpu.memory_space<vmem>>
        %dma_start3A_95 = arith.constant 0 : i32
        %dma_start3A_96 = arith.constant 0 : i32
        %dma_start3A_97 = tpu.memref_slice %arg10[%dma_start3A_95, %dma_start3A_96] : memref<10240x128xf32, #tpu.memory_space<vmem_shared>> -> memref<10240x128xf32, #tpu.memory_space<vmem_shared>>
        tpu.enqueue_indirect_dma source(%arg9 : memref<128x128xf32, #tpu.memory_space<vmem>>) target(%dma_start3A_97 : memref<10240x128xf32, #tpu.memory_space<vmem_shared>>) offsets(%dma_start3A_94 : memref<128xi32, #tpu.memory_space<vmem>>) semaphore(%run_scoped3A : memref<!tpu.dma_semaphore, #tpu.memory_space<semaphore_mem>>) {add = true}
        %dma_wait3A_98 = arith.constant 0 : i32
        %dma_wait3A_99 = tpu.memref_slice %arg7[%add3A_91, %dma_wait3A_98] : memref<40x128xi32, #tpu.memory_space<vmem>> -> memref<1x128xi32, #tpu.memory_space<vmem>>
        %dma_wait3A_100 = tpu.memref_squeeze %dma_wait3A_99 : memref<1x128xi32, #tpu.memory_space<vmem>> -> memref<128xi32, #tpu.memory_space<vmem>>
        %dma_wait3A_101 = arith.constant 0 : i32
        %dma_wait3A_102 = arith.constant 0 : i32
        %dma_wait3A_103 = tpu.memref_slice %arg10[%dma_wait3A_101, %dma_wait3A_102] : memref<10240x128xf32, #tpu.memory_space<vmem_shared>> -> memref<10240x128xf32, #tpu.memory_space<vmem_shared>>
        tpu.wait_indirect_dma semaphore(%run_scoped3A : memref<!tpu.dma_semaphore, #tpu.memory_space<semaphore_mem>>) src(%arg9 : memref<128x128xf32, #tpu.memory_space<vmem>>) dst(%dma_wait3A_103 : memref<10240x128xf32, #tpu.memory_space<vmem_shared>>)
        tpu.yield
      }) : () -> ()
    }
    %scan3A_35 = arith.constant 20 : i32
    %barrier3A_36 = arith.constant 0 : index
    tpu.barrier barrier_id(%barrier3A_36)
    %lt3A_37 = arith.constant 15 : i32
    %lt3A_38 = arith.cmpi slt, %arg1, %lt3A_37 : i32
    %convert_element_type3A_39 = arith.extui %lt3A_38 : i1 to i32
    %cond3A_40 = arith.constant 0 : i32
    %cond3A_41 = arith.cmpi ne, %convert_element_type3A_39, %cond3A_40 : i32
    scf.if %cond3A_41 {
      %mul3A = arith.constant 640 : i32
      %mul3A_47 = arith.muli %arg1, %mul3A : i32
      "tpu.region"() ({
        %run_scoped3A = tpu.sem_alloc : memref<!tpu.dma_semaphore, #tpu.memory_space<semaphore_mem>>
        %dma_start3A_48 = arith.constant 0 : i32
        %dma_start3A_49 = arith.constant 0 : i32
        %dma_start3A_50 = tpu.memref_slice %arg5[%arg0, %dma_start3A_48, %dma_start3A_49] : memref<2x10000x128xf32, #tpu.memory_space<hbm>> -> memref<1x10000x128xf32, #tpu.memory_space<hbm>>
        %dma_start3A_51 = tpu.memref_squeeze %dma_start3A_50 : memref<1x10000x128xf32, #tpu.memory_space<hbm>> -> memref<10000x128xf32, #tpu.memory_space<hbm>>
        %dma_start3A_52 = arith.constant 0 : i32
        %dma_start3A_53 = tpu.memref_slice %dma_start3A_51[%mul3A_47, %dma_start3A_52] : memref<10000x128xf32, #tpu.memory_space<hbm>> -> memref<640x128xf32, #tpu.memory_space<hbm>>
        %dma_start3A_54 = arith.constant 0 : i32
        %dma_start3A_55 = tpu.memref_slice %arg10[%mul3A_47, %dma_start3A_54] : memref<10240x128xf32, #tpu.memory_space<vmem_shared>> -> memref<640x128xf32, #tpu.memory_space<vmem_shared>>
        tpu.enqueue_dma source(%dma_start3A_55 : memref<640x128xf32, #tpu.memory_space<vmem_shared>>) target(%dma_start3A_53 : memref<640x128xf32, #tpu.memory_space<hbm>>) target_semaphore(%run_scoped3A : memref<!tpu.dma_semaphore, #tpu.memory_space<semaphore_mem>>)
        %dma_wait3A = arith.constant 0 : i32
        %dma_wait3A_56 = arith.constant 0 : i32
        %dma_wait3A_57 = tpu.memref_slice %arg5[%arg0, %dma_wait3A, %dma_wait3A_56] : memref<2x10000x128xf32, #tpu.memory_space<hbm>> -> memref<1x10000x128xf32, #tpu.memory_space<hbm>>
        %dma_wait3A_58 = tpu.memref_squeeze %dma_wait3A_57 : memref<1x10000x128xf32, #tpu.memory_space<hbm>> -> memref<10000x128xf32, #tpu.memory_space<hbm>>
        %dma_wait3A_59 = arith.constant 0 : i32
        %dma_wait3A_60 = tpu.memref_slice %dma_wait3A_58[%mul3A_47, %dma_wait3A_59] : memref<10000x128xf32, #tpu.memory_space<hbm>> -> memref<640x128xf32, #tpu.memory_space<hbm>>
        %dma_wait3A_61 = arith.constant 0 : i32
        %dma_wait3A_62 = tpu.memref_slice %arg10[%mul3A_47, %dma_wait3A_61] : memref<10240x128xf32, #tpu.memory_space<vmem_shared>> -> memref<640x128xf32, #tpu.memory_space<vmem_shared>>
        tpu.wait_dma2 semaphore(%run_scoped3A : memref<!tpu.dma_semaphore, #tpu.memory_space<semaphore_mem>>) src(%dma_wait3A_62 : memref<640x128xf32, #tpu.memory_space<vmem_shared>>) dst(%dma_wait3A_60 : memref<640x128xf32, #tpu.memory_space<hbm>>)
        tpu.yield
      }) : () -> ()
    } else {
    }
    %eq3A_42 = arith.constant 15 : i32
    %eq3A_43 = arith.cmpi eq, %arg1, %eq3A_42 : i32
    %convert_element_type3A_44 = arith.extui %eq3A_43 : i1 to i32
    %cond3A_45 = arith.constant 0 : i32
    %cond3A_46 = arith.cmpi ne, %convert_element_type3A_44, %cond3A_45 : i32
    scf.if %cond3A_46 {
      "tpu.region"() ({
        %run_scoped3A = tpu.sem_alloc : memref<!tpu.dma_semaphore, #tpu.memory_space<semaphore_mem>>
        %dma_start3A_47 = arith.constant 0 : i32
        %dma_start3A_48 = arith.constant 0 : i32
        %dma_start3A_49 = tpu.memref_slice %arg5[%arg0, %dma_start3A_47, %dma_start3A_48] : memref<2x10000x128xf32, #tpu.memory_space<hbm>> -> memref<1x10000x128xf32, #tpu.memory_space<hbm>>
        %dma_start3A_50 = tpu.memref_squeeze %dma_start3A_49 : memref<1x10000x128xf32, #tpu.memory_space<hbm>> -> memref<10000x128xf32, #tpu.memory_space<hbm>>
        %dma_start3A_51 = arith.constant 9600 : i32
        %dma_start3A_52 = arith.constant 0 : i32
        %dma_start3A_53 = tpu.memref_slice %dma_start3A_50[%dma_start3A_51, %dma_start3A_52] : memref<10000x128xf32, #tpu.memory_space<hbm>> -> memref<400x128xf32, #tpu.memory_space<hbm>>
        %dma_start3A_54 = arith.constant 9600 : i32
        %dma_start3A_55 = arith.constant 0 : i32
        %dma_start3A_56 = tpu.memref_slice %arg10[%dma_start3A_54, %dma_start3A_55] : memref<10240x128xf32, #tpu.memory_space<vmem_shared>> -> memref<400x128xf32, #tpu.memory_space<vmem_shared>>
        tpu.enqueue_dma source(%dma_start3A_56 : memref<400x128xf32, #tpu.memory_space<vmem_shared>>) target(%dma_start3A_53 : memref<400x128xf32, #tpu.memory_space<hbm>>) target_semaphore(%run_scoped3A : memref<!tpu.dma_semaphore, #tpu.memory_space<semaphore_mem>>)
        %dma_wait3A = arith.constant 0 : i32
        %dma_wait3A_57 = arith.constant 0 : i32
        %dma_wait3A_58 = tpu.memref_slice %arg5[%arg0, %dma_wait3A, %dma_wait3A_57] : memref<2x10000x128xf32, #tpu.memory_space<hbm>> -> memref<1x10000x128xf32, #tpu.memory_space<hbm>>
        %dma_wait3A_59 = tpu.memref_squeeze %dma_wait3A_58 : memref<1x10000x128xf32, #tpu.memory_space<hbm>> -> memref<10000x128xf32, #tpu.memory_space<hbm>>
        %dma_wait3A_60 = arith.constant 9600 : i32
        %dma_wait3A_61 = arith.constant 0 : i32
        %dma_wait3A_62 = tpu.memref_slice %dma_wait3A_59[%dma_wait3A_60, %dma_wait3A_61] : memref<10000x128xf32, #tpu.memory_space<hbm>> -> memref<400x128xf32, #tpu.memory_space<hbm>>
        %dma_wait3A_63 = arith.constant 9600 : i32
        %dma_wait3A_64 = arith.constant 0 : i32
        %dma_wait3A_65 = tpu.memref_slice %arg10[%dma_wait3A_63, %dma_wait3A_64] : memref<10240x128xf32, #tpu.memory_space<vmem_shared>> -> memref<400x128xf32, #tpu.memory_space<vmem_shared>>
        tpu.wait_dma2 semaphore(%run_scoped3A : memref<!tpu.dma_semaphore, #tpu.memory_space<semaphore_mem>>) src(%dma_wait3A_65 : memref<400x128xf32, #tpu.memory_space<vmem_shared>>) dst(%dma_wait3A_62 : memref<400x128xf32, #tpu.memory_space<hbm>>)
        tpu.yield
      }) : () -> ()
    } else {
    }
    return
  }
}

#map = affine_map<(d0, d1) -> (0, 0, 0)>
module attributes {stable_mosaic.version = 14 : i64} {
  func.func @k(%arg0: i32, %arg1: i32, %arg2: memref<2x10000x128xf32, #tpu.memory_space<hbm>>, %arg3: memref<16x80x128xi32, #tpu.memory_space<hbm>>, %arg4: memref<16x80x128xi32, #tpu.memory_space<hbm>>, %arg5: memref<2x10000x128xf32, #tpu.memory_space<hbm>>, %arg6: memref<40x128xi32, #tpu.memory_space<vmem>>, %arg7: memref<40x128xi32, #tpu.memory_space<vmem>>, %arg8: memref<128x128xf32, #tpu.memory_space<vmem>>, %arg9: memref<128x128xf32, #tpu.memory_space<vmem>>, %arg10: memref<10240x128xf32, #tpu.memory_space<vmem_shared>>, %arg11: memref<!tpu.dma_semaphore, #tpu.memory_space<semaphore_mem>>, %arg12: memref<!tpu.dma_semaphore, #tpu.memory_space<semaphore_mem>>) attributes {dimension_semantics = [#tpu.dimension_semantics<core_parallel>, #tpu.dimension_semantics<subcore_parallel>], iteration_bounds = array<i64: 2, 16>, scalar_prefetch = 0 : i64, scratch_operands = 7 : i64, tpu.core_type = #tpu.core_type<sc_vector_subcore>, window_params = [{transform_indices = #map}, {transform_indices = #map}, {transform_indices = #map}, {transform_indices = #map}]} {
    %lt3A = arith.constant 15 : i32
    %lt3A_0 = arith.cmpi slt, %arg1, %lt3A : i32
    %convert_element_type3A = arith.extui %lt3A_0 : i1 to i32
    %cond3A = arith.constant 0 : i32
    %cond3A_1 = arith.cmpi ne, %convert_element_type3A, %cond3A : i32
    scf.if %cond3A_1 {
      %mul3A = arith.constant 640 : i32
      %mul3A_47 = arith.muli %arg1, %mul3A : i32
      "tpu.region"() ({
        %run_scoped3A = tpu.sem_alloc : memref<!tpu.dma_semaphore, #tpu.memory_space<semaphore_mem>>
        %dma_start3A_48 = arith.constant 0 : i32
        %dma_start3A_49 = tpu.memref_slice %arg10[%mul3A_47, %dma_start3A_48] : memref<10240x128xf32, #tpu.memory_space<vmem_shared>> -> memref<640x128xf32, #tpu.memory_space<vmem_shared>>
        %dma_start3A_50 = arith.constant 0 : i32
        %dma_start3A_51 = arith.constant 0 : i32
        %dma_start3A_52 = tpu.memref_slice %arg2[%arg0, %dma_start3A_50, %dma_start3A_51] : memref<2x10000x128xf32, #tpu.memory_space<hbm>> -> memref<1x10000x128xf32, #tpu.memory_space<hbm>>
        %dma_start3A_53 = tpu.memref_squeeze %dma_start3A_52 : memref<1x10000x128xf32, #tpu.memory_space<hbm>> -> memref<10000x128xf32, #tpu.memory_space<hbm>>
        %dma_start3A_54 = arith.constant 0 : i32
        %dma_start3A_55 = tpu.memref_slice %dma_start3A_53[%mul3A_47, %dma_start3A_54] : memref<10000x128xf32, #tpu.memory_space<hbm>> -> memref<640x128xf32, #tpu.memory_space<hbm>>
        tpu.enqueue_dma source(%dma_start3A_55 : memref<640x128xf32, #tpu.memory_space<hbm>>) target(%dma_start3A_49 : memref<640x128xf32, #tpu.memory_space<vmem_shared>>) target_semaphore(%run_scoped3A : memref<!tpu.dma_semaphore, #tpu.memory_space<semaphore_mem>>)
        %dma_wait3A = arith.constant 0 : i32
        %dma_wait3A_56 = tpu.memref_slice %arg10[%mul3A_47, %dma_wait3A] : memref<10240x128xf32, #tpu.memory_space<vmem_shared>> -> memref<640x128xf32, #tpu.memory_space<vmem_shared>>
        %dma_wait3A_57 = arith.constant 0 : i32
        %dma_wait3A_58 = arith.constant 0 : i32
        %dma_wait3A_59 = tpu.memref_slice %arg2[%arg0, %dma_wait3A_57, %dma_wait3A_58] : memref<2x10000x128xf32, #tpu.memory_space<hbm>> -> memref<1x10000x128xf32, #tpu.memory_space<hbm>>
        %dma_wait3A_60 = tpu.memref_squeeze %dma_wait3A_59 : memref<1x10000x128xf32, #tpu.memory_space<hbm>> -> memref<10000x128xf32, #tpu.memory_space<hbm>>
        %dma_wait3A_61 = arith.constant 0 : i32
        %dma_wait3A_62 = tpu.memref_slice %dma_wait3A_60[%mul3A_47, %dma_wait3A_61] : memref<10000x128xf32, #tpu.memory_space<hbm>> -> memref<640x128xf32, #tpu.memory_space<hbm>>
        tpu.wait_dma2 semaphore(%run_scoped3A : memref<!tpu.dma_semaphore, #tpu.memory_space<semaphore_mem>>) src(%dma_wait3A_62 : memref<640x128xf32, #tpu.memory_space<hbm>>) dst(%dma_wait3A_56 : memref<640x128xf32, #tpu.memory_space<vmem_shared>>)
        tpu.yield
      }) : () -> ()
    } else {
    }
    %eq3A = arith.constant 15 : i32
    %eq3A_2 = arith.cmpi eq, %arg1, %eq3A : i32
    %convert_element_type3A_3 = arith.extui %eq3A_2 : i1 to i32
    %cond3A_4 = arith.constant 0 : i32
    %cond3A_5 = arith.cmpi ne, %convert_element_type3A_3, %cond3A_4 : i32
    scf.if %cond3A_5 {
      "tpu.region"() ({
        %run_scoped3A = tpu.sem_alloc : memref<!tpu.dma_semaphore, #tpu.memory_space<semaphore_mem>>
        %dma_start3A_47 = arith.constant 9600 : i32
        %dma_start3A_48 = arith.constant 0 : i32
        %dma_start3A_49 = tpu.memref_slice %arg10[%dma_start3A_47, %dma_start3A_48] : memref<10240x128xf32, #tpu.memory_space<vmem_shared>> -> memref<400x128xf32, #tpu.memory_space<vmem_shared>>
        %dma_start3A_50 = arith.constant 0 : i32
        %dma_start3A_51 = arith.constant 0 : i32
        %dma_start3A_52 = tpu.memref_slice %arg2[%arg0, %dma_start3A_50, %dma_start3A_51] : memref<2x10000x128xf32, #tpu.memory_space<hbm>> -> memref<1x10000x128xf32, #tpu.memory_space<hbm>>
        %dma_start3A_53 = tpu.memref_squeeze %dma_start3A_52 : memref<1x10000x128xf32, #tpu.memory_space<hbm>> -> memref<10000x128xf32, #tpu.memory_space<hbm>>
        %dma_start3A_54 = arith.constant 9600 : i32
        %dma_start3A_55 = arith.constant 0 : i32
        %dma_start3A_56 = tpu.memref_slice %dma_start3A_53[%dma_start3A_54, %dma_start3A_55] : memref<10000x128xf32, #tpu.memory_space<hbm>> -> memref<400x128xf32, #tpu.memory_space<hbm>>
        tpu.enqueue_dma source(%dma_start3A_56 : memref<400x128xf32, #tpu.memory_space<hbm>>) target(%dma_start3A_49 : memref<400x128xf32, #tpu.memory_space<vmem_shared>>) target_semaphore(%run_scoped3A : memref<!tpu.dma_semaphore, #tpu.memory_space<semaphore_mem>>)
        %dma_wait3A = arith.constant 9600 : i32
        %dma_wait3A_57 = arith.constant 0 : i32
        %dma_wait3A_58 = tpu.memref_slice %arg10[%dma_wait3A, %dma_wait3A_57] : memref<10240x128xf32, #tpu.memory_space<vmem_shared>> -> memref<400x128xf32, #tpu.memory_space<vmem_shared>>
        %dma_wait3A_59 = arith.constant 0 : i32
        %dma_wait3A_60 = arith.constant 0 : i32
        %dma_wait3A_61 = tpu.memref_slice %arg2[%arg0, %dma_wait3A_59, %dma_wait3A_60] : memref<2x10000x128xf32, #tpu.memory_space<hbm>> -> memref<1x10000x128xf32, #tpu.memory_space<hbm>>
        %dma_wait3A_62 = tpu.memref_squeeze %dma_wait3A_61 : memref<1x10000x128xf32, #tpu.memory_space<hbm>> -> memref<10000x128xf32, #tpu.memory_space<hbm>>
        %dma_wait3A_63 = arith.constant 9600 : i32
        %dma_wait3A_64 = arith.constant 0 : i32
        %dma_wait3A_65 = tpu.memref_slice %dma_wait3A_62[%dma_wait3A_63, %dma_wait3A_64] : memref<10000x128xf32, #tpu.memory_space<hbm>> -> memref<400x128xf32, #tpu.memory_space<hbm>>
        tpu.wait_dma2 semaphore(%run_scoped3A : memref<!tpu.dma_semaphore, #tpu.memory_space<semaphore_mem>>) src(%dma_wait3A_65 : memref<400x128xf32, #tpu.memory_space<hbm>>) dst(%dma_wait3A_58 : memref<400x128xf32, #tpu.memory_space<vmem_shared>>)
        tpu.yield
      }) : () -> ()
    } else {
    }
    %barrier3A = arith.constant 0 : index
    tpu.barrier barrier_id(%barrier3A)
    "tpu.region"() ({
      %run_scoped3A = tpu.sem_alloc : memref<!tpu.dma_semaphore, #tpu.memory_space<semaphore_mem>>
      %dma_start3A_47 = arith.constant 0 : i32
      %dma_start3A_48 = arith.constant 0 : i32
      %dma_start3A_49 = tpu.memref_slice %arg3[%arg1, %dma_start3A_47, %dma_start3A_48] : memref<16x80x128xi32, #tpu.memory_space<hbm>> -> memref<1x80x128xi32, #tpu.memory_space<hbm>>
      %dma_start3A_50 = tpu.memref_squeeze %dma_start3A_49 : memref<1x80x128xi32, #tpu.memory_space<hbm>> -> memref<80x128xi32, #tpu.memory_space<hbm>>
      %dma_start3A_51 = arith.constant 0 : i32
      %dma_start3A_52 = arith.constant 0 : i32
      %dma_start3A_53 = tpu.memref_slice %dma_start3A_50[%dma_start3A_51, %dma_start3A_52] : memref<80x128xi32, #tpu.memory_space<hbm>> -> memref<40x128xi32, #tpu.memory_space<hbm>>
      %dma_start3A_54 = arith.constant 0 : i32
      %dma_start3A_55 = arith.constant 0 : i32
      %dma_start3A_56 = tpu.memref_slice %arg3[%arg1, %dma_start3A_54, %dma_start3A_55] : memref<16x80x128xi32, #tpu.memory_space<hbm>> -> memref<1x80x128xi32, #tpu.memory_space<hbm>>
      %dma_start3A_57 = tpu.memref_squeeze %dma_start3A_56 : memref<1x80x128xi32, #tpu.memory_space<hbm>> -> memref<80x128xi32, #tpu.memory_space<hbm>>
      %dma_start3A_58 = arith.constant 0 : i32
      %dma_start3A_59 = arith.constant 0 : i32
      %dma_start3A_60 = tpu.memref_slice %dma_start3A_57[%dma_start3A_58, %dma_start3A_59] : memref<80x128xi32, #tpu.memory_space<hbm>> -> memref<40x128xi32, #tpu.memory_space<hbm>>
      tpu.enqueue_dma source(%dma_start3A_60 : memref<40x128xi32, #tpu.memory_space<hbm>>) target(%arg6 : memref<40x128xi32, #tpu.memory_space<vmem>>) target_semaphore(%run_scoped3A : memref<!tpu.dma_semaphore, #tpu.memory_space<semaphore_mem>>)
      %dma_wait3A = arith.constant 0 : i32
      %dma_wait3A_61 = arith.constant 0 : i32
      %dma_wait3A_62 = tpu.memref_slice %arg3[%arg1, %dma_wait3A, %dma_wait3A_61] : memref<16x80x128xi32, #tpu.memory_space<hbm>> -> memref<1x80x128xi32, #tpu.memory_space<hbm>>
      %dma_wait3A_63 = tpu.memref_squeeze %dma_wait3A_62 : memref<1x80x128xi32, #tpu.memory_space<hbm>> -> memref<80x128xi32, #tpu.memory_space<hbm>>
      %dma_wait3A_64 = arith.constant 0 : i32
      %dma_wait3A_65 = arith.constant 0 : i32
      %dma_wait3A_66 = tpu.memref_slice %dma_wait3A_63[%dma_wait3A_64, %dma_wait3A_65] : memref<80x128xi32, #tpu.memory_space<hbm>> -> memref<40x128xi32, #tpu.memory_space<hbm>>
      %dma_wait3A_67 = arith.constant 0 : i32
      %dma_wait3A_68 = arith.constant 0 : i32
      %dma_wait3A_69 = tpu.memref_slice %arg3[%arg1, %dma_wait3A_67, %dma_wait3A_68] : memref<16x80x128xi32, #tpu.memory_space<hbm>> -> memref<1x80x128xi32, #tpu.memory_space<hbm>>
      %dma_wait3A_70 = tpu.memref_squeeze %dma_wait3A_69 : memref<1x80x128xi32, #tpu.memory_space<hbm>> -> memref<80x128xi32, #tpu.memory_space<hbm>>
      %dma_wait3A_71 = arith.constant 0 : i32
      %dma_wait3A_72 = arith.constant 0 : i32
      %dma_wait3A_73 = tpu.memref_slice %dma_wait3A_70[%dma_wait3A_71, %dma_wait3A_72] : memref<80x128xi32, #tpu.memory_space<hbm>> -> memref<40x128xi32, #tpu.memory_space<hbm>>
      tpu.wait_dma2 semaphore(%run_scoped3A : memref<!tpu.dma_semaphore, #tpu.memory_space<semaphore_mem>>) src(%dma_wait3A_73 : memref<40x128xi32, #tpu.memory_space<hbm>>) dst(%arg6 : memref<40x128xi32, #tpu.memory_space<vmem>>)
      tpu.yield
    }) : () -> ()
    "tpu.region"() ({
      %run_scoped3A = tpu.sem_alloc : memref<!tpu.dma_semaphore, #tpu.memory_space<semaphore_mem>>
      %dma_start3A_47 = arith.constant 0 : i32
      %dma_start3A_48 = arith.constant 0 : i32
      %dma_start3A_49 = tpu.memref_slice %arg4[%arg1, %dma_start3A_47, %dma_start3A_48] : memref<16x80x128xi32, #tpu.memory_space<hbm>> -> memref<1x80x128xi32, #tpu.memory_space<hbm>>
      %dma_start3A_50 = tpu.memref_squeeze %dma_start3A_49 : memref<1x80x128xi32, #tpu.memory_space<hbm>> -> memref<80x128xi32, #tpu.memory_space<hbm>>
      %dma_start3A_51 = arith.constant 0 : i32
      %dma_start3A_52 = arith.constant 0 : i32
      %dma_start3A_53 = tpu.memref_slice %dma_start3A_50[%dma_start3A_51, %dma_start3A_52] : memref<80x128xi32, #tpu.memory_space<hbm>> -> memref<40x128xi32, #tpu.memory_space<hbm>>
      %dma_start3A_54 = arith.constant 0 : i32
      %dma_start3A_55 = arith.constant 0 : i32
      %dma_start3A_56 = tpu.memref_slice %arg4[%arg1, %dma_start3A_54, %dma_start3A_55] : memref<16x80x128xi32, #tpu.memory_space<hbm>> -> memref<1x80x128xi32, #tpu.memory_space<hbm>>
      %dma_start3A_57 = tpu.memref_squeeze %dma_start3A_56 : memref<1x80x128xi32, #tpu.memory_space<hbm>> -> memref<80x128xi32, #tpu.memory_space<hbm>>
      %dma_start3A_58 = arith.constant 0 : i32
      %dma_start3A_59 = arith.constant 0 : i32
      %dma_start3A_60 = tpu.memref_slice %dma_start3A_57[%dma_start3A_58, %dma_start3A_59] : memref<80x128xi32, #tpu.memory_space<hbm>> -> memref<40x128xi32, #tpu.memory_space<hbm>>
      tpu.enqueue_dma source(%dma_start3A_60 : memref<40x128xi32, #tpu.memory_space<hbm>>) target(%arg7 : memref<40x128xi32, #tpu.memory_space<vmem>>) target_semaphore(%run_scoped3A : memref<!tpu.dma_semaphore, #tpu.memory_space<semaphore_mem>>)
      %dma_wait3A = arith.constant 0 : i32
      %dma_wait3A_61 = arith.constant 0 : i32
      %dma_wait3A_62 = tpu.memref_slice %arg4[%arg1, %dma_wait3A, %dma_wait3A_61] : memref<16x80x128xi32, #tpu.memory_space<hbm>> -> memref<1x80x128xi32, #tpu.memory_space<hbm>>
      %dma_wait3A_63 = tpu.memref_squeeze %dma_wait3A_62 : memref<1x80x128xi32, #tpu.memory_space<hbm>> -> memref<80x128xi32, #tpu.memory_space<hbm>>
      %dma_wait3A_64 = arith.constant 0 : i32
      %dma_wait3A_65 = arith.constant 0 : i32
      %dma_wait3A_66 = tpu.memref_slice %dma_wait3A_63[%dma_wait3A_64, %dma_wait3A_65] : memref<80x128xi32, #tpu.memory_space<hbm>> -> memref<40x128xi32, #tpu.memory_space<hbm>>
      %dma_wait3A_67 = arith.constant 0 : i32
      %dma_wait3A_68 = arith.constant 0 : i32
      %dma_wait3A_69 = tpu.memref_slice %arg4[%arg1, %dma_wait3A_67, %dma_wait3A_68] : memref<16x80x128xi32, #tpu.memory_space<hbm>> -> memref<1x80x128xi32, #tpu.memory_space<hbm>>
      %dma_wait3A_70 = tpu.memref_squeeze %dma_wait3A_69 : memref<1x80x128xi32, #tpu.memory_space<hbm>> -> memref<80x128xi32, #tpu.memory_space<hbm>>
      %dma_wait3A_71 = arith.constant 0 : i32
      %dma_wait3A_72 = arith.constant 0 : i32
      %dma_wait3A_73 = tpu.memref_slice %dma_wait3A_70[%dma_wait3A_71, %dma_wait3A_72] : memref<80x128xi32, #tpu.memory_space<hbm>> -> memref<40x128xi32, #tpu.memory_space<hbm>>
      tpu.wait_dma2 semaphore(%run_scoped3A : memref<!tpu.dma_semaphore, #tpu.memory_space<semaphore_mem>>) src(%dma_wait3A_73 : memref<40x128xi32, #tpu.memory_space<hbm>>) dst(%arg7 : memref<40x128xi32, #tpu.memory_space<vmem>>)
      tpu.yield
    }) : () -> ()
    %dma_start3A = arith.constant 0 : i32
    %dma_start3A_6 = arith.constant 0 : i32
    %dma_start3A_7 = tpu.memref_slice %arg6[%dma_start3A, %dma_start3A_6] : memref<40x128xi32, #tpu.memory_space<vmem>> -> memref<1x128xi32, #tpu.memory_space<vmem>>
    %dma_start3A_8 = tpu.memref_squeeze %dma_start3A_7 : memref<1x128xi32, #tpu.memory_space<vmem>> -> memref<128xi32, #tpu.memory_space<vmem>>
    %dma_start3A_9 = arith.constant 0 : i32
    %dma_start3A_10 = arith.constant 0 : i32
    %dma_start3A_11 = tpu.memref_slice %arg2[%arg0, %dma_start3A_9, %dma_start3A_10] : memref<2x10000x128xf32, #tpu.memory_space<hbm>> -> memref<1x10000x128xf32, #tpu.memory_space<hbm>>
    %dma_start3A_12 = tpu.memref_squeeze %dma_start3A_11 : memref<1x10000x128xf32, #tpu.memory_space<hbm>> -> memref<10000x128xf32, #tpu.memory_space<hbm>>
    %dma_start3A_13 = arith.constant 0 : i32
    %dma_start3A_14 = arith.constant 0 : i32
    %dma_start3A_15 = tpu.memref_slice %dma_start3A_12[%dma_start3A_13, %dma_start3A_14] : memref<10000x128xf32, #tpu.memory_space<hbm>> -> memref<10000x128xf32, #tpu.memory_space<hbm>>
    tpu.enqueue_indirect_dma source(%dma_start3A_15 : memref<10000x128xf32, #tpu.memory_space<hbm>>) target(%arg8 : memref<128x128xf32, #tpu.memory_space<vmem>>) offsets(%dma_start3A_8 : memref<128xi32, #tpu.memory_space<vmem>>) semaphore(%arg11 : memref<!tpu.dma_semaphore, #tpu.memory_space<semaphore_mem>>)
    %scan3A = arith.constant 0 : i32
    %scan3A_16 = arith.constant 20 : i32
    %scan3A_17 = arith.addi %scan3A, %scan3A_16 : i32
    %scan3A_18 = arith.constant 1 : i32
    scf.for %scan3A_47 = %scan3A to %scan3A_17 step %scan3A_18  : i32 {
      %mul3A = arith.constant 2 : i32
      %mul3A_48 = arith.muli %scan3A_47, %mul3A : i32
      %add3A = arith.constant 0 : i32
      %add3A_49 = arith.addi %add3A, %mul3A_48 : i32
      %add3A_50 = arith.constant 1 : i32
      %add3A_51 = arith.addi %add3A_49, %add3A_50 : i32
      %dma_start3A_52 = arith.constant 0 : i32
      %dma_start3A_53 = tpu.memref_slice %arg6[%add3A_51, %dma_start3A_52] : memref<40x128xi32, #tpu.memory_space<vmem>> -> memref<1x128xi32, #tpu.memory_space<vmem>>
      %dma_start3A_54 = tpu.memref_squeeze %dma_start3A_53 : memref<1x128xi32, #tpu.memory_space<vmem>> -> memref<128xi32, #tpu.memory_space<vmem>>
      %dma_start3A_55 = arith.constant 0 : i32
      %dma_start3A_56 = arith.constant 0 : i32
      %dma_start3A_57 = tpu.memref_slice %arg2[%arg0, %dma_start3A_55, %dma_start3A_56] : memref<2x10000x128xf32, #tpu.memory_space<hbm>> -> memref<1x10000x128xf32, #tpu.memory_space<hbm>>
      %dma_start3A_58 = tpu.memref_squeeze %dma_start3A_57 : memref<1x10000x128xf32, #tpu.memory_space<hbm>> -> memref<10000x128xf32, #tpu.memory_space<hbm>>
      %dma_start3A_59 = arith.constant 0 : i32
      %dma_start3A_60 = arith.constant 0 : i32
      %dma_start3A_61 = tpu.memref_slice %dma_start3A_58[%dma_start3A_59, %dma_start3A_60] : memref<10000x128xf32, #tpu.memory_space<hbm>> -> memref<10000x128xf32, #tpu.memory_space<hbm>>
      tpu.enqueue_indirect_dma source(%dma_start3A_61 : memref<10000x128xf32, #tpu.memory_space<hbm>>) target(%arg9 : memref<128x128xf32, #tpu.memory_space<vmem>>) offsets(%dma_start3A_54 : memref<128xi32, #tpu.memory_space<vmem>>) semaphore(%arg12 : memref<!tpu.dma_semaphore, #tpu.memory_space<semaphore_mem>>)
      %dma_wait3A = arith.constant 0 : i32
      %dma_wait3A_62 = tpu.memref_slice %arg6[%add3A_49, %dma_wait3A] : memref<40x128xi32, #tpu.memory_space<vmem>> -> memref<1x128xi32, #tpu.memory_space<vmem>>
      %dma_wait3A_63 = tpu.memref_squeeze %dma_wait3A_62 : memref<1x128xi32, #tpu.memory_space<vmem>> -> memref<128xi32, #tpu.memory_space<vmem>>
      %dma_wait3A_64 = arith.constant 0 : i32
      %dma_wait3A_65 = arith.constant 0 : i32
      %dma_wait3A_66 = tpu.memref_slice %arg2[%arg0, %dma_wait3A_64, %dma_wait3A_65] : memref<2x10000x128xf32, #tpu.memory_space<hbm>> -> memref<1x10000x128xf32, #tpu.memory_space<hbm>>
      %dma_wait3A_67 = tpu.memref_squeeze %dma_wait3A_66 : memref<1x10000x128xf32, #tpu.memory_space<hbm>> -> memref<10000x128xf32, #tpu.memory_space<hbm>>
      %dma_wait3A_68 = arith.constant 0 : i32
      %dma_wait3A_69 = arith.constant 0 : i32
      %dma_wait3A_70 = tpu.memref_slice %dma_wait3A_67[%dma_wait3A_68, %dma_wait3A_69] : memref<10000x128xf32, #tpu.memory_space<hbm>> -> memref<10000x128xf32, #tpu.memory_space<hbm>>
      tpu.wait_indirect_dma semaphore(%arg11 : memref<!tpu.dma_semaphore, #tpu.memory_space<semaphore_mem>>) src(%dma_wait3A_70 : memref<10000x128xf32, #tpu.memory_space<hbm>>) dst(%arg8 : memref<128x128xf32, #tpu.memory_space<vmem>>)
      "tpu.region"() ({
        %run_scoped3A = tpu.sem_alloc : memref<!tpu.dma_semaphore, #tpu.memory_space<semaphore_mem>>
        %dma_start3A_92 = arith.constant 0 : i32
        %dma_start3A_93 = tpu.memref_slice %arg7[%add3A_49, %dma_start3A_92] : memref<40x128xi32, #tpu.memory_space<vmem>> -> memref<1x128xi32, #tpu.memory_space<vmem>>
        %dma_start3A_94 = tpu.memref_squeeze %dma_start3A_93 : memref<1x128xi32, #tpu.memory_space<vmem>> -> memref<128xi32, #tpu.memory_space<vmem>>
        %dma_start3A_95 = arith.constant 0 : i32
        %dma_start3A_96 = arith.constant 0 : i32
        %dma_start3A_97 = tpu.memref_slice %arg10[%dma_start3A_95, %dma_start3A_96] : memref<10240x128xf32, #tpu.memory_space<vmem_shared>> -> memref<10240x128xf32, #tpu.memory_space<vmem_shared>>
        tpu.enqueue_indirect_dma source(%arg8 : memref<128x128xf32, #tpu.memory_space<vmem>>) target(%dma_start3A_97 : memref<10240x128xf32, #tpu.memory_space<vmem_shared>>) offsets(%dma_start3A_94 : memref<128xi32, #tpu.memory_space<vmem>>) semaphore(%run_scoped3A : memref<!tpu.dma_semaphore, #tpu.memory_space<semaphore_mem>>) {add = true}
        %dma_wait3A_98 = arith.constant 0 : i32
        %dma_wait3A_99 = tpu.memref_slice %arg7[%add3A_49, %dma_wait3A_98] : memref<40x128xi32, #tpu.memory_space<vmem>> -> memref<1x128xi32, #tpu.memory_space<vmem>>
        %dma_wait3A_100 = tpu.memref_squeeze %dma_wait3A_99 : memref<1x128xi32, #tpu.memory_space<vmem>> -> memref<128xi32, #tpu.memory_space<vmem>>
        %dma_wait3A_101 = arith.constant 0 : i32
        %dma_wait3A_102 = arith.constant 0 : i32
        %dma_wait3A_103 = tpu.memref_slice %arg10[%dma_wait3A_101, %dma_wait3A_102] : memref<10240x128xf32, #tpu.memory_space<vmem_shared>> -> memref<10240x128xf32, #tpu.memory_space<vmem_shared>>
        tpu.wait_indirect_dma semaphore(%run_scoped3A : memref<!tpu.dma_semaphore, #tpu.memory_space<semaphore_mem>>) src(%arg8 : memref<128x128xf32, #tpu.memory_space<vmem>>) dst(%dma_wait3A_103 : memref<10240x128xf32, #tpu.memory_space<vmem_shared>>)
        tpu.yield
      }) : () -> ()
      %add3A_71 = arith.constant 2 : i32
      %add3A_72 = arith.addi %add3A_49, %add3A_71 : i32
      %lt3A_73 = arith.constant 40 : i32
      %lt3A_74 = arith.cmpi slt, %add3A_72, %lt3A_73 : i32
      %convert_element_type3A_75 = arith.extui %lt3A_74 : i1 to i32
      %cond3A_76 = arith.constant 0 : i32
      %cond3A_77 = arith.cmpi ne, %convert_element_type3A_75, %cond3A_76 : i32
      scf.if %cond3A_77 {
        %add3A_92 = arith.constant 2 : i32
        %add3A_93 = arith.addi %add3A_49, %add3A_92 : i32
        %dma_start3A_94 = arith.constant 0 : i32
        %dma_start3A_95 = tpu.memref_slice %arg6[%add3A_93, %dma_start3A_94] : memref<40x128xi32, #tpu.memory_space<vmem>> -> memref<1x128xi32, #tpu.memory_space<vmem>>
        %dma_start3A_96 = tpu.memref_squeeze %dma_start3A_95 : memref<1x128xi32, #tpu.memory_space<vmem>> -> memref<128xi32, #tpu.memory_space<vmem>>
        %dma_start3A_97 = arith.constant 0 : i32
        %dma_start3A_98 = arith.constant 0 : i32
        %dma_start3A_99 = tpu.memref_slice %arg2[%arg0, %dma_start3A_97, %dma_start3A_98] : memref<2x10000x128xf32, #tpu.memory_space<hbm>> -> memref<1x10000x128xf32, #tpu.memory_space<hbm>>
        %dma_start3A_100 = tpu.memref_squeeze %dma_start3A_99 : memref<1x10000x128xf32, #tpu.memory_space<hbm>> -> memref<10000x128xf32, #tpu.memory_space<hbm>>
        %dma_start3A_101 = arith.constant 0 : i32
        %dma_start3A_102 = arith.constant 0 : i32
        %dma_start3A_103 = tpu.memref_slice %dma_start3A_100[%dma_start3A_101, %dma_start3A_102] : memref<10000x128xf32, #tpu.memory_space<hbm>> -> memref<10000x128xf32, #tpu.memory_space<hbm>>
        tpu.enqueue_indirect_dma source(%dma_start3A_103 : memref<10000x128xf32, #tpu.memory_space<hbm>>) target(%arg8 : memref<128x128xf32, #tpu.memory_space<vmem>>) offsets(%dma_start3A_96 : memref<128xi32, #tpu.memory_space<vmem>>) semaphore(%arg11 : memref<!tpu.dma_semaphore, #tpu.memory_space<semaphore_mem>>)
      } else {
      }
      %add3A_78 = arith.constant 1 : i32
      %add3A_79 = arith.addi %add3A_49, %add3A_78 : i32
      %dma_wait3A_80 = arith.constant 0 : i32
      %dma_wait3A_81 = tpu.memref_slice %arg6[%add3A_79, %dma_wait3A_80] : memref<40x128xi32, #tpu.memory_space<vmem>> -> memref<1x128xi32, #tpu.memory_space<vmem>>
      %dma_wait3A_82 = tpu.memref_squeeze %dma_wait3A_81 : memref<1x128xi32, #tpu.memory_space<vmem>> -> memref<128xi32, #tpu.memory_space<vmem>>
      %dma_wait3A_83 = arith.constant 0 : i32
      %dma_wait3A_84 = arith.constant 0 : i32
      %dma_wait3A_85 = tpu.memref_slice %arg2[%arg0, %dma_wait3A_83, %dma_wait3A_84] : memref<2x10000x128xf32, #tpu.memory_space<hbm>> -> memref<1x10000x128xf32, #tpu.memory_space<hbm>>
      %dma_wait3A_86 = tpu.memref_squeeze %dma_wait3A_85 : memref<1x10000x128xf32, #tpu.memory_space<hbm>> -> memref<10000x128xf32, #tpu.memory_space<hbm>>
      %dma_wait3A_87 = arith.constant 0 : i32
      %dma_wait3A_88 = arith.constant 0 : i32
      %dma_wait3A_89 = tpu.memref_slice %dma_wait3A_86[%dma_wait3A_87, %dma_wait3A_88] : memref<10000x128xf32, #tpu.memory_space<hbm>> -> memref<10000x128xf32, #tpu.memory_space<hbm>>
      tpu.wait_indirect_dma semaphore(%arg12 : memref<!tpu.dma_semaphore, #tpu.memory_space<semaphore_mem>>) src(%dma_wait3A_89 : memref<10000x128xf32, #tpu.memory_space<hbm>>) dst(%arg9 : memref<128x128xf32, #tpu.memory_space<vmem>>)
      %add3A_90 = arith.constant 1 : i32
      %add3A_91 = arith.addi %add3A_49, %add3A_90 : i32
      "tpu.region"() ({
        %run_scoped3A = tpu.sem_alloc : memref<!tpu.dma_semaphore, #tpu.memory_space<semaphore_mem>>
        %dma_start3A_92 = arith.constant 0 : i32
        %dma_start3A_93 = tpu.memref_slice %arg7[%add3A_91, %dma_start3A_92] : memref<40x128xi32, #tpu.memory_space<vmem>> -> memref<1x128xi32, #tpu.memory_space<vmem>>
        %dma_start3A_94 = tpu.memref_squeeze %dma_start3A_93 : memref<1x128xi32, #tpu.memory_space<vmem>> -> memref<128xi32, #tpu.memory_space<vmem>>
        %dma_start3A_95 = arith.constant 0 : i32
        %dma_start3A_96 = arith.constant 0 : i32
        %dma_start3A_97 = tpu.memref_slice %arg10[%dma_start3A_95, %dma_start3A_96] : memref<10240x128xf32, #tpu.memory_space<vmem_shared>> -> memref<10240x128xf32, #tpu.memory_space<vmem_shared>>
        tpu.enqueue_indirect_dma source(%arg9 : memref<128x128xf32, #tpu.memory_space<vmem>>) target(%dma_start3A_97 : memref<10240x128xf32, #tpu.memory_space<vmem_shared>>) offsets(%dma_start3A_94 : memref<128xi32, #tpu.memory_space<vmem>>) semaphore(%run_scoped3A : memref<!tpu.dma_semaphore, #tpu.memory_space<semaphore_mem>>) {add = true}
        %dma_wait3A_98 = arith.constant 0 : i32
        %dma_wait3A_99 = tpu.memref_slice %arg7[%add3A_91, %dma_wait3A_98] : memref<40x128xi32, #tpu.memory_space<vmem>> -> memref<1x128xi32, #tpu.memory_space<vmem>>
        %dma_wait3A_100 = tpu.memref_squeeze %dma_wait3A_99 : memref<1x128xi32, #tpu.memory_space<vmem>> -> memref<128xi32, #tpu.memory_space<vmem>>
        %dma_wait3A_101 = arith.constant 0 : i32
        %dma_wait3A_102 = arith.constant 0 : i32
        %dma_wait3A_103 = tpu.memref_slice %arg10[%dma_wait3A_101, %dma_wait3A_102] : memref<10240x128xf32, #tpu.memory_space<vmem_shared>> -> memref<10240x128xf32, #tpu.memory_space<vmem_shared>>
        tpu.wait_indirect_dma semaphore(%run_scoped3A : memref<!tpu.dma_semaphore, #tpu.memory_space<semaphore_mem>>) src(%arg9 : memref<128x128xf32, #tpu.memory_space<vmem>>) dst(%dma_wait3A_103 : memref<10240x128xf32, #tpu.memory_space<vmem_shared>>)
        tpu.yield
      }) : () -> ()
    }
    %scan3A_19 = arith.constant 20 : i32
    "tpu.region"() ({
      %run_scoped3A = tpu.sem_alloc : memref<!tpu.dma_semaphore, #tpu.memory_space<semaphore_mem>>
      %dma_start3A_47 = arith.constant 0 : i32
      %dma_start3A_48 = arith.constant 0 : i32
      %dma_start3A_49 = tpu.memref_slice %arg3[%arg1, %dma_start3A_47, %dma_start3A_48] : memref<16x80x128xi32, #tpu.memory_space<hbm>> -> memref<1x80x128xi32, #tpu.memory_space<hbm>>
      %dma_start3A_50 = tpu.memref_squeeze %dma_start3A_49 : memref<1x80x128xi32, #tpu.memory_space<hbm>> -> memref<80x128xi32, #tpu.memory_space<hbm>>
      %dma_start3A_51 = arith.constant 40 : i32
      %dma_start3A_52 = arith.constant 0 : i32
      %dma_start3A_53 = tpu.memref_slice %dma_start3A_50[%dma_start3A_51, %dma_start3A_52] : memref<80x128xi32, #tpu.memory_space<hbm>> -> memref<40x128xi32, #tpu.memory_space<hbm>>
      %dma_start3A_54 = arith.constant 0 : i32
      %dma_start3A_55 = arith.constant 0 : i32
      %dma_start3A_56 = tpu.memref_slice %arg3[%arg1, %dma_start3A_54, %dma_start3A_55] : memref<16x80x128xi32, #tpu.memory_space<hbm>> -> memref<1x80x128xi32, #tpu.memory_space<hbm>>
      %dma_start3A_57 = tpu.memref_squeeze %dma_start3A_56 : memref<1x80x128xi32, #tpu.memory_space<hbm>> -> memref<80x128xi32, #tpu.memory_space<hbm>>
      %dma_start3A_58 = arith.constant 40 : i32
      %dma_start3A_59 = arith.constant 0 : i32
      %dma_start3A_60 = tpu.memref_slice %dma_start3A_57[%dma_start3A_58, %dma_start3A_59] : memref<80x128xi32, #tpu.memory_space<hbm>> -> memref<40x128xi32, #tpu.memory_space<hbm>>
      tpu.enqueue_dma source(%dma_start3A_60 : memref<40x128xi32, #tpu.memory_space<hbm>>) target(%arg6 : memref<40x128xi32, #tpu.memory_space<vmem>>) target_semaphore(%run_scoped3A : memref<!tpu.dma_semaphore, #tpu.memory_space<semaphore_mem>>)
      %dma_wait3A = arith.constant 0 : i32
      %dma_wait3A_61 = arith.constant 0 : i32
      %dma_wait3A_62 = tpu.memref_slice %arg3[%arg1, %dma_wait3A, %dma_wait3A_61] : memref<16x80x128xi32, #tpu.memory_space<hbm>> -> memref<1x80x128xi32, #tpu.memory_space<hbm>>
      %dma_wait3A_63 = tpu.memref_squeeze %dma_wait3A_62 : memref<1x80x128xi32, #tpu.memory_space<hbm>> -> memref<80x128xi32, #tpu.memory_space<hbm>>
      %dma_wait3A_64 = arith.constant 40 : i32
      %dma_wait3A_65 = arith.constant 0 : i32
      %dma_wait3A_66 = tpu.memref_slice %dma_wait3A_63[%dma_wait3A_64, %dma_wait3A_65] : memref<80x128xi32, #tpu.memory_space<hbm>> -> memref<40x128xi32, #tpu.memory_space<hbm>>
      %dma_wait3A_67 = arith.constant 0 : i32
      %dma_wait3A_68 = arith.constant 0 : i32
      %dma_wait3A_69 = tpu.memref_slice %arg3[%arg1, %dma_wait3A_67, %dma_wait3A_68] : memref<16x80x128xi32, #tpu.memory_space<hbm>> -> memref<1x80x128xi32, #tpu.memory_space<hbm>>
      %dma_wait3A_70 = tpu.memref_squeeze %dma_wait3A_69 : memref<1x80x128xi32, #tpu.memory_space<hbm>> -> memref<80x128xi32, #tpu.memory_space<hbm>>
      %dma_wait3A_71 = arith.constant 40 : i32
      %dma_wait3A_72 = arith.constant 0 : i32
      %dma_wait3A_73 = tpu.memref_slice %dma_wait3A_70[%dma_wait3A_71, %dma_wait3A_72] : memref<80x128xi32, #tpu.memory_space<hbm>> -> memref<40x128xi32, #tpu.memory_space<hbm>>
      tpu.wait_dma2 semaphore(%run_scoped3A : memref<!tpu.dma_semaphore, #tpu.memory_space<semaphore_mem>>) src(%dma_wait3A_73 : memref<40x128xi32, #tpu.memory_space<hbm>>) dst(%arg6 : memref<40x128xi32, #tpu.memory_space<vmem>>)
      tpu.yield
    }) : () -> ()
    "tpu.region"() ({
      %run_scoped3A = tpu.sem_alloc : memref<!tpu.dma_semaphore, #tpu.memory_space<semaphore_mem>>
      %dma_start3A_47 = arith.constant 0 : i32
      %dma_start3A_48 = arith.constant 0 : i32
      %dma_start3A_49 = tpu.memref_slice %arg4[%arg1, %dma_start3A_47, %dma_start3A_48] : memref<16x80x128xi32, #tpu.memory_space<hbm>> -> memref<1x80x128xi32, #tpu.memory_space<hbm>>
      %dma_start3A_50 = tpu.memref_squeeze %dma_start3A_49 : memref<1x80x128xi32, #tpu.memory_space<hbm>> -> memref<80x128xi32, #tpu.memory_space<hbm>>
      %dma_start3A_51 = arith.constant 40 : i32
      %dma_start3A_52 = arith.constant 0 : i32
      %dma_start3A_53 = tpu.memref_slice %dma_start3A_50[%dma_start3A_51, %dma_start3A_52] : memref<80x128xi32, #tpu.memory_space<hbm>> -> memref<40x128xi32, #tpu.memory_space<hbm>>
      %dma_start3A_54 = arith.constant 0 : i32
      %dma_start3A_55 = arith.constant 0 : i32
      %dma_start3A_56 = tpu.memref_slice %arg4[%arg1, %dma_start3A_54, %dma_start3A_55] : memref<16x80x128xi32, #tpu.memory_space<hbm>> -> memref<1x80x128xi32, #tpu.memory_space<hbm>>
      %dma_start3A_57 = tpu.memref_squeeze %dma_start3A_56 : memref<1x80x128xi32, #tpu.memory_space<hbm>> -> memref<80x128xi32, #tpu.memory_space<hbm>>
      %dma_start3A_58 = arith.constant 40 : i32
      %dma_start3A_59 = arith.constant 0 : i32
      %dma_start3A_60 = tpu.memref_slice %dma_start3A_57[%dma_start3A_58, %dma_start3A_59] : memref<80x128xi32, #tpu.memory_space<hbm>> -> memref<40x128xi32, #tpu.memory_space<hbm>>
      tpu.enqueue_dma source(%dma_start3A_60 : memref<40x128xi32, #tpu.memory_space<hbm>>) target(%arg7 : memref<40x128xi32, #tpu.memory_space<vmem>>) target_semaphore(%run_scoped3A : memref<!tpu.dma_semaphore, #tpu.memory_space<semaphore_mem>>)
      %dma_wait3A = arith.constant 0 : i32
      %dma_wait3A_61 = arith.constant 0 : i32
      %dma_wait3A_62 = tpu.memref_slice %arg4[%arg1, %dma_wait3A, %dma_wait3A_61] : memref<16x80x128xi32, #tpu.memory_space<hbm>> -> memref<1x80x128xi32, #tpu.memory_space<hbm>>
      %dma_wait3A_63 = tpu.memref_squeeze %dma_wait3A_62 : memref<1x80x128xi32, #tpu.memory_space<hbm>> -> memref<80x128xi32, #tpu.memory_space<hbm>>
      %dma_wait3A_64 = arith.constant 40 : i32
      %dma_wait3A_65 = arith.constant 0 : i32
      %dma_wait3A_66 = tpu.memref_slice %dma_wait3A_63[%dma_wait3A_64, %dma_wait3A_65] : memref<80x128xi32, #tpu.memory_space<hbm>> -> memref<40x128xi32, #tpu.memory_space<hbm>>
      %dma_wait3A_67 = arith.constant 0 : i32
      %dma_wait3A_68 = arith.constant 0 : i32
      %dma_wait3A_69 = tpu.memref_slice %arg4[%arg1, %dma_wait3A_67, %dma_wait3A_68] : memref<16x80x128xi32, #tpu.memory_space<hbm>> -> memref<1x80x128xi32, #tpu.memory_space<hbm>>
      %dma_wait3A_70 = tpu.memref_squeeze %dma_wait3A_69 : memref<1x80x128xi32, #tpu.memory_space<hbm>> -> memref<80x128xi32, #tpu.memory_space<hbm>>
      %dma_wait3A_71 = arith.constant 40 : i32
      %dma_wait3A_72 = arith.constant 0 : i32
      %dma_wait3A_73 = tpu.memref_slice %dma_wait3A_70[%dma_wait3A_71, %dma_wait3A_72] : memref<80x128xi32, #tpu.memory_space<hbm>> -> memref<40x128xi32, #tpu.memory_space<hbm>>
      tpu.wait_dma2 semaphore(%run_scoped3A : memref<!tpu.dma_semaphore, #tpu.memory_space<semaphore_mem>>) src(%dma_wait3A_73 : memref<40x128xi32, #tpu.memory_space<hbm>>) dst(%arg7 : memref<40x128xi32, #tpu.memory_space<vmem>>)
      tpu.yield
    }) : () -> ()
    %dma_start3A_20 = arith.constant 0 : i32
    %dma_start3A_21 = arith.constant 0 : i32
    %dma_start3A_22 = tpu.memref_slice %arg6[%dma_start3A_20, %dma_start3A_21] : memref<40x128xi32, #tpu.memory_space<vmem>> -> memref<1x128xi32, #tpu.memory_space<vmem>>
    %dma_start3A_23 = tpu.memref_squeeze %dma_start3A_22 : memref<1x128xi32, #tpu.memory_space<vmem>> -> memref<128xi32, #tpu.memory_space<vmem>>
    %dma_start3A_24 = arith.constant 0 : i32
    %dma_start3A_25 = arith.constant 0 : i32
    %dma_start3A_26 = tpu.memref_slice %arg2[%arg0, %dma_start3A_24, %dma_start3A_25] : memref<2x10000x128xf32, #tpu.memory_space<hbm>> -> memref<1x10000x128xf32, #tpu.memory_space<hbm>>
    %dma_start3A_27 = tpu.memref_squeeze %dma_start3A_26 : memref<1x10000x128xf32, #tpu.memory_space<hbm>> -> memref<10000x128xf32, #tpu.memory_space<hbm>>
    %dma_start3A_28 = arith.constant 0 : i32
    %dma_start3A_29 = arith.constant 0 : i32
    %dma_start3A_30 = tpu.memref_slice %dma_start3A_27[%dma_start3A_28, %dma_start3A_29] : memref<10000x128xf32, #tpu.memory_space<hbm>> -> memref<10000x128xf32, #tpu.memory_space<hbm>>
    tpu.enqueue_indirect_dma source(%dma_start3A_30 : memref<10000x128xf32, #tpu.memory_space<hbm>>) target(%arg8 : memref<128x128xf32, #tpu.memory_space<vmem>>) offsets(%dma_start3A_23 : memref<128xi32, #tpu.memory_space<vmem>>) semaphore(%arg11 : memref<!tpu.dma_semaphore, #tpu.memory_space<semaphore_mem>>)
    %scan3A_31 = arith.constant 0 : i32
    %scan3A_32 = arith.constant 20 : i32
    %scan3A_33 = arith.addi %scan3A_31, %scan3A_32 : i32
    %scan3A_34 = arith.constant 1 : i32
    scf.for %scan3A_47 = %scan3A_31 to %scan3A_33 step %scan3A_34  : i32 {
      %mul3A = arith.constant 2 : i32
      %mul3A_48 = arith.muli %scan3A_47, %mul3A : i32
      %add3A = arith.constant 0 : i32
      %add3A_49 = arith.addi %add3A, %mul3A_48 : i32
      %add3A_50 = arith.constant 1 : i32
      %add3A_51 = arith.addi %add3A_49, %add3A_50 : i32
      %dma_start3A_52 = arith.constant 0 : i32
      %dma_start3A_53 = tpu.memref_slice %arg6[%add3A_51, %dma_start3A_52] : memref<40x128xi32, #tpu.memory_space<vmem>> -> memref<1x128xi32, #tpu.memory_space<vmem>>
      %dma_start3A_54 = tpu.memref_squeeze %dma_start3A_53 : memref<1x128xi32, #tpu.memory_space<vmem>> -> memref<128xi32, #tpu.memory_space<vmem>>
      %dma_start3A_55 = arith.constant 0 : i32
      %dma_start3A_56 = arith.constant 0 : i32
      %dma_start3A_57 = tpu.memref_slice %arg2[%arg0, %dma_start3A_55, %dma_start3A_56] : memref<2x10000x128xf32, #tpu.memory_space<hbm>> -> memref<1x10000x128xf32, #tpu.memory_space<hbm>>
      %dma_start3A_58 = tpu.memref_squeeze %dma_start3A_57 : memref<1x10000x128xf32, #tpu.memory_space<hbm>> -> memref<10000x128xf32, #tpu.memory_space<hbm>>
      %dma_start3A_59 = arith.constant 0 : i32
      %dma_start3A_60 = arith.constant 0 : i32
      %dma_start3A_61 = tpu.memref_slice %dma_start3A_58[%dma_start3A_59, %dma_start3A_60] : memref<10000x128xf32, #tpu.memory_space<hbm>> -> memref<10000x128xf32, #tpu.memory_space<hbm>>
      tpu.enqueue_indirect_dma source(%dma_start3A_61 : memref<10000x128xf32, #tpu.memory_space<hbm>>) target(%arg9 : memref<128x128xf32, #tpu.memory_space<vmem>>) offsets(%dma_start3A_54 : memref<128xi32, #tpu.memory_space<vmem>>) semaphore(%arg12 : memref<!tpu.dma_semaphore, #tpu.memory_space<semaphore_mem>>)
      %dma_wait3A = arith.constant 0 : i32
      %dma_wait3A_62 = tpu.memref_slice %arg6[%add3A_49, %dma_wait3A] : memref<40x128xi32, #tpu.memory_space<vmem>> -> memref<1x128xi32, #tpu.memory_space<vmem>>
      %dma_wait3A_63 = tpu.memref_squeeze %dma_wait3A_62 : memref<1x128xi32, #tpu.memory_space<vmem>> -> memref<128xi32, #tpu.memory_space<vmem>>
      %dma_wait3A_64 = arith.constant 0 : i32
      %dma_wait3A_65 = arith.constant 0 : i32
      %dma_wait3A_66 = tpu.memref_slice %arg2[%arg0, %dma_wait3A_64, %dma_wait3A_65] : memref<2x10000x128xf32, #tpu.memory_space<hbm>> -> memref<1x10000x128xf32, #tpu.memory_space<hbm>>
      %dma_wait3A_67 = tpu.memref_squeeze %dma_wait3A_66 : memref<1x10000x128xf32, #tpu.memory_space<hbm>> -> memref<10000x128xf32, #tpu.memory_space<hbm>>
      %dma_wait3A_68 = arith.constant 0 : i32
      %dma_wait3A_69 = arith.constant 0 : i32
      %dma_wait3A_70 = tpu.memref_slice %dma_wait3A_67[%dma_wait3A_68, %dma_wait3A_69] : memref<10000x128xf32, #tpu.memory_space<hbm>> -> memref<10000x128xf32, #tpu.memory_space<hbm>>
      tpu.wait_indirect_dma semaphore(%arg11 : memref<!tpu.dma_semaphore, #tpu.memory_space<semaphore_mem>>) src(%dma_wait3A_70 : memref<10000x128xf32, #tpu.memory_space<hbm>>) dst(%arg8 : memref<128x128xf32, #tpu.memory_space<vmem>>)
      "tpu.region"() ({
        %run_scoped3A = tpu.sem_alloc : memref<!tpu.dma_semaphore, #tpu.memory_space<semaphore_mem>>
        %dma_start3A_92 = arith.constant 0 : i32
        %dma_start3A_93 = tpu.memref_slice %arg7[%add3A_49, %dma_start3A_92] : memref<40x128xi32, #tpu.memory_space<vmem>> -> memref<1x128xi32, #tpu.memory_space<vmem>>
        %dma_start3A_94 = tpu.memref_squeeze %dma_start3A_93 : memref<1x128xi32, #tpu.memory_space<vmem>> -> memref<128xi32, #tpu.memory_space<vmem>>
        %dma_start3A_95 = arith.constant 0 : i32
        %dma_start3A_96 = arith.constant 0 : i32
        %dma_start3A_97 = tpu.memref_slice %arg10[%dma_start3A_95, %dma_start3A_96] : memref<10240x128xf32, #tpu.memory_space<vmem_shared>> -> memref<10240x128xf32, #tpu.memory_space<vmem_shared>>
        tpu.enqueue_indirect_dma source(%arg8 : memref<128x128xf32, #tpu.memory_space<vmem>>) target(%dma_start3A_97 : memref<10240x128xf32, #tpu.memory_space<vmem_shared>>) offsets(%dma_start3A_94 : memref<128xi32, #tpu.memory_space<vmem>>) semaphore(%run_scoped3A : memref<!tpu.dma_semaphore, #tpu.memory_space<semaphore_mem>>) {add = true}
        %dma_wait3A_98 = arith.constant 0 : i32
        %dma_wait3A_99 = tpu.memref_slice %arg7[%add3A_49, %dma_wait3A_98] : memref<40x128xi32, #tpu.memory_space<vmem>> -> memref<1x128xi32, #tpu.memory_space<vmem>>
        %dma_wait3A_100 = tpu.memref_squeeze %dma_wait3A_99 : memref<1x128xi32, #tpu.memory_space<vmem>> -> memref<128xi32, #tpu.memory_space<vmem>>
        %dma_wait3A_101 = arith.constant 0 : i32
        %dma_wait3A_102 = arith.constant 0 : i32
        %dma_wait3A_103 = tpu.memref_slice %arg10[%dma_wait3A_101, %dma_wait3A_102] : memref<10240x128xf32, #tpu.memory_space<vmem_shared>> -> memref<10240x128xf32, #tpu.memory_space<vmem_shared>>
        tpu.wait_indirect_dma semaphore(%run_scoped3A : memref<!tpu.dma_semaphore, #tpu.memory_space<semaphore_mem>>) src(%arg8 : memref<128x128xf32, #tpu.memory_space<vmem>>) dst(%dma_wait3A_103 : memref<10240x128xf32, #tpu.memory_space<vmem_shared>>)
        tpu.yield
      }) : () -> ()
      %add3A_71 = arith.constant 2 : i32
      %add3A_72 = arith.addi %add3A_49, %add3A_71 : i32
      %lt3A_73 = arith.constant 40 : i32
      %lt3A_74 = arith.cmpi slt, %add3A_72, %lt3A_73 : i32
      %convert_element_type3A_75 = arith.extui %lt3A_74 : i1 to i32
      %cond3A_76 = arith.constant 0 : i32
      %cond3A_77 = arith.cmpi ne, %convert_element_type3A_75, %cond3A_76 : i32
      scf.if %cond3A_77 {
        %add3A_92 = arith.constant 2 : i32
        %add3A_93 = arith.addi %add3A_49, %add3A_92 : i32
        %dma_start3A_94 = arith.constant 0 : i32
        %dma_start3A_95 = tpu.memref_slice %arg6[%add3A_93, %dma_start3A_94] : memref<40x128xi32, #tpu.memory_space<vmem>> -> memref<1x128xi32, #tpu.memory_space<vmem>>
        %dma_start3A_96 = tpu.memref_squeeze %dma_start3A_95 : memref<1x128xi32, #tpu.memory_space<vmem>> -> memref<128xi32, #tpu.memory_space<vmem>>
        %dma_start3A_97 = arith.constant 0 : i32
        %dma_start3A_98 = arith.constant 0 : i32
        %dma_start3A_99 = tpu.memref_slice %arg2[%arg0, %dma_start3A_97, %dma_start3A_98] : memref<2x10000x128xf32, #tpu.memory_space<hbm>> -> memref<1x10000x128xf32, #tpu.memory_space<hbm>>
        %dma_start3A_100 = tpu.memref_squeeze %dma_start3A_99 : memref<1x10000x128xf32, #tpu.memory_space<hbm>> -> memref<10000x128xf32, #tpu.memory_space<hbm>>
        %dma_start3A_101 = arith.constant 0 : i32
        %dma_start3A_102 = arith.constant 0 : i32
        %dma_start3A_103 = tpu.memref_slice %dma_start3A_100[%dma_start3A_101, %dma_start3A_102] : memref<10000x128xf32, #tpu.memory_space<hbm>> -> memref<10000x128xf32, #tpu.memory_space<hbm>>
        tpu.enqueue_indirect_dma source(%dma_start3A_103 : memref<10000x128xf32, #tpu.memory_space<hbm>>) target(%arg8 : memref<128x128xf32, #tpu.memory_space<vmem>>) offsets(%dma_start3A_96 : memref<128xi32, #tpu.memory_space<vmem>>) semaphore(%arg11 : memref<!tpu.dma_semaphore, #tpu.memory_space<semaphore_mem>>)
      } else {
      }
      %add3A_78 = arith.constant 1 : i32
      %add3A_79 = arith.addi %add3A_49, %add3A_78 : i32
      %dma_wait3A_80 = arith.constant 0 : i32
      %dma_wait3A_81 = tpu.memref_slice %arg6[%add3A_79, %dma_wait3A_80] : memref<40x128xi32, #tpu.memory_space<vmem>> -> memref<1x128xi32, #tpu.memory_space<vmem>>
      %dma_wait3A_82 = tpu.memref_squeeze %dma_wait3A_81 : memref<1x128xi32, #tpu.memory_space<vmem>> -> memref<128xi32, #tpu.memory_space<vmem>>
      %dma_wait3A_83 = arith.constant 0 : i32
      %dma_wait3A_84 = arith.constant 0 : i32
      %dma_wait3A_85 = tpu.memref_slice %arg2[%arg0, %dma_wait3A_83, %dma_wait3A_84] : memref<2x10000x128xf32, #tpu.memory_space<hbm>> -> memref<1x10000x128xf32, #tpu.memory_space<hbm>>
      %dma_wait3A_86 = tpu.memref_squeeze %dma_wait3A_85 : memref<1x10000x128xf32, #tpu.memory_space<hbm>> -> memref<10000x128xf32, #tpu.memory_space<hbm>>
      %dma_wait3A_87 = arith.constant 0 : i32
      %dma_wait3A_88 = arith.constant 0 : i32
      %dma_wait3A_89 = tpu.memref_slice %dma_wait3A_86[%dma_wait3A_87, %dma_wait3A_88] : memref<10000x128xf32, #tpu.memory_space<hbm>> -> memref<10000x128xf32, #tpu.memory_space<hbm>>
      tpu.wait_indirect_dma semaphore(%arg12 : memref<!tpu.dma_semaphore, #tpu.memory_space<semaphore_mem>>) src(%dma_wait3A_89 : memref<10000x128xf32, #tpu.memory_space<hbm>>) dst(%arg9 : memref<128x128xf32, #tpu.memory_space<vmem>>)
      %add3A_90 = arith.constant 1 : i32
      %add3A_91 = arith.addi %add3A_49, %add3A_90 : i32
      "tpu.region"() ({
        %run_scoped3A = tpu.sem_alloc : memref<!tpu.dma_semaphore, #tpu.memory_space<semaphore_mem>>
        %dma_start3A_92 = arith.constant 0 : i32
        %dma_start3A_93 = tpu.memref_slice %arg7[%add3A_91, %dma_start3A_92] : memref<40x128xi32, #tpu.memory_space<vmem>> -> memref<1x128xi32, #tpu.memory_space<vmem>>
        %dma_start3A_94 = tpu.memref_squeeze %dma_start3A_93 : memref<1x128xi32, #tpu.memory_space<vmem>> -> memref<128xi32, #tpu.memory_space<vmem>>
        %dma_start3A_95 = arith.constant 0 : i32
        %dma_start3A_96 = arith.constant 0 : i32
        %dma_start3A_97 = tpu.memref_slice %arg10[%dma_start3A_95, %dma_start3A_96] : memref<10240x128xf32, #tpu.memory_space<vmem_shared>> -> memref<10240x128xf32, #tpu.memory_space<vmem_shared>>
        tpu.enqueue_indirect_dma source(%arg9 : memref<128x128xf32, #tpu.memory_space<vmem>>) target(%dma_start3A_97 : memref<10240x128xf32, #tpu.memory_space<vmem_shared>>) offsets(%dma_start3A_94 : memref<128xi32, #tpu.memory_space<vmem>>) semaphore(%run_scoped3A : memref<!tpu.dma_semaphore, #tpu.memory_space<semaphore_mem>>) {add = true}
        %dma_wait3A_98 = arith.constant 0 : i32
        %dma_wait3A_99 = tpu.memref_slice %arg7[%add3A_91, %dma_wait3A_98] : memref<40x128xi32, #tpu.memory_space<vmem>> -> memref<1x128xi32, #tpu.memory_space<vmem>>
        %dma_wait3A_100 = tpu.memref_squeeze %dma_wait3A_99 : memref<1x128xi32, #tpu.memory_space<vmem>> -> memref<128xi32, #tpu.memory_space<vmem>>
        %dma_wait3A_101 = arith.constant 0 : i32
        %dma_wait3A_102 = arith.constant 0 : i32
        %dma_wait3A_103 = tpu.memref_slice %arg10[%dma_wait3A_101, %dma_wait3A_102] : memref<10240x128xf32, #tpu.memory_space<vmem_shared>> -> memref<10240x128xf32, #tpu.memory_space<vmem_shared>>
        tpu.wait_indirect_dma semaphore(%run_scoped3A : memref<!tpu.dma_semaphore, #tpu.memory_space<semaphore_mem>>) src(%arg9 : memref<128x128xf32, #tpu.memory_space<vmem>>) dst(%dma_wait3A_103 : memref<10240x128xf32, #tpu.memory_space<vmem_shared>>)
        tpu.yield
      }) : () -> ()
    }
    %scan3A_35 = arith.constant 20 : i32
    %barrier3A_36 = arith.constant 0 : index
    tpu.barrier barrier_id(%barrier3A_36)
    %lt3A_37 = arith.constant 15 : i32
    %lt3A_38 = arith.cmpi slt, %arg1, %lt3A_37 : i32
    %convert_element_type3A_39 = arith.extui %lt3A_38 : i1 to i32
    %cond3A_40 = arith.constant 0 : i32
    %cond3A_41 = arith.cmpi ne, %convert_element_type3A_39, %cond3A_40 : i32
    scf.if %cond3A_41 {
      %mul3A = arith.constant 640 : i32
      %mul3A_47 = arith.muli %arg1, %mul3A : i32
      "tpu.region"() ({
        %run_scoped3A = tpu.sem_alloc : memref<!tpu.dma_semaphore, #tpu.memory_space<semaphore_mem>>
        %dma_start3A_48 = arith.constant 0 : i32
        %dma_start3A_49 = arith.constant 0 : i32
        %dma_start3A_50 = tpu.memref_slice %arg5[%arg0, %dma_start3A_48, %dma_start3A_49] : memref<2x10000x128xf32, #tpu.memory_space<hbm>> -> memref<1x10000x128xf32, #tpu.memory_space<hbm>>
        %dma_start3A_51 = tpu.memref_squeeze %dma_start3A_50 : memref<1x10000x128xf32, #tpu.memory_space<hbm>> -> memref<10000x128xf32, #tpu.memory_space<hbm>>
        %dma_start3A_52 = arith.constant 0 : i32
        %dma_start3A_53 = tpu.memref_slice %dma_start3A_51[%mul3A_47, %dma_start3A_52] : memref<10000x128xf32, #tpu.memory_space<hbm>> -> memref<640x128xf32, #tpu.memory_space<hbm>>
        %dma_start3A_54 = arith.constant 0 : i32
        %dma_start3A_55 = tpu.memref_slice %arg10[%mul3A_47, %dma_start3A_54] : memref<10240x128xf32, #tpu.memory_space<vmem_shared>> -> memref<640x128xf32, #tpu.memory_space<vmem_shared>>
        tpu.enqueue_dma source(%dma_start3A_55 : memref<640x128xf32, #tpu.memory_space<vmem_shared>>) target(%dma_start3A_53 : memref<640x128xf32, #tpu.memory_space<hbm>>) target_semaphore(%run_scoped3A : memref<!tpu.dma_semaphore, #tpu.memory_space<semaphore_mem>>)
        %dma_wait3A = arith.constant 0 : i32
        %dma_wait3A_56 = arith.constant 0 : i32
        %dma_wait3A_57 = tpu.memref_slice %arg5[%arg0, %dma_wait3A, %dma_wait3A_56] : memref<2x10000x128xf32, #tpu.memory_space<hbm>> -> memref<1x10000x128xf32, #tpu.memory_space<hbm>>
        %dma_wait3A_58 = tpu.memref_squeeze %dma_wait3A_57 : memref<1x10000x128xf32, #tpu.memory_space<hbm>> -> memref<10000x128xf32, #tpu.memory_space<hbm>>
        %dma_wait3A_59 = arith.constant 0 : i32
        %dma_wait3A_60 = tpu.memref_slice %dma_wait3A_58[%mul3A_47, %dma_wait3A_59] : memref<10000x128xf32, #tpu.memory_space<hbm>> -> memref<640x128xf32, #tpu.memory_space<hbm>>
        %dma_wait3A_61 = arith.constant 0 : i32
        %dma_wait3A_62 = tpu.memref_slice %arg10[%mul3A_47, %dma_wait3A_61] : memref<10240x128xf32, #tpu.memory_space<vmem_shared>> -> memref<640x128xf32, #tpu.memory_space<vmem_shared>>
        tpu.wait_dma2 semaphore(%run_scoped3A : memref<!tpu.dma_semaphore, #tpu.memory_space<semaphore_mem>>) src(%dma_wait3A_62 : memref<640x128xf32, #tpu.memory_space<vmem_shared>>) dst(%dma_wait3A_60 : memref<640x128xf32, #tpu.memory_space<hbm>>)
        tpu.yield
      }) : () -> ()
    } else {
    }
    %eq3A_42 = arith.constant 15 : i32
    %eq3A_43 = arith.cmpi eq, %arg1, %eq3A_42 : i32
    %convert_element_type3A_44 = arith.extui %eq3A_43 : i1 to i32
    %cond3A_45 = arith.constant 0 : i32
    %cond3A_46 = arith.cmpi ne, %convert_element_type3A_44, %cond3A_45 : i32
    scf.if %cond3A_46 {
      "tpu.region"() ({
        %run_scoped3A = tpu.sem_alloc : memref<!tpu.dma_semaphore, #tpu.memory_space<semaphore_mem>>
        %dma_start3A_47 = arith.constant 0 : i32
        %dma_start3A_48 = arith.constant 0 : i32
        %dma_start3A_49 = tpu.memref_slice %arg5[%arg0, %dma_start3A_47, %dma_start3A_48] : memref<2x10000x128xf32, #tpu.memory_space<hbm>> -> memref<1x10000x128xf32, #tpu.memory_space<hbm>>
        %dma_start3A_50 = tpu.memref_squeeze %dma_start3A_49 : memref<1x10000x128xf32, #tpu.memory_space<hbm>> -> memref<10000x128xf32, #tpu.memory_space<hbm>>
        %dma_start3A_51 = arith.constant 9600 : i32
        %dma_start3A_52 = arith.constant 0 : i32
        %dma_start3A_53 = tpu.memref_slice %dma_start3A_50[%dma_start3A_51, %dma_start3A_52] : memref<10000x128xf32, #tpu.memory_space<hbm>> -> memref<400x128xf32, #tpu.memory_space<hbm>>
        %dma_start3A_54 = arith.constant 9600 : i32
        %dma_start3A_55 = arith.constant 0 : i32
        %dma_start3A_56 = tpu.memref_slice %arg10[%dma_start3A_54, %dma_start3A_55] : memref<10240x128xf32, #tpu.memory_space<vmem_shared>> -> memref<400x128xf32, #tpu.memory_space<vmem_shared>>
        tpu.enqueue_dma source(%dma_start3A_56 : memref<400x128xf32, #tpu.memory_space<vmem_shared>>) target(%dma_start3A_53 : memref<400x128xf32, #tpu.memory_space<hbm>>) target_semaphore(%run_scoped3A : memref<!tpu.dma_semaphore, #tpu.memory_space<semaphore_mem>>)
        %dma_wait3A = arith.constant 0 : i32
        %dma_wait3A_57 = arith.constant 0 : i32
        %dma_wait3A_58 = tpu.memref_slice %arg5[%arg0, %dma_wait3A, %dma_wait3A_57] : memref<2x10000x128xf32, #tpu.memory_space<hbm>> -> memref<1x10000x128xf32, #tpu.memory_space<hbm>>
        %dma_wait3A_59 = tpu.memref_squeeze %dma_wait3A_58 : memref<1x10000x128xf32, #tpu.memory_space<hbm>> -> memref<10000x128xf32, #tpu.memory_space<hbm>>
        %dma_wait3A_60 = arith.constant 9600 : i32
        %dma_wait3A_61 = arith.constant 0 : i32
        %dma_wait3A_62 = tpu.memref_slice %dma_wait3A_59[%dma_wait3A_60, %dma_wait3A_61] : memref<10000x128xf32, #tpu.memory_space<hbm>> -> memref<400x128xf32, #tpu.memory_space<hbm>>
        %dma_wait3A_63 = arith.constant 9600 : i32
        %dma_wait3A_64 = arith.constant 0 : i32
        %dma_wait3A_65 = tpu.memref_slice %arg10[%dma_wait3A_63, %dma_wait3A_64] : memref<10240x128xf32, #tpu.memory_space<vmem_shared>> -> memref<400x128xf32, #tpu.memory_space<vmem_shared>>
        tpu.wait_dma2 semaphore(%run_scoped3A : memref<!tpu.dma_semaphore, #tpu.memory_space<semaphore_mem>>) src(%dma_wait3A_65 : memref<400x128xf32, #tpu.memory_space<vmem_shared>>) dst(%dma_wait3A_62 : memref<400x128xf32, #tpu.memory_space<hbm>>)
        tpu.yield
      }) : () -> ()
    } else {
    }
    return
  }
}

#map = affine_map<(d0, d1) -> (0, 0, 0)>
module attributes {stable_mosaic.version = 14 : i64} {
  func.func @k(%arg0: i32, %arg1: i32, %arg2: memref<2x10000x128xf32, #tpu.memory_space<hbm>>, %arg3: memref<16x80x128xi32, #tpu.memory_space<hbm>>, %arg4: memref<16x80x128xi32, #tpu.memory_space<hbm>>, %arg5: memref<2x10000x128xf32, #tpu.memory_space<hbm>>, %arg6: memref<40x128xi32, #tpu.memory_space<vmem>>, %arg7: memref<40x128xi32, #tpu.memory_space<vmem>>, %arg8: memref<128x128xf32, #tpu.memory_space<vmem>>, %arg9: memref<128x128xf32, #tpu.memory_space<vmem>>, %arg10: memref<10240x128xf32, #tpu.memory_space<vmem_shared>>, %arg11: memref<!tpu.dma_semaphore, #tpu.memory_space<semaphore_mem>>, %arg12: memref<!tpu.dma_semaphore, #tpu.memory_space<semaphore_mem>>) attributes {dimension_semantics = [#tpu.dimension_semantics<core_parallel>, #tpu.dimension_semantics<subcore_parallel>], iteration_bounds = array<i64: 2, 16>, scalar_prefetch = 0 : i64, scratch_operands = 7 : i64, tpu.core_type = #tpu.core_type<sc_vector_subcore>, window_params = [{transform_indices = #map}, {transform_indices = #map}, {transform_indices = #map}, {transform_indices = #map}]} {
    %lt3A = arith.constant 15 : i32
    %lt3A_0 = arith.cmpi slt, %arg1, %lt3A : i32
    %convert_element_type3A = arith.extui %lt3A_0 : i1 to i32
    %cond3A = arith.constant 0 : i32
    %cond3A_1 = arith.cmpi ne, %convert_element_type3A, %cond3A : i32
    scf.if %cond3A_1 {
      %mul3A = arith.constant 640 : i32
      %mul3A_47 = arith.muli %arg1, %mul3A : i32
      "tpu.region"() ({
        %run_scoped3A = tpu.sem_alloc : memref<!tpu.dma_semaphore, #tpu.memory_space<semaphore_mem>>
        %dma_start3A_48 = arith.constant 0 : i32
        %dma_start3A_49 = tpu.memref_slice %arg10[%mul3A_47, %dma_start3A_48] : memref<10240x128xf32, #tpu.memory_space<vmem_shared>> -> memref<640x128xf32, #tpu.memory_space<vmem_shared>>
        %dma_start3A_50 = arith.constant 0 : i32
        %dma_start3A_51 = arith.constant 0 : i32
        %dma_start3A_52 = tpu.memref_slice %arg2[%arg0, %dma_start3A_50, %dma_start3A_51] : memref<2x10000x128xf32, #tpu.memory_space<hbm>> -> memref<1x10000x128xf32, #tpu.memory_space<hbm>>
        %dma_start3A_53 = tpu.memref_squeeze %dma_start3A_52 : memref<1x10000x128xf32, #tpu.memory_space<hbm>> -> memref<10000x128xf32, #tpu.memory_space<hbm>>
        %dma_start3A_54 = arith.constant 0 : i32
        %dma_start3A_55 = tpu.memref_slice %dma_start3A_53[%mul3A_47, %dma_start3A_54] : memref<10000x128xf32, #tpu.memory_space<hbm>> -> memref<640x128xf32, #tpu.memory_space<hbm>>
        tpu.enqueue_dma source(%dma_start3A_55 : memref<640x128xf32, #tpu.memory_space<hbm>>) target(%dma_start3A_49 : memref<640x128xf32, #tpu.memory_space<vmem_shared>>) target_semaphore(%run_scoped3A : memref<!tpu.dma_semaphore, #tpu.memory_space<semaphore_mem>>)
        %dma_wait3A = arith.constant 0 : i32
        %dma_wait3A_56 = tpu.memref_slice %arg10[%mul3A_47, %dma_wait3A] : memref<10240x128xf32, #tpu.memory_space<vmem_shared>> -> memref<640x128xf32, #tpu.memory_space<vmem_shared>>
        %dma_wait3A_57 = arith.constant 0 : i32
        %dma_wait3A_58 = arith.constant 0 : i32
        %dma_wait3A_59 = tpu.memref_slice %arg2[%arg0, %dma_wait3A_57, %dma_wait3A_58] : memref<2x10000x128xf32, #tpu.memory_space<hbm>> -> memref<1x10000x128xf32, #tpu.memory_space<hbm>>
        %dma_wait3A_60 = tpu.memref_squeeze %dma_wait3A_59 : memref<1x10000x128xf32, #tpu.memory_space<hbm>> -> memref<10000x128xf32, #tpu.memory_space<hbm>>
        %dma_wait3A_61 = arith.constant 0 : i32
        %dma_wait3A_62 = tpu.memref_slice %dma_wait3A_60[%mul3A_47, %dma_wait3A_61] : memref<10000x128xf32, #tpu.memory_space<hbm>> -> memref<640x128xf32, #tpu.memory_space<hbm>>
        tpu.wait_dma2 semaphore(%run_scoped3A : memref<!tpu.dma_semaphore, #tpu.memory_space<semaphore_mem>>) src(%dma_wait3A_62 : memref<640x128xf32, #tpu.memory_space<hbm>>) dst(%dma_wait3A_56 : memref<640x128xf32, #tpu.memory_space<vmem_shared>>)
        tpu.yield
      }) : () -> ()
    } else {
    }
    %eq3A = arith.constant 15 : i32
    %eq3A_2 = arith.cmpi eq, %arg1, %eq3A : i32
    %convert_element_type3A_3 = arith.extui %eq3A_2 : i1 to i32
    %cond3A_4 = arith.constant 0 : i32
    %cond3A_5 = arith.cmpi ne, %convert_element_type3A_3, %cond3A_4 : i32
    scf.if %cond3A_5 {
      "tpu.region"() ({
        %run_scoped3A = tpu.sem_alloc : memref<!tpu.dma_semaphore, #tpu.memory_space<semaphore_mem>>
        %dma_start3A_47 = arith.constant 9600 : i32
        %dma_start3A_48 = arith.constant 0 : i32
        %dma_start3A_49 = tpu.memref_slice %arg10[%dma_start3A_47, %dma_start3A_48] : memref<10240x128xf32, #tpu.memory_space<vmem_shared>> -> memref<400x128xf32, #tpu.memory_space<vmem_shared>>
        %dma_start3A_50 = arith.constant 0 : i32
        %dma_start3A_51 = arith.constant 0 : i32
        %dma_start3A_52 = tpu.memref_slice %arg2[%arg0, %dma_start3A_50, %dma_start3A_51] : memref<2x10000x128xf32, #tpu.memory_space<hbm>> -> memref<1x10000x128xf32, #tpu.memory_space<hbm>>
        %dma_start3A_53 = tpu.memref_squeeze %dma_start3A_52 : memref<1x10000x128xf32, #tpu.memory_space<hbm>> -> memref<10000x128xf32, #tpu.memory_space<hbm>>
        %dma_start3A_54 = arith.constant 9600 : i32
        %dma_start3A_55 = arith.constant 0 : i32
        %dma_start3A_56 = tpu.memref_slice %dma_start3A_53[%dma_start3A_54, %dma_start3A_55] : memref<10000x128xf32, #tpu.memory_space<hbm>> -> memref<400x128xf32, #tpu.memory_space<hbm>>
        tpu.enqueue_dma source(%dma_start3A_56 : memref<400x128xf32, #tpu.memory_space<hbm>>) target(%dma_start3A_49 : memref<400x128xf32, #tpu.memory_space<vmem_shared>>) target_semaphore(%run_scoped3A : memref<!tpu.dma_semaphore, #tpu.memory_space<semaphore_mem>>)
        %dma_wait3A = arith.constant 9600 : i32
        %dma_wait3A_57 = arith.constant 0 : i32
        %dma_wait3A_58 = tpu.memref_slice %arg10[%dma_wait3A, %dma_wait3A_57] : memref<10240x128xf32, #tpu.memory_space<vmem_shared>> -> memref<400x128xf32, #tpu.memory_space<vmem_shared>>
        %dma_wait3A_59 = arith.constant 0 : i32
        %dma_wait3A_60 = arith.constant 0 : i32
        %dma_wait3A_61 = tpu.memref_slice %arg2[%arg0, %dma_wait3A_59, %dma_wait3A_60] : memref<2x10000x128xf32, #tpu.memory_space<hbm>> -> memref<1x10000x128xf32, #tpu.memory_space<hbm>>
        %dma_wait3A_62 = tpu.memref_squeeze %dma_wait3A_61 : memref<1x10000x128xf32, #tpu.memory_space<hbm>> -> memref<10000x128xf32, #tpu.memory_space<hbm>>
        %dma_wait3A_63 = arith.constant 9600 : i32
        %dma_wait3A_64 = arith.constant 0 : i32
        %dma_wait3A_65 = tpu.memref_slice %dma_wait3A_62[%dma_wait3A_63, %dma_wait3A_64] : memref<10000x128xf32, #tpu.memory_space<hbm>> -> memref<400x128xf32, #tpu.memory_space<hbm>>
        tpu.wait_dma2 semaphore(%run_scoped3A : memref<!tpu.dma_semaphore, #tpu.memory_space<semaphore_mem>>) src(%dma_wait3A_65 : memref<400x128xf32, #tpu.memory_space<hbm>>) dst(%dma_wait3A_58 : memref<400x128xf32, #tpu.memory_space<vmem_shared>>)
        tpu.yield
      }) : () -> ()
    } else {
    }
    %barrier3A = arith.constant 0 : index
    tpu.barrier barrier_id(%barrier3A)
    "tpu.region"() ({
      %run_scoped3A = tpu.sem_alloc : memref<!tpu.dma_semaphore, #tpu.memory_space<semaphore_mem>>
      %dma_start3A_47 = arith.constant 0 : i32
      %dma_start3A_48 = arith.constant 0 : i32
      %dma_start3A_49 = tpu.memref_slice %arg3[%arg1, %dma_start3A_47, %dma_start3A_48] : memref<16x80x128xi32, #tpu.memory_space<hbm>> -> memref<1x80x128xi32, #tpu.memory_space<hbm>>
      %dma_start3A_50 = tpu.memref_squeeze %dma_start3A_49 : memref<1x80x128xi32, #tpu.memory_space<hbm>> -> memref<80x128xi32, #tpu.memory_space<hbm>>
      %dma_start3A_51 = arith.constant 0 : i32
      %dma_start3A_52 = arith.constant 0 : i32
      %dma_start3A_53 = tpu.memref_slice %dma_start3A_50[%dma_start3A_51, %dma_start3A_52] : memref<80x128xi32, #tpu.memory_space<hbm>> -> memref<40x128xi32, #tpu.memory_space<hbm>>
      %dma_start3A_54 = arith.constant 0 : i32
      %dma_start3A_55 = arith.constant 0 : i32
      %dma_start3A_56 = tpu.memref_slice %arg3[%arg1, %dma_start3A_54, %dma_start3A_55] : memref<16x80x128xi32, #tpu.memory_space<hbm>> -> memref<1x80x128xi32, #tpu.memory_space<hbm>>
      %dma_start3A_57 = tpu.memref_squeeze %dma_start3A_56 : memref<1x80x128xi32, #tpu.memory_space<hbm>> -> memref<80x128xi32, #tpu.memory_space<hbm>>
      %dma_start3A_58 = arith.constant 0 : i32
      %dma_start3A_59 = arith.constant 0 : i32
      %dma_start3A_60 = tpu.memref_slice %dma_start3A_57[%dma_start3A_58, %dma_start3A_59] : memref<80x128xi32, #tpu.memory_space<hbm>> -> memref<40x128xi32, #tpu.memory_space<hbm>>
      tpu.enqueue_dma source(%dma_start3A_60 : memref<40x128xi32, #tpu.memory_space<hbm>>) target(%arg6 : memref<40x128xi32, #tpu.memory_space<vmem>>) target_semaphore(%run_scoped3A : memref<!tpu.dma_semaphore, #tpu.memory_space<semaphore_mem>>)
      %dma_wait3A = arith.constant 0 : i32
      %dma_wait3A_61 = arith.constant 0 : i32
      %dma_wait3A_62 = tpu.memref_slice %arg3[%arg1, %dma_wait3A, %dma_wait3A_61] : memref<16x80x128xi32, #tpu.memory_space<hbm>> -> memref<1x80x128xi32, #tpu.memory_space<hbm>>
      %dma_wait3A_63 = tpu.memref_squeeze %dma_wait3A_62 : memref<1x80x128xi32, #tpu.memory_space<hbm>> -> memref<80x128xi32, #tpu.memory_space<hbm>>
      %dma_wait3A_64 = arith.constant 0 : i32
      %dma_wait3A_65 = arith.constant 0 : i32
      %dma_wait3A_66 = tpu.memref_slice %dma_wait3A_63[%dma_wait3A_64, %dma_wait3A_65] : memref<80x128xi32, #tpu.memory_space<hbm>> -> memref<40x128xi32, #tpu.memory_space<hbm>>
      %dma_wait3A_67 = arith.constant 0 : i32
      %dma_wait3A_68 = arith.constant 0 : i32
      %dma_wait3A_69 = tpu.memref_slice %arg3[%arg1, %dma_wait3A_67, %dma_wait3A_68] : memref<16x80x128xi32, #tpu.memory_space<hbm>> -> memref<1x80x128xi32, #tpu.memory_space<hbm>>
      %dma_wait3A_70 = tpu.memref_squeeze %dma_wait3A_69 : memref<1x80x128xi32, #tpu.memory_space<hbm>> -> memref<80x128xi32, #tpu.memory_space<hbm>>
      %dma_wait3A_71 = arith.constant 0 : i32
      %dma_wait3A_72 = arith.constant 0 : i32
      %dma_wait3A_73 = tpu.memref_slice %dma_wait3A_70[%dma_wait3A_71, %dma_wait3A_72] : memref<80x128xi32, #tpu.memory_space<hbm>> -> memref<40x128xi32, #tpu.memory_space<hbm>>
      tpu.wait_dma2 semaphore(%run_scoped3A : memref<!tpu.dma_semaphore, #tpu.memory_space<semaphore_mem>>) src(%dma_wait3A_73 : memref<40x128xi32, #tpu.memory_space<hbm>>) dst(%arg6 : memref<40x128xi32, #tpu.memory_space<vmem>>)
      tpu.yield
    }) : () -> ()
    "tpu.region"() ({
      %run_scoped3A = tpu.sem_alloc : memref<!tpu.dma_semaphore, #tpu.memory_space<semaphore_mem>>
      %dma_start3A_47 = arith.constant 0 : i32
      %dma_start3A_48 = arith.constant 0 : i32
      %dma_start3A_49 = tpu.memref_slice %arg4[%arg1, %dma_start3A_47, %dma_start3A_48] : memref<16x80x128xi32, #tpu.memory_space<hbm>> -> memref<1x80x128xi32, #tpu.memory_space<hbm>>
      %dma_start3A_50 = tpu.memref_squeeze %dma_start3A_49 : memref<1x80x128xi32, #tpu.memory_space<hbm>> -> memref<80x128xi32, #tpu.memory_space<hbm>>
      %dma_start3A_51 = arith.constant 0 : i32
      %dma_start3A_52 = arith.constant 0 : i32
      %dma_start3A_53 = tpu.memref_slice %dma_start3A_50[%dma_start3A_51, %dma_start3A_52] : memref<80x128xi32, #tpu.memory_space<hbm>> -> memref<40x128xi32, #tpu.memory_space<hbm>>
      %dma_start3A_54 = arith.constant 0 : i32
      %dma_start3A_55 = arith.constant 0 : i32
      %dma_start3A_56 = tpu.memref_slice %arg4[%arg1, %dma_start3A_54, %dma_start3A_55] : memref<16x80x128xi32, #tpu.memory_space<hbm>> -> memref<1x80x128xi32, #tpu.memory_space<hbm>>
      %dma_start3A_57 = tpu.memref_squeeze %dma_start3A_56 : memref<1x80x128xi32, #tpu.memory_space<hbm>> -> memref<80x128xi32, #tpu.memory_space<hbm>>
      %dma_start3A_58 = arith.constant 0 : i32
      %dma_start3A_59 = arith.constant 0 : i32
      %dma_start3A_60 = tpu.memref_slice %dma_start3A_57[%dma_start3A_58, %dma_start3A_59] : memref<80x128xi32, #tpu.memory_space<hbm>> -> memref<40x128xi32, #tpu.memory_space<hbm>>
      tpu.enqueue_dma source(%dma_start3A_60 : memref<40x128xi32, #tpu.memory_space<hbm>>) target(%arg7 : memref<40x128xi32, #tpu.memory_space<vmem>>) target_semaphore(%run_scoped3A : memref<!tpu.dma_semaphore, #tpu.memory_space<semaphore_mem>>)
      %dma_wait3A = arith.constant 0 : i32
      %dma_wait3A_61 = arith.constant 0 : i32
      %dma_wait3A_62 = tpu.memref_slice %arg4[%arg1, %dma_wait3A, %dma_wait3A_61] : memref<16x80x128xi32, #tpu.memory_space<hbm>> -> memref<1x80x128xi32, #tpu.memory_space<hbm>>
      %dma_wait3A_63 = tpu.memref_squeeze %dma_wait3A_62 : memref<1x80x128xi32, #tpu.memory_space<hbm>> -> memref<80x128xi32, #tpu.memory_space<hbm>>
      %dma_wait3A_64 = arith.constant 0 : i32
      %dma_wait3A_65 = arith.constant 0 : i32
      %dma_wait3A_66 = tpu.memref_slice %dma_wait3A_63[%dma_wait3A_64, %dma_wait3A_65] : memref<80x128xi32, #tpu.memory_space<hbm>> -> memref<40x128xi32, #tpu.memory_space<hbm>>
      %dma_wait3A_67 = arith.constant 0 : i32
      %dma_wait3A_68 = arith.constant 0 : i32
      %dma_wait3A_69 = tpu.memref_slice %arg4[%arg1, %dma_wait3A_67, %dma_wait3A_68] : memref<16x80x128xi32, #tpu.memory_space<hbm>> -> memref<1x80x128xi32, #tpu.memory_space<hbm>>
      %dma_wait3A_70 = tpu.memref_squeeze %dma_wait3A_69 : memref<1x80x128xi32, #tpu.memory_space<hbm>> -> memref<80x128xi32, #tpu.memory_space<hbm>>
      %dma_wait3A_71 = arith.constant 0 : i32
      %dma_wait3A_72 = arith.constant 0 : i32
      %dma_wait3A_73 = tpu.memref_slice %dma_wait3A_70[%dma_wait3A_71, %dma_wait3A_72] : memref<80x128xi32, #tpu.memory_space<hbm>> -> memref<40x128xi32, #tpu.memory_space<hbm>>
      tpu.wait_dma2 semaphore(%run_scoped3A : memref<!tpu.dma_semaphore, #tpu.memory_space<semaphore_mem>>) src(%dma_wait3A_73 : memref<40x128xi32, #tpu.memory_space<hbm>>) dst(%arg7 : memref<40x128xi32, #tpu.memory_space<vmem>>)
      tpu.yield
    }) : () -> ()
    %dma_start3A = arith.constant 0 : i32
    %dma_start3A_6 = arith.constant 0 : i32
    %dma_start3A_7 = tpu.memref_slice %arg6[%dma_start3A, %dma_start3A_6] : memref<40x128xi32, #tpu.memory_space<vmem>> -> memref<1x128xi32, #tpu.memory_space<vmem>>
    %dma_start3A_8 = tpu.memref_squeeze %dma_start3A_7 : memref<1x128xi32, #tpu.memory_space<vmem>> -> memref<128xi32, #tpu.memory_space<vmem>>
    %dma_start3A_9 = arith.constant 0 : i32
    %dma_start3A_10 = arith.constant 0 : i32
    %dma_start3A_11 = tpu.memref_slice %arg2[%arg0, %dma_start3A_9, %dma_start3A_10] : memref<2x10000x128xf32, #tpu.memory_space<hbm>> -> memref<1x10000x128xf32, #tpu.memory_space<hbm>>
    %dma_start3A_12 = tpu.memref_squeeze %dma_start3A_11 : memref<1x10000x128xf32, #tpu.memory_space<hbm>> -> memref<10000x128xf32, #tpu.memory_space<hbm>>
    %dma_start3A_13 = arith.constant 0 : i32
    %dma_start3A_14 = arith.constant 0 : i32
    %dma_start3A_15 = tpu.memref_slice %dma_start3A_12[%dma_start3A_13, %dma_start3A_14] : memref<10000x128xf32, #tpu.memory_space<hbm>> -> memref<10000x128xf32, #tpu.memory_space<hbm>>
    tpu.enqueue_indirect_dma source(%dma_start3A_15 : memref<10000x128xf32, #tpu.memory_space<hbm>>) target(%arg8 : memref<128x128xf32, #tpu.memory_space<vmem>>) offsets(%dma_start3A_8 : memref<128xi32, #tpu.memory_space<vmem>>) semaphore(%arg11 : memref<!tpu.dma_semaphore, #tpu.memory_space<semaphore_mem>>)
    %scan3A = arith.constant 0 : i32
    %scan3A_16 = arith.constant 20 : i32
    %scan3A_17 = arith.addi %scan3A, %scan3A_16 : i32
    %scan3A_18 = arith.constant 1 : i32
    scf.for %scan3A_47 = %scan3A to %scan3A_17 step %scan3A_18  : i32 {
      %mul3A = arith.constant 2 : i32
      %mul3A_48 = arith.muli %scan3A_47, %mul3A : i32
      %add3A = arith.constant 0 : i32
      %add3A_49 = arith.addi %add3A, %mul3A_48 : i32
      %add3A_50 = arith.constant 1 : i32
      %add3A_51 = arith.addi %add3A_49, %add3A_50 : i32
      %dma_start3A_52 = arith.constant 0 : i32
      %dma_start3A_53 = tpu.memref_slice %arg6[%add3A_51, %dma_start3A_52] : memref<40x128xi32, #tpu.memory_space<vmem>> -> memref<1x128xi32, #tpu.memory_space<vmem>>
      %dma_start3A_54 = tpu.memref_squeeze %dma_start3A_53 : memref<1x128xi32, #tpu.memory_space<vmem>> -> memref<128xi32, #tpu.memory_space<vmem>>
      %dma_start3A_55 = arith.constant 0 : i32
      %dma_start3A_56 = arith.constant 0 : i32
      %dma_start3A_57 = tpu.memref_slice %arg2[%arg0, %dma_start3A_55, %dma_start3A_56] : memref<2x10000x128xf32, #tpu.memory_space<hbm>> -> memref<1x10000x128xf32, #tpu.memory_space<hbm>>
      %dma_start3A_58 = tpu.memref_squeeze %dma_start3A_57 : memref<1x10000x128xf32, #tpu.memory_space<hbm>> -> memref<10000x128xf32, #tpu.memory_space<hbm>>
      %dma_start3A_59 = arith.constant 0 : i32
      %dma_start3A_60 = arith.constant 0 : i32
      %dma_start3A_61 = tpu.memref_slice %dma_start3A_58[%dma_start3A_59, %dma_start3A_60] : memref<10000x128xf32, #tpu.memory_space<hbm>> -> memref<10000x128xf32, #tpu.memory_space<hbm>>
      tpu.enqueue_indirect_dma source(%dma_start3A_61 : memref<10000x128xf32, #tpu.memory_space<hbm>>) target(%arg9 : memref<128x128xf32, #tpu.memory_space<vmem>>) offsets(%dma_start3A_54 : memref<128xi32, #tpu.memory_space<vmem>>) semaphore(%arg12 : memref<!tpu.dma_semaphore, #tpu.memory_space<semaphore_mem>>)
      %dma_wait3A = arith.constant 0 : i32
      %dma_wait3A_62 = tpu.memref_slice %arg6[%add3A_49, %dma_wait3A] : memref<40x128xi32, #tpu.memory_space<vmem>> -> memref<1x128xi32, #tpu.memory_space<vmem>>
      %dma_wait3A_63 = tpu.memref_squeeze %dma_wait3A_62 : memref<1x128xi32, #tpu.memory_space<vmem>> -> memref<128xi32, #tpu.memory_space<vmem>>
      %dma_wait3A_64 = arith.constant 0 : i32
      %dma_wait3A_65 = arith.constant 0 : i32
      %dma_wait3A_66 = tpu.memref_slice %arg2[%arg0, %dma_wait3A_64, %dma_wait3A_65] : memref<2x10000x128xf32, #tpu.memory_space<hbm>> -> memref<1x10000x128xf32, #tpu.memory_space<hbm>>
      %dma_wait3A_67 = tpu.memref_squeeze %dma_wait3A_66 : memref<1x10000x128xf32, #tpu.memory_space<hbm>> -> memref<10000x128xf32, #tpu.memory_space<hbm>>
      %dma_wait3A_68 = arith.constant 0 : i32
      %dma_wait3A_69 = arith.constant 0 : i32
      %dma_wait3A_70 = tpu.memref_slice %dma_wait3A_67[%dma_wait3A_68, %dma_wait3A_69] : memref<10000x128xf32, #tpu.memory_space<hbm>> -> memref<10000x128xf32, #tpu.memory_space<hbm>>
      tpu.wait_indirect_dma semaphore(%arg11 : memref<!tpu.dma_semaphore, #tpu.memory_space<semaphore_mem>>) src(%dma_wait3A_70 : memref<10000x128xf32, #tpu.memory_space<hbm>>) dst(%arg8 : memref<128x128xf32, #tpu.memory_space<vmem>>)
      "tpu.region"() ({
        %run_scoped3A = tpu.sem_alloc : memref<!tpu.dma_semaphore, #tpu.memory_space<semaphore_mem>>
        %dma_start3A_92 = arith.constant 0 : i32
        %dma_start3A_93 = tpu.memref_slice %arg7[%add3A_49, %dma_start3A_92] : memref<40x128xi32, #tpu.memory_space<vmem>> -> memref<1x128xi32, #tpu.memory_space<vmem>>
        %dma_start3A_94 = tpu.memref_squeeze %dma_start3A_93 : memref<1x128xi32, #tpu.memory_space<vmem>> -> memref<128xi32, #tpu.memory_space<vmem>>
        %dma_start3A_95 = arith.constant 0 : i32
        %dma_start3A_96 = arith.constant 0 : i32
        %dma_start3A_97 = tpu.memref_slice %arg10[%dma_start3A_95, %dma_start3A_96] : memref<10240x128xf32, #tpu.memory_space<vmem_shared>> -> memref<10240x128xf32, #tpu.memory_space<vmem_shared>>
        tpu.enqueue_indirect_dma source(%arg8 : memref<128x128xf32, #tpu.memory_space<vmem>>) target(%dma_start3A_97 : memref<10240x128xf32, #tpu.memory_space<vmem_shared>>) offsets(%dma_start3A_94 : memref<128xi32, #tpu.memory_space<vmem>>) semaphore(%run_scoped3A : memref<!tpu.dma_semaphore, #tpu.memory_space<semaphore_mem>>) {add = true}
        %dma_wait3A_98 = arith.constant 0 : i32
        %dma_wait3A_99 = tpu.memref_slice %arg7[%add3A_49, %dma_wait3A_98] : memref<40x128xi32, #tpu.memory_space<vmem>> -> memref<1x128xi32, #tpu.memory_space<vmem>>
        %dma_wait3A_100 = tpu.memref_squeeze %dma_wait3A_99 : memref<1x128xi32, #tpu.memory_space<vmem>> -> memref<128xi32, #tpu.memory_space<vmem>>
        %dma_wait3A_101 = arith.constant 0 : i32
        %dma_wait3A_102 = arith.constant 0 : i32
        %dma_wait3A_103 = tpu.memref_slice %arg10[%dma_wait3A_101, %dma_wait3A_102] : memref<10240x128xf32, #tpu.memory_space<vmem_shared>> -> memref<10240x128xf32, #tpu.memory_space<vmem_shared>>
        tpu.wait_indirect_dma semaphore(%run_scoped3A : memref<!tpu.dma_semaphore, #tpu.memory_space<semaphore_mem>>) src(%arg8 : memref<128x128xf32, #tpu.memory_space<vmem>>) dst(%dma_wait3A_103 : memref<10240x128xf32, #tpu.memory_space<vmem_shared>>)
        tpu.yield
      }) : () -> ()
      %add3A_71 = arith.constant 2 : i32
      %add3A_72 = arith.addi %add3A_49, %add3A_71 : i32
      %lt3A_73 = arith.constant 40 : i32
      %lt3A_74 = arith.cmpi slt, %add3A_72, %lt3A_73 : i32
      %convert_element_type3A_75 = arith.extui %lt3A_74 : i1 to i32
      %cond3A_76 = arith.constant 0 : i32
      %cond3A_77 = arith.cmpi ne, %convert_element_type3A_75, %cond3A_76 : i32
      scf.if %cond3A_77 {
        %add3A_92 = arith.constant 2 : i32
        %add3A_93 = arith.addi %add3A_49, %add3A_92 : i32
        %dma_start3A_94 = arith.constant 0 : i32
        %dma_start3A_95 = tpu.memref_slice %arg6[%add3A_93, %dma_start3A_94] : memref<40x128xi32, #tpu.memory_space<vmem>> -> memref<1x128xi32, #tpu.memory_space<vmem>>
        %dma_start3A_96 = tpu.memref_squeeze %dma_start3A_95 : memref<1x128xi32, #tpu.memory_space<vmem>> -> memref<128xi32, #tpu.memory_space<vmem>>
        %dma_start3A_97 = arith.constant 0 : i32
        %dma_start3A_98 = arith.constant 0 : i32
        %dma_start3A_99 = tpu.memref_slice %arg2[%arg0, %dma_start3A_97, %dma_start3A_98] : memref<2x10000x128xf32, #tpu.memory_space<hbm>> -> memref<1x10000x128xf32, #tpu.memory_space<hbm>>
        %dma_start3A_100 = tpu.memref_squeeze %dma_start3A_99 : memref<1x10000x128xf32, #tpu.memory_space<hbm>> -> memref<10000x128xf32, #tpu.memory_space<hbm>>
        %dma_start3A_101 = arith.constant 0 : i32
        %dma_start3A_102 = arith.constant 0 : i32
        %dma_start3A_103 = tpu.memref_slice %dma_start3A_100[%dma_start3A_101, %dma_start3A_102] : memref<10000x128xf32, #tpu.memory_space<hbm>> -> memref<10000x128xf32, #tpu.memory_space<hbm>>
        tpu.enqueue_indirect_dma source(%dma_start3A_103 : memref<10000x128xf32, #tpu.memory_space<hbm>>) target(%arg8 : memref<128x128xf32, #tpu.memory_space<vmem>>) offsets(%dma_start3A_96 : memref<128xi32, #tpu.memory_space<vmem>>) semaphore(%arg11 : memref<!tpu.dma_semaphore, #tpu.memory_space<semaphore_mem>>)
      } else {
      }
      %add3A_78 = arith.constant 1 : i32
      %add3A_79 = arith.addi %add3A_49, %add3A_78 : i32
      %dma_wait3A_80 = arith.constant 0 : i32
      %dma_wait3A_81 = tpu.memref_slice %arg6[%add3A_79, %dma_wait3A_80] : memref<40x128xi32, #tpu.memory_space<vmem>> -> memref<1x128xi32, #tpu.memory_space<vmem>>
      %dma_wait3A_82 = tpu.memref_squeeze %dma_wait3A_81 : memref<1x128xi32, #tpu.memory_space<vmem>> -> memref<128xi32, #tpu.memory_space<vmem>>
      %dma_wait3A_83 = arith.constant 0 : i32
      %dma_wait3A_84 = arith.constant 0 : i32
      %dma_wait3A_85 = tpu.memref_slice %arg2[%arg0, %dma_wait3A_83, %dma_wait3A_84] : memref<2x10000x128xf32, #tpu.memory_space<hbm>> -> memref<1x10000x128xf32, #tpu.memory_space<hbm>>
      %dma_wait3A_86 = tpu.memref_squeeze %dma_wait3A_85 : memref<1x10000x128xf32, #tpu.memory_space<hbm>> -> memref<10000x128xf32, #tpu.memory_space<hbm>>
      %dma_wait3A_87 = arith.constant 0 : i32
      %dma_wait3A_88 = arith.constant 0 : i32
      %dma_wait3A_89 = tpu.memref_slice %dma_wait3A_86[%dma_wait3A_87, %dma_wait3A_88] : memref<10000x128xf32, #tpu.memory_space<hbm>> -> memref<10000x128xf32, #tpu.memory_space<hbm>>
      tpu.wait_indirect_dma semaphore(%arg12 : memref<!tpu.dma_semaphore, #tpu.memory_space<semaphore_mem>>) src(%dma_wait3A_89 : memref<10000x128xf32, #tpu.memory_space<hbm>>) dst(%arg9 : memref<128x128xf32, #tpu.memory_space<vmem>>)
      %add3A_90 = arith.constant 1 : i32
      %add3A_91 = arith.addi %add3A_49, %add3A_90 : i32
      "tpu.region"() ({
        %run_scoped3A = tpu.sem_alloc : memref<!tpu.dma_semaphore, #tpu.memory_space<semaphore_mem>>
        %dma_start3A_92 = arith.constant 0 : i32
        %dma_start3A_93 = tpu.memref_slice %arg7[%add3A_91, %dma_start3A_92] : memref<40x128xi32, #tpu.memory_space<vmem>> -> memref<1x128xi32, #tpu.memory_space<vmem>>
        %dma_start3A_94 = tpu.memref_squeeze %dma_start3A_93 : memref<1x128xi32, #tpu.memory_space<vmem>> -> memref<128xi32, #tpu.memory_space<vmem>>
        %dma_start3A_95 = arith.constant 0 : i32
        %dma_start3A_96 = arith.constant 0 : i32
        %dma_start3A_97 = tpu.memref_slice %arg10[%dma_start3A_95, %dma_start3A_96] : memref<10240x128xf32, #tpu.memory_space<vmem_shared>> -> memref<10240x128xf32, #tpu.memory_space<vmem_shared>>
        tpu.enqueue_indirect_dma source(%arg9 : memref<128x128xf32, #tpu.memory_space<vmem>>) target(%dma_start3A_97 : memref<10240x128xf32, #tpu.memory_space<vmem_shared>>) offsets(%dma_start3A_94 : memref<128xi32, #tpu.memory_space<vmem>>) semaphore(%run_scoped3A : memref<!tpu.dma_semaphore, #tpu.memory_space<semaphore_mem>>) {add = true}
        %dma_wait3A_98 = arith.constant 0 : i32
        %dma_wait3A_99 = tpu.memref_slice %arg7[%add3A_91, %dma_wait3A_98] : memref<40x128xi32, #tpu.memory_space<vmem>> -> memref<1x128xi32, #tpu.memory_space<vmem>>
        %dma_wait3A_100 = tpu.memref_squeeze %dma_wait3A_99 : memref<1x128xi32, #tpu.memory_space<vmem>> -> memref<128xi32, #tpu.memory_space<vmem>>
        %dma_wait3A_101 = arith.constant 0 : i32
        %dma_wait3A_102 = arith.constant 0 : i32
        %dma_wait3A_103 = tpu.memref_slice %arg10[%dma_wait3A_101, %dma_wait3A_102] : memref<10240x128xf32, #tpu.memory_space<vmem_shared>> -> memref<10240x128xf32, #tpu.memory_space<vmem_shared>>
        tpu.wait_indirect_dma semaphore(%run_scoped3A : memref<!tpu.dma_semaphore, #tpu.memory_space<semaphore_mem>>) src(%arg9 : memref<128x128xf32, #tpu.memory_space<vmem>>) dst(%dma_wait3A_103 : memref<10240x128xf32, #tpu.memory_space<vmem_shared>>)
        tpu.yield
      }) : () -> ()
    }
    %scan3A_19 = arith.constant 20 : i32
    "tpu.region"() ({
      %run_scoped3A = tpu.sem_alloc : memref<!tpu.dma_semaphore, #tpu.memory_space<semaphore_mem>>
      %dma_start3A_47 = arith.constant 0 : i32
      %dma_start3A_48 = arith.constant 0 : i32
      %dma_start3A_49 = tpu.memref_slice %arg3[%arg1, %dma_start3A_47, %dma_start3A_48] : memref<16x80x128xi32, #tpu.memory_space<hbm>> -> memref<1x80x128xi32, #tpu.memory_space<hbm>>
      %dma_start3A_50 = tpu.memref_squeeze %dma_start3A_49 : memref<1x80x128xi32, #tpu.memory_space<hbm>> -> memref<80x128xi32, #tpu.memory_space<hbm>>
      %dma_start3A_51 = arith.constant 40 : i32
      %dma_start3A_52 = arith.constant 0 : i32
      %dma_start3A_53 = tpu.memref_slice %dma_start3A_50[%dma_start3A_51, %dma_start3A_52] : memref<80x128xi32, #tpu.memory_space<hbm>> -> memref<40x128xi32, #tpu.memory_space<hbm>>
      %dma_start3A_54 = arith.constant 0 : i32
      %dma_start3A_55 = arith.constant 0 : i32
      %dma_start3A_56 = tpu.memref_slice %arg3[%arg1, %dma_start3A_54, %dma_start3A_55] : memref<16x80x128xi32, #tpu.memory_space<hbm>> -> memref<1x80x128xi32, #tpu.memory_space<hbm>>
      %dma_start3A_57 = tpu.memref_squeeze %dma_start3A_56 : memref<1x80x128xi32, #tpu.memory_space<hbm>> -> memref<80x128xi32, #tpu.memory_space<hbm>>
      %dma_start3A_58 = arith.constant 40 : i32
      %dma_start3A_59 = arith.constant 0 : i32
      %dma_start3A_60 = tpu.memref_slice %dma_start3A_57[%dma_start3A_58, %dma_start3A_59] : memref<80x128xi32, #tpu.memory_space<hbm>> -> memref<40x128xi32, #tpu.memory_space<hbm>>
      tpu.enqueue_dma source(%dma_start3A_60 : memref<40x128xi32, #tpu.memory_space<hbm>>) target(%arg6 : memref<40x128xi32, #tpu.memory_space<vmem>>) target_semaphore(%run_scoped3A : memref<!tpu.dma_semaphore, #tpu.memory_space<semaphore_mem>>)
      %dma_wait3A = arith.constant 0 : i32
      %dma_wait3A_61 = arith.constant 0 : i32
      %dma_wait3A_62 = tpu.memref_slice %arg3[%arg1, %dma_wait3A, %dma_wait3A_61] : memref<16x80x128xi32, #tpu.memory_space<hbm>> -> memref<1x80x128xi32, #tpu.memory_space<hbm>>
      %dma_wait3A_63 = tpu.memref_squeeze %dma_wait3A_62 : memref<1x80x128xi32, #tpu.memory_space<hbm>> -> memref<80x128xi32, #tpu.memory_space<hbm>>
      %dma_wait3A_64 = arith.constant 40 : i32
      %dma_wait3A_65 = arith.constant 0 : i32
      %dma_wait3A_66 = tpu.memref_slice %dma_wait3A_63[%dma_wait3A_64, %dma_wait3A_65] : memref<80x128xi32, #tpu.memory_space<hbm>> -> memref<40x128xi32, #tpu.memory_space<hbm>>
      %dma_wait3A_67 = arith.constant 0 : i32
      %dma_wait3A_68 = arith.constant 0 : i32
      %dma_wait3A_69 = tpu.memref_slice %arg3[%arg1, %dma_wait3A_67, %dma_wait3A_68] : memref<16x80x128xi32, #tpu.memory_space<hbm>> -> memref<1x80x128xi32, #tpu.memory_space<hbm>>
      %dma_wait3A_70 = tpu.memref_squeeze %dma_wait3A_69 : memref<1x80x128xi32, #tpu.memory_space<hbm>> -> memref<80x128xi32, #tpu.memory_space<hbm>>
      %dma_wait3A_71 = arith.constant 40 : i32
      %dma_wait3A_72 = arith.constant 0 : i32
      %dma_wait3A_73 = tpu.memref_slice %dma_wait3A_70[%dma_wait3A_71, %dma_wait3A_72] : memref<80x128xi32, #tpu.memory_space<hbm>> -> memref<40x128xi32, #tpu.memory_space<hbm>>
      tpu.wait_dma2 semaphore(%run_scoped3A : memref<!tpu.dma_semaphore, #tpu.memory_space<semaphore_mem>>) src(%dma_wait3A_73 : memref<40x128xi32, #tpu.memory_space<hbm>>) dst(%arg6 : memref<40x128xi32, #tpu.memory_space<vmem>>)
      tpu.yield
    }) : () -> ()
    "tpu.region"() ({
      %run_scoped3A = tpu.sem_alloc : memref<!tpu.dma_semaphore, #tpu.memory_space<semaphore_mem>>
      %dma_start3A_47 = arith.constant 0 : i32
      %dma_start3A_48 = arith.constant 0 : i32
      %dma_start3A_49 = tpu.memref_slice %arg4[%arg1, %dma_start3A_47, %dma_start3A_48] : memref<16x80x128xi32, #tpu.memory_space<hbm>> -> memref<1x80x128xi32, #tpu.memory_space<hbm>>
      %dma_start3A_50 = tpu.memref_squeeze %dma_start3A_49 : memref<1x80x128xi32, #tpu.memory_space<hbm>> -> memref<80x128xi32, #tpu.memory_space<hbm>>
      %dma_start3A_51 = arith.constant 40 : i32
      %dma_start3A_52 = arith.constant 0 : i32
      %dma_start3A_53 = tpu.memref_slice %dma_start3A_50[%dma_start3A_51, %dma_start3A_52] : memref<80x128xi32, #tpu.memory_space<hbm>> -> memref<40x128xi32, #tpu.memory_space<hbm>>
      %dma_start3A_54 = arith.constant 0 : i32
      %dma_start3A_55 = arith.constant 0 : i32
      %dma_start3A_56 = tpu.memref_slice %arg4[%arg1, %dma_start3A_54, %dma_start3A_55] : memref<16x80x128xi32, #tpu.memory_space<hbm>> -> memref<1x80x128xi32, #tpu.memory_space<hbm>>
      %dma_start3A_57 = tpu.memref_squeeze %dma_start3A_56 : memref<1x80x128xi32, #tpu.memory_space<hbm>> -> memref<80x128xi32, #tpu.memory_space<hbm>>
      %dma_start3A_58 = arith.constant 40 : i32
      %dma_start3A_59 = arith.constant 0 : i32
      %dma_start3A_60 = tpu.memref_slice %dma_start3A_57[%dma_start3A_58, %dma_start3A_59] : memref<80x128xi32, #tpu.memory_space<hbm>> -> memref<40x128xi32, #tpu.memory_space<hbm>>
      tpu.enqueue_dma source(%dma_start3A_60 : memref<40x128xi32, #tpu.memory_space<hbm>>) target(%arg7 : memref<40x128xi32, #tpu.memory_space<vmem>>) target_semaphore(%run_scoped3A : memref<!tpu.dma_semaphore, #tpu.memory_space<semaphore_mem>>)
      %dma_wait3A = arith.constant 0 : i32
      %dma_wait3A_61 = arith.constant 0 : i32
      %dma_wait3A_62 = tpu.memref_slice %arg4[%arg1, %dma_wait3A, %dma_wait3A_61] : memref<16x80x128xi32, #tpu.memory_space<hbm>> -> memref<1x80x128xi32, #tpu.memory_space<hbm>>
      %dma_wait3A_63 = tpu.memref_squeeze %dma_wait3A_62 : memref<1x80x128xi32, #tpu.memory_space<hbm>> -> memref<80x128xi32, #tpu.memory_space<hbm>>
      %dma_wait3A_64 = arith.constant 40 : i32
      %dma_wait3A_65 = arith.constant 0 : i32
      %dma_wait3A_66 = tpu.memref_slice %dma_wait3A_63[%dma_wait3A_64, %dma_wait3A_65] : memref<80x128xi32, #tpu.memory_space<hbm>> -> memref<40x128xi32, #tpu.memory_space<hbm>>
      %dma_wait3A_67 = arith.constant 0 : i32
      %dma_wait3A_68 = arith.constant 0 : i32
      %dma_wait3A_69 = tpu.memref_slice %arg4[%arg1, %dma_wait3A_67, %dma_wait3A_68] : memref<16x80x128xi32, #tpu.memory_space<hbm>> -> memref<1x80x128xi32, #tpu.memory_space<hbm>>
      %dma_wait3A_70 = tpu.memref_squeeze %dma_wait3A_69 : memref<1x80x128xi32, #tpu.memory_space<hbm>> -> memref<80x128xi32, #tpu.memory_space<hbm>>
      %dma_wait3A_71 = arith.constant 40 : i32
      %dma_wait3A_72 = arith.constant 0 : i32
      %dma_wait3A_73 = tpu.memref_slice %dma_wait3A_70[%dma_wait3A_71, %dma_wait3A_72] : memref<80x128xi32, #tpu.memory_space<hbm>> -> memref<40x128xi32, #tpu.memory_space<hbm>>
      tpu.wait_dma2 semaphore(%run_scoped3A : memref<!tpu.dma_semaphore, #tpu.memory_space<semaphore_mem>>) src(%dma_wait3A_73 : memref<40x128xi32, #tpu.memory_space<hbm>>) dst(%arg7 : memref<40x128xi32, #tpu.memory_space<vmem>>)
      tpu.yield
    }) : () -> ()
    %dma_start3A_20 = arith.constant 0 : i32
    %dma_start3A_21 = arith.constant 0 : i32
    %dma_start3A_22 = tpu.memref_slice %arg6[%dma_start3A_20, %dma_start3A_21] : memref<40x128xi32, #tpu.memory_space<vmem>> -> memref<1x128xi32, #tpu.memory_space<vmem>>
    %dma_start3A_23 = tpu.memref_squeeze %dma_start3A_22 : memref<1x128xi32, #tpu.memory_space<vmem>> -> memref<128xi32, #tpu.memory_space<vmem>>
    %dma_start3A_24 = arith.constant 0 : i32
    %dma_start3A_25 = arith.constant 0 : i32
    %dma_start3A_26 = tpu.memref_slice %arg2[%arg0, %dma_start3A_24, %dma_start3A_25] : memref<2x10000x128xf32, #tpu.memory_space<hbm>> -> memref<1x10000x128xf32, #tpu.memory_space<hbm>>
    %dma_start3A_27 = tpu.memref_squeeze %dma_start3A_26 : memref<1x10000x128xf32, #tpu.memory_space<hbm>> -> memref<10000x128xf32, #tpu.memory_space<hbm>>
    %dma_start3A_28 = arith.constant 0 : i32
    %dma_start3A_29 = arith.constant 0 : i32
    %dma_start3A_30 = tpu.memref_slice %dma_start3A_27[%dma_start3A_28, %dma_start3A_29] : memref<10000x128xf32, #tpu.memory_space<hbm>> -> memref<10000x128xf32, #tpu.memory_space<hbm>>
    tpu.enqueue_indirect_dma source(%dma_start3A_30 : memref<10000x128xf32, #tpu.memory_space<hbm>>) target(%arg8 : memref<128x128xf32, #tpu.memory_space<vmem>>) offsets(%dma_start3A_23 : memref<128xi32, #tpu.memory_space<vmem>>) semaphore(%arg11 : memref<!tpu.dma_semaphore, #tpu.memory_space<semaphore_mem>>)
    %scan3A_31 = arith.constant 0 : i32
    %scan3A_32 = arith.constant 20 : i32
    %scan3A_33 = arith.addi %scan3A_31, %scan3A_32 : i32
    %scan3A_34 = arith.constant 1 : i32
    scf.for %scan3A_47 = %scan3A_31 to %scan3A_33 step %scan3A_34  : i32 {
      %mul3A = arith.constant 2 : i32
      %mul3A_48 = arith.muli %scan3A_47, %mul3A : i32
      %add3A = arith.constant 0 : i32
      %add3A_49 = arith.addi %add3A, %mul3A_48 : i32
      %add3A_50 = arith.constant 1 : i32
      %add3A_51 = arith.addi %add3A_49, %add3A_50 : i32
      %dma_start3A_52 = arith.constant 0 : i32
      %dma_start3A_53 = tpu.memref_slice %arg6[%add3A_51, %dma_start3A_52] : memref<40x128xi32, #tpu.memory_space<vmem>> -> memref<1x128xi32, #tpu.memory_space<vmem>>
      %dma_start3A_54 = tpu.memref_squeeze %dma_start3A_53 : memref<1x128xi32, #tpu.memory_space<vmem>> -> memref<128xi32, #tpu.memory_space<vmem>>
      %dma_start3A_55 = arith.constant 0 : i32
      %dma_start3A_56 = arith.constant 0 : i32
      %dma_start3A_57 = tpu.memref_slice %arg2[%arg0, %dma_start3A_55, %dma_start3A_56] : memref<2x10000x128xf32, #tpu.memory_space<hbm>> -> memref<1x10000x128xf32, #tpu.memory_space<hbm>>
      %dma_start3A_58 = tpu.memref_squeeze %dma_start3A_57 : memref<1x10000x128xf32, #tpu.memory_space<hbm>> -> memref<10000x128xf32, #tpu.memory_space<hbm>>
      %dma_start3A_59 = arith.constant 0 : i32
      %dma_start3A_60 = arith.constant 0 : i32
      %dma_start3A_61 = tpu.memref_slice %dma_start3A_58[%dma_start3A_59, %dma_start3A_60] : memref<10000x128xf32, #tpu.memory_space<hbm>> -> memref<10000x128xf32, #tpu.memory_space<hbm>>
      tpu.enqueue_indirect_dma source(%dma_start3A_61 : memref<10000x128xf32, #tpu.memory_space<hbm>>) target(%arg9 : memref<128x128xf32, #tpu.memory_space<vmem>>) offsets(%dma_start3A_54 : memref<128xi32, #tpu.memory_space<vmem>>) semaphore(%arg12 : memref<!tpu.dma_semaphore, #tpu.memory_space<semaphore_mem>>)
      %dma_wait3A = arith.constant 0 : i32
      %dma_wait3A_62 = tpu.memref_slice %arg6[%add3A_49, %dma_wait3A] : memref<40x128xi32, #tpu.memory_space<vmem>> -> memref<1x128xi32, #tpu.memory_space<vmem>>
      %dma_wait3A_63 = tpu.memref_squeeze %dma_wait3A_62 : memref<1x128xi32, #tpu.memory_space<vmem>> -> memref<128xi32, #tpu.memory_space<vmem>>
      %dma_wait3A_64 = arith.constant 0 : i32
      %dma_wait3A_65 = arith.constant 0 : i32
      %dma_wait3A_66 = tpu.memref_slice %arg2[%arg0, %dma_wait3A_64, %dma_wait3A_65] : memref<2x10000x128xf32, #tpu.memory_space<hbm>> -> memref<1x10000x128xf32, #tpu.memory_space<hbm>>
      %dma_wait3A_67 = tpu.memref_squeeze %dma_wait3A_66 : memref<1x10000x128xf32, #tpu.memory_space<hbm>> -> memref<10000x128xf32, #tpu.memory_space<hbm>>
      %dma_wait3A_68 = arith.constant 0 : i32
      %dma_wait3A_69 = arith.constant 0 : i32
      %dma_wait3A_70 = tpu.memref_slice %dma_wait3A_67[%dma_wait3A_68, %dma_wait3A_69] : memref<10000x128xf32, #tpu.memory_space<hbm>> -> memref<10000x128xf32, #tpu.memory_space<hbm>>
      tpu.wait_indirect_dma semaphore(%arg11 : memref<!tpu.dma_semaphore, #tpu.memory_space<semaphore_mem>>) src(%dma_wait3A_70 : memref<10000x128xf32, #tpu.memory_space<hbm>>) dst(%arg8 : memref<128x128xf32, #tpu.memory_space<vmem>>)
      "tpu.region"() ({
        %run_scoped3A = tpu.sem_alloc : memref<!tpu.dma_semaphore, #tpu.memory_space<semaphore_mem>>
        %dma_start3A_92 = arith.constant 0 : i32
        %dma_start3A_93 = tpu.memref_slice %arg7[%add3A_49, %dma_start3A_92] : memref<40x128xi32, #tpu.memory_space<vmem>> -> memref<1x128xi32, #tpu.memory_space<vmem>>
        %dma_start3A_94 = tpu.memref_squeeze %dma_start3A_93 : memref<1x128xi32, #tpu.memory_space<vmem>> -> memref<128xi32, #tpu.memory_space<vmem>>
        %dma_start3A_95 = arith.constant 0 : i32
        %dma_start3A_96 = arith.constant 0 : i32
        %dma_start3A_97 = tpu.memref_slice %arg10[%dma_start3A_95, %dma_start3A_96] : memref<10240x128xf32, #tpu.memory_space<vmem_shared>> -> memref<10240x128xf32, #tpu.memory_space<vmem_shared>>
        tpu.enqueue_indirect_dma source(%arg8 : memref<128x128xf32, #tpu.memory_space<vmem>>) target(%dma_start3A_97 : memref<10240x128xf32, #tpu.memory_space<vmem_shared>>) offsets(%dma_start3A_94 : memref<128xi32, #tpu.memory_space<vmem>>) semaphore(%run_scoped3A : memref<!tpu.dma_semaphore, #tpu.memory_space<semaphore_mem>>) {add = true}
        %dma_wait3A_98 = arith.constant 0 : i32
        %dma_wait3A_99 = tpu.memref_slice %arg7[%add3A_49, %dma_wait3A_98] : memref<40x128xi32, #tpu.memory_space<vmem>> -> memref<1x128xi32, #tpu.memory_space<vmem>>
        %dma_wait3A_100 = tpu.memref_squeeze %dma_wait3A_99 : memref<1x128xi32, #tpu.memory_space<vmem>> -> memref<128xi32, #tpu.memory_space<vmem>>
        %dma_wait3A_101 = arith.constant 0 : i32
        %dma_wait3A_102 = arith.constant 0 : i32
        %dma_wait3A_103 = tpu.memref_slice %arg10[%dma_wait3A_101, %dma_wait3A_102] : memref<10240x128xf32, #tpu.memory_space<vmem_shared>> -> memref<10240x128xf32, #tpu.memory_space<vmem_shared>>
        tpu.wait_indirect_dma semaphore(%run_scoped3A : memref<!tpu.dma_semaphore, #tpu.memory_space<semaphore_mem>>) src(%arg8 : memref<128x128xf32, #tpu.memory_space<vmem>>) dst(%dma_wait3A_103 : memref<10240x128xf32, #tpu.memory_space<vmem_shared>>)
        tpu.yield
      }) : () -> ()
      %add3A_71 = arith.constant 2 : i32
      %add3A_72 = arith.addi %add3A_49, %add3A_71 : i32
      %lt3A_73 = arith.constant 40 : i32
      %lt3A_74 = arith.cmpi slt, %add3A_72, %lt3A_73 : i32
      %convert_element_type3A_75 = arith.extui %lt3A_74 : i1 to i32
      %cond3A_76 = arith.constant 0 : i32
      %cond3A_77 = arith.cmpi ne, %convert_element_type3A_75, %cond3A_76 : i32
      scf.if %cond3A_77 {
        %add3A_92 = arith.constant 2 : i32
        %add3A_93 = arith.addi %add3A_49, %add3A_92 : i32
        %dma_start3A_94 = arith.constant 0 : i32
        %dma_start3A_95 = tpu.memref_slice %arg6[%add3A_93, %dma_start3A_94] : memref<40x128xi32, #tpu.memory_space<vmem>> -> memref<1x128xi32, #tpu.memory_space<vmem>>
        %dma_start3A_96 = tpu.memref_squeeze %dma_start3A_95 : memref<1x128xi32, #tpu.memory_space<vmem>> -> memref<128xi32, #tpu.memory_space<vmem>>
        %dma_start3A_97 = arith.constant 0 : i32
        %dma_start3A_98 = arith.constant 0 : i32
        %dma_start3A_99 = tpu.memref_slice %arg2[%arg0, %dma_start3A_97, %dma_start3A_98] : memref<2x10000x128xf32, #tpu.memory_space<hbm>> -> memref<1x10000x128xf32, #tpu.memory_space<hbm>>
        %dma_start3A_100 = tpu.memref_squeeze %dma_start3A_99 : memref<1x10000x128xf32, #tpu.memory_space<hbm>> -> memref<10000x128xf32, #tpu.memory_space<hbm>>
        %dma_start3A_101 = arith.constant 0 : i32
        %dma_start3A_102 = arith.constant 0 : i32
        %dma_start3A_103 = tpu.memref_slice %dma_start3A_100[%dma_start3A_101, %dma_start3A_102] : memref<10000x128xf32, #tpu.memory_space<hbm>> -> memref<10000x128xf32, #tpu.memory_space<hbm>>
        tpu.enqueue_indirect_dma source(%dma_start3A_103 : memref<10000x128xf32, #tpu.memory_space<hbm>>) target(%arg8 : memref<128x128xf32, #tpu.memory_space<vmem>>) offsets(%dma_start3A_96 : memref<128xi32, #tpu.memory_space<vmem>>) semaphore(%arg11 : memref<!tpu.dma_semaphore, #tpu.memory_space<semaphore_mem>>)
      } else {
      }
      %add3A_78 = arith.constant 1 : i32
      %add3A_79 = arith.addi %add3A_49, %add3A_78 : i32
      %dma_wait3A_80 = arith.constant 0 : i32
      %dma_wait3A_81 = tpu.memref_slice %arg6[%add3A_79, %dma_wait3A_80] : memref<40x128xi32, #tpu.memory_space<vmem>> -> memref<1x128xi32, #tpu.memory_space<vmem>>
      %dma_wait3A_82 = tpu.memref_squeeze %dma_wait3A_81 : memref<1x128xi32, #tpu.memory_space<vmem>> -> memref<128xi32, #tpu.memory_space<vmem>>
      %dma_wait3A_83 = arith.constant 0 : i32
      %dma_wait3A_84 = arith.constant 0 : i32
      %dma_wait3A_85 = tpu.memref_slice %arg2[%arg0, %dma_wait3A_83, %dma_wait3A_84] : memref<2x10000x128xf32, #tpu.memory_space<hbm>> -> memref<1x10000x128xf32, #tpu.memory_space<hbm>>
      %dma_wait3A_86 = tpu.memref_squeeze %dma_wait3A_85 : memref<1x10000x128xf32, #tpu.memory_space<hbm>> -> memref<10000x128xf32, #tpu.memory_space<hbm>>
      %dma_wait3A_87 = arith.constant 0 : i32
      %dma_wait3A_88 = arith.constant 0 : i32
      %dma_wait3A_89 = tpu.memref_slice %dma_wait3A_86[%dma_wait3A_87, %dma_wait3A_88] : memref<10000x128xf32, #tpu.memory_space<hbm>> -> memref<10000x128xf32, #tpu.memory_space<hbm>>
      tpu.wait_indirect_dma semaphore(%arg12 : memref<!tpu.dma_semaphore, #tpu.memory_space<semaphore_mem>>) src(%dma_wait3A_89 : memref<10000x128xf32, #tpu.memory_space<hbm>>) dst(%arg9 : memref<128x128xf32, #tpu.memory_space<vmem>>)
      %add3A_90 = arith.constant 1 : i32
      %add3A_91 = arith.addi %add3A_49, %add3A_90 : i32
      "tpu.region"() ({
        %run_scoped3A = tpu.sem_alloc : memref<!tpu.dma_semaphore, #tpu.memory_space<semaphore_mem>>
        %dma_start3A_92 = arith.constant 0 : i32
        %dma_start3A_93 = tpu.memref_slice %arg7[%add3A_91, %dma_start3A_92] : memref<40x128xi32, #tpu.memory_space<vmem>> -> memref<1x128xi32, #tpu.memory_space<vmem>>
        %dma_start3A_94 = tpu.memref_squeeze %dma_start3A_93 : memref<1x128xi32, #tpu.memory_space<vmem>> -> memref<128xi32, #tpu.memory_space<vmem>>
        %dma_start3A_95 = arith.constant 0 : i32
        %dma_start3A_96 = arith.constant 0 : i32
        %dma_start3A_97 = tpu.memref_slice %arg10[%dma_start3A_95, %dma_start3A_96] : memref<10240x128xf32, #tpu.memory_space<vmem_shared>> -> memref<10240x128xf32, #tpu.memory_space<vmem_shared>>
        tpu.enqueue_indirect_dma source(%arg9 : memref<128x128xf32, #tpu.memory_space<vmem>>) target(%dma_start3A_97 : memref<10240x128xf32, #tpu.memory_space<vmem_shared>>) offsets(%dma_start3A_94 : memref<128xi32, #tpu.memory_space<vmem>>) semaphore(%run_scoped3A : memref<!tpu.dma_semaphore, #tpu.memory_space<semaphore_mem>>) {add = true}
        %dma_wait3A_98 = arith.constant 0 : i32
        %dma_wait3A_99 = tpu.memref_slice %arg7[%add3A_91, %dma_wait3A_98] : memref<40x128xi32, #tpu.memory_space<vmem>> -> memref<1x128xi32, #tpu.memory_space<vmem>>
        %dma_wait3A_100 = tpu.memref_squeeze %dma_wait3A_99 : memref<1x128xi32, #tpu.memory_space<vmem>> -> memref<128xi32, #tpu.memory_space<vmem>>
        %dma_wait3A_101 = arith.constant 0 : i32
        %dma_wait3A_102 = arith.constant 0 : i32
        %dma_wait3A_103 = tpu.memref_slice %arg10[%dma_wait3A_101, %dma_wait3A_102] : memref<10240x128xf32, #tpu.memory_space<vmem_shared>> -> memref<10240x128xf32, #tpu.memory_space<vmem_shared>>
        tpu.wait_indirect_dma semaphore(%run_scoped3A : memref<!tpu.dma_semaphore, #tpu.memory_space<semaphore_mem>>) src(%arg9 : memref<128x128xf32, #tpu.memory_space<vmem>>) dst(%dma_wait3A_103 : memref<10240x128xf32, #tpu.memory_space<vmem_shared>>)
        tpu.yield
      }) : () -> ()
    }
    %scan3A_35 = arith.constant 20 : i32
    %barrier3A_36 = arith.constant 0 : index
    tpu.barrier barrier_id(%barrier3A_36)
    %lt3A_37 = arith.constant 15 : i32
    %lt3A_38 = arith.cmpi slt, %arg1, %lt3A_37 : i32
    %convert_element_type3A_39 = arith.extui %lt3A_38 : i1 to i32
    %cond3A_40 = arith.constant 0 : i32
    %cond3A_41 = arith.cmpi ne, %convert_element_type3A_39, %cond3A_40 : i32
    scf.if %cond3A_41 {
      %mul3A = arith.constant 640 : i32
      %mul3A_47 = arith.muli %arg1, %mul3A : i32
      "tpu.region"() ({
        %run_scoped3A = tpu.sem_alloc : memref<!tpu.dma_semaphore, #tpu.memory_space<semaphore_mem>>
        %dma_start3A_48 = arith.constant 0 : i32
        %dma_start3A_49 = arith.constant 0 : i32
        %dma_start3A_50 = tpu.memref_slice %arg5[%arg0, %dma_start3A_48, %dma_start3A_49] : memref<2x10000x128xf32, #tpu.memory_space<hbm>> -> memref<1x10000x128xf32, #tpu.memory_space<hbm>>
        %dma_start3A_51 = tpu.memref_squeeze %dma_start3A_50 : memref<1x10000x128xf32, #tpu.memory_space<hbm>> -> memref<10000x128xf32, #tpu.memory_space<hbm>>
        %dma_start3A_52 = arith.constant 0 : i32
        %dma_start3A_53 = tpu.memref_slice %dma_start3A_51[%mul3A_47, %dma_start3A_52] : memref<10000x128xf32, #tpu.memory_space<hbm>> -> memref<640x128xf32, #tpu.memory_space<hbm>>
        %dma_start3A_54 = arith.constant 0 : i32
        %dma_start3A_55 = tpu.memref_slice %arg10[%mul3A_47, %dma_start3A_54] : memref<10240x128xf32, #tpu.memory_space<vmem_shared>> -> memref<640x128xf32, #tpu.memory_space<vmem_shared>>
        tpu.enqueue_dma source(%dma_start3A_55 : memref<640x128xf32, #tpu.memory_space<vmem_shared>>) target(%dma_start3A_53 : memref<640x128xf32, #tpu.memory_space<hbm>>) target_semaphore(%run_scoped3A : memref<!tpu.dma_semaphore, #tpu.memory_space<semaphore_mem>>)
        %dma_wait3A = arith.constant 0 : i32
        %dma_wait3A_56 = arith.constant 0 : i32
        %dma_wait3A_57 = tpu.memref_slice %arg5[%arg0, %dma_wait3A, %dma_wait3A_56] : memref<2x10000x128xf32, #tpu.memory_space<hbm>> -> memref<1x10000x128xf32, #tpu.memory_space<hbm>>
        %dma_wait3A_58 = tpu.memref_squeeze %dma_wait3A_57 : memref<1x10000x128xf32, #tpu.memory_space<hbm>> -> memref<10000x128xf32, #tpu.memory_space<hbm>>
        %dma_wait3A_59 = arith.constant 0 : i32
        %dma_wait3A_60 = tpu.memref_slice %dma_wait3A_58[%mul3A_47, %dma_wait3A_59] : memref<10000x128xf32, #tpu.memory_space<hbm>> -> memref<640x128xf32, #tpu.memory_space<hbm>>
        %dma_wait3A_61 = arith.constant 0 : i32
        %dma_wait3A_62 = tpu.memref_slice %arg10[%mul3A_47, %dma_wait3A_61] : memref<10240x128xf32, #tpu.memory_space<vmem_shared>> -> memref<640x128xf32, #tpu.memory_space<vmem_shared>>
        tpu.wait_dma2 semaphore(%run_scoped3A : memref<!tpu.dma_semaphore, #tpu.memory_space<semaphore_mem>>) src(%dma_wait3A_62 : memref<640x128xf32, #tpu.memory_space<vmem_shared>>) dst(%dma_wait3A_60 : memref<640x128xf32, #tpu.memory_space<hbm>>)
        tpu.yield
      }) : () -> ()
    } else {
    }
    %eq3A_42 = arith.constant 15 : i32
    %eq3A_43 = arith.cmpi eq, %arg1, %eq3A_42 : i32
    %convert_element_type3A_44 = arith.extui %eq3A_43 : i1 to i32
    %cond3A_45 = arith.constant 0 : i32
    %cond3A_46 = arith.cmpi ne, %convert_element_type3A_44, %cond3A_45 : i32
    scf.if %cond3A_46 {
      "tpu.region"() ({
        %run_scoped3A = tpu.sem_alloc : memref<!tpu.dma_semaphore, #tpu.memory_space<semaphore_mem>>
        %dma_start3A_47 = arith.constant 0 : i32
        %dma_start3A_48 = arith.constant 0 : i32
        %dma_start3A_49 = tpu.memref_slice %arg5[%arg0, %dma_start3A_47, %dma_start3A_48] : memref<2x10000x128xf32, #tpu.memory_space<hbm>> -> memref<1x10000x128xf32, #tpu.memory_space<hbm>>
        %dma_start3A_50 = tpu.memref_squeeze %dma_start3A_49 : memref<1x10000x128xf32, #tpu.memory_space<hbm>> -> memref<10000x128xf32, #tpu.memory_space<hbm>>
        %dma_start3A_51 = arith.constant 9600 : i32
        %dma_start3A_52 = arith.constant 0 : i32
        %dma_start3A_53 = tpu.memref_slice %dma_start3A_50[%dma_start3A_51, %dma_start3A_52] : memref<10000x128xf32, #tpu.memory_space<hbm>> -> memref<400x128xf32, #tpu.memory_space<hbm>>
        %dma_start3A_54 = arith.constant 9600 : i32
        %dma_start3A_55 = arith.constant 0 : i32
        %dma_start3A_56 = tpu.memref_slice %arg10[%dma_start3A_54, %dma_start3A_55] : memref<10240x128xf32, #tpu.memory_space<vmem_shared>> -> memref<400x128xf32, #tpu.memory_space<vmem_shared>>
        tpu.enqueue_dma source(%dma_start3A_56 : memref<400x128xf32, #tpu.memory_space<vmem_shared>>) target(%dma_start3A_53 : memref<400x128xf32, #tpu.memory_space<hbm>>) target_semaphore(%run_scoped3A : memref<!tpu.dma_semaphore, #tpu.memory_space<semaphore_mem>>)
        %dma_wait3A = arith.constant 0 : i32
        %dma_wait3A_57 = arith.constant 0 : i32
        %dma_wait3A_58 = tpu.memref_slice %arg5[%arg0, %dma_wait3A, %dma_wait3A_57] : memref<2x10000x128xf32, #tpu.memory_space<hbm>> -> memref<1x10000x128xf32, #tpu.memory_space<hbm>>
        %dma_wait3A_59 = tpu.memref_squeeze %dma_wait3A_58 : memref<1x10000x128xf32, #tpu.memory_space<hbm>> -> memref<10000x128xf32, #tpu.memory_space<hbm>>
        %dma_wait3A_60 = arith.constant 9600 : i32
        %dma_wait3A_61 = arith.constant 0 : i32
        %dma_wait3A_62 = tpu.memref_slice %dma_wait3A_59[%dma_wait3A_60, %dma_wait3A_61] : memref<10000x128xf32, #tpu.memory_space<hbm>> -> memref<400x128xf32, #tpu.memory_space<hbm>>
        %dma_wait3A_63 = arith.constant 9600 : i32
        %dma_wait3A_64 = arith.constant 0 : i32
        %dma_wait3A_65 = tpu.memref_slice %arg10[%dma_wait3A_63, %dma_wait3A_64] : memref<10240x128xf32, #tpu.memory_space<vmem_shared>> -> memref<400x128xf32, #tpu.memory_space<vmem_shared>>
        tpu.wait_dma2 semaphore(%run_scoped3A : memref<!tpu.dma_semaphore, #tpu.memory_space<semaphore_mem>>) src(%dma_wait3A_65 : memref<400x128xf32, #tpu.memory_space<vmem_shared>>) dst(%dma_wait3A_62 : memref<400x128xf32, #tpu.memory_space<hbm>>)
        tpu.yield
      }) : () -> ()
    } else {
    }
    return
  }
}

module attributes {stable_mosaic.version = 14 : i64} {
  func.func @_t1_body(%arg0: i32, %arg1: memref<1000x256xf32, #tpu.memory_space<vmem>>, %arg2: memref<256x256xf32, #tpu.memory_space<vmem>>, %arg3: memref<2x1000x128xf32, #tpu.memory_space<vmem>>, %arg4: memref<2x1000x128xf32, #tpu.memory_space<vmem>>) attributes {dimension_semantics = [#tpu.dimension_semantics<arbitrary>], iteration_bounds = array<i64: 10>, scalar_prefetch = 0 : i64, scratch_operands = 0 : i64, tpu.core_type = #tpu.core_type<tc>, window_params = [{transform_indices = @transform_0, window_bounds = array<i64: 1000, 256>}, {pipeline_mode = #tpu.pipeline_mode<synchronous>, transform_indices = @transform_1, window_bounds = array<i64: 256, 256>}, {transform_indices = @transform_2, window_bounds = array<i64: 2, 1000, 128>}, {transform_indices = @transform_3, window_bounds = array<i64: 2, 1000, 128>}]} {
    %get3A = arith.constant 0 : index
    %get3A_0 = arith.constant 0 : index
    %get3A_1 = arith.constant 0 : index
    %get3A_2 = vector.load %arg3[%get3A, %get3A_0, %get3A_1] : memref<2x1000x128xf32, #tpu.memory_space<vmem>>, vector<1x1000x1xf32>
    %get3A_3 = vector.shape_cast %get3A_2 : vector<1x1000x1xf32> to vector<1000x1xf32>
    %get3A_4 = arith.constant 1 : index
    %get3A_5 = arith.constant 0 : index
    %get3A_6 = arith.constant 0 : index
    %get3A_7 = vector.load %arg3[%get3A_4, %get3A_5, %get3A_6] : memref<2x1000x128xf32, #tpu.memory_space<vmem>>, vector<1x1000x1xf32>
    %get3A_8 = vector.shape_cast %get3A_7 : vector<1x1000x1xf32> to vector<1000x1xf32>
    %add3A = arith.addf %get3A_3, %get3A_8 : vector<1000x1xf32>
    %add3A_9 = arith.constant 1.000000e+00 : f32
    %add3A_10 = vector.broadcast %add3A_9 : f32 to vector<1000x1xf32>
    %add3A_11 = arith.addf %add3A, %add3A_10 : vector<1000x1xf32>
    %rsqrt3A = math.rsqrt %add3A_11 : vector<1000x1xf32>
    %get3A_12 = arith.constant 0 : index
    %get3A_13 = arith.constant 0 : index
    %get3A_14 = vector.load %arg1[%get3A_12, %get3A_13] : memref<1000x256xf32, #tpu.memory_space<vmem>>, vector<1000x256xf32>
    %get3A_15 = arith.constant 0 : index
    %get3A_16 = arith.constant 0 : index
    %get3A_17 = vector.load %arg2[%get3A_15, %get3A_16] : memref<256x256xf32, #tpu.memory_space<vmem>>, vector<256x256xf32>
    %dot_general3A = arith.constant dense<0.000000e+00> : vector<1000x256xf32>
    %dot_general3A_18 = tpu.matmul %get3A_14, %get3A_17, %dot_general3A {dimension_numbers = #tpu.dot_dimension_numbers<[1], [0], [0], [1], [0, 0, 1, 1], [], []>, transpose_lhs_hint = false} : vector<1000x256xf32>, vector<256x256xf32>, vector<1000x256xf32> -> vector<1000x256xf32>
    %slice3A = vector.extract_strided_slice %dot_general3A_18 {offsets = [0, 0], sizes = [1000, 128], strides = [1, 1]} : vector<1000x256xf32> to vector<1000x128xf32>
    %mul3A = vector.broadcast %rsqrt3A : vector<1000x1xf32> to vector<1000x128xf32>
    %mul3A_19 = arith.mulf %slice3A, %mul3A : vector<1000x128xf32>
    %swap3A = arith.constant 0 : index
    %swap3A_20 = arith.constant 0 : index
    %swap3A_21 = arith.constant 0 : index
    %swap3A_22 = vector.load %arg4[%swap3A, %swap3A_20, %swap3A_21] : memref<2x1000x128xf32, #tpu.memory_space<vmem>>, vector<1x1000x128xf32>
    %swap3A_23 = vector.shape_cast %swap3A_22 : vector<1x1000x128xf32> to vector<1000x128xf32>
    %swap3A_24 = vector.shape_cast %mul3A_19 : vector<1000x128xf32> to vector<1x1000x128xf32>
    tpu.vector_store %arg4[%swap3A, %swap3A_20, %swap3A_21], %swap3A_24 {strides = array<i32>} : memref<2x1000x128xf32, #tpu.memory_space<vmem>>, vector<1x1000x128xf32>,
    %slice3A_25 = vector.extract_strided_slice %dot_general3A_18 {offsets = [0, 128], sizes = [1000, 128], strides = [1, 1]} : vector<1000x256xf32> to vector<1000x128xf32>
    %mul3A_26 = vector.broadcast %rsqrt3A : vector<1000x1xf32> to vector<1000x128xf32>
    %mul3A_27 = arith.mulf %slice3A_25, %mul3A_26 : vector<1000x128xf32>
    %swap3A_28 = arith.constant 1 : index
    %swap3A_29 = arith.constant 0 : index
    %swap3A_30 = arith.constant 0 : index
    %swap3A_31 = vector.load %arg4[%swap3A_28, %swap3A_29, %swap3A_30] : memref<2x1000x128xf32, #tpu.memory_space<vmem>>, vector<1x1000x128xf32>
    %swap3A_32 = vector.shape_cast %swap3A_31 : vector<1x1000x128xf32> to vector<1000x128xf32>
    %swap3A_33 = vector.shape_cast %mul3A_27 : vector<1000x128xf32> to vector<1x1000x128xf32>
    tpu.vector_store %arg4[%swap3A_28, %swap3A_29, %swap3A_30], %swap3A_33 {strides = array<i32>} : memref<2x1000x128xf32, #tpu.memory_space<vmem>>, vector<1x1000x128xf32>,
    return
  }
  func.func @transform_0(%arg0: i32) -> (i32, i32) {
    %c0_i32 = arith.constant 0 : i32
    %c0_i32_0 = arith.constant 0 : i32
    return %arg0, %c0_i32 : i32, i32
  }
  func.func @transform_1(%arg0: i32) -> (i32, i32) {
    %c0_i32 = arith.constant 0 : i32
    %c0_i32_0 = arith.constant 0 : i32
    %c0_i32_1 = arith.constant 0 : i32
    return %c0_i32, %c0_i32_0 : i32, i32
  }
  func.func @transform_2(%arg0: i32) -> (i32, i32, i32) {
    %c0_i32 = arith.constant 0 : i32
    %c0_i32_0 = arith.constant 0 : i32
    %c0_i32_1 = arith.constant 0 : i32
    return %c0_i32, %arg0, %c0_i32_0 : i32, i32, i32
  }
  func.func @transform_3(%arg0: i32) -> (i32, i32, i32) {
    %c0_i32 = arith.constant 0 : i32
    %c0_i32_0 = arith.constant 0 : i32
    %c0_i32_1 = arith.constant 0 : i32
    return %c0_i32, %arg0, %c0_i32_0 : i32, i32, i32
  }
}

module attributes {stable_mosaic.version = 14 : i64} {
  func.func @_tmid_body(%arg0: i32, %arg1: memref<2x1000x128xf32, #tpu.memory_space<vmem>>, %arg2: memref<2x1000x128xf32, #tpu.memory_space<vmem>>, %arg3: memref<1x256xf32, #tpu.memory_space<vmem>>, %arg4: memref<256x256xf32, #tpu.memory_space<vmem>>, %arg5: memref<2x1000x128xf32, #tpu.memory_space<vmem>>) attributes {dimension_semantics = [#tpu.dimension_semantics<arbitrary>], iteration_bounds = array<i64: 10>, scalar_prefetch = 0 : i64, scratch_operands = 0 : i64, tpu.core_type = #tpu.core_type<tc>, window_params = [{transform_indices = @transform_0, window_bounds = array<i64: 2, 1000, 128>}, {transform_indices = @transform_1, window_bounds = array<i64: 2, 1000, 128>}, {pipeline_mode = #tpu.pipeline_mode<synchronous>, transform_indices = @transform_2, window_bounds = array<i64: 1, 256>}, {pipeline_mode = #tpu.pipeline_mode<synchronous>, transform_indices = @transform_3, window_bounds = array<i64: 256, 256>}, {transform_indices = @transform_4, window_bounds = array<i64: 2, 1000, 128>}]} {
    %get3A = arith.constant 0 : index
    %get3A_0 = arith.constant 0 : index
    %get3A_1 = arith.constant 0 : index
    %get3A_2 = vector.load %arg2[%get3A, %get3A_0, %get3A_1] : memref<2x1000x128xf32, #tpu.memory_space<vmem>>, vector<1x1000x1xf32>
    %get3A_3 = vector.shape_cast %get3A_2 : vector<1x1000x1xf32> to vector<1000x1xf32>
    %get3A_4 = arith.constant 1 : index
    %get3A_5 = arith.constant 0 : index
    %get3A_6 = arith.constant 0 : index
    %get3A_7 = vector.load %arg2[%get3A_4, %get3A_5, %get3A_6] : memref<2x1000x128xf32, #tpu.memory_space<vmem>>, vector<1x1000x1xf32>
    %get3A_8 = vector.shape_cast %get3A_7 : vector<1x1000x1xf32> to vector<1000x1xf32>
    %add3A = arith.addf %get3A_3, %get3A_8 : vector<1000x1xf32>
    %add3A_9 = arith.constant 1.000000e+00 : f32
    %add3A_10 = vector.broadcast %add3A_9 : f32 to vector<1000x1xf32>
    %add3A_11 = arith.addf %add3A, %add3A_10 : vector<1000x1xf32>
    %rsqrt3A = math.rsqrt %add3A_11 : vector<1000x1xf32>
    %get3A_12 = arith.constant 0 : index
    %get3A_13 = arith.constant 0 : index
    %get3A_14 = arith.constant 0 : index
    %get3A_15 = vector.load %arg1[%get3A_12, %get3A_13, %get3A_14] : memref<2x1000x128xf32, #tpu.memory_space<vmem>>, vector<1x1000x128xf32>
    %get3A_16 = vector.shape_cast %get3A_15 : vector<1x1000x128xf32> to vector<1000x128xf32>
    %mul3A = vector.broadcast %rsqrt3A : vector<1000x1xf32> to vector<1000x128xf32>
    %mul3A_17 = arith.mulf %get3A_16, %mul3A : vector<1000x128xf32>
    %get3A_18 = arith.constant 0 : index
    %get3A_19 = arith.constant 0 : index
    %get3A_20 = vector.load %arg3[%get3A_18, %get3A_19] : memref<1x256xf32, #tpu.memory_space<vmem>>, vector<1x128xf32>
    %add3A_21 = vector.broadcast %get3A_20 : vector<1x128xf32> to vector<1000x128xf32>
    %add3A_22 = arith.addf %mul3A_17, %add3A_21 : vector<1000x128xf32>
    %max3A = arith.constant 0.000000e+00 : f32
    %max3A_23 = vector.broadcast %max3A : f32 to vector<1000x128xf32>
    %max3A_24 = arith.maximumf %add3A_22, %max3A_23 : vector<1000x128xf32>
    %get3A_25 = arith.constant 1 : index
    %get3A_26 = arith.constant 0 : index
    %get3A_27 = arith.constant 0 : index
    %get3A_28 = vector.load %arg1[%get3A_25, %get3A_26, %get3A_27] : memref<2x1000x128xf32, #tpu.memory_space<vmem>>, vector<1x1000x128xf32>
    %get3A_29 = vector.shape_cast %get3A_28 : vector<1x1000x128xf32> to vector<1000x128xf32>
    %mul3A_30 = vector.broadcast %rsqrt3A : vector<1000x1xf32> to vector<1000x128xf32>
    %mul3A_31 = arith.mulf %get3A_29, %mul3A_30 : vector<1000x128xf32>
    %get3A_32 = arith.constant 0 : index
    %get3A_33 = arith.constant 128 : index
    %get3A_34 = vector.load %arg3[%get3A_32, %get3A_33] : memref<1x256xf32, #tpu.memory_space<vmem>>, vector<1x128xf32>
    %add3A_35 = vector.broadcast %get3A_34 : vector<1x128xf32> to vector<1000x128xf32>
    %add3A_36 = arith.addf %mul3A_31, %add3A_35 : vector<1000x128xf32>
    %max3A_37 = arith.constant 0.000000e+00 : f32
    %max3A_38 = vector.broadcast %max3A_37 : f32 to vector<1000x128xf32>
    %max3A_39 = arith.maximumf %add3A_36, %max3A_38 : vector<1000x128xf32>
    %get3A_40 = arith.constant 0 : index
    %get3A_41 = arith.constant 0 : index
    %get3A_42 = vector.load %arg4[%get3A_40, %get3A_41] : memref<256x256xf32, #tpu.memory_space<vmem>>, vector<128x256xf32>
    %dot_general3A = arith.constant dense<0.000000e+00> : vector<1000x256xf32>
    %dot_general3A_43 = tpu.matmul %max3A_24, %get3A_42, %dot_general3A {dimension_numbers = #tpu.dot_dimension_numbers<[1], [0], [0], [1], [0, 0, 1, 1], [], []>, transpose_lhs_hint = false} : vector<1000x128xf32>, vector<128x256xf32>, vector<1000x256xf32> -> vector<1000x256xf32>
    %get3A_44 = arith.constant 128 : index
    %get3A_45 = arith.constant 0 : index
    %get3A_46 = vector.load %arg4[%get3A_44, %get3A_45] : memref<256x256xf32, #tpu.memory_space<vmem>>, vector<128x256xf32>
    %dot_general3A_47 = arith.constant dense<0.000000e+00> : vector<1000x256xf32>
    %dot_general3A_48 = tpu.matmul %max3A_39, %get3A_46, %dot_general3A_47 {dimension_numbers = #tpu.dot_dimension_numbers<[1], [0], [0], [1], [0, 0, 1, 1], [], []>, transpose_lhs_hint = false} : vector<1000x128xf32>, vector<128x256xf32>, vector<1000x256xf32> -> vector<1000x256xf32>
    %add3A_49 = arith.addf %dot_general3A_43, %dot_general3A_48 : vector<1000x256xf32>
    %slice3A = vector.extract_strided_slice %add3A_49 {offsets = [0, 0], sizes = [1000, 128], strides = [1, 1]} : vector<1000x256xf32> to vector<1000x128xf32>
    %mul3A_50 = vector.broadcast %rsqrt3A : vector<1000x1xf32> to vector<1000x128xf32>
    %mul3A_51 = arith.mulf %slice3A, %mul3A_50 : vector<1000x128xf32>
    %swap3A = arith.constant 0 : index
    %swap3A_52 = arith.constant 0 : index
    %swap3A_53 = arith.constant 0 : index
    %swap3A_54 = vector.load %arg5[%swap3A, %swap3A_52, %swap3A_53] : memref<2x1000x128xf32, #tpu.memory_space<vmem>>, vector<1x1000x128xf32>
    %swap3A_55 = vector.shape_cast %swap3A_54 : vector<1x1000x128xf32> to vector<1000x128xf32>
    %swap3A_56 = vector.shape_cast %mul3A_51 : vector<1000x128xf32> to vector<1x1000x128xf32>
    tpu.vector_store %arg5[%swap3A, %swap3A_52, %swap3A_53], %swap3A_56 {strides = array<i32>} : memref<2x1000x128xf32, #tpu.memory_space<vmem>>, vector<1x1000x128xf32>,
    %slice3A_57 = vector.extract_strided_slice %add3A_49 {offsets = [0, 128], sizes = [1000, 128], strides = [1, 1]} : vector<1000x256xf32> to vector<1000x128xf32>
    %mul3A_58 = vector.broadcast %rsqrt3A : vector<1000x1xf32> to vector<1000x128xf32>
    %mul3A_59 = arith.mulf %slice3A_57, %mul3A_58 : vector<1000x128xf32>
    %swap3A_60 = arith.constant 1 : index
    %swap3A_61 = arith.constant 0 : index
    %swap3A_62 = arith.constant 0 : index
    %swap3A_63 = vector.load %arg5[%swap3A_60, %swap3A_61, %swap3A_62] : memref<2x1000x128xf32, #tpu.memory_space<vmem>>, vector<1x1000x128xf32>
    %swap3A_64 = vector.shape_cast %swap3A_63 : vector<1x1000x128xf32> to vector<1000x128xf32>
    %swap3A_65 = vector.shape_cast %mul3A_59 : vector<1000x128xf32> to vector<1x1000x128xf32>
    tpu.vector_store %arg5[%swap3A_60, %swap3A_61, %swap3A_62], %swap3A_65 {strides = array<i32>} : memref<2x1000x128xf32, #tpu.memory_space<vmem>>, vector<1x1000x128xf32>,
    return
  }
  func.func @transform_0(%arg0: i32) -> (i32, i32, i32) {
    %c0_i32 = arith.constant 0 : i32
    %c0_i32_0 = arith.constant 0 : i32
    %c0_i32_1 = arith.constant 0 : i32
    return %c0_i32, %arg0, %c0_i32_0 : i32, i32, i32
  }
  func.func @transform_1(%arg0: i32) -> (i32, i32, i32) {
    %c0_i32 = arith.constant 0 : i32
    %c0_i32_0 = arith.constant 0 : i32
    %c0_i32_1 = arith.constant 0 : i32
    return %c0_i32, %arg0, %c0_i32_0 : i32, i32, i32
  }
  func.func @transform_2(%arg0: i32) -> (i32, i32) {
    %c0_i32 = arith.constant 0 : i32
    %c0_i32_0 = arith.constant 0 : i32
    %c0_i32_1 = arith.constant 0 : i32
    return %c0_i32, %c0_i32_0 : i32, i32
  }
  func.func @transform_3(%arg0: i32) -> (i32, i32) {
    %c0_i32 = arith.constant 0 : i32
    %c0_i32_0 = arith.constant 0 : i32
    %c0_i32_1 = arith.constant 0 : i32
    return %c0_i32, %c0_i32_0 : i32, i32
  }
  func.func @transform_4(%arg0: i32) -> (i32, i32, i32) {
    %c0_i32 = arith.constant 0 : i32
    %c0_i32_0 = arith.constant 0 : i32
    %c0_i32_1 = arith.constant 0 : i32
    return %c0_i32, %arg0, %c0_i32_0 : i32, i32, i32
  }
}

module attributes {stable_mosaic.version = 14 : i64} {
  func.func @_t5_body(%arg0: i32, %arg1: memref<2x1000x128xf32, #tpu.memory_space<vmem>>, %arg2: memref<2x1000x128xf32, #tpu.memory_space<vmem>>, %arg3: memref<1x256xf32, #tpu.memory_space<vmem>>, %arg4: memref<1000x1xi32, #tpu.memory_space<vmem>>, %arg5: memref<256x128xf32, #tpu.memory_space<vmem>>, %arg6: memref<1x128xf32, #tpu.memory_space<vmem>>, %arg7: memref<128x64xf32, #tpu.memory_space<vmem>>, %arg8: memref<1x64xf32, #tpu.memory_space<vmem>>, %arg9: memref<64x1xf32, #tpu.memory_space<vmem>>, %arg10: memref<1x1xf32, #tpu.memory_space<vmem>>, %arg11: memref<128x1xf32, #tpu.memory_space<vmem>>, %arg12: memref<128x256xf32, #tpu.memory_space<vmem>>, %arg13: memref<128x128xf32, #tpu.memory_space<vmem>>) attributes {dimension_semantics = [#tpu.dimension_semantics<arbitrary>], iteration_bounds = array<i64: 10>, scalar_prefetch = 0 : i64, scratch_operands = 2 : i64, tpu.core_type = #tpu.core_type<tc>, window_params = [{transform_indices = @transform_0, window_bounds = array<i64: 2, 1000, 128>}, {transform_indices = @transform_1, window_bounds = array<i64: 2, 1000, 128>}, {pipeline_mode = #tpu.pipeline_mode<synchronous>, transform_indices = @transform_2, window_bounds = array<i64: 1, 256>}, {transform_indices = @transform_3, window_bounds = array<i64: 1000, 1>}, {pipeline_mode = #tpu.pipeline_mode<synchronous>, transform_indices = @transform_4, window_bounds = array<i64: 256, 128>}, {pipeline_mode = #tpu.pipeline_mode<synchronous>, transform_indices = @transform_5, window_bounds = array<i64: 1, 128>}, {pipeline_mode = #tpu.pipeline_mode<synchronous>, transform_indices = @transform_6, window_bounds = array<i64: 128, 64>}, {pipeline_mode = #tpu.pipeline_mode<synchronous>, transform_indices = @transform_7, window_bounds = array<i64: 1, 64>}, {pipeline_mode = #tpu.pipeline_mode<synchronous>, transform_indices = @transform_8, window_bounds = array<i64: 64, 1>}, {pipeline_mode = #tpu.pipeline_mode<synchronous>, transform_indices = @transform_9, window_bounds = array<i64: 1, 1>}, {pipeline_mode = #tpu.pipeline_mode<synchronous>, transform_indices = @transform_10, window_bounds = array<i64: 128, 1>}]} {
    %eq3A = arith.constant 0 : i32
    %eq3A_0 = arith.cmpi eq, %arg0, %eq3A : i32
    %convert_element_type3A = arith.extui %eq3A_0 : i1 to i32
    %cond3A = arith.constant 0 : i32
    %cond3A_1 = arith.cmpi ne, %convert_element_type3A, %cond3A : i32
    scf.if %cond3A_1 {
      %broadcast_in_dim3A_80 = arith.constant 0.000000e+00 : f32
      %broadcast_in_dim3A_81 = vector.broadcast %broadcast_in_dim3A_80 : f32 to vector<128x256xf32>
      %swap3A_82 = arith.constant 0 : index
      %swap3A_83 = arith.constant 0 : index
      %swap3A_84 = vector.load %arg12[%swap3A_82, %swap3A_83] : memref<128x256xf32, #tpu.memory_space<vmem>>, vector<128x256xf32>
      tpu.vector_store %arg12[%swap3A_82, %swap3A_83], %broadcast_in_dim3A_81 {strides = array<i32>} : memref<128x256xf32, #tpu.memory_space<vmem>>, vector<128x256xf32>,
      %broadcast_in_dim3A_85 = arith.constant 0.000000e+00 : f32
      %broadcast_in_dim3A_86 = vector.broadcast %broadcast_in_dim3A_85 : f32 to vector<128x128xf32>
      %swap3A_87 = arith.constant 0 : index
      %swap3A_88 = arith.constant 0 : index
      %swap3A_89 = vector.load %arg13[%swap3A_87, %swap3A_88] : memref<128x128xf32, #tpu.memory_space<vmem>>, vector<128x128xf32>
      tpu.vector_store %arg13[%swap3A_87, %swap3A_88], %broadcast_in_dim3A_86 {strides = array<i32>} : memref<128x128xf32, #tpu.memory_space<vmem>>, vector<128x128xf32>,
    } else {
    }
    %get3A = arith.constant 0 : index
    %get3A_2 = arith.constant 0 : index
    %get3A_3 = arith.constant 0 : index
    %get3A_4 = vector.load %arg2[%get3A, %get3A_2, %get3A_3] : memref<2x1000x128xf32, #tpu.memory_space<vmem>>, vector<1x1000x1xf32>
    %get3A_5 = vector.shape_cast %get3A_4 : vector<1x1000x1xf32> to vector<1000x1xf32>
    %get3A_6 = arith.constant 1 : index
    %get3A_7 = arith.constant 0 : index
    %get3A_8 = arith.constant 0 : index
    %get3A_9 = vector.load %arg2[%get3A_6, %get3A_7, %get3A_8] : memref<2x1000x128xf32, #tpu.memory_space<vmem>>, vector<1x1000x1xf32>
    %get3A_10 = vector.shape_cast %get3A_9 : vector<1x1000x1xf32> to vector<1000x1xf32>
    %add3A = arith.addf %get3A_5, %get3A_10 : vector<1000x1xf32>
    %add3A_11 = arith.constant 1.000000e+00 : f32
    %add3A_12 = vector.broadcast %add3A_11 : f32 to vector<1000x1xf32>
    %add3A_13 = arith.addf %add3A, %add3A_12 : vector<1000x1xf32>
    %rsqrt3A = math.rsqrt %add3A_13 : vector<1000x1xf32>
    %get3A_14 = arith.constant 0 : index
    %get3A_15 = arith.constant 0 : index
    %get3A_16 = arith.constant 0 : index
    %get3A_17 = vector.load %arg1[%get3A_14, %get3A_15, %get3A_16] : memref<2x1000x128xf32, #tpu.memory_space<vmem>>, vector<1x1000x128xf32>
    %get3A_18 = vector.shape_cast %get3A_17 : vector<1x1000x128xf32> to vector<1000x128xf32>
    %mul3A = vector.broadcast %rsqrt3A : vector<1000x1xf32> to vector<1000x128xf32>
    %mul3A_19 = arith.mulf %get3A_18, %mul3A : vector<1000x128xf32>
    %get3A_20 = arith.constant 0 : index
    %get3A_21 = arith.constant 0 : index
    %get3A_22 = vector.load %arg3[%get3A_20, %get3A_21] : memref<1x256xf32, #tpu.memory_space<vmem>>, vector<1x128xf32>
    %add3A_23 = vector.broadcast %get3A_22 : vector<1x128xf32> to vector<1000x128xf32>
    %add3A_24 = arith.addf %mul3A_19, %add3A_23 : vector<1000x128xf32>
    %max3A = arith.constant 0.000000e+00 : f32
    %max3A_25 = vector.broadcast %max3A : f32 to vector<1000x128xf32>
    %max3A_26 = arith.maximumf %add3A_24, %max3A_25 : vector<1000x128xf32>
    %get3A_27 = arith.constant 1 : index
    %get3A_28 = arith.constant 0 : index
    %get3A_29 = arith.constant 0 : index
    %get3A_30 = vector.load %arg1[%get3A_27, %get3A_28, %get3A_29] : memref<2x1000x128xf32, #tpu.memory_space<vmem>>, vector<1x1000x128xf32>
    %get3A_31 = vector.shape_cast %get3A_30 : vector<1x1000x128xf32> to vector<1000x128xf32>
    %mul3A_32 = vector.broadcast %rsqrt3A : vector<1000x1xf32> to vector<1000x128xf32>
    %mul3A_33 = arith.mulf %get3A_31, %mul3A_32 : vector<1000x128xf32>
    %get3A_34 = arith.constant 0 : index
    %get3A_35 = arith.constant 128 : index
    %get3A_36 = vector.load %arg3[%get3A_34, %get3A_35] : memref<1x256xf32, #tpu.memory_space<vmem>>, vector<1x128xf32>
    %add3A_37 = vector.broadcast %get3A_36 : vector<1x128xf32> to vector<1000x128xf32>
    %add3A_38 = arith.addf %mul3A_33, %add3A_37 : vector<1000x128xf32>
    %max3A_39 = arith.constant 0.000000e+00 : f32
    %max3A_40 = vector.broadcast %max3A_39 : f32 to vector<1000x128xf32>
    %max3A_41 = arith.maximumf %add3A_38, %max3A_40 : vector<1000x128xf32>
    %iota3A = tpu.iota {dimensions = array<i32: 1>} : vector<1000x128xi32>
    %get3A_42 = arith.constant 0 : index
    %get3A_43 = arith.constant 0 : index
    %get3A_44 = vector.load %arg4[%get3A_42, %get3A_43] : memref<1000x1xi32, #tpu.memory_space<vmem>>, vector<1000x1xi32>
    %eq3A_45 = vector.broadcast %get3A_44 : vector<1000x1xi32> to vector<1000x128xi32>
    %eq3A_46 = arith.cmpi eq, %eq3A_45, %iota3A : vector<1000x128xi32>
    %convert_element_type3A_47 = arith.extui %eq3A_46 : vector<1000x128xi1> to vector<1000x128xi32>
    %convert_element_type3A_48 = arith.sitofp %convert_element_type3A_47 : vector<1000x128xi32> to vector<1000x128xf32>
    %get3A_49 = arith.constant 0 : index
    %get3A_50 = arith.constant 0 : index
    %get3A_51 = vector.load %arg12[%get3A_49, %get3A_50] : memref<128x256xf32, #tpu.memory_space<vmem>>, vector<128x128xf32>
    %dot_general3A = arith.constant dense<0.000000e+00> : vector<128x128xf32>
    %dot_general3A_52 = tpu.matmul %convert_element_type3A_48, %max3A_26, %dot_general3A {dimension_numbers = #tpu.dot_dimension_numbers<[0], [0], [1], [1], [0, 1, 1, 1], [], []>, transpose_lhs_hint = false} : vector<1000x128xf32>, vector<1000x128xf32>, vector<128x128xf32> -> vector<128x128xf32>
    %add3A_53 = arith.addf %get3A_51, %dot_general3A_52 : vector<128x128xf32>
    %swap3A = arith.constant 0 : index
    %swap3A_54 = arith.constant 0 : index
    %swap3A_55 = vector.load %arg12[%swap3A, %swap3A_54] : memref<128x256xf32, #tpu.memory_space<vmem>>, vector<128x128xf32>
    tpu.vector_store %arg12[%swap3A, %swap3A_54], %add3A_53 {strides = array<i32>} : memref<128x256xf32, #tpu.memory_space<vmem>>, vector<128x128xf32>,
    %get3A_56 = arith.constant 0 : index
    %get3A_57 = arith.constant 128 : index
    %get3A_58 = vector.load %arg12[%get3A_56, %get3A_57] : memref<128x256xf32, #tpu.memory_space<vmem>>, vector<128x128xf32>
    %dot_general3A_59 = arith.constant dense<0.000000e+00> : vector<128x128xf32>
    %dot_general3A_60 = tpu.matmul %convert_element_type3A_48, %max3A_41, %dot_general3A_59 {dimension_numbers = #tpu.dot_dimension_numbers<[0], [0], [1], [1], [0, 1, 1, 1], [], []>, transpose_lhs_hint = false} : vector<1000x128xf32>, vector<1000x128xf32>, vector<128x128xf32> -> vector<128x128xf32>
    %add3A_61 = arith.addf %get3A_58, %dot_general3A_60 : vector<128x128xf32>
    %swap3A_62 = arith.constant 0 : index
    %swap3A_63 = arith.constant 128 : index
    %swap3A_64 = vector.load %arg12[%swap3A_62, %swap3A_63] : memref<128x256xf32, #tpu.memory_space<vmem>>, vector<128x128xf32>
    tpu.vector_store %arg12[%swap3A_62, %swap3A_63], %add3A_61 {strides = array<i32>} : memref<128x256xf32, #tpu.memory_space<vmem>>, vector<128x128xf32>,
    %get3A_65 = arith.constant 0 : index
    %get3A_66 = arith.constant 0 : index
    %get3A_67 = vector.load %arg13[%get3A_65, %get3A_66] : memref<128x128xf32, #tpu.memory_space<vmem>>, vector<128x1xf32>
    %broadcast_in_dim3A = arith.constant 1.000000e+00 : f32
    %broadcast_in_dim3A_68 = vector.broadcast %broadcast_in_dim3A : f32 to vector<1000x1xf32>
    %dot_general3A_69 = arith.constant dense<0.000000e+00> : vector<128x1xf32>
    %dot_general3A_70 = tpu.matmul %convert_element_type3A_48, %broadcast_in_dim3A_68, %dot_general3A_69 {dimension_numbers = #tpu.dot_dimension_numbers<[0], [0], [1], [1], [0, 1, 1, 1], [], []>, transpose_lhs_hint = false} : vector<1000x128xf32>, vector<1000x1xf32>, vector<128x1xf32> -> vector<128x1xf32>
    %add3A_71 = arith.addf %get3A_67, %dot_general3A_70 : vector<128x1xf32>
    %swap3A_72 = arith.constant 0 : index
    %swap3A_73 = arith.constant 0 : index
    %swap3A_74 = vector.load %arg13[%swap3A_72, %swap3A_73] : memref<128x128xf32, #tpu.memory_space<vmem>>, vector<128x1xf32>
    tpu.vector_store %arg13[%swap3A_72, %swap3A_73], %add3A_71 {strides = array<i32>} : memref<128x128xf32, #tpu.memory_space<vmem>>, vector<128x1xf32>,
    %eq3A_75 = arith.constant 9 : i32
    %eq3A_76 = arith.cmpi eq, %arg0, %eq3A_75 : i32
    %convert_element_type3A_77 = arith.extui %eq3A_76 : i1 to i32
    %cond3A_78 = arith.constant 0 : i32
    %cond3A_79 = arith.cmpi ne, %convert_element_type3A_77, %cond3A_78 : i32
    scf.if %cond3A_79 {
      %get3A_80 = arith.constant 0 : index
      %get3A_81 = arith.constant 0 : index
      %get3A_82 = vector.load %arg12[%get3A_80, %get3A_81] : memref<128x256xf32, #tpu.memory_space<vmem>>, vector<128x256xf32>
      %get3A_83 = arith.constant 0 : index
      %get3A_84 = arith.constant 0 : index
      %get3A_85 = vector.load %arg13[%get3A_83, %get3A_84] : memref<128x128xf32, #tpu.memory_space<vmem>>, vector<128x1xf32>
      %jit3A = arith.constant 1.000000e+00 : f32
      %max3A_86 = vector.broadcast %jit3A : f32 to vector<128x1xf32>
      %max3A_87 = arith.maximumf %max3A_86, %get3A_85 : vector<128x1xf32>
      %div3A = vector.broadcast %max3A_87 : vector<128x1xf32> to vector<128x256xf32>
      %div3A_88 = arith.divf %get3A_82, %div3A : vector<128x256xf32>
      %get3A_89 = arith.constant 0 : index
      %get3A_90 = arith.constant 0 : index
      %get3A_91 = vector.load %arg5[%get3A_89, %get3A_90] : memref<256x128xf32, #tpu.memory_space<vmem>>, vector<256x128xf32>
      %dot_general3A_92 = arith.constant dense<0.000000e+00> : vector<128x128xf32>
      %dot_general3A_93 = tpu.matmul %div3A_88, %get3A_91, %dot_general3A_92 {dimension_numbers = #tpu.dot_dimension_numbers<[1], [0], [0], [1], [0, 0, 1, 1], [], []>, transpose_lhs_hint = false} : vector<128x256xf32>, vector<256x128xf32>, vector<128x128xf32> -> vector<128x128xf32>
      %get3A_94 = arith.constant 0 : index
      %get3A_95 = arith.constant 0 : index
      %get3A_96 = vector.load %arg6[%get3A_94, %get3A_95] : memref<1x128xf32, #tpu.memory_space<vmem>>, vector<1x128xf32>
      %add3A_97 = vector.broadcast %get3A_96 : vector<1x128xf32> to vector<128x128xf32>
      %add3A_98 = arith.addf %dot_general3A_93, %add3A_97 : vector<128x128xf32>
      %max3A_99 = arith.constant 0.000000e+00 : f32
      %max3A_100 = vector.broadcast %max3A_99 : f32 to vector<128x128xf32>
      %max3A_101 = arith.maximumf %add3A_98, %max3A_100 : vector<128x128xf32>
      %get3A_102 = arith.constant 0 : index
      %get3A_103 = arith.constant 0 : index
      %get3A_104 = vector.load %arg7[%get3A_102, %get3A_103] : memref<128x64xf32, #tpu.memory_space<vmem>>, vector<128x64xf32>
      %dot_general3A_105 = arith.constant dense<0.000000e+00> : vector<128x64xf32>
      %dot_general3A_106 = tpu.matmul %max3A_101, %get3A_104, %dot_general3A_105 {dimension_numbers = #tpu.dot_dimension_numbers<[1], [0], [0], [1], [0, 0, 1, 1], [], []>, transpose_lhs_hint = false} : vector<128x128xf32>, vector<128x64xf32>, vector<128x64xf32> -> vector<128x64xf32>
      %get3A_107 = arith.constant 0 : index
      %get3A_108 = arith.constant 0 : index
      %get3A_109 = vector.load %arg8[%get3A_107, %get3A_108] : memref<1x64xf32, #tpu.memory_space<vmem>>, vector<1x64xf32>
      %add3A_110 = vector.broadcast %get3A_109 : vector<1x64xf32> to vector<128x64xf32>
      %add3A_111 = arith.addf %dot_general3A_106, %add3A_110 : vector<128x64xf32>
      %max3A_112 = arith.constant 0.000000e+00 : f32
      %max3A_113 = vector.broadcast %max3A_112 : f32 to vector<128x64xf32>
      %max3A_114 = arith.maximumf %add3A_111, %max3A_113 : vector<128x64xf32>
      %get3A_115 = arith.constant 0 : index
      %get3A_116 = arith.constant 0 : index
      %get3A_117 = vector.load %arg9[%get3A_115, %get3A_116] : memref<64x1xf32, #tpu.memory_space<vmem>>, vector<64x1xf32>
      %dot_general3A_118 = arith.constant dense<0.000000e+00> : vector<128x1xf32>
      %dot_general3A_119 = tpu.matmul %max3A_114, %get3A_117, %dot_general3A_118 {dimension_numbers = #tpu.dot_dimension_numbers<[1], [0], [0], [1], [0, 0, 1, 1], [], []>, transpose_lhs_hint = false} : vector<128x64xf32>, vector<64x1xf32>, vector<128x1xf32> -> vector<128x1xf32>
      %get3A_120 = arith.constant 0 : index
      %get3A_121 = arith.constant 0 : index
      %get3A_122 = vector.load %arg10[%get3A_120, %get3A_121] : memref<1x1xf32, #tpu.memory_space<vmem>>, vector<1x1xf32>
      %add3A_123 = vector.broadcast %get3A_122 : vector<1x1xf32> to vector<128x1xf32>
      %add3A_124 = arith.addf %dot_general3A_119, %add3A_123 : vector<128x1xf32>
      %swap3A_125 = arith.constant 0 : index
      %swap3A_126 = arith.constant 0 : index
      %swap3A_127 = vector.load %arg11[%swap3A_125, %swap3A_126] : memref<128x1xf32, #tpu.memory_space<vmem>>, vector<128x1xf32>
      tpu.vector_store %arg11[%swap3A_125, %swap3A_126], %add3A_124 {strides = array<i32>} : memref<128x1xf32, #tpu.memory_space<vmem>>, vector<128x1xf32>,
    } else {
    }
    return
  }
  func.func @transform_0(%arg0: i32) -> (i32, i32, i32) {
    %c0_i32 = arith.constant 0 : i32
    %c0_i32_0 = arith.constant 0 : i32
    %c0_i32_1 = arith.constant 0 : i32
    return %c0_i32, %arg0, %c0_i32_0 : i32, i32, i32
  }
  func.func @transform_1(%arg0: i32) -> (i32, i32, i32) {
    %c0_i32 = arith.constant 0 : i32
    %c0_i32_0 = arith.constant 0 : i32
    %c0_i32_1 = arith.constant 0 : i32
    return %c0_i32, %arg0, %c0_i32_0 : i32, i32, i32
  }
  func.func @transform_2(%arg0: i32) -> (i32, i32) {
    %c0_i32 = arith.constant 0 : i32
    %c0_i32_0 = arith.constant 0 : i32
    %c0_i32_1 = arith.constant 0 : i32
    return %c0_i32, %c0_i32_0 : i32, i32
  }
  func.func @transform_3(%arg0: i32) -> (i32, i32) {
    %c0_i32 = arith.constant 0 : i32
    %c0_i32_0 = arith.constant 0 : i32
    return %arg0, %c0_i32 : i32, i32
  }
  func.func @transform_4(%arg0: i32) -> (i32, i32) {
    %c0_i32 = arith.constant 0 : i32
    %c0_i32_0 = arith.constant 0 : i32
    %c0_i32_1 = arith.constant 0 : i32
    return %c0_i32, %c0_i32_0 : i32, i32
  }
  func.func @transform_5(%arg0: i32) -> (i32, i32) {
    %c0_i32 = arith.constant 0 : i32
    %c0_i32_0 = arith.constant 0 : i32
    %c0_i32_1 = arith.constant 0 : i32
    return %c0_i32, %c0_i32_0 : i32, i32
  }
  func.func @transform_6(%arg0: i32) -> (i32, i32) {
    %c0_i32 = arith.constant 0 : i32
    %c0_i32_0 = arith.constant 0 : i32
    %c0_i32_1 = arith.constant 0 : i32
    return %c0_i32, %c0_i32_0 : i32, i32
  }
  func.func @transform_7(%arg0: i32) -> (i32, i32) {
    %c0_i32 = arith.constant 0 : i32
    %c0_i32_0 = arith.constant 0 : i32
    %c0_i32_1 = arith.constant 0 : i32
    return %c0_i32, %c0_i32_0 : i32, i32
  }
  func.func @transform_8(%arg0: i32) -> (i32, i32) {
    %c0_i32 = arith.constant 0 : i32
    %c0_i32_0 = arith.constant 0 : i32
    %c0_i32_1 = arith.constant 0 : i32
    return %c0_i32, %c0_i32_0 : i32, i32
  }
  func.func @transform_9(%arg0: i32) -> (i32, i32) {
    %c0_i32 = arith.constant 0 : i32
    %c0_i32_0 = arith.constant 0 : i32
    %c0_i32_1 = arith.constant 0 : i32
    return %c0_i32, %c0_i32_0 : i32, i32
  }
  func.func @transform_10(%arg0: i32) -> (i32, i32) {
    %c0_i32 = arith.constant 0 : i32
    %c0_i32_0 = arith.constant 0 : i32
    %c0_i32_1 = arith.constant 0 : i32
    return %c0_i32, %c0_i32_0 : i32, i32
  }
}

</mosaic_0001>

<sc_bundles>
// kernel: sc_agg.12.cloned.1.call-start
scs
__scs_entry_jumppad:
0x0: {  	(pc) =	sbr.rel $0x88, $3  }
0x1: {  	(tag) =	ssettag $0x0;
	lr =	simm.s32 $0x1  }
0x2: {  	[smem:$0x3F90] =	sst lr;
	_ =	strace $0xD0000000  }
0x3: {  	_ = 	snop  }
0x4: {  	_ = 	snop  }
0x5: {  	_ = 	snop  }
0x6: {  	_ = 	snop  }
0x7: {  	_ = 	snop  }
__scs_overlays_trampoline_lowered:
0x8: {  	[smem:$0x3F9F] =	sst s0  }
0x9: {  	[smem:$0x3FA0] =	sst s1  }
0xa: {  	[smem:$0x3FA1] =	sst s2  }
0xb: {  	[smem:$0x3FA2] =	sst s3  }
0xc: {  	[smem:$0x3FA3] =	sst s4  }
0xd: {  	[smem:$0x3FA4] =	sst s5  }
0xe: {  	[smem:$0x3FA5] =	sst s6  }
0xf: {  	[smem:$0x3FA6] =	sst s7  }
0x10: {  	[smem:$0x3FA7] =	sst s8  }
0x11: {  	[smem:$0x3FA8] =	sst s9;
	s0 =	simm.s32 @!p0 $0x0  }
0x12: {  	s1 =	sld [smem:$0x3F8E];
	s0 =	simm.s32 @p0 $0x1  }
0x13: {  	[smem:$0x3FA9] =	sst s0;
	s0 =	simm.s32 @!p1 $0x0  }
0x14: {  	s2 =	sld [smem:$0x3F8D];
	s0 =	simm.s32 @p1 $0x1  }
0x15: {  	[smem:$0x3FAA] =	sst s0;
	s0 =	simm.s32 @!p2 $0x0  }
0x16: {  	s3 =	sld [smem:$0x3FDB];
	s0 =	simm.s32 @p2 $0x1  }
0x17: {  	s4 =	simm.s32 $0x1BF5;
	[smem:$0x3FAC] =	sst s0  }
0x18: {  	s0 =	sld [smem:$0x3F8F];
	_ =	swait.ge [sflag:s4], $0x0  }
0x19: {  	s7 =	sld [smem:$0x3F90]  }
0x1a: {  	s8 =	sadd.s32 $0xFFFFE003, lr  }
0x1b: {  	s9 =	sadd.s32 $0xFFFFFEF7, lr;
	s5 =	simm.s32 $0xFFFFFFFF;
	p2 =	slt.u32 s8, $0xFFFFF086  }
0x1c: {  	p1 =	slt.u32 s9, $0xF7A;
	s5 =	simm.s32 @!p2 $0x0  }
0x1d: {  	s5 =	simm.s32 @p1 $0x1;
	p0 =	seq.s32 s7, s2  }
0x1e: {  	s7 =	smul.u32 @!p0 $0xF7A, s2;
	p2 =	seq.s32 @!p0 s5, $0x0  }
0x1f: {  	s9 =	smul.u32 $0xF7A, s1;
	s8 =	simm.s32 @!p0 $0x1BF5;
	p2 =	por !p2, p0  }
0x20: {  	[sflag:s8] =	ssyncset.s32 @!p0 $0xFFFFF086;
	s6 =	sadd.s32 @!p0 s3, s7;
	s7 =	simm.s32 @!p0 $0x108  }
0x21: {  	s3 =	sadd.s32 s3, s9;
	s6 =	sadd.s32 @!p0 $0x88, s6;
	s7 =	simm.s32 @p2 $0x1082  }
0x22: {  	[simem:s7], [sflag:s8] =	dma.local @!p0 [hbm:s6], $0xF7A  }
0x23: {  	s9 =	sor.u32 $0xD0000000, s2;
	s6 =	simm.s32 $0x108;
	_ =	swait.ge @!p0 [sflag:s8], $0x0  }
0x24: {  	s3 =	sadd.s32 $0x88, s3;
	s6 =	simm.s32 @!p1 $0x1082;
	[sflag:s4] =	ssyncset.s32 $0xFFFFF086  }
0x25: {  	[simem:s6], [sflag:s4] =	dma.local [hbm:s3], $0xF7A  }
0x26: {  	[smem:$0x3F90] =	sst s1;
	(tag) =	ssettag s2;
	_ =	strace s9  }
0x27: {  	s1 =	sld [smem:$0x3FA0]  }
0x28: {  	s2 =	sld [smem:$0x3FA1]  }
0x29: {  	s4 =	sld [smem:$0x3FA3]  }
0x2a: {  	p0 =	seq.s32 s5, $0x0;
	s5 =	sld [smem:$0x3FA4]  }
0x2b: {  	s6 =	sld [smem:$0x3FA5]  }
0x2c: {  	s7 =	sld [smem:$0x3FA6]  }
0x2d: {  	s3 =	simm.s32 $0x108;
	s8 =	sld [smem:$0x3FA7]  }
0x2e: {  	s3 =	simm.s32 @!p0 $0x1082;
	s9 =	sld [smem:$0x3FA8]  }
0x2f: {  	lr =	sadd.s32 s0, s3;
	s0 =	sld [smem:$0x3F9F]  }
0x30: {  	s3 =	sld [smem:$0x3FA2]  }
0x31: {  	[smem:$0x3FAB] =	sst s10  }
0x32: {  	s10 =	sld [smem:$0x3FA9];
	_ =	sdelay $0x3  }
0x33: {  	p0 =	seq.s32 s10, $0x1;
	s10 =	sld [smem:$0x3FAB];
	_ =	sdelay $0x3  }
0x34: {  	[smem:$0x3FAB] =	sst s10  }
0x35: {  	s10 =	sld [smem:$0x3FAA];
	_ =	sdelay $0x3  }
0x36: {  	p1 =	seq.s32 s10, $0x1;
	s10 =	sld [smem:$0x3FAB];
	_ =	sdelay $0x3  }
0x37: {  	[smem:$0x3FAB] =	sst s10  }
0x38: {  	s10 =	sld [smem:$0x3FAC]  }
0x39: {  	_ = 	snop;
	(pc) =	sbr.ind lr, $3  }
0x3a: {  	_ = 	snop  }
0x3b: {  	_ = 	snop  }
0x3c: {  	p2 =	seq.s32 s10, $0x1;
	s10 =	sld [smem:$0x3FAB]  }
0x3d: {  	_ =	shalt  }
0x3e: {  	_ =	shalt  }
0x3f: {  	_ =	shalt  }
0x40: {  	_ =	shalt  }
0x41: {  	_ =	shalt  }
0x42: {  	_ =	shalt  }
0x43: {  	_ =	shalt  }
0x44: {  	_ =	shalt  }
0x45: {  	_ =	shalt  }
0x46: {  	_ =	shalt  }
0x47: {  	_ =	shalt  }
0x48: {  	_ =	shalt  }
0x49: {  	_ =	shalt  }
0x4a: {  	_ =	shalt  }
0x4b: {  	_ =	shalt  }
0x4c: {  	_ =	shalt  }
0x4d: {  	_ =	shalt  }
0x4e: {  	_ =	shalt  }
0x4f: {  	_ =	shalt  }
0x50: {  	_ =	shalt  }
0x51: {  	_ =	shalt  }
0x52: {  	_ =	shalt  }
0x53: {  	_ =	shalt  }
0x54: {  	_ =	shalt  }
0x55: {  	_ =	shalt  }
0x56: {  	_ =	shalt  }
0x57: {  	_ =	shalt  }
0x58: {  	_ =	shalt  }
0x59: {  	_ =	shalt  }
0x5a: {  	_ =	shalt  }
0x5b: {  	_ =	shalt  }
0x5c: {  	_ =	shalt  }
0x5d: {  	_ =	shalt  }
0x5e: {  	_ =	shalt  }
0x5f: {  	_ =	shalt  }
0x60: {  	_ =	shalt  }
0x61: {  	_ =	shalt  }
0x62: {  	_ =	shalt  }
0x63: {  	_ =	shalt  }
0x64: {  	_ =	shalt  }
0x65: {  	_ =	shalt  }
0x66: {  	_ =	shalt  }
0x67: {  	_ =	shalt  }
0x68: {  	_ =	shalt  }
0x69: {  	_ =	shalt  }
0x6a: {  	_ =	shalt  }
0x6b: {  	_ =	shalt  }
0x6c: {  	_ =	shalt  }
0x6d: {  	_ =	shalt  }
0x6e: {  	_ =	shalt  }
0x6f: {  	_ =	shalt  }
0x70: {  	_ =	shalt  }
0x71: {  	_ =	shalt  }
0x72: {  	_ =	shalt  }
0x73: {  	_ =	shalt  }
0x74: {  	_ =	shalt  }
0x75: {  	_ =	shalt  }
0x76: {  	_ =	shalt  }
0x77: {  	_ =	shalt  }
0x78: {  	_ =	shalt  }
0x79: {  	_ =	shalt  }
0x7a: {  	_ =	shalt  }
0x7b: {  	_ =	shalt  }
0x7c: {  	_ =	shalt  }
0x7d: {  	_ =	shalt  }
0x7e: {  	_ =	shalt  }
0x7f: {  	_ =	shalt  }
0x80: {  	_ =	shalt  }
0x81: {  	_ =	shalt  }
0x82: {  	_ =	shalt  }
0x83: {  	_ =	shalt  }
0x84: {  	_ =	shalt  }
0x85: {  	_ =	shalt  }
0x86: {  	_ =	shalt  }
0x87: {  	_ =	shalt  }
.Lfunc_end0:
.L_simem_size_0:
called_computation.3_lowered:
.L_overlay_start_0:
0x88: {  	s2 =	sld [smem:$0x3FD9]  }
0x89: {  	s3 =	sld [smem:$0x3FFE];
	_ =	sdelay $0x1  }
0x8a: {  	s1 =	srdreg.scid  }
0x8b: {  	s0 =	sand.u32 $0x1, s1  }
0x8c: {  	s16 =	sshll.u32 s0, $0xA;
	s2 =	sadd.s32 s3, s2  }
0x8d: {  	s2 =	sadd.s32 s2, s16  }
0x8e: {  	[smem:$0x3FB7] =	sst s2  }
0x8f: {  	_ = 	snop  }
0x90: {  	(tm) =	ssettm $0x1  }
0x91: {  	s17 =	sld [smem:$0x3FFB];
	_ =	sdelay $0x3  }
0x92: {  	_ =	strace s17  }
0x93: {  	s2 =	sld [smem:$0x3FFC];
	_ =	sdelay $0x3  }
0x94: {  	_ =	strace s2  }
0x95: {  	s2 =	sld [smem:$0x3FFD];
	_ =	sdelay $0x3  }
0x96: {  	_ =	strace s2  }
0x97: {  	_ =	strace $0x8FFFFFFF  }
0x98: {  	s18 =	sld [smem:$0x3FDB];
	_ =	sdelay $0x1  }
0x99: {  	s19 =	simm.s32 $_scs_section_size  }
0x9a: {  	s4 =	simm.s32 $_size__tile_overlayer_lowered;
	s5 =	simm.s32 $_tile_overlayer_lowered  }
0x9b: {  	s22 =	simm.s32 $0x1BFF;
	s21 =	sshll.u32 s5, $0x1;
	s2 =	sadd.s32 s19, s18  }
0x9c: {  	s6 =	simm.s32 $0x0;
	s20 =	sshll.u32 s4, $0x1;
	s4 =	sadd.s32 s21, s2  }
0x9d: {  	[timem:s6], [sflag:s22] =	dma.local [hbm:s4], s20  }
0x9e: {  	_ =	swait.ge [sflag:s22], s20  }
0x9f: {  	s3 =	ssub.s32 $0x0, s20;
	[sflag:s22] =	ssyncset.done $0x0  }
0xa0: {  	[sflag:s22] =	ssyncadd.s32 s3;
	_ =	sdelay $0x1  }
0xa1: {  	s23 =	simm.s32 $0x1B8B  }
0xa2: {  	_ =	swait.ge [sflag:s23], $0x1  }
0xa3: {  	[sflag:s23] =	ssyncset.done $0x0  }
0xa4: {  	s25 =	simm.s32 $0x1B8E;
	s24 =	sld [smem:$0x3FFE];
	[sflag:s23] =	ssyncadd.s32 $0xFFFFFFFF  }
0xa5: {  	s26 =	simm.s32 $execute0_lowered;
	[smem:$0x3FD2] =	sst s25  }
0xa6: {  	s4 =	sshll.u32 s26, $0x1;
	_ =	strace $0x8000004F;
	[dreg:$0x1] =	wrdreg $0xFFFFFFFF  }
0xa7: {  	s28 =	simm.s32 $_size_execute0_lowered;
	s2 =	sadd.s32 s2, s4;
	[dreg:$0x0] =	wrdreg $0x0  }
0xa8: {  	s4 =	sshll.u32 s28, $0x1;
	[dreg:$0x2] =	wrdreg s2  }
0xa9: {  	[dreg:$0x3] =	wrdreg s4  }
0xaa: {  	[dreg:$0x4] =	wrdreg $0xC0  }
0xab: {  	_ =	task [dreg:s6], $0x5FFFF  }
0xac: {  	[dreg:$0x1] =	wrdreg $0xFFFFFFFF  }
0xad: {  	[dreg:$0x0] =	wrdreg $0x60  }
0xae: {  	[dreg:$0x2] =	wrdreg s24  }
0xaf: {  	[dreg:$0x3] =	wrdreg $0xA8000  }
0xb0: {  	[dreg:$0x4] =	wrdreg $0x9  }
0xb1: {  	_ =	task.clear_ibuf [dreg:s6], $0x5FFFF;
	_ =	strace $0x9000004F  }
0xb2: {  	s29 =	simm.s32 $0x9;
	_ =	strace $0x80000051  }
0xb3: {  	_ =	swait.ge [sflag:s29], $0x1  }
0xb4: {  	[sflag:s29] =	ssyncadd.s32 $0xFFFFFFFF  }
0xb5: {  	_ =	strace $0x90000051  }
0xb6: {  	_ =	sfence  }
0xb7: {  	s30 =	sld [smem:$0x0];
	_ =	sdelay $0x2  }
0xb8: {  	s31 =	sshll.u32 s1, $0xD;
	s1 =	sshrl.u32 s1, $0x2  }
0xb9: {  	s3 =	sand.u32 $0x4000, s31;
	s1 =	sadd.s32 s1, s30  }
0xba: {  	s0 =	sor.u32 s3, s0;
	s1 =	sshll.u32 s1, $0x11  }
0xbb: {  	s0 =	sor.u32 s1, s0  }
0xbc: {  	s0 =	sadd.s32 $0x8F2B, s0  }
0xbd: {  	[sflag:s0] =	ssyncadd.remote.s32 $0x1  }
0xbe: {  	_ =	sfence.sel $0xFFFF  }
0xbf: {  	[dreg:$0x0] =	wrdreg $0xFFFFFFFF;
	(pc) =	sbr.abs _section_cstart, $3  }
0xc0: {  	[dreg:$0x1] =	wrdreg $0xFFFFFFFF  }
0xc1: {  	_ =	task.clear_ibuf [dreg:s6], $0x2FFFF;
	_ =	strace $0x9FFFFFFF  }
0xc2: {  	(tm) =	ssettm $0x7FFFFFFF  }
0xc3: {  	_ =	shalt  }
tec
execute0_lowered:
.L_overlay_start_1:
0x0: {  	(tag) =	ssettag $0x1  }
0x1: {  	s4 =	rddreg [dreg:$0x0];
	s0 =	stileid.u32  }
0x2: {  	s1 =	srdreg.scid;
	s2 =	rddreg [dreg:$0x1];
	s3 =	simm.s32 $0x0  }
0x3: {  	s15 =	simm.s32 $0x3;
	s16 =	simm.s32 $0x1400;
	s17 =	simm.s32 $0x80  }
0x4: {  	s18 =	simm.s32 $0x2800;
	s19 =	simm.s32 $0x6800;
	s20 =	simm.s32 $0x1  }
0x5: {  	s21 =	simm.s32 $0x2;
	s22 =	simm.s32 $0x1380;
	s23 =	simm.s32 $0x2700  }
0x6: {  	s24 =	simm.s32 $0x2780;
	s6 =	sand.u32 $0x1, s1;
	s1 =	rddreg [dreg:$0x2]  }
0x7: {  	s25 =	simm.s32 $0x0;
	s5 =	smul.u32 $0x500, s0;
	[smem:$0x7FF] =	sst s3  }
0x8: {  	s8 =	smul.u32 $0x50000, s0;
	s12 =	sadd.s32 $0x12C000, s2;
	p0 =	seq.s32 s0, $0xF  }
0x9: {  	s7 =	smul.u32 $0x27100, s6;
	_ =	strace $0x80000050;
	s29 =	ssub.s32 $0x2, s6  }
0xa: {  	s13 =	sshll.u32 @!p0 s0, $0x6;
	s12 =	sshrl.u32 @p0 s12, $0x3;
	s9 =	sadd.s32 s5, s4  }
0xb: {  	s30 =	sshrl.u32 s29, $0x1;
	s31 =	sshrl.u32 s8, $0x2;
	s5 =	smul.u32 $0x2800, s0  }
0xc: {  	s13 =	sor.u32 @!p0 $0x1C03, s13;
	s11 =	sadd.s32 s7, s4;
	s10 =	ssub.s32 s29, s30  }
0xd: {  	s14 =	sadd.s32 s31, s2;
	s6 =	sadd.s32 $0x7FE00, s9;
	s7 =	sadd.s32 $0x4400, s9  }
0xe: {  	s4 =	sadd.s32 $0x84E00, s11;
	s8 =	sadd.s32 $0xD3000, s11;
	s9 =	smax.u32 s10, $0x1  }
0xf: {  	s11 =	sadd.s32 $0xAA600, s11;
	s14 =	sshrl.u32 @!p0 s14, $0x3;
	s10 =	sadd.s32 s5, s4  }
.LBB2_1:
0x10: {  	s26 =	simm.s32 @p0 $0x1FC3  }
0x11: {  	[spmem:s12], [sflag:s26] =	dma.local @p0 [hbm:s11], $0x1900  }
0x12: {  	s26 =	simm.s32 @p0 $0x3  }
0x13: {  	_ =	swait.ge @p0 [sflag:s26], $0x1900  }
0x14: {  	[sflag:s26] =	ssyncset.done @p0 $0x0  }
0x15: {  	[sflag:s26] =	ssyncadd.s32 @p0 $0xFFFFE700;
	s26 =	simm.s32 @!p0 $0x3  }
0x16: {  	[spmem:s14], [sflag:s13] =	dma.local @!p0 [hbm:s10], $0x2800  }
0x17: {  	_ =	swait.ge @!p0 [sflag:s26], $0x2800  }
0x18: {  	[sflag:s26] =	ssyncset.done @!p0 $0x0  }
0x19: {  	[sflag:s26] =	ssyncadd.s32 @!p0 $0xFFFFD800  }
0x1a: {  	[bflag:$0x0] =	sbarrier.arrive $0xFFFF  }
0x1b: {  	[tilespmem:s3], [sflag:$0x3] =	stream.linear.gather [hbm4b:s6+s3], $0x1400, $0x38;
	[tilespmem:$0x1E800] =	vst v63  }
0x1c: {  	_ =	swait.ge [sflag:s15], $0x1400  }
0x1d: {  	[sflag:s15] =	ssyncset.done $0x0  }
0x1e: {  	[sflag:s15] =	ssyncadd.s32 $0xFFFFEC00  }
0x1f: {  	[tilespmem:s16], [sflag:$0x3] =	stream.linear.gather [hbm4b:s7+s3], $0x1400, $0x38;
	[tilespmem:$0x1E800] =	vst v63  }
0x20: {  	_ =	swait.ge [sflag:s15], $0x1400  }
0x21: {  	[sflag:s15] =	ssyncset.done $0x0  }
0x22: {  	[sflag:s15] =	ssyncadd.s32 $0xFFFFEC00  }
0x23: {  	[tilespmem:s18], [sflag:$0x1] =	stream.indirect.gather [hbm4b:s4+s17], $0x80, s3, s17, $0xb8;
	[tilespmem:$0x1E800] =	vst v63  }
0x24: {  	s31 =	simm.s32 $0x80  }
0x25: {  	[tilespmem:s19], [sflag:$0x2] =	stream.indirect.gather [hbm4b:s4+s17], $0x80, s31, s17, $0xb8;
	[tilespmem:$0x1E800] =	vst v63  }
0x26: {  	_ =	swait.ge [sflag:s20], $0x4000  }
0x27: {  	[sflag:s20] =	ssyncset.done $0x0  }
0x28: {  	s29 =	simm.s32 $0x1400;
	[sflag:s20] =	ssyncadd.s32 $0xFFFFC000  }
0x29: {  	[spmem:s2] =	stream.indirect.scatter.add.f32 [tilespmem:s18], [sflag:$0x3], $0x80, s29, s17, $0xb8;
	[tilespmem:$0x1E800] =	vst v63  }
0x2a: {  	_ =	swait.ge [sflag:s15], $0x4000  }
0x2b: {  	[sflag:s15] =	ssyncset.done $0x0  }
0x2c: {  	s30 =	simm.s32 $0x100;
	[sflag:s15] =	ssyncadd.s32 $0xFFFFC000  }
0x2d: {  	[tilespmem:s18], [sflag:$0x1] =	stream.indirect.gather [hbm4b:s4+s17], $0x80, s30, s17, $0xb8;
	[tilespmem:$0x1E800] =	vst v63  }
0x2e: {  	_ =	swait.ge [sflag:s21], $0x4000  }
0x2f: {  	[sflag:s21] =	ssyncset.done $0x0  }
0x30: {  	s31 =	simm.s32 $0x1480;
	[sflag:s21] =	ssyncadd.s32 $0xFFFFC000  }
0x31: {  	[spmem:s2] =	stream.indirect.scatter.add.f32 [tilespmem:s19], [sflag:$0x3], $0x80, s31, s17, $0xb8;
	[tilespmem:$0x1E800] =	vst v63  }
0x32: {  	_ =	swait.ge [sflag:s15], $0x4000  }
0x33: {  	s28 =	simm.s32 $0x800;
	s26 =	simm.s32 $0x100;
	[sflag:s15] =	ssyncset.done $0x0  }
.LBB2_2:
0x34: {  	s29 =	sadd.s32 $0x80, s26  }
0x35: {  	[sflag:s15] =	ssyncadd.s32 $0xFFFFC000;
	s30 =	smov.u32 s28;
	s31 =	sadd.s32 $0x400, s28  }
0x36: {  	[tilespmem:s19], [sflag:$0x2] =	stream.indirect.gather [hbm4b:s4+s17], $0x80, s29, s17, $0xb8;
	[tilespmem:$0x1E800] =	vst v63  }
0x37: {  	p1 =	sne.s32 s28, $0x4800;
	_ =	swait.ge [sflag:s20], $0x4000  }
0x38: {  	[sflag:s20] =	ssyncset.done $0x0  }
0x39: {  	s28 =	sadd.s32 $0x1400, s26;
	[sflag:s20] =	ssyncadd.s32 $0xFFFFC000  }
0x3a: {  	[spmem:s2] =	stream.indirect.scatter.add.f32 [tilespmem:s18], [sflag:$0x3], $0x80, s28, s17, $0xb8;
	[tilespmem:$0x1E800] =	vst v63  }
0x3b: {  	_ =	swait.ge [sflag:s15], $0x4000  }
0x3c: {  	[sflag:s15] =	ssyncset.done $0x0  }
0x3d: {  	s28 =	sadd.s32 $0x100, s26;
	[sflag:s15] =	ssyncadd.s32 $0xFFFFC000  }
0x3e: {  	[tilespmem:s18], [sflag:$0x1] =	stream.indirect.gather [hbm4b:s4+s17], $0x80, s28, s17, $0xb8;
	[tilespmem:$0x1E800] =	vst v63  }
0x3f: {  	_ =	swait.ge [sflag:s21], $0x4000  }
.Ltmp0:
0x40: {  	[sflag:s21] =	ssyncset.done $0x0;
	(pc) =	sbr.rel @p1 .LBB2_2-.Ltmp0, $4  }
0x41: {  	s26 =	sadd.s32 $0x1480, s26;
	[sflag:s21] =	ssyncadd.s32 $0xFFFFC000  }
0x42: {  	[spmem:s2] =	stream.indirect.scatter.add.f32 [tilespmem:s19], [sflag:$0x3], $0x80, s26, s17, $0xb8;
	[tilespmem:$0x1E800] =	vst v63  }
0x43: {  	_ =	swait.ge [sflag:s15], $0x4000  }
0x44: {  	s28 =	smov.u32 s31;
	s26 =	sshra.s32 s30, $0x2;
	[sflag:s15] =	ssyncset.done $0x0  }
0x45: {  	s28 =	sadd.s32 $0x80, s26;
	[sflag:s15] =	ssyncadd.s32 $0xFFFFC000  }
0x46: {  	[tilespmem:s19], [sflag:$0x2] =	stream.indirect.gather [hbm4b:s4+s17], $0x80, s28, s17, $0xb8;
	[tilespmem:$0x1E800] =	vst v63  }
0x47: {  	_ =	swait.ge [sflag:s20], $0x4000  }
0x48: {  	[sflag:s20] =	ssyncset.done $0x0  }
0x49: {  	s28 =	sadd.s32 $0x1400, s26;
	[sflag:s20] =	ssyncadd.s32 $0xFFFFC000  }
0x4a: {  	[spmem:s2] =	stream.indirect.scatter.add.f32 [tilespmem:s18], [sflag:$0x3], $0x80, s28, s17, $0xb8;
	[tilespmem:$0x1E800] =	vst v63  }
0x4b: {  	_ =	swait.ge [sflag:s15], $0x4000  }
0x4c: {  	[sflag:s15] =	ssyncset.done $0x0  }
0x4d: {  	s28 =	sadd.s32 $0x100, s26;
	[sflag:s15] =	ssyncadd.s32 $0xFFFFC000  }
0x4e: {  	[tilespmem:s18], [sflag:$0x1] =	stream.indirect.gather [hbm4b:s4+s17], $0x80, s28, s17, $0xb8;
	[tilespmem:$0x1E800] =	vst v63  }
0x4f: {  	_ =	swait.ge [sflag:s21], $0x4000  }
0x50: {  	[sflag:s21] =	ssyncset.done $0x0  }
0x51: {  	s31 =	sadd.s32 $0x1480, s26;
	[sflag:s21] =	ssyncadd.s32 $0xFFFFC000  }
0x52: {  	[spmem:s2] =	stream.indirect.scatter.add.f32 [tilespmem:s19], [sflag:$0x3], $0x80, s31, s17, $0xb8;
	[tilespmem:$0x1E800] =	vst v63  }
0x53: {  	_ =	swait.ge [sflag:s15], $0x4000  }
0x54: {  	[sflag:s15] =	ssyncset.done $0x0  }
0x55: {  	[sflag:s15] =	ssyncadd.s32 $0xFFFFC000  }
0x56: {  	[tilespmem:s19], [sflag:$0x2] =	stream.indirect.gather [hbm4b:s4+s17], $0x80, s22, s17, $0xb8;
	[tilespmem:$0x1E800] =	vst v63  }
0x57: {  	_ =	swait.ge [sflag:s20], $0x4000  }
0x58: {  	[sflag:s20] =	ssyncset.done $0x0  }
0x59: {  	[sflag:s20] =	ssyncadd.s32 $0xFFFFC000  }
0x5a: {  	[spmem:s2] =	stream.indirect.scatter.add.f32 [tilespmem:s18], [sflag:$0x3], $0x80, s23, s17, $0xb8;
	[tilespmem:$0x1E800] =	vst v63  }
0x5b: {  	_ =	swait.ge [sflag:s15], $0x4000  }
0x5c: {  	[sflag:s15] =	ssyncset.done $0x0  }
0x5d: {  	[sflag:s15] =	ssyncadd.s32 $0xFFFFC000  }
0x5e: {  	_ =	swait.ge [sflag:s21], $0x4000  }
0x5f: {  	[sflag:s21] =	ssyncset.done $0x0  }
0x60: {  	[sflag:s21] =	ssyncadd.s32 $0xFFFFC000  }
0x61: {  	[spmem:s2] =	stream.indirect.scatter.add.f32 [tilespmem:s19], [sflag:$0x3], $0x80, s24, s17, $0xb8;
	[tilespmem:$0x1E800] =	vst v63  }
0x62: {  	_ =	swait.ge [sflag:s15], $0x4000  }
0x63: {  	[sflag:s15] =	ssyncset.done $0x0  }
0x64: {  	s29 =	sadd.s32 $0x280, s6;
	s28 =	simm.s32 $0x0;
	[sflag:s15] =	ssyncadd.s32 $0xFFFFC000  }
0x65: {  	[tilespmem:s28], [sflag:$0x3] =	stream.linear.gather [hbm4b:s29+s28], $0x1400, $0x38;
	[tilespmem:$0x1E800] =	vst v63  }
0x66: {  	_ =	swait.ge [sflag:s15], $0x1400  }
0x67: {  	[sflag:s15] =	ssyncset.done $0x0  }
0x68: {  	s30 =	sadd.s32 $0x280, s7;
	[sflag:s15] =	ssyncadd.s32 $0xFFFFEC00  }
0x69: {  	[tilespmem:s16], [sflag:$0x3] =	stream.linear.gather [hbm4b:s30+s28], $0x1400, $0x38;
	[tilespmem:$0x1E800] =	vst v63  }
0x6a: {  	_ =	swait.ge [sflag:s15], $0x1400  }
0x6b: {  	[sflag:s15] =	ssyncset.done $0x0  }
0x6c: {  	[sflag:s15] =	ssyncadd.s32 $0xFFFFEC00  }
0x6d: {  	[tilespmem:s18], [sflag:$0x1] =	stream.indirect.gather [hbm4b:s4+s17], $0x80, s28, s17, $0xb8;
	[tilespmem:$0x1E800] =	vst v63  }
0x6e: {  	s31 =	simm.s32 $0x80  }
0x6f: {  	[tilespmem:s19], [sflag:$0x2] =	stream.indirect.gather [hbm4b:s4+s17], $0x80, s31, s17, $0xb8;
	[tilespmem:$0x1E800] =	vst v63  }
0x70: {  	_ =	swait.ge [sflag:s20], $0x4000  }
0x71: {  	[sflag:s20] =	ssyncset.done $0x0  }
0x72: {  	s29 =	simm.s32 $0x1400;
	[sflag:s20] =	ssyncadd.s32 $0xFFFFC000  }
0x73: {  	[spmem:s2] =	stream.indirect.scatter.add.f32 [tilespmem:s18], [sflag:$0x3], $0x80, s29, s17, $0xb8;
	[tilespmem:$0x1E800] =	vst v63  }
0x74: {  	_ =	swait.ge [sflag:s15], $0x4000  }
0x75: {  	[sflag:s15] =	ssyncset.done $0x0  }
0x76: {  	s30 =	simm.s32 $0x100;
	[sflag:s15] =	ssyncadd.s32 $0xFFFFC000  }
0x77: {  	[tilespmem:s18], [sflag:$0x1] =	stream.indirect.gather [hbm4b:s4+s17], $0x80, s30, s17, $0xb8;
	[tilespmem:$0x1E800] =	vst v63  }
0x78: {  	_ =	swait.ge [sflag:s21], $0x4000  }
0x79: {  	[sflag:s21] =	ssyncset.done $0x0  }
0x7a: {  	s31 =	simm.s32 $0x1480;
	[sflag:s21] =	ssyncadd.s32 $0xFFFFC000  }
0x7b: {  	[spmem:s2] =	stream.indirect.scatter.add.f32 [tilespmem:s19], [sflag:$0x3], $0x80, s31, s17, $0xb8;
	[tilespmem:$0x1E800] =	vst v63  }
0x7c: {  	_ =	swait.ge [sflag:s15], $0x4000  }
0x7d: {  	s26 =	simm.s32 $0x100;
	s28 =	simm.s32 $0x800;
	[sflag:s15] =	ssyncset.done $0x0  }
.LBB2_4:
0x7e: {  	s29 =	sadd.s32 $0x80, s26  }
0x7f: {  	[sflag:s15] =	ssyncadd.s32 $0xFFFFC000;
	s30 =	smov.u32 s28;
	s31 =	sadd.s32 $0x400, s28  }
0x80: {  	[tilespmem:s19], [sflag:$0x2] =	stream.indirect.gather [hbm4b:s4+s17], $0x80, s29, s17, $0xb8;
	[tilespmem:$0x1E800] =	vst v63  }
0x81: {  	p1 =	sne.s32 s28, $0x4800;
	_ =	swait.ge [sflag:s20], $0x4000  }
0x82: {  	[sflag:s20] =	ssyncset.done $0x0  }
0x83: {  	s28 =	sadd.s32 $0x1400, s26;
	[sflag:s20] =	ssyncadd.s32 $0xFFFFC000  }
0x84: {  	[spmem:s2] =	stream.indirect.scatter.add.f32 [tilespmem:s18], [sflag:$0x3], $0x80, s28, s17, $0xb8;
	[tilespmem:$0x1E800] =	vst v63  }
0x85: {  	_ =	swait.ge [sflag:s15], $0x4000  }
0x86: {  	[sflag:s15] =	ssyncset.done $0x0  }
0x87: {  	s28 =	sadd.s32 $0x100, s26;
	[sflag:s15] =	ssyncadd.s32 $0xFFFFC000  }
0x88: {  	[tilespmem:s18], [sflag:$0x1] =	stream.indirect.gather [hbm4b:s4+s17], $0x80, s28, s17, $0xb8;
	[tilespmem:$0x1E800] =	vst v63  }
0x89: {  	_ =	swait.ge [sflag:s21], $0x4000  }
.Ltmp1:
0x8a: {  	[sflag:s21] =	ssyncset.done $0x0;
	(pc) =	sbr.rel @p1 .LBB2_4-.Ltmp1, $4  }
0x8b: {  	s26 =	sadd.s32 $0x1480, s26;
	[sflag:s21] =	ssyncadd.s32 $0xFFFFC000  }
0x8c: {  	[spmem:s2] =	stream.indirect.scatter.add.f32 [tilespmem:s19], [sflag:$0x3], $0x80, s26, s17, $0xb8;
	[tilespmem:$0x1E800] =	vst v63  }
0x8d: {  	_ =	swait.ge [sflag:s15], $0x4000  }
0x8e: {  	s28 =	smov.u32 s31;
	s26 =	sshra.s32 s30, $0x2;
	[sflag:s15] =	ssyncset.done $0x0  }
0x8f: {  	s28 =	sadd.s32 $0x80, s26;
	[sflag:s15] =	ssyncadd.s32 $0xFFFFC000  }
0x90: {  	[tilespmem:s19], [sflag:$0x2] =	stream.indirect.gather [hbm4b:s4+s17], $0x80, s28, s17, $0xb8;
	[tilespmem:$0x1E800] =	vst v63  }
0x91: {  	_ =	swait.ge [sflag:s20], $0x4000  }
0x92: {  	[sflag:s20] =	ssyncset.done $0x0  }
0x93: {  	s29 =	sadd.s32 $0x1400, s26;
	[sflag:s20] =	ssyncadd.s32 $0xFFFFC000  }
0x94: {  	[spmem:s2] =	stream.indirect.scatter.add.f32 [tilespmem:s18], [sflag:$0x3], $0x80, s29, s17, $0xb8;
	[tilespmem:$0x1E800] =	vst v63  }
0x95: {  	_ =	swait.ge [sflag:s15], $0x4000  }
0x96: {  	[sflag:s15] =	ssyncset.done $0x0  }
0x97: {  	s30 =	sadd.s32 $0x100, s26;
	[sflag:s15] =	ssyncadd.s32 $0xFFFFC000  }
0x98: {  	[tilespmem:s18], [sflag:$0x1] =	stream.indirect.gather [hbm4b:s4+s17], $0x80, s30, s17, $0xb8;
	[tilespmem:$0x1E800] =	vst v63  }
0x99: {  	_ =	swait.ge [sflag:s21], $0x4000  }
0x9a: {  	[sflag:s21] =	ssyncset.done $0x0  }
0x9b: {  	s31 =	sadd.s32 $0x1480, s26;
	[sflag:s21] =	ssyncadd.s32 $0xFFFFC000  }
0x9c: {  	[spmem:s2] =	stream.indirect.scatter.add.f32 [tilespmem:s19], [sflag:$0x3], $0x80, s31, s17, $0xb8;
	[tilespmem:$0x1E800] =	vst v63  }
0x9d: {  	_ =	swait.ge [sflag:s15], $0x4000  }
0x9e: {  	[sflag:s15] =	ssyncset.done $0x0  }
0x9f: {  	[sflag:s15] =	ssyncadd.s32 $0xFFFFC000  }
0xa0: {  	[tilespmem:s19], [sflag:$0x2] =	stream.indirect.gather [hbm4b:s4+s17], $0x80, s22, s17, $0xb8;
	[tilespmem:$0x1E800] =	vst v63  }
0xa1: {  	_ =	swait.ge [sflag:s20], $0x4000  }
0xa2: {  	[sflag:s20] =	ssyncset.done $0x0  }
0xa3: {  	[sflag:s20] =	ssyncadd.s32 $0xFFFFC000  }
0xa4: {  	[spmem:s2] =	stream.indirect.scatter.add.f32 [tilespmem:s18], [sflag:$0x3], $0x80, s23, s17, $0xb8;
	[tilespmem:$0x1E800] =	vst v63  }
0xa5: {  	_ =	swait.ge [sflag:s15], $0x4000  }
0xa6: {  	[sflag:s15] =	ssyncset.done $0x0  }
0xa7: {  	[sflag:s15] =	ssyncadd.s32 $0xFFFFC000  }
0xa8: {  	_ =	swait.ge [sflag:s21], $0x4000  }
0xa9: {  	[sflag:s21] =	ssyncset.done $0x0  }
0xaa: {  	[sflag:s21] =	ssyncadd.s32 $0xFFFFC000  }
0xab: {  	[spmem:s2] =	stream.indirect.scatter.add.f32 [tilespmem:s19], [sflag:$0x3], $0x80, s24, s17, $0xb8;
	[tilespmem:$0x1E800] =	vst v63  }
0xac: {  	_ =	swait.ge [sflag:s15], $0x4000  }
0xad: {  	[sflag:s15] =	ssyncset.done $0x0  }
0xae: {  	[sflag:s15] =	ssyncadd.s32 $0xFFFFC000  }
0xaf: {  	s26 =	sadd.s32 @p0 $0x25800, s8;
	s28 =	simm.s32 @p0 $0x1FC3;
	[bflag:$0x0] =	sbarrier.arrive $0xFFFF  }
0xb0: {  	[hbm:s26], [sflag:s28] =	dma.local @p0 [spmem:s12], $0x1900  }
0xb1: {  	s26 =	simm.s32 @p0 $0x3  }
0xb2: {  	_ =	swait.ge @p0 [sflag:s26], $0x1900  }
0xb3: {  	s25 =	sadd.s32 $0x1, s25;
	[sflag:s26] =	ssyncset.done @p0 $0x0  }
0xb4: {  	p1 =	sne.s32 s25, s9;
	[sflag:s26] =	ssyncadd.s32 @p0 $0xFFFFE700;
	s26 =	sadd.s32 @!p0 s5, s8  }
0xb5: {  	[hbm:s26], [sflag:s13] =	dma.local @!p0 [spmem:s14], $0x2800  }
.Ltmp2:
0xb6: {  	_ = 	snop;
	(pc) =	sbr.rel @p1 .LBB2_1-.Ltmp2, $4  }
0xb7: {  	s26 =	simm.s32 @!p0 $0x3  }
0xb8: {  	_ =	swait.ge @!p0 [sflag:s26], $0x2800  }
0xb9: {  	[sflag:s26] =	ssyncset.done @!p0 $0x0  }
0xba: {  	[sflag:s26] =	ssyncadd.s32 @!p0 $0xFFFFD800  }
0xbb: {  	_ =	sfence.sel $0x180000  }
0xbc: {  	[bflag:$0x0] =	sbarrier.arrive $0xFFFF  }
0xbd: {  	p0 =	sne.s32 s0, $0x0;
	_ =	strace $0x90000050  }
0xbe: {  	s0 =	sadd.s32 @!p0 $0x100000, s1;
	[bflag:$0x2] =	sbarrier.arrive $0xFFFF  }
0xbf: {  	[sflag:s0] =	ssyncadd.tile.s32 @!p0 $0x1;
	_ =	shalt  }
.Lfunc_end2:
_tile_overlayer_lowered:
.L_overlay_start_2:
0xc0: {  	(tag) =	ssettag $0x2  }
0xc1: {  	s0 =	rddreg [dreg:$0x0];
	s2 =	stileid.u32  }
0xc2: {  	s1 =	rddreg [dreg:$0x1];
	p0 =	sne.s32 s2, $0x0  }
0xc3: {  	s3 =	rddreg [dreg:$0x2];
	[bflag:$0x3] =	sbarrier.arrive $0xFFFF;
	s2 =	simm.s32 @!p0 $0x1C03  }
0xc4: {  	[timem:s3], [sflag:s2] =	dma.local @!p0 [hbm:s0], s1  }
0xc5: {  	s0 =	simm.s32 @!p0 $0x3  }
0xc6: {  	_ =	swait.ge @!p0 [sflag:s0], s1  }
0xc7: {  	s1 =	ssub.s32 @!p0 $0x0, s1;
	[sflag:s0] =	ssyncset.done @!p0 $0x0  }
0xc8: {  	[sflag:s0] =	ssyncadd.s32 @!p0 s1  }
0xc9: {  	[bflag:$0x3] =	sbarrier.arrive $0xFFFF  }
0xca: {  	_ =	shalt  }

// kernel: sc_agg.15.cloned.1.call-start
scs
__scs_entry_jumppad:
0x0: {  	(pc) =	sbr.rel $0x88, $3  }
0x1: {  	(tag) =	ssettag $0x0;
	lr =	simm.s32 $0x1  }
0x2: {  	[smem:$0x3F90] =	sst lr;
	_ =	strace $0xD0000000  }
0x3: {  	_ = 	snop  }
0x4: {  	_ = 	snop  }
0x5: {  	_ = 	snop  }
0x6: {  	_ = 	snop  }
0x7: {  	_ = 	snop  }
__scs_overlays_trampoline_lowered:
0x8: {  	[smem:$0x3F9F] =	sst s0  }
0x9: {  	[smem:$0x3FA0] =	sst s1  }
0xa: {  	[smem:$0x3FA1] =	sst s2  }
0xb: {  	[smem:$0x3FA2] =	sst s3  }
0xc: {  	[smem:$0x3FA3] =	sst s4  }
0xd: {  	[smem:$0x3FA4] =	sst s5  }
0xe: {  	[smem:$0x3FA5] =	sst s6  }
0xf: {  	[smem:$0x3FA6] =	sst s7  }
0x10: {  	[smem:$0x3FA7] =	sst s8  }
0x11: {  	[smem:$0x3FA8] =	sst s9;
	s0 =	simm.s32 @!p0 $0x0  }
0x12: {  	s1 =	sld [smem:$0x3F8E];
	s0 =	simm.s32 @p0 $0x1  }
0x13: {  	[smem:$0x3FA9] =	sst s0;
	s0 =	simm.s32 @!p1 $0x0  }
0x14: {  	s2 =	sld [smem:$0x3F8D];
	s0 =	simm.s32 @p1 $0x1  }
0x15: {  	[smem:$0x3FAA] =	sst s0;
	s0 =	simm.s32 @!p2 $0x0  }
0x16: {  	s3 =	sld [smem:$0x3FDB];
	s0 =	simm.s32 @p2 $0x1  }
0x17: {  	s4 =	simm.s32 $0x1BF5;
	[smem:$0x3FAC] =	sst s0  }
0x18: {  	s0 =	sld [smem:$0x3F8F];
	_ =	swait.ge [sflag:s4], $0x0  }
0x19: {  	s7 =	sld [smem:$0x3F90]  }
0x1a: {  	s8 =	sadd.s32 $0xFFFFE003, lr  }
0x1b: {  	s9 =	sadd.s32 $0xFFFFFEF7, lr;
	s5 =	simm.s32 $0xFFFFFFFF;
	p2 =	slt.u32 s8, $0xFFFFF086  }
0x1c: {  	p1 =	slt.u32 s9, $0xF7A;
	s5 =	simm.s32 @!p2 $0x0  }
0x1d: {  	s5 =	simm.s32 @p1 $0x1;
	p0 =	seq.s32 s7, s2  }
0x1e: {  	s7 =	smul.u32 @!p0 $0xF7A, s2;
	p2 =	seq.s32 @!p0 s5, $0x0  }
0x1f: {  	s9 =	smul.u32 $0xF7A, s1;
	s8 =	simm.s32 @!p0 $0x1BF5;
	p2 =	por !p2, p0  }
0x20: {  	[sflag:s8] =	ssyncset.s32 @!p0 $0xFFFFF086;
	s6 =	sadd.s32 @!p0 s3, s7;
	s7 =	simm.s32 @!p0 $0x108  }
0x21: {  	s3 =	sadd.s32 s3, s9;
	s6 =	sadd.s32 @!p0 $0x88, s6;
	s7 =	simm.s32 @p2 $0x1082  }
0x22: {  	[simem:s7], [sflag:s8] =	dma.local @!p0 [hbm:s6], $0xF7A  }
0x23: {  	s9 =	sor.u32 $0xD0000000, s2;
	s6 =	simm.s32 $0x108;
	_ =	swait.ge @!p0 [sflag:s8], $0x0  }
0x24: {  	s3 =	sadd.s32 $0x88, s3;
	s6 =	simm.s32 @!p1 $0x1082;
	[sflag:s4] =	ssyncset.s32 $0xFFFFF086  }
0x25: {  	[simem:s6], [sflag:s4] =	dma.local [hbm:s3], $0xF7A  }
0x26: {  	[smem:$0x3F90] =	sst s1;
	(tag) =	ssettag s2;
	_ =	strace s9  }
0x27: {  	s1 =	sld [smem:$0x3FA0]  }
0x28: {  	s2 =	sld [smem:$0x3FA1]  }
0x29: {  	s4 =	sld [smem:$0x3FA3]  }
0x2a: {  	p0 =	seq.s32 s5, $0x0;
	s5 =	sld [smem:$0x3FA4]  }
0x2b: {  	s6 =	sld [smem:$0x3FA5]  }
0x2c: {  	s7 =	sld [smem:$0x3FA6]  }
0x2d: {  	s3 =	simm.s32 $0x108;
	s8 =	sld [smem:$0x3FA7]  }
0x2e: {  	s3 =	simm.s32 @!p0 $0x1082;
	s9 =	sld [smem:$0x3FA8]  }
0x2f: {  	lr =	sadd.s32 s0, s3;
	s0 =	sld [smem:$0x3F9F]  }
0x30: {  	s3 =	sld [smem:$0x3FA2]  }
0x31: {  	[smem:$0x3FAB] =	sst s10  }
0x32: {  	s10 =	sld [smem:$0x3FA9];
	_ =	sdelay $0x3  }
0x33: {  	p0 =	seq.s32 s10, $0x1;
	s10 =	sld [smem:$0x3FAB];
	_ =	sdelay $0x3  }
0x34: {  	[smem:$0x3FAB] =	sst s10  }
0x35: {  	s10 =	sld [smem:$0x3FAA];
	_ =	sdelay $0x3  }
0x36: {  	p1 =	seq.s32 s10, $0x1;
	s10 =	sld [smem:$0x3FAB];
	_ =	sdelay $0x3  }
0x37: {  	[smem:$0x3FAB] =	sst s10  }
0x38: {  	s10 =	sld [smem:$0x3FAC]  }
0x39: {  	_ = 	snop;
	(pc) =	sbr.ind lr, $3  }
0x3a: {  	_ = 	snop  }
0x3b: {  	_ = 	snop  }
0x3c: {  	p2 =	seq.s32 s10, $0x1;
	s10 =	sld [smem:$0x3FAB]  }
0x3d: {  	_ =	shalt  }
0x3e: {  	_ =	shalt  }
0x3f: {  	_ =	shalt  }
0x40: {  	_ =	shalt  }
0x41: {  	_ =	shalt  }
0x42: {  	_ =	shalt  }
0x43: {  	_ =	shalt  }
0x44: {  	_ =	shalt  }
0x45: {  	_ =	shalt  }
0x46: {  	_ =	shalt  }
0x47: {  	_ =	shalt  }
0x48: {  	_ =	shalt  }
0x49: {  	_ =	shalt  }
0x4a: {  	_ =	shalt  }
0x4b: {  	_ =	shalt  }
0x4c: {  	_ =	shalt  }
0x4d: {  	_ =	shalt  }
0x4e: {  	_ =	shalt  }
0x4f: {  	_ =	shalt  }
0x50: {  	_ =	shalt  }
0x51: {  	_ =	shalt  }
0x52: {  	_ =	shalt  }
0x53: {  	_ =	shalt  }
0x54: {  	_ =	shalt  }
0x55: {  	_ =	shalt  }
0x56: {  	_ =	shalt  }
0x57: {  	_ =	shalt  }
0x58: {  	_ =	shalt  }
0x59: {  	_ =	shalt  }
0x5a: {  	_ =	shalt  }
0x5b: {  	_ =	shalt  }
0x5c: {  	_ =	shalt  }
0x5d: {  	_ =	shalt  }
0x5e: {  	_ =	shalt  }
0x5f: {  	_ =	shalt  }
0x60: {  	_ =	shalt  }
0x61: {  	_ =	shalt  }
0x62: {  	_ =	shalt  }
0x63: {  	_ =	shalt  }
0x64: {  	_ =	shalt  }
0x65: {  	_ =	shalt  }
0x66: {  	_ =	shalt  }
0x67: {  	_ =	shalt  }
0x68: {  	_ =	shalt  }
0x69: {  	_ =	shalt  }
0x6a: {  	_ =	shalt  }
0x6b: {  	_ =	shalt  }
0x6c: {  	_ =	shalt  }
0x6d: {  	_ =	shalt  }
0x6e: {  	_ =	shalt  }
0x6f: {  	_ =	shalt  }
0x70: {  	_ =	shalt  }
0x71: {  	_ =	shalt  }
0x72: {  	_ =	shalt  }
0x73: {  	_ =	shalt  }
0x74: {  	_ =	shalt  }
0x75: {  	_ =	shalt  }
0x76: {  	_ =	shalt  }
0x77: {  	_ =	shalt  }
0x78: {  	_ =	shalt  }
0x79: {  	_ =	shalt  }
0x7a: {  	_ =	shalt  }
0x7b: {  	_ =	shalt  }
0x7c: {  	_ =	shalt  }
0x7d: {  	_ =	shalt  }
0x7e: {  	_ =	shalt  }
0x7f: {  	_ =	shalt  }
0x80: {  	_ =	shalt  }
0x81: {  	_ =	shalt  }
0x82: {  	_ =	shalt  }
0x83: {  	_ =	shalt  }
0x84: {  	_ =	shalt  }
0x85: {  	_ =	shalt  }
0x86: {  	_ =	shalt  }
0x87: {  	_ =	shalt  }
.Lfunc_end0:
.L_simem_size_0:
called_computation.4_lowered:
.L_overlay_start_0:
0x88: {  	s2 =	sld [smem:$0x3FD9]  }
0x89: {  	s3 =	sld [smem:$0x3FFE];
	_ =	sdelay $0x1  }
0x8a: {  	s1 =	srdreg.scid  }
0x8b: {  	s0 =	sand.u32 $0x1, s1  }
0x8c: {  	s16 =	sshll.u32 s0, $0xA;
	s2 =	sadd.s32 s3, s2  }
0x8d: {  	s2 =	sadd.s32 s2, s16  }
0x8e: {  	[smem:$0x3FB7] =	sst s2  }
0x8f: {  	_ = 	snop  }
0x90: {  	(tm) =	ssettm $0x1  }
0x91: {  	s17 =	sld [smem:$0x3FFB];
	_ =	sdelay $0x3  }
0x92: {  	_ =	strace s17  }
0x93: {  	s2 =	sld [smem:$0x3FFC];
	_ =	sdelay $0x3  }
0x94: {  	_ =	strace s2  }
0x95: {  	s2 =	sld [smem:$0x3FFD];
	_ =	sdelay $0x3  }
0x96: {  	_ =	strace s2  }
0x97: {  	_ =	strace $0x8FFFFFFF  }
0x98: {  	s18 =	sld [smem:$0x3FDB];
	_ =	sdelay $0x1  }
0x99: {  	s19 =	simm.s32 $_scs_section_size  }
0x9a: {  	s4 =	simm.s32 $_size__tile_overlayer_lowered;
	s5 =	simm.s32 $_tile_overlayer_lowered  }
0x9b: {  	s22 =	simm.s32 $0x1BFF;
	s21 =	sshll.u32 s5, $0x1;
	s2 =	sadd.s32 s19, s18  }
0x9c: {  	s6 =	simm.s32 $0x0;
	s20 =	sshll.u32 s4, $0x1;
	s4 =	sadd.s32 s21, s2  }
0x9d: {  	[timem:s6], [sflag:s22] =	dma.local [hbm:s4], s20  }
0x9e: {  	_ =	swait.ge [sflag:s22], s20  }
0x9f: {  	s3 =	ssub.s32 $0x0, s20;
	[sflag:s22] =	ssyncset.done $0x0  }
0xa0: {  	[sflag:s22] =	ssyncadd.s32 s3;
	_ =	sdelay $0x1  }
0xa1: {  	s23 =	simm.s32 $0x1B8B  }
0xa2: {  	_ =	swait.ge [sflag:s23], $0x1  }
0xa3: {  	[sflag:s23] =	ssyncset.done $0x0  }
0xa4: {  	s25 =	simm.s32 $0x1B8E;
	s24 =	sld [smem:$0x3FFE];
	[sflag:s23] =	ssyncadd.s32 $0xFFFFFFFF  }
0xa5: {  	s26 =	simm.s32 $execute0_lowered;
	[smem:$0x3FD2] =	sst s25  }
0xa6: {  	s4 =	sshll.u32 s26, $0x1;
	_ =	strace $0x80000052;
	[dreg:$0x1] =	wrdreg $0xFFFFFFFF  }
0xa7: {  	s28 =	simm.s32 $_size_execute0_lowered;
	s2 =	sadd.s32 s2, s4;
	[dreg:$0x0] =	wrdreg $0x0  }
0xa8: {  	s4 =	sshll.u32 s28, $0x1;
	[dreg:$0x2] =	wrdreg s2  }
0xa9: {  	[dreg:$0x3] =	wrdreg s4  }
0xaa: {  	[dreg:$0x4] =	wrdreg $0xC0  }
0xab: {  	_ =	task [dreg:s6], $0x5FFFF  }
0xac: {  	[dreg:$0x1] =	wrdreg $0xFFFFFFFF  }
0xad: {  	[dreg:$0x0] =	wrdreg $0x60  }
0xae: {  	[dreg:$0x2] =	wrdreg s24  }
0xaf: {  	[dreg:$0x3] =	wrdreg $0xA8000  }
0xb0: {  	[dreg:$0x4] =	wrdreg $0x9  }
0xb1: {  	_ =	task.clear_ibuf [dreg:s6], $0x5FFFF;
	_ =	strace $0x90000052  }
0xb2: {  	s29 =	simm.s32 $0x9;
	_ =	strace $0x80000054  }
0xb3: {  	_ =	swait.ge [sflag:s29], $0x1  }
0xb4: {  	[sflag:s29] =	ssyncadd.s32 $0xFFFFFFFF  }
0xb5: {  	_ =	strace $0x90000054  }
0xb6: {  	_ =	sfence  }
0xb7: {  	s30 =	sld [smem:$0x0];
	_ =	sdelay $0x2  }
0xb8: {  	s31 =	sshll.u32 s1, $0xD;
	s1 =	sshrl.u32 s1, $0x2  }
0xb9: {  	s3 =	sand.u32 $0x4000, s31;
	s1 =	sadd.s32 s1, s30  }
0xba: {  	s0 =	sor.u32 s3, s0;
	s1 =	sshll.u32 s1, $0x11  }
0xbb: {  	s0 =	sor.u32 s1, s0  }
0xbc: {  	s0 =	sadd.s32 $0x8F2B, s0  }
0xbd: {  	[sflag:s0] =	ssyncadd.remote.s32 $0x1  }
0xbe: {  	_ =	sfence.sel $0xFFFF  }
0xbf: {  	[dreg:$0x0] =	wrdreg $0xFFFFFFFF;
	(pc) =	sbr.abs _section_cstart, $3  }
0xc0: {  	[dreg:$0x1] =	wrdreg $0xFFFFFFFF  }
0xc1: {  	_ =	task.clear_ibuf [dreg:s6], $0x2FFFF;
	_ =	strace $0x9FFFFFFF  }
0xc2: {  	(tm) =	ssettm $0x7FFFFFFF  }
0xc3: {  	_ =	shalt  }
tec
execute0_lowered:
.L_overlay_start_1:
0x0: {  	(tag) =	ssettag $0x1  }
0x1: {  	s4 =	rddreg [dreg:$0x0];
	s0 =	stileid.u32  }
0x2: {  	s1 =	srdreg.scid;
	s2 =	rddreg [dreg:$0x1];
	s3 =	simm.s32 $0x0  }
0x3: {  	s15 =	simm.s32 $0x3;
	s16 =	simm.s32 $0x1400;
	s17 =	simm.s32 $0x80  }
0x4: {  	s18 =	simm.s32 $0x2800;
	s19 =	simm.s32 $0x6800;
	s20 =	simm.s32 $0x1  }
0x5: {  	s21 =	simm.s32 $0x2;
	s22 =	simm.s32 $0x1380;
	s23 =	simm.s32 $0x2700  }
0x6: {  	s24 =	simm.s32 $0x2780;
	s6 =	sand.u32 $0x1, s1;
	s1 =	rddreg [dreg:$0x2]  }
0x7: {  	s25 =	simm.s32 $0x0;
	s5 =	smul.u32 $0x500, s0;
	[smem:$0x7FF] =	sst s3  }
0x8: {  	s8 =	smul.u32 $0x50000, s0;
	s12 =	sadd.s32 $0x12C000, s2;
	p0 =	seq.s32 s0, $0xF  }
0x9: {  	s7 =	smul.u32 $0x27100, s6;
	_ =	strace $0x80000053;
	s29 =	ssub.s32 $0x2, s6  }
0xa: {  	s13 =	sshll.u32 @!p0 s0, $0x6;
	s12 =	sshrl.u32 @p0 s12, $0x3;
	s9 =	sadd.s32 s5, s4  }
0xb: {  	s30 =	sshrl.u32 s29, $0x1;
	s31 =	sshrl.u32 s8, $0x2;
	s5 =	smul.u32 $0x2800, s0  }
0xc: {  	s13 =	sor.u32 @!p0 $0x1C03, s13;
	s11 =	sadd.s32 s7, s4;
	s10 =	ssub.s32 s29, s30  }
0xd: {  	s14 =	sadd.s32 s31, s2;
	s6 =	sadd.s32 $0x7FE00, s9;
	s7 =	sadd.s32 $0x4400, s9  }
0xe: {  	s4 =	sadd.s32 $0x84E00, s11;
	s8 =	sadd.s32 $0xD3000, s11;
	s9 =	smax.u32 s10, $0x1  }
0xf: {  	s11 =	sadd.s32 $0xAA600, s11;
	s14 =	sshrl.u32 @!p0 s14, $0x3;
	s10 =	sadd.s32 s5, s4  }
.LBB2_1:
0x10: {  	s26 =	simm.s32 @p0 $0x1FC3  }
0x11: {  	[spmem:s12], [sflag:s26] =	dma.local @p0 [hbm:s11], $0x1900  }
0x12: {  	s26 =	simm.s32 @p0 $0x3  }
0x13: {  	_ =	swait.ge @p0 [sflag:s26], $0x1900  }
0x14: {  	[sflag:s26] =	ssyncset.done @p0 $0x0  }
0x15: {  	[sflag:s26] =	ssyncadd.s32 @p0 $0xFFFFE700;
	s26 =	simm.s32 @!p0 $0x3  }
0x16: {  	[spmem:s14], [sflag:s13] =	dma.local @!p0 [hbm:s10], $0x2800  }
0x17: {  	_ =	swait.ge @!p0 [sflag:s26], $0x2800  }
0x18: {  	[sflag:s26] =	ssyncset.done @!p0 $0x0  }
0x19: {  	[sflag:s26] =	ssyncadd.s32 @!p0 $0xFFFFD800  }
0x1a: {  	[bflag:$0x0] =	sbarrier.arrive $0xFFFF  }
0x1b: {  	[tilespmem:s3], [sflag:$0x3] =	stream.linear.gather [hbm4b:s6+s3], $0x1400, $0x38;
	[tilespmem:$0x1E800] =	vst v63  }
0x1c: {  	_ =	swait.ge [sflag:s15], $0x1400  }
0x1d: {  	[sflag:s15] =	ssyncset.done $0x0  }
0x1e: {  	[sflag:s15] =	ssyncadd.s32 $0xFFFFEC00  }
0x1f: {  	[tilespmem:s16], [sflag:$0x3] =	stream.linear.gather [hbm4b:s7+s3], $0x1400, $0x38;
	[tilespmem:$0x1E800] =	vst v63  }
0x20: {  	_ =	swait.ge [sflag:s15], $0x1400  }
0x21: {  	[sflag:s15] =	ssyncset.done $0x0  }
0x22: {  	[sflag:s15] =	ssyncadd.s32 $0xFFFFEC00  }
0x23: {  	[tilespmem:s18], [sflag:$0x1] =	stream.indirect.gather [hbm4b:s4+s17], $0x80, s3, s17, $0xb8;
	[tilespmem:$0x1E800] =	vst v63  }
0x24: {  	s31 =	simm.s32 $0x80  }
0x25: {  	[tilespmem:s19], [sflag:$0x2] =	stream.indirect.gather [hbm4b:s4+s17], $0x80, s31, s17, $0xb8;
	[tilespmem:$0x1E800] =	vst v63  }
0x26: {  	_ =	swait.ge [sflag:s20], $0x4000  }
0x27: {  	[sflag:s20] =	ssyncset.done $0x0  }
0x28: {  	s29 =	simm.s32 $0x1400;
	[sflag:s20] =	ssyncadd.s32 $0xFFFFC000  }
0x29: {  	[spmem:s2] =	stream.indirect.scatter.add.f32 [tilespmem:s18], [sflag:$0x3], $0x80, s29, s17, $0xb8;
	[tilespmem:$0x1E800] =	vst v63  }
0x2a: {  	_ =	swait.ge [sflag:s15], $0x4000  }
0x2b: {  	[sflag:s15] =	ssyncset.done $0x0  }
0x2c: {  	s30 =	simm.s32 $0x100;
	[sflag:s15] =	ssyncadd.s32 $0xFFFFC000  }
0x2d: {  	[tilespmem:s18], [sflag:$0x1] =	stream.indirect.gather [hbm4b:s4+s17], $0x80, s30, s17, $0xb8;
	[tilespmem:$0x1E800] =	vst v63  }
0x2e: {  	_ =	swait.ge [sflag:s21], $0x4000  }
0x2f: {  	[sflag:s21] =	ssyncset.done $0x0  }
0x30: {  	s31 =	simm.s32 $0x1480;
	[sflag:s21] =	ssyncadd.s32 $0xFFFFC000  }
0x31: {  	[spmem:s2] =	stream.indirect.scatter.add.f32 [tilespmem:s19], [sflag:$0x3], $0x80, s31, s17, $0xb8;
	[tilespmem:$0x1E800] =	vst v63  }
0x32: {  	_ =	swait.ge [sflag:s15], $0x4000  }
0x33: {  	s28 =	simm.s32 $0x800;
	s26 =	simm.s32 $0x100;
	[sflag:s15] =	ssyncset.done $0x0  }
.LBB2_2:
0x34: {  	s29 =	sadd.s32 $0x80, s26  }
0x35: {  	[sflag:s15] =	ssyncadd.s32 $0xFFFFC000;
	s30 =	smov.u32 s28;
	s31 =	sadd.s32 $0x400, s28  }
0x36: {  	[tilespmem:s19], [sflag:$0x2] =	stream.indirect.gather [hbm4b:s4+s17], $0x80, s29, s17, $0xb8;
	[tilespmem:$0x1E800] =	vst v63  }
0x37: {  	p1 =	sne.s32 s28, $0x4800;
	_ =	swait.ge [sflag:s20], $0x4000  }
0x38: {  	[sflag:s20] =	ssyncset.done $0x0  }
0x39: {  	s28 =	sadd.s32 $0x1400, s26;
	[sflag:s20] =	ssyncadd.s32 $0xFFFFC000  }
0x3a: {  	[spmem:s2] =	stream.indirect.scatter.add.f32 [tilespmem:s18], [sflag:$0x3], $0x80, s28, s17, $0xb8;
	[tilespmem:$0x1E800] =	vst v63  }
0x3b: {  	_ =	swait.ge [sflag:s15], $0x4000  }
0x3c: {  	[sflag:s15] =	ssyncset.done $0x0  }
0x3d: {  	s28 =	sadd.s32 $0x100, s26;
	[sflag:s15] =	ssyncadd.s32 $0xFFFFC000  }
0x3e: {  	[tilespmem:s18], [sflag:$0x1] =	stream.indirect.gather [hbm4b:s4+s17], $0x80, s28, s17, $0xb8;
	[tilespmem:$0x1E800] =	vst v63  }
0x3f: {  	_ =	swait.ge [sflag:s21], $0x4000  }
.Ltmp0:
0x40: {  	[sflag:s21] =	ssyncset.done $0x0;
	(pc) =	sbr.rel @p1 .LBB2_2-.Ltmp0, $4  }
0x41: {  	s26 =	sadd.s32 $0x1480, s26;
	[sflag:s21] =	ssyncadd.s32 $0xFFFFC000  }
0x42: {  	[spmem:s2] =	stream.indirect.scatter.add.f32 [tilespmem:s19], [sflag:$0x3], $0x80, s26, s17, $0xb8;
	[tilespmem:$0x1E800] =	vst v63  }
0x43: {  	_ =	swait.ge [sflag:s15], $0x4000  }
0x44: {  	s28 =	smov.u32 s31;
	s26 =	sshra.s32 s30, $0x2;
	[sflag:s15] =	ssyncset.done $0x0  }
0x45: {  	s28 =	sadd.s32 $0x80, s26;
	[sflag:s15] =	ssyncadd.s32 $0xFFFFC000  }
0x46: {  	[tilespmem:s19], [sflag:$0x2] =	stream.indirect.gather [hbm4b:s4+s17], $0x80, s28, s17, $0xb8;
	[tilespmem:$0x1E800] =	vst v63  }
0x47: {  	_ =	swait.ge [sflag:s20], $0x4000  }
0x48: {  	[sflag:s20] =	ssyncset.done $0x0  }
0x49: {  	s28 =	sadd.s32 $0x1400, s26;
	[sflag:s20] =	ssyncadd.s32 $0xFFFFC000  }
0x4a: {  	[spmem:s2] =	stream.indirect.scatter.add.f32 [tilespmem:s18], [sflag:$0x3], $0x80, s28, s17, $0xb8;
	[tilespmem:$0x1E800] =	vst v63  }
0x4b: {  	_ =	swait.ge [sflag:s15], $0x4000  }
0x4c: {  	[sflag:s15] =	ssyncset.done $0x0  }
0x4d: {  	s28 =	sadd.s32 $0x100, s26;
	[sflag:s15] =	ssyncadd.s32 $0xFFFFC000  }
0x4e: {  	[tilespmem:s18], [sflag:$0x1] =	stream.indirect.gather [hbm4b:s4+s17], $0x80, s28, s17, $0xb8;
	[tilespmem:$0x1E800] =	vst v63  }
0x4f: {  	_ =	swait.ge [sflag:s21], $0x4000  }
0x50: {  	[sflag:s21] =	ssyncset.done $0x0  }
0x51: {  	s31 =	sadd.s32 $0x1480, s26;
	[sflag:s21] =	ssyncadd.s32 $0xFFFFC000  }
0x52: {  	[spmem:s2] =	stream.indirect.scatter.add.f32 [tilespmem:s19], [sflag:$0x3], $0x80, s31, s17, $0xb8;
	[tilespmem:$0x1E800] =	vst v63  }
0x53: {  	_ =	swait.ge [sflag:s15], $0x4000  }
0x54: {  	[sflag:s15] =	ssyncset.done $0x0  }
0x55: {  	[sflag:s15] =	ssyncadd.s32 $0xFFFFC000  }
0x56: {  	[tilespmem:s19], [sflag:$0x2] =	stream.indirect.gather [hbm4b:s4+s17], $0x80, s22, s17, $0xb8;
	[tilespmem:$0x1E800] =	vst v63  }
0x57: {  	_ =	swait.ge [sflag:s20], $0x4000  }
0x58: {  	[sflag:s20] =	ssyncset.done $0x0  }
0x59: {  	[sflag:s20] =	ssyncadd.s32 $0xFFFFC000  }
0x5a: {  	[spmem:s2] =	stream.indirect.scatter.add.f32 [tilespmem:s18], [sflag:$0x3], $0x80, s23, s17, $0xb8;
	[tilespmem:$0x1E800] =	vst v63  }
0x5b: {  	_ =	swait.ge [sflag:s15], $0x4000  }
0x5c: {  	[sflag:s15] =	ssyncset.done $0x0  }
0x5d: {  	[sflag:s15] =	ssyncadd.s32 $0xFFFFC000  }
0x5e: {  	_ =	swait.ge [sflag:s21], $0x4000  }
0x5f: {  	[sflag:s21] =	ssyncset.done $0x0  }
0x60: {  	[sflag:s21] =	ssyncadd.s32 $0xFFFFC000  }
0x61: {  	[spmem:s2] =	stream.indirect.scatter.add.f32 [tilespmem:s19], [sflag:$0x3], $0x80, s24, s17, $0xb8;
	[tilespmem:$0x1E800] =	vst v63  }
0x62: {  	_ =	swait.ge [sflag:s15], $0x4000  }
0x63: {  	[sflag:s15] =	ssyncset.done $0x0  }
0x64: {  	s29 =	sadd.s32 $0x280, s6;
	s28 =	simm.s32 $0x0;
	[sflag:s15] =	ssyncadd.s32 $0xFFFFC000  }
0x65: {  	[tilespmem:s28], [sflag:$0x3] =	stream.linear.gather [hbm4b:s29+s28], $0x1400, $0x38;
	[tilespmem:$0x1E800] =	vst v63  }
0x66: {  	_ =	swait.ge [sflag:s15], $0x1400  }
0x67: {  	[sflag:s15] =	ssyncset.done $0x0  }
0x68: {  	s30 =	sadd.s32 $0x280, s7;
	[sflag:s15] =	ssyncadd.s32 $0xFFFFEC00  }
0x69: {  	[tilespmem:s16], [sflag:$0x3] =	stream.linear.gather [hbm4b:s30+s28], $0x1400, $0x38;
	[tilespmem:$0x1E800] =	vst v63  }
0x6a: {  	_ =	swait.ge [sflag:s15], $0x1400  }
0x6b: {  	[sflag:s15] =	ssyncset.done $0x0  }
0x6c: {  	[sflag:s15] =	ssyncadd.s32 $0xFFFFEC00  }
0x6d: {  	[tilespmem:s18], [sflag:$0x1] =	stream.indirect.gather [hbm4b:s4+s17], $0x80, s28, s17, $0xb8;
	[tilespmem:$0x1E800] =	vst v63  }
0x6e: {  	s31 =	simm.s32 $0x80  }
0x6f: {  	[tilespmem:s19], [sflag:$0x2] =	stream.indirect.gather [hbm4b:s4+s17], $0x80, s31, s17, $0xb8;
	[tilespmem:$0x1E800] =	vst v63  }
0x70: {  	_ =	swait.ge [sflag:s20], $0x4000  }
0x71: {  	[sflag:s20] =	ssyncset.done $0x0  }
0x72: {  	s29 =	simm.s32 $0x1400;
	[sflag:s20] =	ssyncadd.s32 $0xFFFFC000  }
0x73: {  	[spmem:s2] =	stream.indirect.scatter.add.f32 [tilespmem:s18], [sflag:$0x3], $0x80, s29, s17, $0xb8;
	[tilespmem:$0x1E800] =	vst v63  }
0x74: {  	_ =	swait.ge [sflag:s15], $0x4000  }
0x75: {  	[sflag:s15] =	ssyncset.done $0x0  }
0x76: {  	s30 =	simm.s32 $0x100;
	[sflag:s15] =	ssyncadd.s32 $0xFFFFC000  }
0x77: {  	[tilespmem:s18], [sflag:$0x1] =	stream.indirect.gather [hbm4b:s4+s17], $0x80, s30, s17, $0xb8;
	[tilespmem:$0x1E800] =	vst v63  }
0x78: {  	_ =	swait.ge [sflag:s21], $0x4000  }
0x79: {  	[sflag:s21] =	ssyncset.done $0x0  }
0x7a: {  	s31 =	simm.s32 $0x1480;
	[sflag:s21] =	ssyncadd.s32 $0xFFFFC000  }
0x7b: {  	[spmem:s2] =	stream.indirect.scatter.add.f32 [tilespmem:s19], [sflag:$0x3], $0x80, s31, s17, $0xb8;
	[tilespmem:$0x1E800] =	vst v63  }
0x7c: {  	_ =	swait.ge [sflag:s15], $0x4000  }
0x7d: {  	s26 =	simm.s32 $0x100;
	s28 =	simm.s32 $0x800;
	[sflag:s15] =	ssyncset.done $0x0  }
.LBB2_4:
0x7e: {  	s29 =	sadd.s32 $0x80, s26  }
0x7f: {  	[sflag:s15] =	ssyncadd.s32 $0xFFFFC000;
	s30 =	smov.u32 s28;
	s31 =	sadd.s32 $0x400, s28  }
0x80: {  	[tilespmem:s19], [sflag:$0x2] =	stream.indirect.gather [hbm4b:s4+s17], $0x80, s29, s17, $0xb8;
	[tilespmem:$0x1E800] =	vst v63  }
0x81: {  	p1 =	sne.s32 s28, $0x4800;
	_ =	swait.ge [sflag:s20], $0x4000  }
0x82: {  	[sflag:s20] =	ssyncset.done $0x0  }
0x83: {  	s28 =	sadd.s32 $0x1400, s26;
	[sflag:s20] =	ssyncadd.s32 $0xFFFFC000  }
0x84: {  	[spmem:s2] =	stream.indirect.scatter.add.f32 [tilespmem:s18], [sflag:$0x3], $0x80, s28, s17, $0xb8;
	[tilespmem:$0x1E800] =	vst v63  }
0x85: {  	_ =	swait.ge [sflag:s15], $0x4000  }
0x86: {  	[sflag:s15] =	ssyncset.done $0x0  }
0x87: {  	s28 =	sadd.s32 $0x100, s26;
	[sflag:s15] =	ssyncadd.s32 $0xFFFFC000  }
0x88: {  	[tilespmem:s18], [sflag:$0x1] =	stream.indirect.gather [hbm4b:s4+s17], $0x80, s28, s17, $0xb8;
	[tilespmem:$0x1E800] =	vst v63  }
0x89: {  	_ =	swait.ge [sflag:s21], $0x4000  }
.Ltmp1:
0x8a: {  	[sflag:s21] =	ssyncset.done $0x0;
	(pc) =	sbr.rel @p1 .LBB2_4-.Ltmp1, $4  }
0x8b: {  	s26 =	sadd.s32 $0x1480, s26;
	[sflag:s21] =	ssyncadd.s32 $0xFFFFC000  }
0x8c: {  	[spmem:s2] =	stream.indirect.scatter.add.f32 [tilespmem:s19], [sflag:$0x3], $0x80, s26, s17, $0xb8;
	[tilespmem:$0x1E800] =	vst v63  }
0x8d: {  	_ =	swait.ge [sflag:s15], $0x4000  }
0x8e: {  	s28 =	smov.u32 s31;
	s26 =	sshra.s32 s30, $0x2;
	[sflag:s15] =	ssyncset.done $0x0  }
0x8f: {  	s28 =	sadd.s32 $0x80, s26;
	[sflag:s15] =	ssyncadd.s32 $0xFFFFC000  }
0x90: {  	[tilespmem:s19], [sflag:$0x2] =	stream.indirect.gather [hbm4b:s4+s17], $0x80, s28, s17, $0xb8;
	[tilespmem:$0x1E800] =	vst v63  }
0x91: {  	_ =	swait.ge [sflag:s20], $0x4000  }
0x92: {  	[sflag:s20] =	ssyncset.done $0x0  }
0x93: {  	s29 =	sadd.s32 $0x1400, s26;
	[sflag:s20] =	ssyncadd.s32 $0xFFFFC000  }
0x94: {  	[spmem:s2] =	stream.indirect.scatter.add.f32 [tilespmem:s18], [sflag:$0x3], $0x80, s29, s17, $0xb8;
	[tilespmem:$0x1E800] =	vst v63  }
0x95: {  	_ =	swait.ge [sflag:s15], $0x4000  }
0x96: {  	[sflag:s15] =	ssyncset.done $0x0  }
0x97: {  	s30 =	sadd.s32 $0x100, s26;
	[sflag:s15] =	ssyncadd.s32 $0xFFFFC000  }
0x98: {  	[tilespmem:s18], [sflag:$0x1] =	stream.indirect.gather [hbm4b:s4+s17], $0x80, s30, s17, $0xb8;
	[tilespmem:$0x1E800] =	vst v63  }
0x99: {  	_ =	swait.ge [sflag:s21], $0x4000  }
0x9a: {  	[sflag:s21] =	ssyncset.done $0x0  }
0x9b: {  	s31 =	sadd.s32 $0x1480, s26;
	[sflag:s21] =	ssyncadd.s32 $0xFFFFC000  }
0x9c: {  	[spmem:s2] =	stream.indirect.scatter.add.f32 [tilespmem:s19], [sflag:$0x3], $0x80, s31, s17, $0xb8;
	[tilespmem:$0x1E800] =	vst v63  }
0x9d: {  	_ =	swait.ge [sflag:s15], $0x4000  }
0x9e: {  	[sflag:s15] =	ssyncset.done $0x0  }
0x9f: {  	[sflag:s15] =	ssyncadd.s32 $0xFFFFC000  }
0xa0: {  	[tilespmem:s19], [sflag:$0x2] =	stream.indirect.gather [hbm4b:s4+s17], $0x80, s22, s17, $0xb8;
	[tilespmem:$0x1E800] =	vst v63  }
0xa1: {  	_ =	swait.ge [sflag:s20], $0x4000  }
0xa2: {  	[sflag:s20] =	ssyncset.done $0x0  }
0xa3: {  	[sflag:s20] =	ssyncadd.s32 $0xFFFFC000  }
0xa4: {  	[spmem:s2] =	stream.indirect.scatter.add.f32 [tilespmem:s18], [sflag:$0x3], $0x80, s23, s17, $0xb8;
	[tilespmem:$0x1E800] =	vst v63  }
0xa5: {  	_ =	swait.ge [sflag:s15], $0x4000  }
0xa6: {  	[sflag:s15] =	ssyncset.done $0x0  }
0xa7: {  	[sflag:s15] =	ssyncadd.s32 $0xFFFFC000  }
0xa8: {  	_ =	swait.ge [sflag:s21], $0x4000  }
0xa9: {  	[sflag:s21] =	ssyncset.done $0x0  }
0xaa: {  	[sflag:s21] =	ssyncadd.s32 $0xFFFFC000  }
0xab: {  	[spmem:s2] =	stream.indirect.scatter.add.f32 [tilespmem:s19], [sflag:$0x3], $0x80, s24, s17, $0xb8;
	[tilespmem:$0x1E800] =	vst v63  }
0xac: {  	_ =	swait.ge [sflag:s15], $0x4000  }
0xad: {  	[sflag:s15] =	ssyncset.done $0x0  }
0xae: {  	[sflag:s15] =	ssyncadd.s32 $0xFFFFC000  }
0xaf: {  	s26 =	sadd.s32 @p0 $0x25800, s8;
	s28 =	simm.s32 @p0 $0x1FC3;
	[bflag:$0x0] =	sbarrier.arrive $0xFFFF  }
0xb0: {  	[hbm:s26], [sflag:s28] =	dma.local @p0 [spmem:s12], $0x1900  }
0xb1: {  	s26 =	simm.s32 @p0 $0x3  }
0xb2: {  	_ =	swait.ge @p0 [sflag:s26], $0x1900  }
0xb3: {  	s25 =	sadd.s32 $0x1, s25;
	[sflag:s26] =	ssyncset.done @p0 $0x0  }
0xb4: {  	p1 =	sne.s32 s25, s9;
	[sflag:s26] =	ssyncadd.s32 @p0 $0xFFFFE700;
	s26 =	sadd.s32 @!p0 s5, s8  }
0xb5: {  	[hbm:s26], [sflag:s13] =	dma.local @!p0 [spmem:s14], $0x2800  }
.Ltmp2:
0xb6: {  	_ = 	snop;
	(pc) =	sbr.rel @p1 .LBB2_1-.Ltmp2, $4  }
0xb7: {  	s26 =	simm.s32 @!p0 $0x3  }
0xb8: {  	_ =	swait.ge @!p0 [sflag:s26], $0x2800  }
0xb9: {  	[sflag:s26] =	ssyncset.done @!p0 $0x0  }
0xba: {  	[sflag:s26] =	ssyncadd.s32 @!p0 $0xFFFFD800  }
0xbb: {  	_ =	sfence.sel $0x180000  }
0xbc: {  	[bflag:$0x0] =	sbarrier.arrive $0xFFFF  }
0xbd: {  	p0 =	sne.s32 s0, $0x0;
	_ =	strace $0x90000053  }
0xbe: {  	s0 =	sadd.s32 @!p0 $0x100000, s1;
	[bflag:$0x2] =	sbarrier.arrive $0xFFFF  }
0xbf: {  	[sflag:s0] =	ssyncadd.tile.s32 @!p0 $0x1;
	_ =	shalt  }
.Lfunc_end2:
_tile_overlayer_lowered:
.L_overlay_start_2:
0xc0: {  	(tag) =	ssettag $0x2  }
0xc1: {  	s0 =	rddreg [dreg:$0x0];
	s2 =	stileid.u32  }
0xc2: {  	s1 =	rddreg [dreg:$0x1];
	p0 =	sne.s32 s2, $0x0  }
0xc3: {  	s3 =	rddreg [dreg:$0x2];
	[bflag:$0x3] =	sbarrier.arrive $0xFFFF;
	s2 =	simm.s32 @!p0 $0x1C03  }
0xc4: {  	[timem:s3], [sflag:s2] =	dma.local @!p0 [hbm:s0], s1  }
0xc5: {  	s0 =	simm.s32 @!p0 $0x3  }
0xc6: {  	_ =	swait.ge @!p0 [sflag:s0], s1  }
0xc7: {  	s1 =	ssub.s32 @!p0 $0x0, s1;
	[sflag:s0] =	ssyncset.done @!p0 $0x0  }
0xc8: {  	[sflag:s0] =	ssyncadd.s32 @!p0 s1  }
0xc9: {  	[bflag:$0x3] =	sbarrier.arrive $0xFFFF  }
0xca: {  	_ =	shalt  }

// kernel: sc_agg.6.cloned.1.call-start
scs
__scs_entry_jumppad:
0x0: {  	(pc) =	sbr.rel $0x88, $3  }
0x1: {  	(tag) =	ssettag $0x0;
	lr =	simm.s32 $0x1  }
0x2: {  	[smem:$0x3F90] =	sst lr;
	_ =	strace $0xD0000000  }
0x3: {  	_ = 	snop  }
0x4: {  	_ = 	snop  }
0x5: {  	_ = 	snop  }
0x6: {  	_ = 	snop  }
0x7: {  	_ = 	snop  }
__scs_overlays_trampoline_lowered:
0x8: {  	[smem:$0x3F9F] =	sst s0  }
0x9: {  	[smem:$0x3FA0] =	sst s1  }
0xa: {  	[smem:$0x3FA1] =	sst s2  }
0xb: {  	[smem:$0x3FA2] =	sst s3  }
0xc: {  	[smem:$0x3FA3] =	sst s4  }
0xd: {  	[smem:$0x3FA4] =	sst s5  }
0xe: {  	[smem:$0x3FA5] =	sst s6  }
0xf: {  	[smem:$0x3FA6] =	sst s7  }
0x10: {  	[smem:$0x3FA7] =	sst s8  }
0x11: {  	[smem:$0x3FA8] =	sst s9;
	s0 =	simm.s32 @!p0 $0x0  }
0x12: {  	s1 =	sld [smem:$0x3F8E];
	s0 =	simm.s32 @p0 $0x1  }
0x13: {  	[smem:$0x3FA9] =	sst s0;
	s0 =	simm.s32 @!p1 $0x0  }
0x14: {  	s2 =	sld [smem:$0x3F8D];
	s0 =	simm.s32 @p1 $0x1  }
0x15: {  	[smem:$0x3FAA] =	sst s0;
	s0 =	simm.s32 @!p2 $0x0  }
0x16: {  	s3 =	sld [smem:$0x3FDB];
	s0 =	simm.s32 @p2 $0x1  }
0x17: {  	s4 =	simm.s32 $0x1BF5;
	[smem:$0x3FAC] =	sst s0  }
0x18: {  	s0 =	sld [smem:$0x3F8F];
	_ =	swait.ge [sflag:s4], $0x0  }
0x19: {  	s7 =	sld [smem:$0x3F90]  }
0x1a: {  	s8 =	sadd.s32 $0xFFFFE003, lr  }
0x1b: {  	s9 =	sadd.s32 $0xFFFFFEF7, lr;
	s5 =	simm.s32 $0xFFFFFFFF;
	p2 =	slt.u32 s8, $0xFFFFF086  }
0x1c: {  	p1 =	slt.u32 s9, $0xF7A;
	s5 =	simm.s32 @!p2 $0x0  }
0x1d: {  	s5 =	simm.s32 @p1 $0x1;
	p0 =	seq.s32 s7, s2  }
0x1e: {  	s7 =	smul.u32 @!p0 $0xF7A, s2;
	p2 =	seq.s32 @!p0 s5, $0x0  }
0x1f: {  	s9 =	smul.u32 $0xF7A, s1;
	s8 =	simm.s32 @!p0 $0x1BF5;
	p2 =	por !p2, p0  }
0x20: {  	[sflag:s8] =	ssyncset.s32 @!p0 $0xFFFFF086;
	s6 =	sadd.s32 @!p0 s3, s7;
	s7 =	simm.s32 @!p0 $0x108  }
0x21: {  	s3 =	sadd.s32 s3, s9;
	s6 =	sadd.s32 @!p0 $0x88, s6;
	s7 =	simm.s32 @p2 $0x1082  }
0x22: {  	[simem:s7], [sflag:s8] =	dma.local @!p0 [hbm:s6], $0xF7A  }
0x23: {  	s9 =	sor.u32 $0xD0000000, s2;
	s6 =	simm.s32 $0x108;
	_ =	swait.ge @!p0 [sflag:s8], $0x0  }
0x24: {  	s3 =	sadd.s32 $0x88, s3;
	s6 =	simm.s32 @!p1 $0x1082;
	[sflag:s4] =	ssyncset.s32 $0xFFFFF086  }
0x25: {  	[simem:s6], [sflag:s4] =	dma.local [hbm:s3], $0xF7A  }
0x26: {  	[smem:$0x3F90] =	sst s1;
	(tag) =	ssettag s2;
	_ =	strace s9  }
0x27: {  	s1 =	sld [smem:$0x3FA0]  }
0x28: {  	s2 =	sld [smem:$0x3FA1]  }
0x29: {  	s4 =	sld [smem:$0x3FA3]  }
0x2a: {  	p0 =	seq.s32 s5, $0x0;
	s5 =	sld [smem:$0x3FA4]  }
0x2b: {  	s6 =	sld [smem:$0x3FA5]  }
0x2c: {  	s7 =	sld [smem:$0x3FA6]  }
0x2d: {  	s3 =	simm.s32 $0x108;
	s8 =	sld [smem:$0x3FA7]  }
0x2e: {  	s3 =	simm.s32 @!p0 $0x1082;
	s9 =	sld [smem:$0x3FA8]  }
0x2f: {  	lr =	sadd.s32 s0, s3;
	s0 =	sld [smem:$0x3F9F]  }
0x30: {  	s3 =	sld [smem:$0x3FA2]  }
0x31: {  	[smem:$0x3FAB] =	sst s10  }
0x32: {  	s10 =	sld [smem:$0x3FA9];
	_ =	sdelay $0x3  }
0x33: {  	p0 =	seq.s32 s10, $0x1;
	s10 =	sld [smem:$0x3FAB];
	_ =	sdelay $0x3  }
0x34: {  	[smem:$0x3FAB] =	sst s10  }
0x35: {  	s10 =	sld [smem:$0x3FAA];
	_ =	sdelay $0x3  }
0x36: {  	p1 =	seq.s32 s10, $0x1;
	s10 =	sld [smem:$0x3FAB];
	_ =	sdelay $0x3  }
0x37: {  	[smem:$0x3FAB] =	sst s10  }
0x38: {  	s10 =	sld [smem:$0x3FAC]  }
0x39: {  	_ = 	snop;
	(pc) =	sbr.ind lr, $3  }
0x3a: {  	_ = 	snop  }
0x3b: {  	_ = 	snop  }
0x3c: {  	p2 =	seq.s32 s10, $0x1;
	s10 =	sld [smem:$0x3FAB]  }
0x3d: {  	_ =	shalt  }
0x3e: {  	_ =	shalt  }
0x3f: {  	_ =	shalt  }
0x40: {  	_ =	shalt  }
0x41: {  	_ =	shalt  }
0x42: {  	_ =	shalt  }
0x43: {  	_ =	shalt  }
0x44: {  	_ =	shalt  }
0x45: {  	_ =	shalt  }
0x46: {  	_ =	shalt  }
0x47: {  	_ =	shalt  }
0x48: {  	_ =	shalt  }
0x49: {  	_ =	shalt  }
0x4a: {  	_ =	shalt  }
0x4b: {  	_ =	shalt  }
0x4c: {  	_ =	shalt  }
0x4d: {  	_ =	shalt  }
0x4e: {  	_ =	shalt  }
0x4f: {  	_ =	shalt  }
0x50: {  	_ =	shalt  }
0x51: {  	_ =	shalt  }
0x52: {  	_ =	shalt  }
0x53: {  	_ =	shalt  }
0x54: {  	_ =	shalt  }
0x55: {  	_ =	shalt  }
0x56: {  	_ =	shalt  }
0x57: {  	_ =	shalt  }
0x58: {  	_ =	shalt  }
0x59: {  	_ =	shalt  }
0x5a: {  	_ =	shalt  }
0x5b: {  	_ =	shalt  }
0x5c: {  	_ =	shalt  }
0x5d: {  	_ =	shalt  }
0x5e: {  	_ =	shalt  }
0x5f: {  	_ =	shalt  }
0x60: {  	_ =	shalt  }
0x61: {  	_ =	shalt  }
0x62: {  	_ =	shalt  }
0x63: {  	_ =	shalt  }
0x64: {  	_ =	shalt  }
0x65: {  	_ =	shalt  }
0x66: {  	_ =	shalt  }
0x67: {  	_ =	shalt  }
0x68: {  	_ =	shalt  }
0x69: {  	_ =	shalt  }
0x6a: {  	_ =	shalt  }
0x6b: {  	_ =	shalt  }
0x6c: {  	_ =	shalt  }
0x6d: {  	_ =	shalt  }
0x6e: {  	_ =	shalt  }
0x6f: {  	_ =	shalt  }
0x70: {  	_ =	shalt  }
0x71: {  	_ =	shalt  }
0x72: {  	_ =	shalt  }
0x73: {  	_ =	shalt  }
0x74: {  	_ =	shalt  }
0x75: {  	_ =	shalt  }
0x76: {  	_ =	shalt  }
0x77: {  	_ =	shalt  }
0x78: {  	_ =	shalt  }
0x79: {  	_ =	shalt  }
0x7a: {  	_ =	shalt  }
0x7b: {  	_ =	shalt  }
0x7c: {  	_ =	shalt  }
0x7d: {  	_ =	shalt  }
0x7e: {  	_ =	shalt  }
0x7f: {  	_ =	shalt  }
0x80: {  	_ =	shalt  }
0x81: {  	_ =	shalt  }
0x82: {  	_ =	shalt  }
0x83: {  	_ =	shalt  }
0x84: {  	_ =	shalt  }
0x85: {  	_ =	shalt  }
0x86: {  	_ =	shalt  }
0x87: {  	_ =	shalt  }
.Lfunc_end0:
.L_simem_size_0:
called_computation.1_lowered:
.L_overlay_start_0:
0x88: {  	s2 =	sld [smem:$0x3FD9]  }
0x89: {  	s3 =	sld [smem:$0x3FFE];
	_ =	sdelay $0x1  }
0x8a: {  	s1 =	srdreg.scid  }
0x8b: {  	s0 =	sand.u32 $0x1, s1  }
0x8c: {  	s16 =	sshll.u32 s0, $0xA;
	s2 =	sadd.s32 s3, s2  }
0x8d: {  	s2 =	sadd.s32 s2, s16  }
0x8e: {  	[smem:$0x3FB7] =	sst s2  }
0x8f: {  	_ = 	snop  }
0x90: {  	(tm) =	ssettm $0x1  }
0x91: {  	s17 =	sld [smem:$0x3FFB];
	_ =	sdelay $0x3  }
0x92: {  	_ =	strace s17  }
0x93: {  	s2 =	sld [smem:$0x3FFC];
	_ =	sdelay $0x3  }
0x94: {  	_ =	strace s2  }
0x95: {  	s2 =	sld [smem:$0x3FFD];
	_ =	sdelay $0x3  }
0x96: {  	_ =	strace s2  }
0x97: {  	_ =	strace $0x8FFFFFFF  }
0x98: {  	s18 =	sld [smem:$0x3FDB];
	_ =	sdelay $0x1  }
0x99: {  	s19 =	simm.s32 $_scs_section_size  }
0x9a: {  	s4 =	simm.s32 $_size__tile_overlayer_lowered;
	s5 =	simm.s32 $_tile_overlayer_lowered  }
0x9b: {  	s22 =	simm.s32 $0x1BFF;
	s21 =	sshll.u32 s5, $0x1;
	s2 =	sadd.s32 s19, s18  }
0x9c: {  	s6 =	simm.s32 $0x0;
	s20 =	sshll.u32 s4, $0x1;
	s4 =	sadd.s32 s21, s2  }
0x9d: {  	[timem:s6], [sflag:s22] =	dma.local [hbm:s4], s20  }
0x9e: {  	_ =	swait.ge [sflag:s22], s20  }
0x9f: {  	s3 =	ssub.s32 $0x0, s20;
	[sflag:s22] =	ssyncset.done $0x0  }
0xa0: {  	[sflag:s22] =	ssyncadd.s32 s3;
	_ =	sdelay $0x1  }
0xa1: {  	s23 =	simm.s32 $0x1B8B  }
0xa2: {  	_ =	swait.ge [sflag:s23], $0x1  }
0xa3: {  	[sflag:s23] =	ssyncset.done $0x0  }
0xa4: {  	s25 =	simm.s32 $0x1B8E;
	s24 =	sld [smem:$0x3FFE];
	[sflag:s23] =	ssyncadd.s32 $0xFFFFFFFF  }
0xa5: {  	s26 =	simm.s32 $execute0_lowered;
	[smem:$0x3FD2] =	sst s25  }
0xa6: {  	s4 =	sshll.u32 s26, $0x1;
	_ =	strace $0x80000049;
	[dreg:$0x1] =	wrdreg $0xFFFFFFFF  }
0xa7: {  	s28 =	simm.s32 $_size_execute0_lowered;
	s2 =	sadd.s32 s2, s4;
	[dreg:$0x0] =	wrdreg $0x0  }
0xa8: {  	s4 =	sshll.u32 s28, $0x1;
	[dreg:$0x2] =	wrdreg s2  }
0xa9: {  	[dreg:$0x3] =	wrdreg s4  }
0xaa: {  	[dreg:$0x4] =	wrdreg $0xC0  }
0xab: {  	_ =	task [dreg:s6], $0x5FFFF  }
0xac: {  	[dreg:$0x1] =	wrdreg $0xFFFFFFFF  }
0xad: {  	[dreg:$0x0] =	wrdreg $0x60  }
0xae: {  	[dreg:$0x2] =	wrdreg s24  }
0xaf: {  	[dreg:$0x3] =	wrdreg $0xA8000  }
0xb0: {  	[dreg:$0x4] =	wrdreg $0x9  }
0xb1: {  	_ =	task.clear_ibuf [dreg:s6], $0x5FFFF;
	_ =	strace $0x90000049  }
0xb2: {  	s29 =	simm.s32 $0x9;
	_ =	strace $0x8000004B  }
0xb3: {  	_ =	swait.ge [sflag:s29], $0x1  }
0xb4: {  	[sflag:s29] =	ssyncadd.s32 $0xFFFFFFFF  }
0xb5: {  	_ =	strace $0x9000004B  }
0xb6: {  	_ =	sfence  }
0xb7: {  	s30 =	sld [smem:$0x0];
	_ =	sdelay $0x2  }
0xb8: {  	s31 =	sshll.u32 s1, $0xD;
	s1 =	sshrl.u32 s1, $0x2  }
0xb9: {  	s3 =	sand.u32 $0x4000, s31;
	s1 =	sadd.s32 s1, s30  }
0xba: {  	s0 =	sor.u32 s3, s0;
	s1 =	sshll.u32 s1, $0x11  }
0xbb: {  	s0 =	sor.u32 s1, s0  }
0xbc: {  	s0 =	sadd.s32 $0x8F2B, s0  }
0xbd: {  	[sflag:s0] =	ssyncadd.remote.s32 $0x1  }
0xbe: {  	_ =	sfence.sel $0xFFFF  }
0xbf: {  	[dreg:$0x0] =	wrdreg $0xFFFFFFFF;
	(pc) =	sbr.abs _section_cstart, $3  }
0xc0: {  	[dreg:$0x1] =	wrdreg $0xFFFFFFFF  }
0xc1: {  	_ =	task.clear_ibuf [dreg:s6], $0x2FFFF;
	_ =	strace $0x9FFFFFFF  }
0xc2: {  	(tm) =	ssettm $0x7FFFFFFF  }
0xc3: {  	_ =	shalt  }
tec
execute0_lowered:
.L_overlay_start_1:
0x0: {  	(tag) =	ssettag $0x1  }
0x1: {  	s4 =	rddreg [dreg:$0x0];
	s0 =	stileid.u32  }
0x2: {  	s1 =	srdreg.scid;
	s2 =	rddreg [dreg:$0x1];
	s3 =	simm.s32 $0x0  }
0x3: {  	s15 =	simm.s32 $0x3;
	s16 =	simm.s32 $0x1400;
	s17 =	simm.s32 $0x80  }
0x4: {  	s18 =	simm.s32 $0x2800;
	s19 =	simm.s32 $0x6800;
	s20 =	simm.s32 $0x1  }
0x5: {  	s21 =	simm.s32 $0x2;
	s22 =	simm.s32 $0x1380;
	s23 =	simm.s32 $0x2700  }
0x6: {  	s24 =	simm.s32 $0x2780;
	s6 =	sand.u32 $0x1, s1;
	s1 =	rddreg [dreg:$0x2]  }
0x7: {  	s25 =	simm.s32 $0x0;
	s5 =	smul.u32 $0x500, s0;
	[smem:$0x7FF] =	sst s3  }
0x8: {  	s8 =	smul.u32 $0x50000, s0;
	s12 =	sadd.s32 $0x12C000, s2;
	p0 =	seq.s32 s0, $0xF  }
0x9: {  	s7 =	smul.u32 $0x27100, s6;
	_ =	strace $0x8000004A;
	s29 =	ssub.s32 $0x2, s6  }
0xa: {  	s13 =	sshll.u32 @!p0 s0, $0x6;
	s12 =	sshrl.u32 @p0 s12, $0x3;
	s9 =	sadd.s32 s5, s4  }
0xb: {  	s30 =	sshrl.u32 s29, $0x1;
	s31 =	sshrl.u32 s8, $0x2;
	s5 =	smul.u32 $0x2800, s0  }
0xc: {  	s13 =	sor.u32 @!p0 $0x1C03, s13;
	s11 =	sadd.s32 s7, s4;
	s10 =	ssub.s32 s29, s30  }
0xd: {  	s14 =	sadd.s32 s31, s2;
	s6 =	sadd.s32 $0x7FE00, s9;
	s7 =	sadd.s32 $0x4400, s9  }
0xe: {  	s4 =	sadd.s32 $0x84E00, s11;
	s8 =	sadd.s32 $0xD3000, s11;
	s9 =	smax.u32 s10, $0x1  }
0xf: {  	s11 =	sadd.s32 $0xAA600, s11;
	s14 =	sshrl.u32 @!p0 s14, $0x3;
	s10 =	sadd.s32 s5, s4  }
.LBB2_1:
0x10: {  	s26 =	simm.s32 @p0 $0x1FC3  }
0x11: {  	[spmem:s12], [sflag:s26] =	dma.local @p0 [hbm:s11], $0x1900  }
0x12: {  	s26 =	simm.s32 @p0 $0x3  }
0x13: {  	_ =	swait.ge @p0 [sflag:s26], $0x1900  }
0x14: {  	[sflag:s26] =	ssyncset.done @p0 $0x0  }
0x15: {  	[sflag:s26] =	ssyncadd.s32 @p0 $0xFFFFE700;
	s26 =	simm.s32 @!p0 $0x3  }
0x16: {  	[spmem:s14], [sflag:s13] =	dma.local @!p0 [hbm:s10], $0x2800  }
0x17: {  	_ =	swait.ge @!p0 [sflag:s26], $0x2800  }
0x18: {  	[sflag:s26] =	ssyncset.done @!p0 $0x0  }
0x19: {  	[sflag:s26] =	ssyncadd.s32 @!p0 $0xFFFFD800  }
0x1a: {  	[bflag:$0x0] =	sbarrier.arrive $0xFFFF  }
0x1b: {  	[tilespmem:s3], [sflag:$0x3] =	stream.linear.gather [hbm4b:s6+s3], $0x1400, $0x38;
	[tilespmem:$0x1E800] =	vst v63  }
0x1c: {  	_ =	swait.ge [sflag:s15], $0x1400  }
0x1d: {  	[sflag:s15] =	ssyncset.done $0x0  }
0x1e: {  	[sflag:s15] =	ssyncadd.s32 $0xFFFFEC00  }
0x1f: {  	[tilespmem:s16], [sflag:$0x3] =	stream.linear.gather [hbm4b:s7+s3], $0x1400, $0x38;
	[tilespmem:$0x1E800] =	vst v63  }
0x20: {  	_ =	swait.ge [sflag:s15], $0x1400  }
0x21: {  	[sflag:s15] =	ssyncset.done $0x0  }
0x22: {  	[sflag:s15] =	ssyncadd.s32 $0xFFFFEC00  }
0x23: {  	[tilespmem:s18], [sflag:$0x1] =	stream.indirect.gather [hbm4b:s4+s17], $0x80, s3, s17, $0xb8;
	[tilespmem:$0x1E800] =	vst v63  }
0x24: {  	s31 =	simm.s32 $0x80  }
0x25: {  	[tilespmem:s19], [sflag:$0x2] =	stream.indirect.gather [hbm4b:s4+s17], $0x80, s31, s17, $0xb8;
	[tilespmem:$0x1E800] =	vst v63  }
0x26: {  	_ =	swait.ge [sflag:s20], $0x4000  }
0x27: {  	[sflag:s20] =	ssyncset.done $0x0  }
0x28: {  	s29 =	simm.s32 $0x1400;
	[sflag:s20] =	ssyncadd.s32 $0xFFFFC000  }
0x29: {  	[spmem:s2] =	stream.indirect.scatter.add.f32 [tilespmem:s18], [sflag:$0x3], $0x80, s29, s17, $0xb8;
	[tilespmem:$0x1E800] =	vst v63  }
0x2a: {  	_ =	swait.ge [sflag:s15], $0x4000  }
0x2b: {  	[sflag:s15] =	ssyncset.done $0x0  }
0x2c: {  	s30 =	simm.s32 $0x100;
	[sflag:s15] =	ssyncadd.s32 $0xFFFFC000  }
0x2d: {  	[tilespmem:s18], [sflag:$0x1] =	stream.indirect.gather [hbm4b:s4+s17], $0x80, s30, s17, $0xb8;
	[tilespmem:$0x1E800] =	vst v63  }
0x2e: {  	_ =	swait.ge [sflag:s21], $0x4000  }
0x2f: {  	[sflag:s21] =	ssyncset.done $0x0  }
0x30: {  	s31 =	simm.s32 $0x1480;
	[sflag:s21] =	ssyncadd.s32 $0xFFFFC000  }
0x31: {  	[spmem:s2] =	stream.indirect.scatter.add.f32 [tilespmem:s19], [sflag:$0x3], $0x80, s31, s17, $0xb8;
	[tilespmem:$0x1E800] =	vst v63  }
0x32: {  	_ =	swait.ge [sflag:s15], $0x4000  }
0x33: {  	s28 =	simm.s32 $0x800;
	s26 =	simm.s32 $0x100;
	[sflag:s15] =	ssyncset.done $0x0  }
.LBB2_2:
0x34: {  	s29 =	sadd.s32 $0x80, s26  }
0x35: {  	[sflag:s15] =	ssyncadd.s32 $0xFFFFC000;
	s30 =	smov.u32 s28;
	s31 =	sadd.s32 $0x400, s28  }
0x36: {  	[tilespmem:s19], [sflag:$0x2] =	stream.indirect.gather [hbm4b:s4+s17], $0x80, s29, s17, $0xb8;
	[tilespmem:$0x1E800] =	vst v63  }
0x37: {  	p1 =	sne.s32 s28, $0x4800;
	_ =	swait.ge [sflag:s20], $0x4000  }
0x38: {  	[sflag:s20] =	ssyncset.done $0x0  }
0x39: {  	s28 =	sadd.s32 $0x1400, s26;
	[sflag:s20] =	ssyncadd.s32 $0xFFFFC000  }
0x3a: {  	[spmem:s2] =	stream.indirect.scatter.add.f32 [tilespmem:s18], [sflag:$0x3], $0x80, s28, s17, $0xb8;
	[tilespmem:$0x1E800] =	vst v63  }
0x3b: {  	_ =	swait.ge [sflag:s15], $0x4000  }
0x3c: {  	[sflag:s15] =	ssyncset.done $0x0  }
0x3d: {  	s28 =	sadd.s32 $0x100, s26;
	[sflag:s15] =	ssyncadd.s32 $0xFFFFC000  }
0x3e: {  	[tilespmem:s18], [sflag:$0x1] =	stream.indirect.gather [hbm4b:s4+s17], $0x80, s28, s17, $0xb8;
	[tilespmem:$0x1E800] =	vst v63  }
0x3f: {  	_ =	swait.ge [sflag:s21], $0x4000  }
.Ltmp0:
0x40: {  	[sflag:s21] =	ssyncset.done $0x0;
	(pc) =	sbr.rel @p1 .LBB2_2-.Ltmp0, $4  }
0x41: {  	s26 =	sadd.s32 $0x1480, s26;
	[sflag:s21] =	ssyncadd.s32 $0xFFFFC000  }
0x42: {  	[spmem:s2] =	stream.indirect.scatter.add.f32 [tilespmem:s19], [sflag:$0x3], $0x80, s26, s17, $0xb8;
	[tilespmem:$0x1E800] =	vst v63  }
0x43: {  	_ =	swait.ge [sflag:s15], $0x4000  }
0x44: {  	s28 =	smov.u32 s31;
	s26 =	sshra.s32 s30, $0x2;
	[sflag:s15] =	ssyncset.done $0x0  }
0x45: {  	s28 =	sadd.s32 $0x80, s26;
	[sflag:s15] =	ssyncadd.s32 $0xFFFFC000  }
0x46: {  	[tilespmem:s19], [sflag:$0x2] =	stream.indirect.gather [hbm4b:s4+s17], $0x80, s28, s17, $0xb8;
	[tilespmem:$0x1E800] =	vst v63  }
0x47: {  	_ =	swait.ge [sflag:s20], $0x4000  }
0x48: {  	[sflag:s20] =	ssyncset.done $0x0  }
0x49: {  	s28 =	sadd.s32 $0x1400, s26;
	[sflag:s20] =	ssyncadd.s32 $0xFFFFC000  }
0x4a: {  	[spmem:s2] =	stream.indirect.scatter.add.f32 [tilespmem:s18], [sflag:$0x3], $0x80, s28, s17, $0xb8;
	[tilespmem:$0x1E800] =	vst v63  }
0x4b: {  	_ =	swait.ge [sflag:s15], $0x4000  }
0x4c: {  	[sflag:s15] =	ssyncset.done $0x0  }
0x4d: {  	s28 =	sadd.s32 $0x100, s26;
	[sflag:s15] =	ssyncadd.s32 $0xFFFFC000  }
0x4e: {  	[tilespmem:s18], [sflag:$0x1] =	stream.indirect.gather [hbm4b:s4+s17], $0x80, s28, s17, $0xb8;
	[tilespmem:$0x1E800] =	vst v63  }
0x4f: {  	_ =	swait.ge [sflag:s21], $0x4000  }
0x50: {  	[sflag:s21] =	ssyncset.done $0x0  }
0x51: {  	s31 =	sadd.s32 $0x1480, s26;
	[sflag:s21] =	ssyncadd.s32 $0xFFFFC000  }
0x52: {  	[spmem:s2] =	stream.indirect.scatter.add.f32 [tilespmem:s19], [sflag:$0x3], $0x80, s31, s17, $0xb8;
	[tilespmem:$0x1E800] =	vst v63  }
0x53: {  	_ =	swait.ge [sflag:s15], $0x4000  }
0x54: {  	[sflag:s15] =	ssyncset.done $0x0  }
0x55: {  	[sflag:s15] =	ssyncadd.s32 $0xFFFFC000  }
0x56: {  	[tilespmem:s19], [sflag:$0x2] =	stream.indirect.gather [hbm4b:s4+s17], $0x80, s22, s17, $0xb8;
	[tilespmem:$0x1E800] =	vst v63  }
0x57: {  	_ =	swait.ge [sflag:s20], $0x4000  }
0x58: {  	[sflag:s20] =	ssyncset.done $0x0  }
0x59: {  	[sflag:s20] =	ssyncadd.s32 $0xFFFFC000  }
0x5a: {  	[spmem:s2] =	stream.indirect.scatter.add.f32 [tilespmem:s18], [sflag:$0x3], $0x80, s23, s17, $0xb8;
	[tilespmem:$0x1E800] =	vst v63  }
0x5b: {  	_ =	swait.ge [sflag:s15], $0x4000  }
0x5c: {  	[sflag:s15] =	ssyncset.done $0x0  }
0x5d: {  	[sflag:s15] =	ssyncadd.s32 $0xFFFFC000  }
0x5e: {  	_ =	swait.ge [sflag:s21], $0x4000  }
0x5f: {  	[sflag:s21] =	ssyncset.done $0x0  }
0x60: {  	[sflag:s21] =	ssyncadd.s32 $0xFFFFC000  }
0x61: {  	[spmem:s2] =	stream.indirect.scatter.add.f32 [tilespmem:s19], [sflag:$0x3], $0x80, s24, s17, $0xb8;
	[tilespmem:$0x1E800] =	vst v63  }
0x62: {  	_ =	swait.ge [sflag:s15], $0x4000  }
0x63: {  	[sflag:s15] =	ssyncset.done $0x0  }
0x64: {  	s29 =	sadd.s32 $0x280, s6;
	s28 =	simm.s32 $0x0;
	[sflag:s15] =	ssyncadd.s32 $0xFFFFC000  }
0x65: {  	[tilespmem:s28], [sflag:$0x3] =	stream.linear.gather [hbm4b:s29+s28], $0x1400, $0x38;
	[tilespmem:$0x1E800] =	vst v63  }
0x66: {  	_ =	swait.ge [sflag:s15], $0x1400  }
0x67: {  	[sflag:s15] =	ssyncset.done $0x0  }
0x68: {  	s30 =	sadd.s32 $0x280, s7;
	[sflag:s15] =	ssyncadd.s32 $0xFFFFEC00  }
0x69: {  	[tilespmem:s16], [sflag:$0x3] =	stream.linear.gather [hbm4b:s30+s28], $0x1400, $0x38;
	[tilespmem:$0x1E800] =	vst v63  }
0x6a: {  	_ =	swait.ge [sflag:s15], $0x1400  }
0x6b: {  	[sflag:s15] =	ssyncset.done $0x0  }
0x6c: {  	[sflag:s15] =	ssyncadd.s32 $0xFFFFEC00  }
0x6d: {  	[tilespmem:s18], [sflag:$0x1] =	stream.indirect.gather [hbm4b:s4+s17], $0x80, s28, s17, $0xb8;
	[tilespmem:$0x1E800] =	vst v63  }
0x6e: {  	s31 =	simm.s32 $0x80  }
0x6f: {  	[tilespmem:s19], [sflag:$0x2] =	stream.indirect.gather [hbm4b:s4+s17], $0x80, s31, s17, $0xb8;
	[tilespmem:$0x1E800] =	vst v63  }
0x70: {  	_ =	swait.ge [sflag:s20], $0x4000  }
0x71: {  	[sflag:s20] =	ssyncset.done $0x0  }
0x72: {  	s29 =	simm.s32 $0x1400;
	[sflag:s20] =	ssyncadd.s32 $0xFFFFC000  }
0x73: {  	[spmem:s2] =	stream.indirect.scatter.add.f32 [tilespmem:s18], [sflag:$0x3], $0x80, s29, s17, $0xb8;
	[tilespmem:$0x1E800] =	vst v63  }
0x74: {  	_ =	swait.ge [sflag:s15], $0x4000  }
0x75: {  	[sflag:s15] =	ssyncset.done $0x0  }
0x76: {  	s30 =	simm.s32 $0x100;
	[sflag:s15] =	ssyncadd.s32 $0xFFFFC000  }
0x77: {  	[tilespmem:s18], [sflag:$0x1] =	stream.indirect.gather [hbm4b:s4+s17], $0x80, s30, s17, $0xb8;
	[tilespmem:$0x1E800] =	vst v63  }
0x78: {  	_ =	swait.ge [sflag:s21], $0x4000  }
0x79: {  	[sflag:s21] =	ssyncset.done $0x0  }
0x7a: {  	s31 =	simm.s32 $0x1480;
	[sflag:s21] =	ssyncadd.s32 $0xFFFFC000  }
0x7b: {  	[spmem:s2] =	stream.indirect.scatter.add.f32 [tilespmem:s19], [sflag:$0x3], $0x80, s31, s17, $0xb8;
	[tilespmem:$0x1E800] =	vst v63  }
0x7c: {  	_ =	swait.ge [sflag:s15], $0x4000  }
0x7d: {  	s26 =	simm.s32 $0x100;
	s28 =	simm.s32 $0x800;
	[sflag:s15] =	ssyncset.done $0x0  }
.LBB2_4:
0x7e: {  	s29 =	sadd.s32 $0x80, s26  }
0x7f: {  	[sflag:s15] =	ssyncadd.s32 $0xFFFFC000;
	s30 =	smov.u32 s28;
	s31 =	sadd.s32 $0x400, s28  }
0x80: {  	[tilespmem:s19], [sflag:$0x2] =	stream.indirect.gather [hbm4b:s4+s17], $0x80, s29, s17, $0xb8;
	[tilespmem:$0x1E800] =	vst v63  }
0x81: {  	p1 =	sne.s32 s28, $0x4800;
	_ =	swait.ge [sflag:s20], $0x4000  }
0x82: {  	[sflag:s20] =	ssyncset.done $0x0  }
0x83: {  	s28 =	sadd.s32 $0x1400, s26;
	[sflag:s20] =	ssyncadd.s32 $0xFFFFC000  }
0x84: {  	[spmem:s2] =	stream.indirect.scatter.add.f32 [tilespmem:s18], [sflag:$0x3], $0x80, s28, s17, $0xb8;
	[tilespmem:$0x1E800] =	vst v63  }
0x85: {  	_ =	swait.ge [sflag:s15], $0x4000  }
0x86: {  	[sflag:s15] =	ssyncset.done $0x0  }
0x87: {  	s28 =	sadd.s32 $0x100, s26;
	[sflag:s15] =	ssyncadd.s32 $0xFFFFC000  }
0x88: {  	[tilespmem:s18], [sflag:$0x1] =	stream.indirect.gather [hbm4b:s4+s17], $0x80, s28, s17, $0xb8;
	[tilespmem:$0x1E800] =	vst v63  }
0x89: {  	_ =	swait.ge [sflag:s21], $0x4000  }
.Ltmp1:
0x8a: {  	[sflag:s21] =	ssyncset.done $0x0;
	(pc) =	sbr.rel @p1 .LBB2_4-.Ltmp1, $4  }
0x8b: {  	s26 =	sadd.s32 $0x1480, s26;
	[sflag:s21] =	ssyncadd.s32 $0xFFFFC000  }
0x8c: {  	[spmem:s2] =	stream.indirect.scatter.add.f32 [tilespmem:s19], [sflag:$0x3], $0x80, s26, s17, $0xb8;
	[tilespmem:$0x1E800] =	vst v63  }
0x8d: {  	_ =	swait.ge [sflag:s15], $0x4000  }
0x8e: {  	s28 =	smov.u32 s31;
	s26 =	sshra.s32 s30, $0x2;
	[sflag:s15] =	ssyncset.done $0x0  }
0x8f: {  	s28 =	sadd.s32 $0x80, s26;
	[sflag:s15] =	ssyncadd.s32 $0xFFFFC000  }
0x90: {  	[tilespmem:s19], [sflag:$0x2] =	stream.indirect.gather [hbm4b:s4+s17], $0x80, s28, s17, $0xb8;
	[tilespmem:$0x1E800] =	vst v63  }
0x91: {  	_ =	swait.ge [sflag:s20], $0x4000  }
0x92: {  	[sflag:s20] =	ssyncset.done $0x0  }
0x93: {  	s29 =	sadd.s32 $0x1400, s26;
	[sflag:s20] =	ssyncadd.s32 $0xFFFFC000  }
0x94: {  	[spmem:s2] =	stream.indirect.scatter.add.f32 [tilespmem:s18], [sflag:$0x3], $0x80, s29, s17, $0xb8;
	[tilespmem:$0x1E800] =	vst v63  }
0x95: {  	_ =	swait.ge [sflag:s15], $0x4000  }
0x96: {  	[sflag:s15] =	ssyncset.done $0x0  }
0x97: {  	s30 =	sadd.s32 $0x100, s26;
	[sflag:s15] =	ssyncadd.s32 $0xFFFFC000  }
0x98: {  	[tilespmem:s18], [sflag:$0x1] =	stream.indirect.gather [hbm4b:s4+s17], $0x80, s30, s17, $0xb8;
	[tilespmem:$0x1E800] =	vst v63  }
0x99: {  	_ =	swait.ge [sflag:s21], $0x4000  }
0x9a: {  	[sflag:s21] =	ssyncset.done $0x0  }
0x9b: {  	s31 =	sadd.s32 $0x1480, s26;
	[sflag:s21] =	ssyncadd.s32 $0xFFFFC000  }
0x9c: {  	[spmem:s2] =	stream.indirect.scatter.add.f32 [tilespmem:s19], [sflag:$0x3], $0x80, s31, s17, $0xb8;
	[tilespmem:$0x1E800] =	vst v63  }
0x9d: {  	_ =	swait.ge [sflag:s15], $0x4000  }
0x9e: {  	[sflag:s15] =	ssyncset.done $0x0  }
0x9f: {  	[sflag:s15] =	ssyncadd.s32 $0xFFFFC000  }
0xa0: {  	[tilespmem:s19], [sflag:$0x2] =	stream.indirect.gather [hbm4b:s4+s17], $0x80, s22, s17, $0xb8;
	[tilespmem:$0x1E800] =	vst v63  }
0xa1: {  	_ =	swait.ge [sflag:s20], $0x4000  }
0xa2: {  	[sflag:s20] =	ssyncset.done $0x0  }
0xa3: {  	[sflag:s20] =	ssyncadd.s32 $0xFFFFC000  }
0xa4: {  	[spmem:s2] =	stream.indirect.scatter.add.f32 [tilespmem:s18], [sflag:$0x3], $0x80, s23, s17, $0xb8;
	[tilespmem:$0x1E800] =	vst v63  }
0xa5: {  	_ =	swait.ge [sflag:s15], $0x4000  }
0xa6: {  	[sflag:s15] =	ssyncset.done $0x0  }
0xa7: {  	[sflag:s15] =	ssyncadd.s32 $0xFFFFC000  }
0xa8: {  	_ =	swait.ge [sflag:s21], $0x4000  }
0xa9: {  	[sflag:s21] =	ssyncset.done $0x0  }
0xaa: {  	[sflag:s21] =	ssyncadd.s32 $0xFFFFC000  }
0xab: {  	[spmem:s2] =	stream.indirect.scatter.add.f32 [tilespmem:s19], [sflag:$0x3], $0x80, s24, s17, $0xb8;
	[tilespmem:$0x1E800] =	vst v63  }
0xac: {  	_ =	swait.ge [sflag:s15], $0x4000  }
0xad: {  	[sflag:s15] =	ssyncset.done $0x0  }
0xae: {  	[sflag:s15] =	ssyncadd.s32 $0xFFFFC000  }
0xaf: {  	s26 =	sadd.s32 @p0 $0x25800, s8;
	s28 =	simm.s32 @p0 $0x1FC3;
	[bflag:$0x0] =	sbarrier.arrive $0xFFFF  }
0xb0: {  	[hbm:s26], [sflag:s28] =	dma.local @p0 [spmem:s12], $0x1900  }
0xb1: {  	s26 =	simm.s32 @p0 $0x3  }
0xb2: {  	_ =	swait.ge @p0 [sflag:s26], $0x1900  }
0xb3: {  	s25 =	sadd.s32 $0x1, s25;
	[sflag:s26] =	ssyncset.done @p0 $0x0  }
0xb4: {  	p1 =	sne.s32 s25, s9;
	[sflag:s26] =	ssyncadd.s32 @p0 $0xFFFFE700;
	s26 =	sadd.s32 @!p0 s5, s8  }
0xb5: {  	[hbm:s26], [sflag:s13] =	dma.local @!p0 [spmem:s14], $0x2800  }
.Ltmp2:
0xb6: {  	_ = 	snop;
	(pc) =	sbr.rel @p1 .LBB2_1-.Ltmp2, $4  }
0xb7: {  	s26 =	simm.s32 @!p0 $0x3  }
0xb8: {  	_ =	swait.ge @!p0 [sflag:s26], $0x2800  }
0xb9: {  	[sflag:s26] =	ssyncset.done @!p0 $0x0  }
0xba: {  	[sflag:s26] =	ssyncadd.s32 @!p0 $0xFFFFD800  }
0xbb: {  	_ =	sfence.sel $0x180000  }
0xbc: {  	[bflag:$0x0] =	sbarrier.arrive $0xFFFF  }
0xbd: {  	p0 =	sne.s32 s0, $0x0;
	_ =	strace $0x9000004A  }
0xbe: {  	s0 =	sadd.s32 @!p0 $0x100000, s1;
	[bflag:$0x2] =	sbarrier.arrive $0xFFFF  }
0xbf: {  	[sflag:s0] =	ssyncadd.tile.s32 @!p0 $0x1;
	_ =	shalt  }
.Lfunc_end2:
_tile_overlayer_lowered:
.L_overlay_start_2:
0xc0: {  	(tag) =	ssettag $0x2  }
0xc1: {  	s0 =	rddreg [dreg:$0x0];
	s2 =	stileid.u32  }
0xc2: {  	s1 =	rddreg [dreg:$0x1];
	p0 =	sne.s32 s2, $0x0  }
0xc3: {  	s3 =	rddreg [dreg:$0x2];
	[bflag:$0x3] =	sbarrier.arrive $0xFFFF;
	s2 =	simm.s32 @!p0 $0x1C03  }
0xc4: {  	[timem:s3], [sflag:s2] =	dma.local @!p0 [hbm:s0], s1  }
0xc5: {  	s0 =	simm.s32 @!p0 $0x3  }
0xc6: {  	_ =	swait.ge @!p0 [sflag:s0], s1  }
0xc7: {  	s1 =	ssub.s32 @!p0 $0x0, s1;
	[sflag:s0] =	ssyncset.done @!p0 $0x0  }
0xc8: {  	[sflag:s0] =	ssyncadd.s32 @!p0 s1  }
0xc9: {  	[bflag:$0x3] =	sbarrier.arrive $0xFFFF  }
0xca: {  	_ =	shalt  }

// kernel: sc_agg.9.cloned.1.call-start
scs
__scs_entry_jumppad:
0x0: {  	(pc) =	sbr.rel $0x88, $3  }
0x1: {  	(tag) =	ssettag $0x0;
	lr =	simm.s32 $0x1  }
0x2: {  	[smem:$0x3F90] =	sst lr;
	_ =	strace $0xD0000000  }
0x3: {  	_ = 	snop  }
0x4: {  	_ = 	snop  }
0x5: {  	_ = 	snop  }
0x6: {  	_ = 	snop  }
0x7: {  	_ = 	snop  }
__scs_overlays_trampoline_lowered:
0x8: {  	[smem:$0x3F9F] =	sst s0  }
0x9: {  	[smem:$0x3FA0] =	sst s1  }
0xa: {  	[smem:$0x3FA1] =	sst s2  }
0xb: {  	[smem:$0x3FA2] =	sst s3  }
0xc: {  	[smem:$0x3FA3] =	sst s4  }
0xd: {  	[smem:$0x3FA4] =	sst s5  }
0xe: {  	[smem:$0x3FA5] =	sst s6  }
0xf: {  	[smem:$0x3FA6] =	sst s7  }
0x10: {  	[smem:$0x3FA7] =	sst s8  }
0x11: {  	[smem:$0x3FA8] =	sst s9;
	s0 =	simm.s32 @!p0 $0x0  }
0x12: {  	s1 =	sld [smem:$0x3F8E];
	s0 =	simm.s32 @p0 $0x1  }
0x13: {  	[smem:$0x3FA9] =	sst s0;
	s0 =	simm.s32 @!p1 $0x0  }
0x14: {  	s2 =	sld [smem:$0x3F8D];
	s0 =	simm.s32 @p1 $0x1  }
0x15: {  	[smem:$0x3FAA] =	sst s0;
	s0 =	simm.s32 @!p2 $0x0  }
0x16: {  	s3 =	sld [smem:$0x3FDB];
	s0 =	simm.s32 @p2 $0x1  }
0x17: {  	s4 =	simm.s32 $0x1BF5;
	[smem:$0x3FAC] =	sst s0  }
0x18: {  	s0 =	sld [smem:$0x3F8F];
	_ =	swait.ge [sflag:s4], $0x0  }
0x19: {  	s7 =	sld [smem:$0x3F90]  }
0x1a: {  	s8 =	sadd.s32 $0xFFFFE003, lr  }
0x1b: {  	s9 =	sadd.s32 $0xFFFFFEF7, lr;
	s5 =	simm.s32 $0xFFFFFFFF;
	p2 =	slt.u32 s8, $0xFFFFF086  }
0x1c: {  	p1 =	slt.u32 s9, $0xF7A;
	s5 =	simm.s32 @!p2 $0x0  }
0x1d: {  	s5 =	simm.s32 @p1 $0x1;
	p0 =	seq.s32 s7, s2  }
0x1e: {  	s7 =	smul.u32 @!p0 $0xF7A, s2;
	p2 =	seq.s32 @!p0 s5, $0x0  }
0x1f: {  	s9 =	smul.u32 $0xF7A, s1;
	s8 =	simm.s32 @!p0 $0x1BF5;
	p2 =	por !p2, p0  }
0x20: {  	[sflag:s8] =	ssyncset.s32 @!p0 $0xFFFFF086;
	s6 =	sadd.s32 @!p0 s3, s7;
	s7 =	simm.s32 @!p0 $0x108  }
0x21: {  	s3 =	sadd.s32 s3, s9;
	s6 =	sadd.s32 @!p0 $0x88, s6;
	s7 =	simm.s32 @p2 $0x1082  }
0x22: {  	[simem:s7], [sflag:s8] =	dma.local @!p0 [hbm:s6], $0xF7A  }
0x23: {  	s9 =	sor.u32 $0xD0000000, s2;
	s6 =	simm.s32 $0x108;
	_ =	swait.ge @!p0 [sflag:s8], $0x0  }
0x24: {  	s3 =	sadd.s32 $0x88, s3;
	s6 =	simm.s32 @!p1 $0x1082;
	[sflag:s4] =	ssyncset.s32 $0xFFFFF086  }
0x25: {  	[simem:s6], [sflag:s4] =	dma.local [hbm:s3], $0xF7A  }
0x26: {  	[smem:$0x3F90] =	sst s1;
	(tag) =	ssettag s2;
	_ =	strace s9  }
0x27: {  	s1 =	sld [smem:$0x3FA0]  }
0x28: {  	s2 =	sld [smem:$0x3FA1]  }
0x29: {  	s4 =	sld [smem:$0x3FA3]  }
0x2a: {  	p0 =	seq.s32 s5, $0x0;
	s5 =	sld [smem:$0x3FA4]  }
0x2b: {  	s6 =	sld [smem:$0x3FA5]  }
0x2c: {  	s7 =	sld [smem:$0x3FA6]  }
0x2d: {  	s3 =	simm.s32 $0x108;
	s8 =	sld [smem:$0x3FA7]  }
0x2e: {  	s3 =	simm.s32 @!p0 $0x1082;
	s9 =	sld [smem:$0x3FA8]  }
0x2f: {  	lr =	sadd.s32 s0, s3;
	s0 =	sld [smem:$0x3F9F]  }
0x30: {  	s3 =	sld [smem:$0x3FA2]  }
0x31: {  	[smem:$0x3FAB] =	sst s10  }
0x32: {  	s10 =	sld [smem:$0x3FA9];
	_ =	sdelay $0x3  }
0x33: {  	p0 =	seq.s32 s10, $0x1;
	s10 =	sld [smem:$0x3FAB];
	_ =	sdelay $0x3  }
0x34: {  	[smem:$0x3FAB] =	sst s10  }
0x35: {  	s10 =	sld [smem:$0x3FAA];
	_ =	sdelay $0x3  }
0x36: {  	p1 =	seq.s32 s10, $0x1;
	s10 =	sld [smem:$0x3FAB];
	_ =	sdelay $0x3  }
0x37: {  	[smem:$0x3FAB] =	sst s10  }
0x38: {  	s10 =	sld [smem:$0x3FAC]  }
0x39: {  	_ = 	snop;
	(pc) =	sbr.ind lr, $3  }
0x3a: {  	_ = 	snop  }
0x3b: {  	_ = 	snop  }
0x3c: {  	p2 =	seq.s32 s10, $0x1;
	s10 =	sld [smem:$0x3FAB]  }
0x3d: {  	_ =	shalt  }
0x3e: {  	_ =	shalt  }
0x3f: {  	_ =	shalt  }
0x40: {  	_ =	shalt  }
0x41: {  	_ =	shalt  }
0x42: {  	_ =	shalt  }
0x43: {  	_ =	shalt  }
0x44: {  	_ =	shalt  }
0x45: {  	_ =	shalt  }
0x46: {  	_ =	shalt  }
0x47: {  	_ =	shalt  }
0x48: {  	_ =	shalt  }
0x49: {  	_ =	shalt  }
0x4a: {  	_ =	shalt  }
0x4b: {  	_ =	shalt  }
0x4c: {  	_ =	shalt  }
0x4d: {  	_ =	shalt  }
0x4e: {  	_ =	shalt  }
0x4f: {  	_ =	shalt  }
0x50: {  	_ =	shalt  }
0x51: {  	_ =	shalt  }
0x52: {  	_ =	shalt  }
0x53: {  	_ =	shalt  }
0x54: {  	_ =	shalt  }
0x55: {  	_ =	shalt  }
0x56: {  	_ =	shalt  }
0x57: {  	_ =	shalt  }
0x58: {  	_ =	shalt  }
0x59: {  	_ =	shalt  }
0x5a: {  	_ =	shalt  }
0x5b: {  	_ =	shalt  }
0x5c: {  	_ =	shalt  }
0x5d: {  	_ =	shalt  }
0x5e: {  	_ =	shalt  }
0x5f: {  	_ =	shalt  }
0x60: {  	_ =	shalt  }
0x61: {  	_ =	shalt  }
0x62: {  	_ =	shalt  }
0x63: {  	_ =	shalt  }
0x64: {  	_ =	shalt  }
0x65: {  	_ =	shalt  }
0x66: {  	_ =	shalt  }
0x67: {  	_ =	shalt  }
0x68: {  	_ =	shalt  }
0x69: {  	_ =	shalt  }
0x6a: {  	_ =	shalt  }
0x6b: {  	_ =	shalt  }
0x6c: {  	_ =	shalt  }
0x6d: {  	_ =	shalt  }
0x6e: {  	_ =	shalt  }
0x6f: {  	_ =	shalt  }
0x70: {  	_ =	shalt  }
0x71: {  	_ =	shalt  }
0x72: {  	_ =	shalt  }
0x73: {  	_ =	shalt  }
0x74: {  	_ =	shalt  }
0x75: {  	_ =	shalt  }
0x76: {  	_ =	shalt  }
0x77: {  	_ =	shalt  }
0x78: {  	_ =	shalt  }
0x79: {  	_ =	shalt  }
0x7a: {  	_ =	shalt  }
0x7b: {  	_ =	shalt  }
0x7c: {  	_ =	shalt  }
0x7d: {  	_ =	shalt  }
0x7e: {  	_ =	shalt  }
0x7f: {  	_ =	shalt  }
0x80: {  	_ =	shalt  }
0x81: {  	_ =	shalt  }
0x82: {  	_ =	shalt  }
0x83: {  	_ =	shalt  }
0x84: {  	_ =	shalt  }
0x85: {  	_ =	shalt  }
0x86: {  	_ =	shalt  }
0x87: {  	_ =	shalt  }
.Lfunc_end0:
.L_simem_size_0:
called_computation.2_lowered:
.L_overlay_start_0:
0x88: {  	s2 =	sld [smem:$0x3FD9]  }
0x89: {  	s3 =	sld [smem:$0x3FFE];
	_ =	sdelay $0x1  }
0x8a: {  	s1 =	srdreg.scid  }
0x8b: {  	s0 =	sand.u32 $0x1, s1  }
0x8c: {  	s16 =	sshll.u32 s0, $0xA;
	s2 =	sadd.s32 s3, s2  }
0x8d: {  	s2 =	sadd.s32 s2, s16  }
0x8e: {  	[smem:$0x3FB7] =	sst s2  }
0x8f: {  	_ = 	snop  }
0x90: {  	(tm) =	ssettm $0x1  }
0x91: {  	s17 =	sld [smem:$0x3FFB];
	_ =	sdelay $0x3  }
0x92: {  	_ =	strace s17  }
0x93: {  	s2 =	sld [smem:$0x3FFC];
	_ =	sdelay $0x3  }
0x94: {  	_ =	strace s2  }
0x95: {  	s2 =	sld [smem:$0x3FFD];
	_ =	sdelay $0x3  }
0x96: {  	_ =	strace s2  }
0x97: {  	_ =	strace $0x8FFFFFFF  }
0x98: {  	s18 =	sld [smem:$0x3FDB];
	_ =	sdelay $0x1  }
0x99: {  	s19 =	simm.s32 $_scs_section_size  }
0x9a: {  	s4 =	simm.s32 $_size__tile_overlayer_lowered;
	s5 =	simm.s32 $_tile_overlayer_lowered  }
0x9b: {  	s22 =	simm.s32 $0x1BFF;
	s21 =	sshll.u32 s5, $0x1;
	s2 =	sadd.s32 s19, s18  }
0x9c: {  	s6 =	simm.s32 $0x0;
	s20 =	sshll.u32 s4, $0x1;
	s4 =	sadd.s32 s21, s2  }
0x9d: {  	[timem:s6], [sflag:s22] =	dma.local [hbm:s4], s20  }
0x9e: {  	_ =	swait.ge [sflag:s22], s20  }
0x9f: {  	s3 =	ssub.s32 $0x0, s20;
	[sflag:s22] =	ssyncset.done $0x0  }
0xa0: {  	[sflag:s22] =	ssyncadd.s32 s3;
	_ =	sdelay $0x1  }
0xa1: {  	s23 =	simm.s32 $0x1B8B  }
0xa2: {  	_ =	swait.ge [sflag:s23], $0x1  }
0xa3: {  	[sflag:s23] =	ssyncset.done $0x0  }
0xa4: {  	s25 =	simm.s32 $0x1B8E;
	s24 =	sld [smem:$0x3FFE];
	[sflag:s23] =	ssyncadd.s32 $0xFFFFFFFF  }
0xa5: {  	s26 =	simm.s32 $execute0_lowered;
	[smem:$0x3FD2] =	sst s25  }
0xa6: {  	s4 =	sshll.u32 s26, $0x1;
	_ =	strace $0x8000004C;
	[dreg:$0x1] =	wrdreg $0xFFFFFFFF  }
0xa7: {  	s28 =	simm.s32 $_size_execute0_lowered;
	s2 =	sadd.s32 s2, s4;
	[dreg:$0x0] =	wrdreg $0x0  }
0xa8: {  	s4 =	sshll.u32 s28, $0x1;
	[dreg:$0x2] =	wrdreg s2  }
0xa9: {  	[dreg:$0x3] =	wrdreg s4  }
0xaa: {  	[dreg:$0x4] =	wrdreg $0xC0  }
0xab: {  	_ =	task [dreg:s6], $0x5FFFF  }
0xac: {  	[dreg:$0x1] =	wrdreg $0xFFFFFFFF  }
0xad: {  	[dreg:$0x0] =	wrdreg $0x60  }
0xae: {  	[dreg:$0x2] =	wrdreg s24  }
0xaf: {  	[dreg:$0x3] =	wrdreg $0xA8000  }
0xb0: {  	[dreg:$0x4] =	wrdreg $0x9  }
0xb1: {  	_ =	task.clear_ibuf [dreg:s6], $0x5FFFF;
	_ =	strace $0x9000004C  }
0xb2: {  	s29 =	simm.s32 $0x9;
	_ =	strace $0x8000004E  }
0xb3: {  	_ =	swait.ge [sflag:s29], $0x1  }
0xb4: {  	[sflag:s29] =	ssyncadd.s32 $0xFFFFFFFF  }
0xb5: {  	_ =	strace $0x9000004E  }
0xb6: {  	_ =	sfence  }
0xb7: {  	s30 =	sld [smem:$0x0];
	_ =	sdelay $0x2  }
0xb8: {  	s31 =	sshll.u32 s1, $0xD;
	s1 =	sshrl.u32 s1, $0x2  }
0xb9: {  	s3 =	sand.u32 $0x4000, s31;
	s1 =	sadd.s32 s1, s30  }
0xba: {  	s0 =	sor.u32 s3, s0;
	s1 =	sshll.u32 s1, $0x11  }
0xbb: {  	s0 =	sor.u32 s1, s0  }
0xbc: {  	s0 =	sadd.s32 $0x8F2B, s0  }
0xbd: {  	[sflag:s0] =	ssyncadd.remote.s32 $0x1  }
0xbe: {  	_ =	sfence.sel $0xFFFF  }
0xbf: {  	[dreg:$0x0] =	wrdreg $0xFFFFFFFF;
	(pc) =	sbr.abs _section_cstart, $3  }
0xc0: {  	[dreg:$0x1] =	wrdreg $0xFFFFFFFF  }
0xc1: {  	_ =	task.clear_ibuf [dreg:s6], $0x2FFFF;
	_ =	strace $0x9FFFFFFF  }
0xc2: {  	(tm) =	ssettm $0x7FFFFFFF  }
0xc3: {  	_ =	shalt  }
tec
execute0_lowered:
.L_overlay_start_1:
0x0: {  	(tag) =	ssettag $0x1  }
0x1: {  	s4 =	rddreg [dreg:$0x0];
	s0 =	stileid.u32  }
0x2: {  	s1 =	srdreg.scid;
	s2 =	rddreg [dreg:$0x1];
	s3 =	simm.s32 $0x0  }
0x3: {  	s15 =	simm.s32 $0x3;
	s16 =	simm.s32 $0x1400;
	s17 =	simm.s32 $0x80  }
0x4: {  	s18 =	simm.s32 $0x2800;
	s19 =	simm.s32 $0x6800;
	s20 =	simm.s32 $0x1  }
0x5: {  	s21 =	simm.s32 $0x2;
	s22 =	simm.s32 $0x1380;
	s23 =	simm.s32 $0x2700  }
0x6: {  	s24 =	simm.s32 $0x2780;
	s6 =	sand.u32 $0x1, s1;
	s1 =	rddreg [dreg:$0x2]  }
0x7: {  	s25 =	simm.s32 $0x0;
	s5 =	smul.u32 $0x500, s0;
	[smem:$0x7FF] =	sst s3  }
0x8: {  	s8 =	smul.u32 $0x50000, s0;
	s12 =	sadd.s32 $0x12C000, s2;
	p0 =	seq.s32 s0, $0xF  }
0x9: {  	s7 =	smul.u32 $0x27100, s6;
	_ =	strace $0x8000004D;
	s29 =	ssub.s32 $0x2, s6  }
0xa: {  	s13 =	sshll.u32 @!p0 s0, $0x6;
	s12 =	sshrl.u32 @p0 s12, $0x3;
	s9 =	sadd.s32 s5, s4  }
0xb: {  	s30 =	sshrl.u32 s29, $0x1;
	s31 =	sshrl.u32 s8, $0x2;
	s5 =	smul.u32 $0x2800, s0  }
0xc: {  	s13 =	sor.u32 @!p0 $0x1C03, s13;
	s11 =	sadd.s32 s7, s4;
	s10 =	ssub.s32 s29, s30  }
0xd: {  	s14 =	sadd.s32 s31, s2;
	s6 =	sadd.s32 $0x7FE00, s9;
	s7 =	sadd.s32 $0x4400, s9  }
0xe: {  	s4 =	sadd.s32 $0x84E00, s11;
	s8 =	sadd.s32 $0xD3000, s11;
	s9 =	smax.u32 s10, $0x1  }
0xf: {  	s11 =	sadd.s32 $0xAA600, s11;
	s14 =	sshrl.u32 @!p0 s14, $0x3;
	s10 =	sadd.s32 s5, s4  }
.LBB2_1:
0x10: {  	s26 =	simm.s32 @p0 $0x1FC3  }
0x11: {  	[spmem:s12], [sflag:s26] =	dma.local @p0 [hbm:s11], $0x1900  }
0x12: {  	s26 =	simm.s32 @p0 $0x3  }
0x13: {  	_ =	swait.ge @p0 [sflag:s26], $0x1900  }
0x14: {  	[sflag:s26] =	ssyncset.done @p0 $0x0  }
0x15: {  	[sflag:s26] =	ssyncadd.s32 @p0 $0xFFFFE700;
	s26 =	simm.s32 @!p0 $0x3  }
0x16: {  	[spmem:s14], [sflag:s13] =	dma.local @!p0 [hbm:s10], $0x2800  }
0x17: {  	_ =	swait.ge @!p0 [sflag:s26], $0x2800  }
0x18: {  	[sflag:s26] =	ssyncset.done @!p0 $0x0  }
0x19: {  	[sflag:s26] =	ssyncadd.s32 @!p0 $0xFFFFD800  }
0x1a: {  	[bflag:$0x0] =	sbarrier.arrive $0xFFFF  }
0x1b: {  	[tilespmem:s3], [sflag:$0x3] =	stream.linear.gather [hbm4b:s6+s3], $0x1400, $0x38;
	[tilespmem:$0x1E800] =	vst v63  }
0x1c: {  	_ =	swait.ge [sflag:s15], $0x1400  }
0x1d: {  	[sflag:s15] =	ssyncset.done $0x0  }
0x1e: {  	[sflag:s15] =	ssyncadd.s32 $0xFFFFEC00  }
0x1f: {  	[tilespmem:s16], [sflag:$0x3] =	stream.linear.gather [hbm4b:s7+s3], $0x1400, $0x38;
	[tilespmem:$0x1E800] =	vst v63  }
0x20: {  	_ =	swait.ge [sflag:s15], $0x1400  }
0x21: {  	[sflag:s15] =	ssyncset.done $0x0  }
0x22: {  	[sflag:s15] =	ssyncadd.s32 $0xFFFFEC00  }
0x23: {  	[tilespmem:s18], [sflag:$0x1] =	stream.indirect.gather [hbm4b:s4+s17], $0x80, s3, s17, $0xb8;
	[tilespmem:$0x1E800] =	vst v63  }
0x24: {  	s31 =	simm.s32 $0x80  }
0x25: {  	[tilespmem:s19], [sflag:$0x2] =	stream.indirect.gather [hbm4b:s4+s17], $0x80, s31, s17, $0xb8;
	[tilespmem:$0x1E800] =	vst v63  }
0x26: {  	_ =	swait.ge [sflag:s20], $0x4000  }
0x27: {  	[sflag:s20] =	ssyncset.done $0x0  }
0x28: {  	s29 =	simm.s32 $0x1400;
	[sflag:s20] =	ssyncadd.s32 $0xFFFFC000  }
0x29: {  	[spmem:s2] =	stream.indirect.scatter.add.f32 [tilespmem:s18], [sflag:$0x3], $0x80, s29, s17, $0xb8;
	[tilespmem:$0x1E800] =	vst v63  }
0x2a: {  	_ =	swait.ge [sflag:s15], $0x4000  }
0x2b: {  	[sflag:s15] =	ssyncset.done $0x0  }
0x2c: {  	s30 =	simm.s32 $0x100;
	[sflag:s15] =	ssyncadd.s32 $0xFFFFC000  }
0x2d: {  	[tilespmem:s18], [sflag:$0x1] =	stream.indirect.gather [hbm4b:s4+s17], $0x80, s30, s17, $0xb8;
	[tilespmem:$0x1E800] =	vst v63  }
0x2e: {  	_ =	swait.ge [sflag:s21], $0x4000  }
0x2f: {  	[sflag:s21] =	ssyncset.done $0x0  }
0x30: {  	s31 =	simm.s32 $0x1480;
	[sflag:s21] =	ssyncadd.s32 $0xFFFFC000  }
0x31: {  	[spmem:s2] =	stream.indirect.scatter.add.f32 [tilespmem:s19], [sflag:$0x3], $0x80, s31, s17, $0xb8;
	[tilespmem:$0x1E800] =	vst v63  }
0x32: {  	_ =	swait.ge [sflag:s15], $0x4000  }
0x33: {  	s28 =	simm.s32 $0x800;
	s26 =	simm.s32 $0x100;
	[sflag:s15] =	ssyncset.done $0x0  }
.LBB2_2:
0x34: {  	s29 =	sadd.s32 $0x80, s26  }
0x35: {  	[sflag:s15] =	ssyncadd.s32 $0xFFFFC000;
	s30 =	smov.u32 s28;
	s31 =	sadd.s32 $0x400, s28  }
0x36: {  	[tilespmem:s19], [sflag:$0x2] =	stream.indirect.gather [hbm4b:s4+s17], $0x80, s29, s17, $0xb8;
	[tilespmem:$0x1E800] =	vst v63  }
0x37: {  	p1 =	sne.s32 s28, $0x4800;
	_ =	swait.ge [sflag:s20], $0x4000  }
0x38: {  	[sflag:s20] =	ssyncset.done $0x0  }
0x39: {  	s28 =	sadd.s32 $0x1400, s26;
	[sflag:s20] =	ssyncadd.s32 $0xFFFFC000  }
0x3a: {  	[spmem:s2] =	stream.indirect.scatter.add.f32 [tilespmem:s18], [sflag:$0x3], $0x80, s28, s17, $0xb8;
	[tilespmem:$0x1E800] =	vst v63  }
0x3b: {  	_ =	swait.ge [sflag:s15], $0x4000  }
0x3c: {  	[sflag:s15] =	ssyncset.done $0x0  }
0x3d: {  	s28 =	sadd.s32 $0x100, s26;
	[sflag:s15] =	ssyncadd.s32 $0xFFFFC000  }
0x3e: {  	[tilespmem:s18], [sflag:$0x1] =	stream.indirect.gather [hbm4b:s4+s17], $0x80, s28, s17, $0xb8;
	[tilespmem:$0x1E800] =	vst v63  }
0x3f: {  	_ =	swait.ge [sflag:s21], $0x4000  }
.Ltmp0:
0x40: {  	[sflag:s21] =	ssyncset.done $0x0;
	(pc) =	sbr.rel @p1 .LBB2_2-.Ltmp0, $4  }
0x41: {  	s26 =	sadd.s32 $0x1480, s26;
	[sflag:s21] =	ssyncadd.s32 $0xFFFFC000  }
0x42: {  	[spmem:s2] =	stream.indirect.scatter.add.f32 [tilespmem:s19], [sflag:$0x3], $0x80, s26, s17, $0xb8;
	[tilespmem:$0x1E800] =	vst v63  }
0x43: {  	_ =	swait.ge [sflag:s15], $0x4000  }
0x44: {  	s28 =	smov.u32 s31;
	s26 =	sshra.s32 s30, $0x2;
	[sflag:s15] =	ssyncset.done $0x0  }
0x45: {  	s28 =	sadd.s32 $0x80, s26;
	[sflag:s15] =	ssyncadd.s32 $0xFFFFC000  }
0x46: {  	[tilespmem:s19], [sflag:$0x2] =	stream.indirect.gather [hbm4b:s4+s17], $0x80, s28, s17, $0xb8;
	[tilespmem:$0x1E800] =	vst v63  }
0x47: {  	_ =	swait.ge [sflag:s20], $0x4000  }
0x48: {  	[sflag:s20] =	ssyncset.done $0x0  }
0x49: {  	s28 =	sadd.s32 $0x1400, s26;
	[sflag:s20] =	ssyncadd.s32 $0xFFFFC000  }
0x4a: {  	[spmem:s2] =	stream.indirect.scatter.add.f32 [tilespmem:s18], [sflag:$0x3], $0x80, s28, s17, $0xb8;
	[tilespmem:$0x1E800] =	vst v63  }
0x4b: {  	_ =	swait.ge [sflag:s15], $0x4000  }
0x4c: {  	[sflag:s15] =	ssyncset.done $0x0  }
0x4d: {  	s28 =	sadd.s32 $0x100, s26;
	[sflag:s15] =	ssyncadd.s32 $0xFFFFC000  }
0x4e: {  	[tilespmem:s18], [sflag:$0x1] =	stream.indirect.gather [hbm4b:s4+s17], $0x80, s28, s17, $0xb8;
	[tilespmem:$0x1E800] =	vst v63  }
0x4f: {  	_ =	swait.ge [sflag:s21], $0x4000  }
0x50: {  	[sflag:s21] =	ssyncset.done $0x0  }
0x51: {  	s31 =	sadd.s32 $0x1480, s26;
	[sflag:s21] =	ssyncadd.s32 $0xFFFFC000  }
0x52: {  	[spmem:s2] =	stream.indirect.scatter.add.f32 [tilespmem:s19], [sflag:$0x3], $0x80, s31, s17, $0xb8;
	[tilespmem:$0x1E800] =	vst v63  }
0x53: {  	_ =	swait.ge [sflag:s15], $0x4000  }
0x54: {  	[sflag:s15] =	ssyncset.done $0x0  }
0x55: {  	[sflag:s15] =	ssyncadd.s32 $0xFFFFC000  }
0x56: {  	[tilespmem:s19], [sflag:$0x2] =	stream.indirect.gather [hbm4b:s4+s17], $0x80, s22, s17, $0xb8;
	[tilespmem:$0x1E800] =	vst v63  }
0x57: {  	_ =	swait.ge [sflag:s20], $0x4000  }
0x58: {  	[sflag:s20] =	ssyncset.done $0x0  }
0x59: {  	[sflag:s20] =	ssyncadd.s32 $0xFFFFC000  }
0x5a: {  	[spmem:s2] =	stream.indirect.scatter.add.f32 [tilespmem:s18], [sflag:$0x3], $0x80, s23, s17, $0xb8;
	[tilespmem:$0x1E800] =	vst v63  }
0x5b: {  	_ =	swait.ge [sflag:s15], $0x4000  }
0x5c: {  	[sflag:s15] =	ssyncset.done $0x0  }
0x5d: {  	[sflag:s15] =	ssyncadd.s32 $0xFFFFC000  }
0x5e: {  	_ =	swait.ge [sflag:s21], $0x4000  }
0x5f: {  	[sflag:s21] =	ssyncset.done $0x0  }
0x60: {  	[sflag:s21] =	ssyncadd.s32 $0xFFFFC000  }
0x61: {  	[spmem:s2] =	stream.indirect.scatter.add.f32 [tilespmem:s19], [sflag:$0x3], $0x80, s24, s17, $0xb8;
	[tilespmem:$0x1E800] =	vst v63  }
0x62: {  	_ =	swait.ge [sflag:s15], $0x4000  }
0x63: {  	[sflag:s15] =	ssyncset.done $0x0  }
0x64: {  	s29 =	sadd.s32 $0x280, s6;
	s28 =	simm.s32 $0x0;
	[sflag:s15] =	ssyncadd.s32 $0xFFFFC000  }
0x65: {  	[tilespmem:s28], [sflag:$0x3] =	stream.linear.gather [hbm4b:s29+s28], $0x1400, $0x38;
	[tilespmem:$0x1E800] =	vst v63  }
0x66: {  	_ =	swait.ge [sflag:s15], $0x1400  }
0x67: {  	[sflag:s15] =	ssyncset.done $0x0  }
0x68: {  	s30 =	sadd.s32 $0x280, s7;
	[sflag:s15] =	ssyncadd.s32 $0xFFFFEC00  }
0x69: {  	[tilespmem:s16], [sflag:$0x3] =	stream.linear.gather [hbm4b:s30+s28], $0x1400, $0x38;
	[tilespmem:$0x1E800] =	vst v63  }
0x6a: {  	_ =	swait.ge [sflag:s15], $0x1400  }
0x6b: {  	[sflag:s15] =	ssyncset.done $0x0  }
0x6c: {  	[sflag:s15] =	ssyncadd.s32 $0xFFFFEC00  }
0x6d: {  	[tilespmem:s18], [sflag:$0x1] =	stream.indirect.gather [hbm4b:s4+s17], $0x80, s28, s17, $0xb8;
	[tilespmem:$0x1E800] =	vst v63  }
0x6e: {  	s31 =	simm.s32 $0x80  }
0x6f: {  	[tilespmem:s19], [sflag:$0x2] =	stream.indirect.gather [hbm4b:s4+s17], $0x80, s31, s17, $0xb8;
	[tilespmem:$0x1E800] =	vst v63  }
0x70: {  	_ =	swait.ge [sflag:s20], $0x4000  }
0x71: {  	[sflag:s20] =	ssyncset.done $0x0  }
0x72: {  	s29 =	simm.s32 $0x1400;
	[sflag:s20] =	ssyncadd.s32 $0xFFFFC000  }
0x73: {  	[spmem:s2] =	stream.indirect.scatter.add.f32 [tilespmem:s18], [sflag:$0x3], $0x80, s29, s17, $0xb8;
	[tilespmem:$0x1E800] =	vst v63  }
0x74: {  	_ =	swait.ge [sflag:s15], $0x4000  }
0x75: {  	[sflag:s15] =	ssyncset.done $0x0  }
0x76: {  	s30 =	simm.s32 $0x100;
	[sflag:s15] =	ssyncadd.s32 $0xFFFFC000  }
0x77: {  	[tilespmem:s18], [sflag:$0x1] =	stream.indirect.gather [hbm4b:s4+s17], $0x80, s30, s17, $0xb8;
	[tilespmem:$0x1E800] =	vst v63  }
0x78: {  	_ =	swait.ge [sflag:s21], $0x4000  }
0x79: {  	[sflag:s21] =	ssyncset.done $0x0  }
0x7a: {  	s31 =	simm.s32 $0x1480;
	[sflag:s21] =	ssyncadd.s32 $0xFFFFC000  }
0x7b: {  	[spmem:s2] =	stream.indirect.scatter.add.f32 [tilespmem:s19], [sflag:$0x3], $0x80, s31, s17, $0xb8;
	[tilespmem:$0x1E800] =	vst v63  }
0x7c: {  	_ =	swait.ge [sflag:s15], $0x4000  }
0x7d: {  	s26 =	simm.s32 $0x100;
	s28 =	simm.s32 $0x800;
	[sflag:s15] =	ssyncset.done $0x0  }
.LBB2_4:
0x7e: {  	s29 =	sadd.s32 $0x80, s26  }
0x7f: {  	[sflag:s15] =	ssyncadd.s32 $0xFFFFC000;
	s30 =	smov.u32 s28;
	s31 =	sadd.s32 $0x400, s28  }
0x80: {  	[tilespmem:s19], [sflag:$0x2] =	stream.indirect.gather [hbm4b:s4+s17], $0x80, s29, s17, $0xb8;
	[tilespmem:$0x1E800] =	vst v63  }
0x81: {  	p1 =	sne.s32 s28, $0x4800;
	_ =	swait.ge [sflag:s20], $0x4000  }
0x82: {  	[sflag:s20] =	ssyncset.done $0x0  }
0x83: {  	s28 =	sadd.s32 $0x1400, s26;
	[sflag:s20] =	ssyncadd.s32 $0xFFFFC000  }
0x84: {  	[spmem:s2] =	stream.indirect.scatter.add.f32 [tilespmem:s18], [sflag:$0x3], $0x80, s28, s17, $0xb8;
	[tilespmem:$0x1E800] =	vst v63  }
0x85: {  	_ =	swait.ge [sflag:s15], $0x4000  }
0x86: {  	[sflag:s15] =	ssyncset.done $0x0  }
0x87: {  	s28 =	sadd.s32 $0x100, s26;
	[sflag:s15] =	ssyncadd.s32 $0xFFFFC000  }
0x88: {  	[tilespmem:s18], [sflag:$0x1] =	stream.indirect.gather [hbm4b:s4+s17], $0x80, s28, s17, $0xb8;
	[tilespmem:$0x1E800] =	vst v63  }
0x89: {  	_ =	swait.ge [sflag:s21], $0x4000  }
.Ltmp1:
0x8a: {  	[sflag:s21] =	ssyncset.done $0x0;
	(pc) =	sbr.rel @p1 .LBB2_4-.Ltmp1, $4  }
0x8b: {  	s26 =	sadd.s32 $0x1480, s26;
	[sflag:s21] =	ssyncadd.s32 $0xFFFFC000  }
0x8c: {  	[spmem:s2] =	stream.indirect.scatter.add.f32 [tilespmem:s19], [sflag:$0x3], $0x80, s26, s17, $0xb8;
	[tilespmem:$0x1E800] =	vst v63  }
0x8d: {  	_ =	swait.ge [sflag:s15], $0x4000  }
0x8e: {  	s28 =	smov.u32 s31;
	s26 =	sshra.s32 s30, $0x2;
	[sflag:s15] =	ssyncset.done $0x0  }
0x8f: {  	s28 =	sadd.s32 $0x80, s26;
	[sflag:s15] =	ssyncadd.s32 $0xFFFFC000  }
0x90: {  	[tilespmem:s19], [sflag:$0x2] =	stream.indirect.gather [hbm4b:s4+s17], $0x80, s28, s17, $0xb8;
	[tilespmem:$0x1E800] =	vst v63  }
0x91: {  	_ =	swait.ge [sflag:s20], $0x4000  }
0x92: {  	[sflag:s20] =	ssyncset.done $0x0  }
0x93: {  	s29 =	sadd.s32 $0x1400, s26;
	[sflag:s20] =	ssyncadd.s32 $0xFFFFC000  }
0x94: {  	[spmem:s2] =	stream.indirect.scatter.add.f32 [tilespmem:s18], [sflag:$0x3], $0x80, s29, s17, $0xb8;
	[tilespmem:$0x1E800] =	vst v63  }
0x95: {  	_ =	swait.ge [sflag:s15], $0x4000  }
0x96: {  	[sflag:s15] =	ssyncset.done $0x0  }
0x97: {  	s30 =	sadd.s32 $0x100, s26;
	[sflag:s15] =	ssyncadd.s32 $0xFFFFC000  }
0x98: {  	[tilespmem:s18], [sflag:$0x1] =	stream.indirect.gather [hbm4b:s4+s17], $0x80, s30, s17, $0xb8;
	[tilespmem:$0x1E800] =	vst v63  }
0x99: {  	_ =	swait.ge [sflag:s21], $0x4000  }
0x9a: {  	[sflag:s21] =	ssyncset.done $0x0  }
0x9b: {  	s31 =	sadd.s32 $0x1480, s26;
	[sflag:s21] =	ssyncadd.s32 $0xFFFFC000  }
0x9c: {  	[spmem:s2] =	stream.indirect.scatter.add.f32 [tilespmem:s19], [sflag:$0x3], $0x80, s31, s17, $0xb8;
	[tilespmem:$0x1E800] =	vst v63  }
0x9d: {  	_ =	swait.ge [sflag:s15], $0x4000  }
0x9e: {  	[sflag:s15] =	ssyncset.done $0x0  }
0x9f: {  	[sflag:s15] =	ssyncadd.s32 $0xFFFFC000  }
0xa0: {  	[tilespmem:s19], [sflag:$0x2] =	stream.indirect.gather [hbm4b:s4+s17], $0x80, s22, s17, $0xb8;
	[tilespmem:$0x1E800] =	vst v63  }
0xa1: {  	_ =	swait.ge [sflag:s20], $0x4000  }
0xa2: {  	[sflag:s20] =	ssyncset.done $0x0  }
0xa3: {  	[sflag:s20] =	ssyncadd.s32 $0xFFFFC000  }
0xa4: {  	[spmem:s2] =	stream.indirect.scatter.add.f32 [tilespmem:s18], [sflag:$0x3], $0x80, s23, s17, $0xb8;
	[tilespmem:$0x1E800] =	vst v63  }
0xa5: {  	_ =	swait.ge [sflag:s15], $0x4000  }
0xa6: {  	[sflag:s15] =	ssyncset.done $0x0  }
0xa7: {  	[sflag:s15] =	ssyncadd.s32 $0xFFFFC000  }
0xa8: {  	_ =	swait.ge [sflag:s21], $0x4000  }
0xa9: {  	[sflag:s21] =	ssyncset.done $0x0  }
0xaa: {  	[sflag:s21] =	ssyncadd.s32 $0xFFFFC000  }
0xab: {  	[spmem:s2] =	stream.indirect.scatter.add.f32 [tilespmem:s19], [sflag:$0x3], $0x80, s24, s17, $0xb8;
	[tilespmem:$0x1E800] =	vst v63  }
0xac: {  	_ =	swait.ge [sflag:s15], $0x4000  }
0xad: {  	[sflag:s15] =	ssyncset.done $0x0  }
0xae: {  	[sflag:s15] =	ssyncadd.s32 $0xFFFFC000  }
0xaf: {  	s26 =	sadd.s32 @p0 $0x25800, s8;
	s28 =	simm.s32 @p0 $0x1FC3;
	[bflag:$0x0] =	sbarrier.arrive $0xFFFF  }
0xb0: {  	[hbm:s26], [sflag:s28] =	dma.local @p0 [spmem:s12], $0x1900  }
0xb1: {  	s26 =	simm.s32 @p0 $0x3  }
0xb2: {  	_ =	swait.ge @p0 [sflag:s26], $0x1900  }
0xb3: {  	s25 =	sadd.s32 $0x1, s25;
	[sflag:s26] =	ssyncset.done @p0 $0x0  }
0xb4: {  	p1 =	sne.s32 s25, s9;
	[sflag:s26] =	ssyncadd.s32 @p0 $0xFFFFE700;
	s26 =	sadd.s32 @!p0 s5, s8  }
0xb5: {  	[hbm:s26], [sflag:s13] =	dma.local @!p0 [spmem:s14], $0x2800  }
.Ltmp2:
0xb6: {  	_ = 	snop;
	(pc) =	sbr.rel @p1 .LBB2_1-.Ltmp2, $4  }
0xb7: {  	s26 =	simm.s32 @!p0 $0x3  }
0xb8: {  	_ =	swait.ge @!p0 [sflag:s26], $0x2800  }
0xb9: {  	[sflag:s26] =	ssyncset.done @!p0 $0x0  }
0xba: {  	[sflag:s26] =	ssyncadd.s32 @!p0 $0xFFFFD800  }
0xbb: {  	_ =	sfence.sel $0x180000  }
0xbc: {  	[bflag:$0x0] =	sbarrier.arrive $0xFFFF  }
0xbd: {  	p0 =	sne.s32 s0, $0x0;
	_ =	strace $0x9000004D  }
0xbe: {  	s0 =	sadd.s32 @!p0 $0x100000, s1;
	[bflag:$0x2] =	sbarrier.arrive $0xFFFF  }
0xbf: {  	[sflag:s0] =	ssyncadd.tile.s32 @!p0 $0x1;
	_ =	shalt  }
.Lfunc_end2:
_tile_overlayer_lowered:
.L_overlay_start_2:
0xc0: {  	(tag) =	ssettag $0x2  }
0xc1: {  	s0 =	rddreg [dreg:$0x0];
	s2 =	stileid.u32  }
0xc2: {  	s1 =	rddreg [dreg:$0x1];
	p0 =	sne.s32 s2, $0x0  }
0xc3: {  	s3 =	rddreg [dreg:$0x2];
	[bflag:$0x3] =	sbarrier.arrive $0xFFFF;
	s2 =	simm.s32 @!p0 $0x1C03  }
0xc4: {  	[timem:s3], [sflag:s2] =	dma.local @!p0 [hbm:s0], s1  }
0xc5: {  	s0 =	simm.s32 @!p0 $0x3  }
0xc6: {  	_ =	swait.ge @!p0 [sflag:s0], s1  }
0xc7: {  	s1 =	ssub.s32 @!p0 $0x0, s1;
	[sflag:s0] =	ssyncset.done @!p0 $0x0  }
0xc8: {  	[sflag:s0] =	ssyncadd.s32 @!p0 s1  }
0xc9: {  	[bflag:$0x3] =	sbarrier.arrive $0xFFFF  }
0xca: {  	_ =	shalt  }

// kernel: sc_deg.3.cloned.1.call-start
scs
__scs_entry_jumppad:
0x0: {  	(pc) =	sbr.rel $0x88, $3  }
0x1: {  	(tag) =	ssettag $0x0;
	lr =	simm.s32 $0x1  }
0x2: {  	[smem:$0x3F90] =	sst lr;
	_ =	strace $0xD0000000  }
0x3: {  	_ = 	snop  }
0x4: {  	_ = 	snop  }
0x5: {  	_ = 	snop  }
0x6: {  	_ = 	snop  }
0x7: {  	_ = 	snop  }
__scs_overlays_trampoline_lowered:
0x8: {  	[smem:$0x3F9F] =	sst s0  }
0x9: {  	[smem:$0x3FA0] =	sst s1  }
0xa: {  	[smem:$0x3FA1] =	sst s2  }
0xb: {  	[smem:$0x3FA2] =	sst s3  }
0xc: {  	[smem:$0x3FA3] =	sst s4  }
0xd: {  	[smem:$0x3FA4] =	sst s5  }
0xe: {  	[smem:$0x3FA5] =	sst s6  }
0xf: {  	[smem:$0x3FA6] =	sst s7  }
0x10: {  	[smem:$0x3FA7] =	sst s8  }
0x11: {  	[smem:$0x3FA8] =	sst s9;
	s0 =	simm.s32 @!p0 $0x0  }
0x12: {  	s1 =	sld [smem:$0x3F8E];
	s0 =	simm.s32 @p0 $0x1  }
0x13: {  	[smem:$0x3FA9] =	sst s0;
	s0 =	simm.s32 @!p1 $0x0  }
0x14: {  	s2 =	sld [smem:$0x3F8D];
	s0 =	simm.s32 @p1 $0x1  }
0x15: {  	[smem:$0x3FAA] =	sst s0;
	s0 =	simm.s32 @!p2 $0x0  }
0x16: {  	s3 =	sld [smem:$0x3FDB];
	s0 =	simm.s32 @p2 $0x1  }
0x17: {  	s4 =	simm.s32 $0x1BF5;
	[smem:$0x3FAC] =	sst s0  }
0x18: {  	s0 =	sld [smem:$0x3F8F];
	_ =	swait.ge [sflag:s4], $0x0  }
0x19: {  	s7 =	sld [smem:$0x3F90]  }
0x1a: {  	s8 =	sadd.s32 $0xFFFFE003, lr  }
0x1b: {  	s9 =	sadd.s32 $0xFFFFFEF7, lr;
	s5 =	simm.s32 $0xFFFFFFFF;
	p2 =	slt.u32 s8, $0xFFFFF086  }
0x1c: {  	p1 =	slt.u32 s9, $0xF7A;
	s5 =	simm.s32 @!p2 $0x0  }
0x1d: {  	s5 =	simm.s32 @p1 $0x1;
	p0 =	seq.s32 s7, s2  }
0x1e: {  	s7 =	smul.u32 @!p0 $0xF7A, s2;
	p2 =	seq.s32 @!p0 s5, $0x0  }
0x1f: {  	s9 =	smul.u32 $0xF7A, s1;
	s8 =	simm.s32 @!p0 $0x1BF5;
	p2 =	por !p2, p0  }
0x20: {  	[sflag:s8] =	ssyncset.s32 @!p0 $0xFFFFF086;
	s6 =	sadd.s32 @!p0 s3, s7;
	s7 =	simm.s32 @!p0 $0x108  }
0x21: {  	s3 =	sadd.s32 s3, s9;
	s6 =	sadd.s32 @!p0 $0x88, s6;
	s7 =	simm.s32 @p2 $0x1082  }
0x22: {  	[simem:s7], [sflag:s8] =	dma.local @!p0 [hbm:s6], $0xF7A  }
0x23: {  	s9 =	sor.u32 $0xD0000000, s2;
	s6 =	simm.s32 $0x108;
	_ =	swait.ge @!p0 [sflag:s8], $0x0  }
0x24: {  	s3 =	sadd.s32 $0x88, s3;
	s6 =	simm.s32 @!p1 $0x1082;
	[sflag:s4] =	ssyncset.s32 $0xFFFFF086  }
0x25: {  	[simem:s6], [sflag:s4] =	dma.local [hbm:s3], $0xF7A  }
0x26: {  	[smem:$0x3F90] =	sst s1;
	(tag) =	ssettag s2;
	_ =	strace s9  }
0x27: {  	s1 =	sld [smem:$0x3FA0]  }
0x28: {  	s2 =	sld [smem:$0x3FA1]  }
0x29: {  	s4 =	sld [smem:$0x3FA3]  }
0x2a: {  	p0 =	seq.s32 s5, $0x0;
	s5 =	sld [smem:$0x3FA4]  }
0x2b: {  	s6 =	sld [smem:$0x3FA5]  }
0x2c: {  	s7 =	sld [smem:$0x3FA6]  }
0x2d: {  	s3 =	simm.s32 $0x108;
	s8 =	sld [smem:$0x3FA7]  }
0x2e: {  	s3 =	simm.s32 @!p0 $0x1082;
	s9 =	sld [smem:$0x3FA8]  }
0x2f: {  	lr =	sadd.s32 s0, s3;
	s0 =	sld [smem:$0x3F9F]  }
0x30: {  	s3 =	sld [smem:$0x3FA2]  }
0x31: {  	[smem:$0x3FAB] =	sst s10  }
0x32: {  	s10 =	sld [smem:$0x3FA9];
	_ =	sdelay $0x3  }
0x33: {  	p0 =	seq.s32 s10, $0x1;
	s10 =	sld [smem:$0x3FAB];
	_ =	sdelay $0x3  }
0x34: {  	[smem:$0x3FAB] =	sst s10  }
0x35: {  	s10 =	sld [smem:$0x3FAA];
	_ =	sdelay $0x3  }
0x36: {  	p1 =	seq.s32 s10, $0x1;
	s10 =	sld [smem:$0x3FAB];
	_ =	sdelay $0x3  }
0x37: {  	[smem:$0x3FAB] =	sst s10  }
0x38: {  	s10 =	sld [smem:$0x3FAC]  }
0x39: {  	_ = 	snop;
	(pc) =	sbr.ind lr, $3  }
0x3a: {  	_ = 	snop  }
0x3b: {  	_ = 	snop  }
0x3c: {  	p2 =	seq.s32 s10, $0x1;
	s10 =	sld [smem:$0x3FAB]  }
0x3d: {  	_ =	shalt  }
0x3e: {  	_ =	shalt  }
0x3f: {  	_ =	shalt  }
0x40: {  	_ =	shalt  }
0x41: {  	_ =	shalt  }
0x42: {  	_ =	shalt  }
0x43: {  	_ =	shalt  }
0x44: {  	_ =	shalt  }
0x45: {  	_ =	shalt  }
0x46: {  	_ =	shalt  }
0x47: {  	_ =	shalt  }
0x48: {  	_ =	shalt  }
0x49: {  	_ =	shalt  }
0x4a: {  	_ =	shalt  }
0x4b: {  	_ =	shalt  }
0x4c: {  	_ =	shalt  }
0x4d: {  	_ =	shalt  }
0x4e: {  	_ =	shalt  }
0x4f: {  	_ =	shalt  }
0x50: {  	_ =	shalt  }
0x51: {  	_ =	shalt  }
0x52: {  	_ =	shalt  }
0x53: {  	_ =	shalt  }
0x54: {  	_ =	shalt  }
0x55: {  	_ =	shalt  }
0x56: {  	_ =	shalt  }
0x57: {  	_ =	shalt  }
0x58: {  	_ =	shalt  }
0x59: {  	_ =	shalt  }
0x5a: {  	_ =	shalt  }
0x5b: {  	_ =	shalt  }
0x5c: {  	_ =	shalt  }
0x5d: {  	_ =	shalt  }
0x5e: {  	_ =	shalt  }
0x5f: {  	_ =	shalt  }
0x60: {  	_ =	shalt  }
0x61: {  	_ =	shalt  }
0x62: {  	_ =	shalt  }
0x63: {  	_ =	shalt  }
0x64: {  	_ =	shalt  }
0x65: {  	_ =	shalt  }
0x66: {  	_ =	shalt  }
0x67: {  	_ =	shalt  }
0x68: {  	_ =	shalt  }
0x69: {  	_ =	shalt  }
0x6a: {  	_ =	shalt  }
0x6b: {  	_ =	shalt  }
0x6c: {  	_ =	shalt  }
0x6d: {  	_ =	shalt  }
0x6e: {  	_ =	shalt  }
0x6f: {  	_ =	shalt  }
0x70: {  	_ =	shalt  }
0x71: {  	_ =	shalt  }
0x72: {  	_ =	shalt  }
0x73: {  	_ =	shalt  }
0x74: {  	_ =	shalt  }
0x75: {  	_ =	shalt  }
0x76: {  	_ =	shalt  }
0x77: {  	_ =	shalt  }
0x78: {  	_ =	shalt  }
0x79: {  	_ =	shalt  }
0x7a: {  	_ =	shalt  }
0x7b: {  	_ =	shalt  }
0x7c: {  	_ =	shalt  }
0x7d: {  	_ =	shalt  }
0x7e: {  	_ =	shalt  }
0x7f: {  	_ =	shalt  }
0x80: {  	_ =	shalt  }
0x81: {  	_ =	shalt  }
0x82: {  	_ =	shalt  }
0x83: {  	_ =	shalt  }
0x84: {  	_ =	shalt  }
0x85: {  	_ =	shalt  }
0x86: {  	_ =	shalt  }
0x87: {  	_ =	shalt  }
.Lfunc_end0:
.L_simem_size_0:
called_computation_lowered:
.L_overlay_start_0:
0x88: {  	s2 =	sld [smem:$0x3FD9]  }
0x89: {  	s3 =	sld [smem:$0x3FFE];
	_ =	sdelay $0x1  }
0x8a: {  	s1 =	srdreg.scid  }
0x8b: {  	s0 =	sand.u32 $0x1, s1  }
0x8c: {  	s16 =	sshll.u32 s0, $0xA;
	s2 =	sadd.s32 s3, s2  }
0x8d: {  	s2 =	sadd.s32 s2, s16  }
0x8e: {  	[smem:$0x3FB7] =	sst s2  }
0x8f: {  	_ = 	snop  }
0x90: {  	(tm) =	ssettm $0x1  }
0x91: {  	s17 =	sld [smem:$0x3FFB];
	_ =	sdelay $0x3  }
0x92: {  	_ =	strace s17  }
0x93: {  	s2 =	sld [smem:$0x3FFC];
	_ =	sdelay $0x3  }
0x94: {  	_ =	strace s2  }
0x95: {  	s2 =	sld [smem:$0x3FFD];
	_ =	sdelay $0x3  }
0x96: {  	_ =	strace s2  }
0x97: {  	_ =	strace $0x8FFFFFFF  }
0x98: {  	s18 =	sld [smem:$0x3FDB];
	_ =	sdelay $0x1  }
0x99: {  	s19 =	simm.s32 $_scs_section_size  }
0x9a: {  	s4 =	simm.s32 $_size__tile_overlayer_lowered;
	s5 =	simm.s32 $_tile_overlayer_lowered  }
0x9b: {  	s22 =	simm.s32 $0x1BFF;
	s21 =	sshll.u32 s5, $0x1;
	s2 =	sadd.s32 s19, s18  }
0x9c: {  	s6 =	simm.s32 $0x0;
	s20 =	sshll.u32 s4, $0x1;
	s4 =	sadd.s32 s21, s2  }
0x9d: {  	[timem:s6], [sflag:s22] =	dma.local [hbm:s4], s20  }
0x9e: {  	_ =	swait.ge [sflag:s22], s20  }
0x9f: {  	s3 =	ssub.s32 $0x0, s20;
	[sflag:s22] =	ssyncset.done $0x0  }
0xa0: {  	[sflag:s22] =	ssyncadd.s32 s3;
	_ =	sdelay $0x1  }
0xa1: {  	s23 =	simm.s32 $0x1B8B  }
0xa2: {  	_ =	swait.ge [sflag:s23], $0x1  }
0xa3: {  	[sflag:s23] =	ssyncset.done $0x0  }
0xa4: {  	s25 =	simm.s32 $0x1B8E;
	s24 =	sld [smem:$0x3FFE];
	[sflag:s23] =	ssyncadd.s32 $0xFFFFFFFF  }
0xa5: {  	s26 =	simm.s32 $execute0_lowered;
	[smem:$0x3FD2] =	sst s25  }
0xa6: {  	s4 =	sshll.u32 s26, $0x1;
	_ =	strace $0x80000046;
	[dreg:$0x1] =	wrdreg $0xFFFFFFFF  }
0xa7: {  	s28 =	simm.s32 $_size_execute0_lowered;
	s2 =	sadd.s32 s2, s4;
	[dreg:$0x0] =	wrdreg $0x0  }
0xa8: {  	s4 =	sshll.u32 s28, $0x1;
	[dreg:$0x2] =	wrdreg s2  }
0xa9: {  	[dreg:$0x3] =	wrdreg s4  }
0xaa: {  	[dreg:$0x4] =	wrdreg $0xC0  }
0xab: {  	_ =	task [dreg:s6], $0x5FFFF  }
0xac: {  	[dreg:$0x1] =	wrdreg $0xFFFFFFFF  }
0xad: {  	[dreg:$0x0] =	wrdreg $0x60  }
0xae: {  	[dreg:$0x2] =	wrdreg s24  }
0xaf: {  	[dreg:$0x3] =	wrdreg $0x54000  }
0xb0: {  	[dreg:$0x4] =	wrdreg $0x9  }
0xb1: {  	_ =	task.clear_ibuf [dreg:s6], $0x5FFFF;
	_ =	strace $0x90000046  }
0xb2: {  	s29 =	simm.s32 $0x9;
	_ =	strace $0x80000048  }
0xb3: {  	_ =	swait.ge [sflag:s29], $0x1  }
0xb4: {  	[sflag:s29] =	ssyncadd.s32 $0xFFFFFFFF  }
0xb5: {  	_ =	strace $0x90000048  }
0xb6: {  	_ =	sfence  }
0xb7: {  	s30 =	sld [smem:$0x0];
	_ =	sdelay $0x2  }
0xb8: {  	s31 =	sshll.u32 s1, $0xD;
	s1 =	sshrl.u32 s1, $0x2  }
0xb9: {  	s3 =	sand.u32 $0x4000, s31;
	s1 =	sadd.s32 s1, s30  }
0xba: {  	s0 =	sor.u32 s3, s0;
	s1 =	sshll.u32 s1, $0x11  }
0xbb: {  	s0 =	sor.u32 s1, s0  }
0xbc: {  	s0 =	sadd.s32 $0x8F2B, s0  }
0xbd: {  	[sflag:s0] =	ssyncadd.remote.s32 $0x1  }
0xbe: {  	_ =	sfence.sel $0xFFFF  }
0xbf: {  	[dreg:$0x0] =	wrdreg $0xFFFFFFFF;
	(pc) =	sbr.abs _section_cstart, $3  }
0xc0: {  	[dreg:$0x1] =	wrdreg $0xFFFFFFFF  }
0xc1: {  	_ =	task.clear_ibuf [dreg:s6], $0x2FFFF;
	_ =	strace $0x9FFFFFFF  }
0xc2: {  	(tm) =	ssettm $0x7FFFFFFF  }
0xc3: {  	_ =	shalt  }
tec
execute0_lowered:
.L_overlay_start_1:
0x0: {  	(tag) =	ssettag $0x1  }
0x1: {  	s5 =	rddreg [dreg:$0x0]  }
0x2: {  	s0 =	srdreg.scid;
	s1 =	stileid.u32  }
0x3: {  	s2 =	rddreg [dreg:$0x1];
	s3 =	simm.s32 $0x0;
	s15 =	smul.u32 $0x2800, s1  }
0x4: {  	s6 =	sand.u32 $0x1, s0;
	s0 =	rddreg [dreg:$0x2];
	s9 =	smul.u32 $0x50000, s1  }
0x5: {  	[smem:$0x7FF] =	sst s3;
	s12 =	smul.u32 $0x280, s1  }
0x6: {  	s30 =	sshll.u32 s1, $0x6;
	s14 =	sadd.s32 $0x12C000, s2;
	s4 =	smul.u32 $0x2800, s6  }
0x7: {  	p0 =	seq.s32 s1, $0xF;
	s7 =	smul.u32 $0x27100, s6;
	_ =	strace $0x80000047  }
0x8: {  	s6 =	ssub.s32 $0x2, s6;
	s14 =	sshrl.u32 @p0 s14, $0x3;
	s10 =	sadd.s32 s15, s5  }
0x9: {  	s29 =	sshrl.u32 s6, $0x1;
	s9 =	sshrl.u32 s9, $0x2;
	s8 =	sadd.s32 s4, s5  }
0xa: {  	s4 =	sadd.s32 $0x31400, s5;
	s7 =	sadd.s32 s7, s5;
	s11 =	ssub.s32 s6, s29  }
0xb: {  	s16 =	sadd.s32 s9, s2;
	s5 =	sadd.s32 $0x9400, s10;
	s6 =	sor.u32 $0x1C01, s30  }
0xc: {  	s9 =	simm.s32 $0x1;
	s31 =	sadd.s32 $0x4400, s8;
	s17 =	sadd.s32 $0x31C00, s7  }
0xd: {  	s7 =	smax.u32 s11, $0x1;
	s8 =	sshrl.u32 s16, $0x3;
	s11 =	simm.s32 $0x1400  }
0xe: {  	s16 =	sshrl.u32 @!p0 s16, $0x3;
	s10 =	sadd.s32 s12, s31;
	s12 =	simm.s32 $0x80  }
0xf: {  	s13 =	sadd.s32 @p0 $0x25800, s17;
	s15 =	sadd.s32 @!p0 s15, s17;
	s17 =	simm.s32 $0x0  }
.LBB2_1:
0x10: {  	[spmem:s8], [sflag:s6] =	dma.local [hbm:s5], $0x2800  }
0x11: {  	_ =	swait.ge [sflag:s9], $0x2800  }
0x12: {  	[sflag:s9] =	ssyncset.done $0x0  }
0x13: {  	[sflag:s9] =	ssyncadd.s32 $0xFFFFD800  }
0x14: {  	[tilespmem:s3], [sflag:$0x1] =	stream.linear.gather [hbm4b:s10+s3], $0x1400, $0x38;
	[tilespmem:$0x19400] =	vst v63  }
0x15: {  	_ =	swait.ge [sflag:s9], $0x1400  }
0x16: {  	[sflag:s9] =	ssyncset.done $0x0  }
0x17: {  	[sflag:s9] =	ssyncadd.s32 $0xFFFFEC00  }
0x18: {  	[tilespmem:s11], [sflag:$0x1] =	stream.linear.gather [hbm4b:s4+s3], $0x4000, $0x38;
	[tilespmem:$0x19400] =	vst v63  }
0x19: {  	_ =	swait.ge [sflag:s9], $0x4000  }
0x1a: {  	[sflag:s9] =	ssyncset.done $0x0  }
0x1b: {  	[sflag:s9] =	ssyncadd.s32 $0xFFFFC000  }
0x1c: {  	s18 =	simm.s32 $0x0;
	[bflag:$0x0] =	sbarrier.arrive $0xFFFF  }
0x1d: {  	[spmem:s2] =	stream.indirect.scatter.add.f32 [tilespmem:s11], [sflag:$0x1], $0x80, s18, s12, $0xb8;
	[tilespmem:$0x19400] =	vst v63  }
0x1e: {  	_ =	swait.ge [sflag:s9], $0x4000  }
0x1f: {  	s18 =	simm.s32 $0x200;
	[sflag:s9] =	ssyncset.done $0x0  }
.LBB2_2:
0x20: {  	s19 =	sshra.s32 s18, $0x2;
	[sflag:s9] =	ssyncadd.s32 $0xFFFFC000;
	p1 =	sne.s32 s18, $0x4E00  }
0x21: {  	[spmem:s2] =	stream.indirect.scatter.add.f32 [tilespmem:s11], [sflag:$0x1], $0x80, s19, s12, $0xb8;
	[tilespmem:$0x19400] =	vst v63  }
.Ltmp0:
0x22: {  	_ = 	snop;
	(pc) =	sbr.rel @p1 .LBB2_2-.Ltmp0, $4  }
0x23: {  	_ = 	snop  }
0x24: {  	s18 =	sadd.s32 $0x200, s18  }
0x25: {  	_ =	swait.ge [sflag:s9], $0x4000  }
0x26: {  	[sflag:s9] =	ssyncset.done $0x0  }
0x27: {  	[sflag:s9] =	ssyncadd.s32 $0xFFFFC000  }
0x28: {  	s18 =	simm.s32 @p0 $0x1;
	[bflag:$0x0] =	sbarrier.arrive $0xFFFF  }
0x29: {  	[hbm:s13], [sflag:s6] =	dma.local @p0 [spmem:s14], $0x1900  }
0x2a: {  	s17 =	sadd.s32 $0x1, s17;
	_ =	swait.ge @p0 [sflag:s18], $0x1900  }
0x2b: {  	p1 =	sne.s32 s17, s7;
	[sflag:s18] =	ssyncset.done @p0 $0x0  }
.Ltmp1:
0x2c: {  	[sflag:s18] =	ssyncadd.s32 @p0 $0xFFFFE700;
	s18 =	simm.s32 @!p0 $0x1;
	(pc) =	sbr.rel @p1 .LBB2_1-.Ltmp1, $4  }
0x2d: {  	[hbm:s15], [sflag:s6] =	dma.local @!p0 [spmem:s16], $0x2800  }
0x2e: {  	_ =	swait.ge @!p0 [sflag:s18], $0x2800  }
0x2f: {  	[sflag:s18] =	ssyncset.done @!p0 $0x0  }
0x30: {  	[sflag:s18] =	ssyncadd.s32 @!p0 $0xFFFFD800  }
0x31: {  	_ =	sfence.sel $0x180000  }
0x32: {  	[bflag:$0x0] =	sbarrier.arrive $0xFFFF  }
0x33: {  	p0 =	sne.s32 s1, $0x0;
	_ =	strace $0x90000047  }
0x34: {  	s0 =	sadd.s32 @!p0 $0x100000, s0;
	[bflag:$0x2] =	sbarrier.arrive $0xFFFF  }
0x35: {  	[sflag:s0] =	ssyncadd.tile.s32 @!p0 $0x1;
	_ =	shalt  }
.Lfunc_end2:
_tile_overlayer_lowered:
.L_overlay_start_2:
0x36: {  	(tag) =	ssettag $0x2  }
0x37: {  	s0 =	rddreg [dreg:$0x0];
	s2 =	stileid.u32  }
0x38: {  	s1 =	rddreg [dreg:$0x1];
	p0 =	sne.s32 s2, $0x0  }
0x39: {  	s3 =	rddreg [dreg:$0x2];
	[bflag:$0x3] =	sbarrier.arrive $0xFFFF;
	s2 =	simm.s32 @!p0 $0x1C01  }
0x3a: {  	[timem:s3], [sflag:s2] =	dma.local @!p0 [hbm:s0], s1  }
0x3b: {  	s0 =	simm.s32 @!p0 $0x1  }
0x3c: {  	_ =	swait.ge @!p0 [sflag:s0], s1  }
0x3d: {  	s1 =	ssub.s32 @!p0 $0x0, s1;
	[sflag:s0] =	ssyncset.done @!p0 $0x0  }
0x3e: {  	[sflag:s0] =	ssyncadd.s32 @!p0 s1  }
0x3f: {  	[bflag:$0x3] =	sbarrier.arrive $0xFFFF  }
0x40: {  	_ =	shalt  }

</sc_bundles>
